<compile_context>
chip_gen: v7x
topology: tpu7x:2x2x1
jax: 0.10.2.dev20260603
libtpu: 0.0.44.dev20260713+nightly
codegen_flags: <defaults>
</compile_context>

<pallas_src>
import math

import numpy as np
import jax
import jax.numpy as jnp
from jax import lax
from jax.experimental import pallas as pl
from jax.experimental.pallas import tpu as pltpu
from jax.experimental.pallas import tpu_sc as plsc

B, S, V, D = 4, 2048, 100000, 2048
L = 16


def _pe_table():
    pos = np.arange(0, S, dtype=np.float32)[:, None]
    div = np.exp(np.arange(0, D, 2, dtype=np.float32) * -(math.log(10000.0) / D))
    pe = np.zeros((S, D), dtype=np.float32)
    pe[:, 0::2] = np.sin(pos * div)
    pe[:, 1::2] = np.cos(pos * div)
    return pe


_PE = _pe_table()

_NC = 2
_NS = 16
_NW = _NC * _NS
_TPW = (B * S) // _NW
_C = 8
_NCHUNK = _TPW // _C
_P = 4
_NBODY = _NCHUNK // _P
_UNROLL = 4


def _body(ids_hbm, seg_hbm, tok_hbm, segtab_hbm, pe_hbm, out_hbm,
          ids_v, segids_v, segtab_v,
          buf0, buf1, buf2, buf3, pe0, pe1,
          sem_t0, sem_t1, sem_t2, sem_t3,
          sem_p0, sem_p1,
          sem_o0, sem_o1, sem_o2, sem_o3):
    wid = lax.axis_index("s") * _NC + lax.axis_index("c")
    base = wid * _TPW
    s0 = base % S

    bufs = (buf0, buf1, buf2, buf3)
    pes = (pe0, pe1)
    sem_t = (sem_t0, sem_t1, sem_t2, sem_t3)
    sem_p = (sem_p0, sem_p1)
    sem_o = (sem_o0, sem_o1, sem_o2, sem_o3)

    pltpu.sync_copy(segtab_hbm, segtab_v)
    pltpu.sync_copy(ids_hbm.at[wid], ids_v)
    pltpu.sync_copy(seg_hbm.at[pl.ds(base, _TPW)], segids_v)

    col = lax.iota(jnp.int32, L)

    def tok_cp(c, k):
        return pltpu.make_async_copy(
            tok_hbm.at[ids_v.at[c]], bufs[k], sem_t[k])

    def pe_cp(c, k):
        return pltpu.make_async_copy(
            pe_hbm.at[pl.ds(s0 + c * _C, _C)], pes[k], sem_p[k])

    def out_cp(c, k):
        return pltpu.make_async_copy(
            bufs[k], out_hbm.at[pl.ds(base + c * _C, _C)], sem_o[k])

    def compute(c, k):
        off = c * _C
        for r in range(_C):
            sid = plsc.load_gather(segids_v, [jnp.full((L,), off + r, jnp.int32)])
            bvec = sid * D + col

            @plsc.parallel_loop(0, D // L, unroll=_UNROLL)
            def _(i):
                sl = pl.ds(i * L, L)
                sval = plsc.load_gather(segtab_v, [bvec + i * L])
                plsc.addupdate(bufs[k].at[r, sl], sval + pes[k % 2][r, sl])

    tok_cp(0, 0).start()
    pe_cp(0, 0).start()
    tok_cp(1, 1).start()
    pe_cp(1, 1).start()

    def body(g, carry):
        for j in range(_P):
            c = _P * g + j
            k2 = (j + 2) % _P
            tok_cp(c, j).wait()
            pe_cp(c, j % 2).wait()
            compute(c, j)
            out_cp(c, j).start()
            if j < 2:
                @pl.when(g > 0)
                def _():
                    out_cp(c - 2, k2).wait()
                tok_cp(c + 2, k2).start()
                pe_cp(c + 2, k2 % 2).start()
            else:
                out_cp(c - 2, k2).wait()

                @pl.when(g < _NBODY - 1)
                def _():
                    tok_cp(c + 2, k2).start()
                    pe_cp(c + 2, k2 % 2).start()
        return carry

    lax.fori_loop(0, _NBODY, body, 0)
    out_cp(_NCHUNK - 2, 2).wait()
    out_cp(_NCHUNK - 1, 3).wait()


@jax.jit
def kernel(input_ids, segment_ids, token_table, segment_table):
    ids = input_ids.reshape(-1).astype(jnp.int32)
    segs = segment_ids.reshape(-1).astype(jnp.int32)
    mesh = plsc.VectorSubcoreMesh(core_axis_name="c", subcore_axis_name="s")
    f = pl.kernel(
        _body,
        out_type=jax.ShapeDtypeStruct((B * S, D), jnp.float32),
        mesh=mesh,
        compiler_params=pltpu.CompilerParams(needs_layout_passes=False),
        scratch_types=(
            [
                pltpu.VMEM((_NCHUNK, _C), jnp.int32),
                pltpu.VMEM((_TPW,), jnp.int32),
                pltpu.VMEM((3 * D,), jnp.float32),
            ]
            + [pltpu.VMEM((_C, D), jnp.float32) for _ in range(6)]
            + [pltpu.SemaphoreType.DMA for _ in range(10)]
        ),
    )
    out = f(ids.reshape(_NW, _NCHUNK, _C), segs, token_table,
            segment_table.reshape(-1), jnp.asarray(_PE))
    return out.reshape(B, S, D)

# --- scband reference (transcript-rebuilt; emitter-appended) ---
"""Pipeline reference for scband-bertembedding-77695958385036 (READ-ONLY COPY).

The authoritative reference and input builder live on the scoring server;
editing this copy changes nothing except your own understanding.
"""

import math
import jax, jax.numpy as jnp
import numpy as np

B, S, V, D, MAX_SEQ = 4, 2048, 100000, 2048, 2048


def _make_pe(d_model_param, max_len):
    # Faithful to PositionEmbedding(d_model, max_len): pe has shape [max_len, d_model_param].
    # NOTE: BERTEmbedding constructs PositionEmbedding(max_seq_len, d_model), i.e. the args
    # are swapped relative to their names; with max_seq_len == d_model == 2048 the shapes
    # still line up, matching the original module's only runnable configuration.
    pos = np.arange(0, max_len, dtype=np.float32)[:, None]
    div_term = np.exp(np.arange(0, d_model_param, 2, dtype=np.float32) * -(math.log(10000.0) / d_model_param))
    pe = np.zeros((max_len, d_model_param), dtype=np.float32)
    pe[:, 0::2] = np.sin(pos * div_term)
    pe[:, 1::2] = np.cos(pos * div_term)
    return jnp.asarray(pe)[None, :, :]


def setup_inputs(seed: int = 0) -> dict:
    key = jax.random.key(seed)
    k1, k2, k3, k4 = jax.random.split(key, 4)
    input_ids = jax.random.randint(k1, (B, S), 0, V)
    segment_ids = jax.random.randint(k2, (B, S), 0, 3)
    token_table = jax.random.normal(k3, (V, D), dtype=jnp.float32) * 0.02
    segment_table = jax.random.normal(k4, (3, D), dtype=jnp.float32) * 0.02
    return {
        "input_ids": input_ids,
        "segment_ids": segment_ids,
        "token_table": token_table,
        "segment_table": segment_table,
    }


def reference(input_ids, segment_ids, token_table, segment_table):
    # PositionEmbedding constructed as PositionEmbedding(max_seq_len, d_model)
    pe = _make_pe(MAX_SEQ, D)
    seq_len = input_ids.shape[1]
    token_emb = jnp.take(token_table, input_ids, axis=0)
    pos_emb = pe[:, :seq_len, :]
    segment_emb = jnp.take(segment_table, segment_ids, axis=0)
    out = token_emb + pos_emb + segment_emb
    # dropout in eval mode -> identity
    return out

if __name__ == "__main__":
    import jax
    _d = setup_inputs()
    print(jax.jit(kernel)(*tuple(_d.values())))

</pallas_src>

<mosaic_0001>
#map = affine_map<(d0, d1) -> (0, 0, 0)>
#map1 = affine_map<(d0, d1) -> (0)>
#map2 = affine_map<(d0, d1) -> (0, 0)>
module attributes {stable_mosaic.version = 14 : i64} {
  func.func @_body(%arg0: i32, %arg1: i32, %arg2: memref<32x32x8xi32, #tpu.memory_space<hbm>>, %arg3: memref<8192xi32, #tpu.memory_space<hbm>>, %arg4: memref<100000x2048xf32, #tpu.memory_space<hbm>>, %arg5: memref<6144xf32, #tpu.memory_space<hbm>>, %arg6: memref<2048x2048xf32, #tpu.memory_space<hbm>>, %arg7: memref<8192x2048xf32, #tpu.memory_space<hbm>>, %arg8: memref<32x8xi32, #tpu.memory_space<vmem>>, %arg9: memref<256xi32, #tpu.memory_space<vmem>>, %arg10: memref<6144xf32, #tpu.memory_space<vmem>>, %arg11: memref<8x2048xf32, #tpu.memory_space<vmem>>, %arg12: memref<8x2048xf32, #tpu.memory_space<vmem>>, %arg13: memref<8x2048xf32, #tpu.memory_space<vmem>>, %arg14: memref<8x2048xf32, #tpu.memory_space<vmem>>, %arg15: memref<8x2048xf32, #tpu.memory_space<vmem>>, %arg16: memref<8x2048xf32, #tpu.memory_space<vmem>>, %arg17: memref<!tpu.dma_semaphore, #tpu.memory_space<semaphore_mem>>, %arg18: memref<!tpu.dma_semaphore, #tpu.memory_space<semaphore_mem>>, %arg19: memref<!tpu.dma_semaphore, #tpu.memory_space<semaphore_mem>>, %arg20: memref<!tpu.dma_semaphore, #tpu.memory_space<semaphore_mem>>, %arg21: memref<!tpu.dma_semaphore, #tpu.memory_space<semaphore_mem>>, %arg22: memref<!tpu.dma_semaphore, #tpu.memory_space<semaphore_mem>>, %arg23: memref<!tpu.dma_semaphore, #tpu.memory_space<semaphore_mem>>, %arg24: memref<!tpu.dma_semaphore, #tpu.memory_space<semaphore_mem>>, %arg25: memref<!tpu.dma_semaphore, #tpu.memory_space<semaphore_mem>>, %arg26: memref<!tpu.dma_semaphore, #tpu.memory_space<semaphore_mem>>) attributes {dimension_semantics = [#tpu.dimension_semantics<core_parallel>, #tpu.dimension_semantics<subcore_parallel>], iteration_bounds = array<i64: 2, 16>, scalar_prefetch = 0 : i64, scratch_operands = 19 : i64, tpu.core_type = #tpu.core_type<sc_vector_subcore>, window_params = [{transform_indices = #map}, {transform_indices = #map1}, {transform_indices = #map2}, {transform_indices = #map1}, {transform_indices = #map2}, {transform_indices = #map2}]} {
    %mul3A = arith.constant 2 : i32
    %mul3A_0 = arith.muli %arg1, %mul3A : i32
    %add3A = arith.addi %mul3A_0, %arg0 : i32
    %mul3A_1 = arith.constant 256 : i32
    %mul3A_2 = arith.muli %add3A, %mul3A_1 : i32
    %jit3A = arith.constant 2048 : i32
    %eq3A = arith.constant 0 : i32
    %eq3A_3 = arith.cmpi eq, %jit3A, %eq3A : i32
    %jit3A_4 = arith.constant 1 : i32
    %select_n3A = arith.select %eq3A_3, %jit3A_4, %jit3A : i32
    %rem3A = arith.remsi %mul3A_2, %select_n3A : i32
    %ne3A = arith.constant 0 : i32
    %ne3A_5 = arith.cmpi ne, %rem3A, %ne3A : i32
    %lt3A = arith.constant 0 : i32
    %lt3A_6 = arith.cmpi slt, %rem3A, %lt3A : i32
    %lt3A_7 = arith.constant 0 : i32
    %lt3A_8 = arith.cmpi slt, %select_n3A, %lt3A_7 : i32
    %ne3A_9 = arith.xori %lt3A_6, %lt3A_8 : i1
    %and3A = arith.andi %ne3A_9, %ne3A_5 : i1
    %add3A_10 = arith.addi %rem3A, %select_n3A : i32
    %select_n3A_11 = arith.select %and3A, %add3A_10, %rem3A : i32
    "tpu.region"() ({
      %run_scoped3A = tpu.sem_alloc : memref<!tpu.dma_semaphore, #tpu.memory_space<semaphore_mem>>
      tpu.enqueue_dma source(%arg5 : memref<6144xf32, #tpu.memory_space<hbm>>) target(%arg10 : memref<6144xf32, #tpu.memory_space<vmem>>) target_semaphore(%run_scoped3A : memref<!tpu.dma_semaphore, #tpu.memory_space<semaphore_mem>>)
      tpu.wait_dma2 semaphore(%run_scoped3A : memref<!tpu.dma_semaphore, #tpu.memory_space<semaphore_mem>>) src(%arg5 : memref<6144xf32, #tpu.memory_space<hbm>>) dst(%arg10 : memref<6144xf32, #tpu.memory_space<vmem>>)
      tpu.yield
    }) : () -> ()
    "tpu.region"() ({
      %run_scoped3A = tpu.sem_alloc : memref<!tpu.dma_semaphore, #tpu.memory_space<semaphore_mem>>
      %dma_start3A_53 = arith.constant 0 : i32
      %dma_start3A_54 = arith.constant 0 : i32
      %dma_start3A_55 = tpu.memref_slice %arg2[%add3A, %dma_start3A_53, %dma_start3A_54] : memref<32x32x8xi32, #tpu.memory_space<hbm>> -> memref<1x32x8xi32, #tpu.memory_space<hbm>>
      %dma_start3A_56 = tpu.memref_squeeze %dma_start3A_55 : memref<1x32x8xi32, #tpu.memory_space<hbm>> -> memref<32x8xi32, #tpu.memory_space<hbm>>
      %dma_start3A_57 = arith.constant 0 : i32
      %dma_start3A_58 = arith.constant 0 : i32
      %dma_start3A_59 = tpu.memref_slice %arg2[%add3A, %dma_start3A_57, %dma_start3A_58] : memref<32x32x8xi32, #tpu.memory_space<hbm>> -> memref<1x32x8xi32, #tpu.memory_space<hbm>>
      %dma_start3A_60 = tpu.memref_squeeze %dma_start3A_59 : memref<1x32x8xi32, #tpu.memory_space<hbm>> -> memref<32x8xi32, #tpu.memory_space<hbm>>
      tpu.enqueue_dma source(%dma_start3A_60 : memref<32x8xi32, #tpu.memory_space<hbm>>) target(%arg8 : memref<32x8xi32, #tpu.memory_space<vmem>>) target_semaphore(%run_scoped3A : memref<!tpu.dma_semaphore, #tpu.memory_space<semaphore_mem>>)
      %dma_wait3A_61 = arith.constant 0 : i32
      %dma_wait3A_62 = arith.constant 0 : i32
      %dma_wait3A_63 = tpu.memref_slice %arg2[%add3A, %dma_wait3A_61, %dma_wait3A_62] : memref<32x32x8xi32, #tpu.memory_space<hbm>> -> memref<1x32x8xi32, #tpu.memory_space<hbm>>
      %dma_wait3A_64 = tpu.memref_squeeze %dma_wait3A_63 : memref<1x32x8xi32, #tpu.memory_space<hbm>> -> memref<32x8xi32, #tpu.memory_space<hbm>>
      %dma_wait3A_65 = arith.constant 0 : i32
      %dma_wait3A_66 = arith.constant 0 : i32
      %dma_wait3A_67 = tpu.memref_slice %arg2[%add3A, %dma_wait3A_65, %dma_wait3A_66] : memref<32x32x8xi32, #tpu.memory_space<hbm>> -> memref<1x32x8xi32, #tpu.memory_space<hbm>>
      %dma_wait3A_68 = tpu.memref_squeeze %dma_wait3A_67 : memref<1x32x8xi32, #tpu.memory_space<hbm>> -> memref<32x8xi32, #tpu.memory_space<hbm>>
      tpu.wait_dma2 semaphore(%run_scoped3A : memref<!tpu.dma_semaphore, #tpu.memory_space<semaphore_mem>>) src(%dma_wait3A_68 : memref<32x8xi32, #tpu.memory_space<hbm>>) dst(%arg8 : memref<32x8xi32, #tpu.memory_space<vmem>>)
      tpu.yield
    }) : () -> ()
    "tpu.region"() ({
      %run_scoped3A = tpu.sem_alloc : memref<!tpu.dma_semaphore, #tpu.memory_space<semaphore_mem>>
      %dma_start3A_53 = tpu.memref_slice %arg3[%mul3A_2] : memref<8192xi32, #tpu.memory_space<hbm>> -> memref<256xi32, #tpu.memory_space<hbm>>
      %dma_start3A_54 = tpu.memref_slice %arg3[%mul3A_2] : memref<8192xi32, #tpu.memory_space<hbm>> -> memref<256xi32, #tpu.memory_space<hbm>>
      tpu.enqueue_dma source(%dma_start3A_54 : memref<256xi32, #tpu.memory_space<hbm>>) target(%arg9 : memref<256xi32, #tpu.memory_space<vmem>>) target_semaphore(%run_scoped3A : memref<!tpu.dma_semaphore, #tpu.memory_space<semaphore_mem>>)
      %dma_wait3A_55 = tpu.memref_slice %arg3[%mul3A_2] : memref<8192xi32, #tpu.memory_space<hbm>> -> memref<256xi32, #tpu.memory_space<hbm>>
      %dma_wait3A_56 = tpu.memref_slice %arg3[%mul3A_2] : memref<8192xi32, #tpu.memory_space<hbm>> -> memref<256xi32, #tpu.memory_space<hbm>>
      tpu.wait_dma2 semaphore(%run_scoped3A : memref<!tpu.dma_semaphore, #tpu.memory_space<semaphore_mem>>) src(%dma_wait3A_56 : memref<256xi32, #tpu.memory_space<hbm>>) dst(%arg9 : memref<256xi32, #tpu.memory_space<vmem>>)
      tpu.yield
    }) : () -> ()
    %iota3A = tpu.iota {dimensions = array<i32: 0>} : vector<16xi32>
    %dma_start3A = arith.constant 0 : i32
    %dma_start3A_12 = arith.constant 0 : i32
    %dma_start3A_13 = tpu.memref_slice %arg8[%dma_start3A, %dma_start3A_12] : memref<32x8xi32, #tpu.memory_space<vmem>> -> memref<1x8xi32, #tpu.memory_space<vmem>>
    %dma_start3A_14 = tpu.memref_squeeze %dma_start3A_13 : memref<1x8xi32, #tpu.memory_space<vmem>> -> memref<8xi32, #tpu.memory_space<vmem>>
    %dma_start3A_15 = arith.constant 0 : i32
    %dma_start3A_16 = arith.constant 0 : i32
    %dma_start3A_17 = tpu.memref_slice %arg4[%dma_start3A_15, %dma_start3A_16] : memref<100000x2048xf32, #tpu.memory_space<hbm>> -> memref<100000x2048xf32, #tpu.memory_space<hbm>>
    tpu.enqueue_indirect_dma source(%dma_start3A_17 : memref<100000x2048xf32, #tpu.memory_space<hbm>>) target(%arg11 : memref<8x2048xf32, #tpu.memory_space<vmem>>) offsets(%dma_start3A_14 : memref<8xi32, #tpu.memory_space<vmem>>) semaphore(%arg17 : memref<!tpu.dma_semaphore, #tpu.memory_space<semaphore_mem>>)
    %add3A_18 = arith.constant 0 : i32
    %add3A_19 = arith.addi %select_n3A_11, %add3A_18 : i32
    %dma_start3A_20 = arith.constant 0 : i32
    %dma_start3A_21 = tpu.memref_slice %arg6[%add3A_19, %dma_start3A_20] : memref<2048x2048xf32, #tpu.memory_space<hbm>> -> memref<8x2048xf32, #tpu.memory_space<hbm>>
    %dma_start3A_22 = arith.constant 0 : i32
    %dma_start3A_23 = tpu.memref_slice %arg6[%add3A_19, %dma_start3A_22] : memref<2048x2048xf32, #tpu.memory_space<hbm>> -> memref<8x2048xf32, #tpu.memory_space<hbm>>
    tpu.enqueue_dma source(%dma_start3A_23 : memref<8x2048xf32, #tpu.memory_space<hbm>>) target(%arg15 : memref<8x2048xf32, #tpu.memory_space<vmem>>) target_semaphore(%arg21 : memref<!tpu.dma_semaphore, #tpu.memory_space<semaphore_mem>>)
    %dma_start3A_24 = arith.constant 1 : i32
    %dma_start3A_25 = arith.constant 0 : i32
    %dma_start3A_26 = tpu.memref_slice %arg8[%dma_start3A_24, %dma_start3A_25] : memref<32x8xi32, #tpu.memory_space<vmem>> -> memref<1x8xi32, #tpu.memory_space<vmem>>
    %dma_start3A_27 = tpu.memref_squeeze %dma_start3A_26 : memref<1x8xi32, #tpu.memory_space<vmem>> -> memref<8xi32, #tpu.memory_space<vmem>>
    %dma_start3A_28 = arith.constant 0 : i32
    %dma_start3A_29 = arith.constant 0 : i32
    %dma_start3A_30 = tpu.memref_slice %arg4[%dma_start3A_28, %dma_start3A_29] : memref<100000x2048xf32, #tpu.memory_space<hbm>> -> memref<100000x2048xf32, #tpu.memory_space<hbm>>
    tpu.enqueue_indirect_dma source(%dma_start3A_30 : memref<100000x2048xf32, #tpu.memory_space<hbm>>) target(%arg12 : memref<8x2048xf32, #tpu.memory_space<vmem>>) offsets(%dma_start3A_27 : memref<8xi32, #tpu.memory_space<vmem>>) semaphore(%arg18 : memref<!tpu.dma_semaphore, #tpu.memory_space<semaphore_mem>>)
    %add3A_31 = arith.constant 8 : i32
    %add3A_32 = arith.addi %select_n3A_11, %add3A_31 : i32
    %dma_start3A_33 = arith.constant 0 : i32
    %dma_start3A_34 = tpu.memref_slice %arg6[%add3A_32, %dma_start3A_33] : memref<2048x2048xf32, #tpu.memory_space<hbm>> -> memref<8x2048xf32, #tpu.memory_space<hbm>>
    %dma_start3A_35 = arith.constant 0 : i32
    %dma_start3A_36 = tpu.memref_slice %arg6[%add3A_32, %dma_start3A_35] : memref<2048x2048xf32, #tpu.memory_space<hbm>> -> memref<8x2048xf32, #tpu.memory_space<hbm>>
    tpu.enqueue_dma source(%dma_start3A_36 : memref<8x2048xf32, #tpu.memory_space<hbm>>) target(%arg16 : memref<8x2048xf32, #tpu.memory_space<vmem>>) target_semaphore(%arg22 : memref<!tpu.dma_semaphore, #tpu.memory_space<semaphore_mem>>)
    %scan3A = arith.constant 0 : i32
    %scan3A_37 = arith.constant 0 : i32
    %scan3A_38 = arith.constant 8 : i32
    %scan3A_39 = arith.addi %scan3A_37, %scan3A_38 : i32
    %scan3A_40 = arith.constant 1 : i32
    scf.for %scan3A_53 = %scan3A_37 to %scan3A_39 step %scan3A_40  : i32 {
      %mul3A_54 = arith.constant 4 : i32
      %mul3A_55 = arith.muli %mul3A_54, %scan3A_53 : i32
      %add3A_56 = arith.constant 0 : i32
      %add3A_57 = arith.addi %mul3A_55, %add3A_56 : i32
      %dma_wait3A_58 = arith.constant 0 : i32
      %dma_wait3A_59 = tpu.memref_slice %arg8[%add3A_57, %dma_wait3A_58] : memref<32x8xi32, #tpu.memory_space<vmem>> -> memref<1x8xi32, #tpu.memory_space<vmem>>
      %dma_wait3A_60 = tpu.memref_squeeze %dma_wait3A_59 : memref<1x8xi32, #tpu.memory_space<vmem>> -> memref<8xi32, #tpu.memory_space<vmem>>
      %dma_wait3A_61 = arith.constant 0 : i32
      %dma_wait3A_62 = arith.constant 0 : i32
      %dma_wait3A_63 = tpu.memref_slice %arg4[%dma_wait3A_61, %dma_wait3A_62] : memref<100000x2048xf32, #tpu.memory_space<hbm>> -> memref<100000x2048xf32, #tpu.memory_space<hbm>>
      tpu.wait_indirect_dma semaphore(%arg17 : memref<!tpu.dma_semaphore, #tpu.memory_space<semaphore_mem>>) src(%dma_wait3A_63 : memref<100000x2048xf32, #tpu.memory_space<hbm>>) dst(%arg11 : memref<8x2048xf32, #tpu.memory_space<vmem>>)
      %mul3A_64 = arith.constant 8 : i32
      %mul3A_65 = arith.muli %add3A_57, %mul3A_64 : i32
      %add3A_66 = arith.addi %select_n3A_11, %mul3A_65 : i32
      %dma_wait3A_67 = arith.constant 0 : i32
      %dma_wait3A_68 = tpu.memref_slice %arg6[%add3A_66, %dma_wait3A_67] : memref<2048x2048xf32, #tpu.memory_space<hbm>> -> memref<8x2048xf32, #tpu.memory_space<hbm>>
      %dma_wait3A_69 = arith.constant 0 : i32
      %dma_wait3A_70 = tpu.memref_slice %arg6[%add3A_66, %dma_wait3A_69] : memref<2048x2048xf32, #tpu.memory_space<hbm>> -> memref<8x2048xf32, #tpu.memory_space<hbm>>
      tpu.wait_dma2 semaphore(%arg21 : memref<!tpu.dma_semaphore, #tpu.memory_space<semaphore_mem>>) src(%dma_wait3A_70 : memref<8x2048xf32, #tpu.memory_space<hbm>>) dst(%arg15 : memref<8x2048xf32, #tpu.memory_space<vmem>>)
      %mul3A_71 = arith.constant 8 : i32
      %mul3A_72 = arith.muli %add3A_57, %mul3A_71 : i32
      %add3A_73 = arith.constant 0 : i32
      %add3A_74 = arith.addi %mul3A_72, %add3A_73 : i32
      %broadcast_in_dim3A = vector.broadcast %add3A_74 : i32 to vector<16xi32>
      %gather3A = tpu.vector_load_idx %arg9[%broadcast_in_dim3A] : memref<256xi32, #tpu.memory_space<vmem>>[vector<16xi32>], vector<16xi32>,
      %mul3A_75 = arith.constant 2048 : i32
      %mul3A_76 = vector.broadcast %mul3A_75 : i32 to vector<16xi32>
      %mul3A_77 = arith.muli %gather3A, %mul3A_76 : vector<16xi32>
      %add3A_78 = arith.addi %mul3A_77, %iota3A : vector<16xi32>
      %parallel_loop3A = arith.constant 0 : i32
      %parallel_loop3A_79 = arith.constant 128 : i32
      %parallel_loop3A_80 = arith.constant 1 : i32
      scf.for %parallel_loop3A_575 = %parallel_loop3A to %parallel_loop3A_79 step %parallel_loop3A_80  : i32 {
        %parallel_loop3A_576 = arith.constant 16 : i32
        %parallel_loop3A_577 = arith.muli %parallel_loop3A_575, %parallel_loop3A_576 : i32
        %parallel_loop3A_578 = arith.constant 16 : i32
        %parallel_loop3A_579 = arith.muli %parallel_loop3A_575, %parallel_loop3A_578 : i32
        %parallel_loop3A_580 = vector.broadcast %parallel_loop3A_579 : i32 to vector<16xi32>
        %parallel_loop3A_581 = arith.addi %add3A_78, %parallel_loop3A_580 : vector<16xi32>
        %parallel_loop3A_582 = tpu.vector_load_idx %arg10[%parallel_loop3A_581] : memref<6144xf32, #tpu.memory_space<vmem>>[vector<16xi32>], vector<16xf32>,
        %parallel_loop3A_583 = arith.constant 0 : i32
        %parallel_loop3A_584 = arith.index_cast %parallel_loop3A_583 : i32 to index
        %parallel_loop3A_585 = arith.index_cast %parallel_loop3A_577 : i32 to index
        %parallel_loop3A_586 = tpu.vector_load %arg15[%parallel_loop3A_584, %parallel_loop3A_585] {strides = array<i32>} : memref<8x2048xf32, #tpu.memory_space<vmem>>, vector<16xf32>,
        %parallel_loop3A_587 = arith.addf %parallel_loop3A_582, %parallel_loop3A_586 : vector<16xf32>
        %parallel_loop3A_588 = arith.constant 0 : i32
        %parallel_loop3A_589 = arith.index_cast %parallel_loop3A_588 : i32 to index
        %parallel_loop3A_590 = arith.index_cast %parallel_loop3A_577 : i32 to index
        %parallel_loop3A_591 = tpu.vector_load %arg11[%parallel_loop3A_589, %parallel_loop3A_590] {strides = array<i32>} : memref<8x2048xf32, #tpu.memory_space<vmem>>, vector<16xf32>,
        tpu.vector_store %arg11[%parallel_loop3A_589, %parallel_loop3A_590], %parallel_loop3A_587 {add = true, strides = array<i32>} : memref<8x2048xf32, #tpu.memory_space<vmem>>, vector<16xf32>,
      } {sc.loop_unroll_factor = 4 : i64, sc.parallel_access}
      %add3A_81 = arith.constant 1 : i32
      %add3A_82 = arith.addi %mul3A_72, %add3A_81 : i32
      %broadcast_in_dim3A_83 = vector.broadcast %add3A_82 : i32 to vector<16xi32>
      %gather3A_84 = tpu.vector_load_idx %arg9[%broadcast_in_dim3A_83] : memref<256xi32, #tpu.memory_space<vmem>>[vector<16xi32>], vector<16xi32>,
      %mul3A_85 = arith.constant 2048 : i32
      %mul3A_86 = vector.broadcast %mul3A_85 : i32 to vector<16xi32>
      %mul3A_87 = arith.muli %gather3A_84, %mul3A_86 : vector<16xi32>
      %add3A_88 = arith.addi %mul3A_87, %iota3A : vector<16xi32>
      %parallel_loop3A_89 = arith.constant 0 : i32
      %parallel_loop3A_90 = arith.constant 128 : i32
      %parallel_loop3A_91 = arith.constant 1 : i32
      scf.for %parallel_loop3A_575 = %parallel_loop3A_89 to %parallel_loop3A_90 step %parallel_loop3A_91  : i32 {
        %parallel_loop3A_576 = arith.constant 16 : i32
        %parallel_loop3A_577 = arith.muli %parallel_loop3A_575, %parallel_loop3A_576 : i32
        %parallel_loop3A_578 = arith.constant 16 : i32
        %parallel_loop3A_579 = arith.muli %parallel_loop3A_575, %parallel_loop3A_578 : i32
        %parallel_loop3A_580 = vector.broadcast %parallel_loop3A_579 : i32 to vector<16xi32>
        %parallel_loop3A_581 = arith.addi %add3A_88, %parallel_loop3A_580 : vector<16xi32>
        %parallel_loop3A_582 = tpu.vector_load_idx %arg10[%parallel_loop3A_581] : memref<6144xf32, #tpu.memory_space<vmem>>[vector<16xi32>], vector<16xf32>,
        %parallel_loop3A_583 = arith.constant 1 : i32
        %parallel_loop3A_584 = arith.index_cast %parallel_loop3A_583 : i32 to index
        %parallel_loop3A_585 = arith.index_cast %parallel_loop3A_577 : i32 to index
        %parallel_loop3A_586 = tpu.vector_load %arg15[%parallel_loop3A_584, %parallel_loop3A_585] {strides = array<i32>} : memref<8x2048xf32, #tpu.memory_space<vmem>>, vector<16xf32>,
        %parallel_loop3A_587 = arith.addf %parallel_loop3A_582, %parallel_loop3A_586 : vector<16xf32>
        %parallel_loop3A_588 = arith.constant 1 : i32
        %parallel_loop3A_589 = arith.index_cast %parallel_loop3A_588 : i32 to index
        %parallel_loop3A_590 = arith.index_cast %parallel_loop3A_577 : i32 to index
        %parallel_loop3A_591 = tpu.vector_load %arg11[%parallel_loop3A_589, %parallel_loop3A_590] {strides = array<i32>} : memref<8x2048xf32, #tpu.memory_space<vmem>>, vector<16xf32>,
        tpu.vector_store %arg11[%parallel_loop3A_589, %parallel_loop3A_590], %parallel_loop3A_587 {add = true, strides = array<i32>} : memref<8x2048xf32, #tpu.memory_space<vmem>>, vector<16xf32>,
      } {sc.loop_unroll_factor = 4 : i64, sc.parallel_access}
      %add3A_92 = arith.constant 2 : i32
      %add3A_93 = arith.addi %mul3A_72, %add3A_92 : i32
      %broadcast_in_dim3A_94 = vector.broadcast %add3A_93 : i32 to vector<16xi32>
      %gather3A_95 = tpu.vector_load_idx %arg9[%broadcast_in_dim3A_94] : memref<256xi32, #tpu.memory_space<vmem>>[vector<16xi32>], vector<16xi32>,
      %mul3A_96 = arith.constant 2048 : i32
      %mul3A_97 = vector.broadcast %mul3A_96 : i32 to vector<16xi32>
      %mul3A_98 = arith.muli %gather3A_95, %mul3A_97 : vector<16xi32>
      %add3A_99 = arith.addi %mul3A_98, %iota3A : vector<16xi32>
      %parallel_loop3A_100 = arith.constant 0 : i32
      %parallel_loop3A_101 = arith.constant 128 : i32
      %parallel_loop3A_102 = arith.constant 1 : i32
      scf.for %parallel_loop3A_575 = %parallel_loop3A_100 to %parallel_loop3A_101 step %parallel_loop3A_102  : i32 {
        %parallel_loop3A_576 = arith.constant 16 : i32
        %parallel_loop3A_577 = arith.muli %parallel_loop3A_575, %parallel_loop3A_576 : i32
        %parallel_loop3A_578 = arith.constant 16 : i32
        %parallel_loop3A_579 = arith.muli %parallel_loop3A_575, %parallel_loop3A_578 : i32
        %parallel_loop3A_580 = vector.broadcast %parallel_loop3A_579 : i32 to vector<16xi32>
        %parallel_loop3A_581 = arith.addi %add3A_99, %parallel_loop3A_580 : vector<16xi32>
        %parallel_loop3A_582 = tpu.vector_load_idx %arg10[%parallel_loop3A_581] : memref<6144xf32, #tpu.memory_space<vmem>>[vector<16xi32>], vector<16xf32>,
        %parallel_loop3A_583 = arith.constant 2 : i32
        %parallel_loop3A_584 = arith.index_cast %parallel_loop3A_583 : i32 to index
        %parallel_loop3A_585 = arith.index_cast %parallel_loop3A_577 : i32 to index
        %parallel_loop3A_586 = tpu.vector_load %arg15[%parallel_loop3A_584, %parallel_loop3A_585] {strides = array<i32>} : memref<8x2048xf32, #tpu.memory_space<vmem>>, vector<16xf32>,
        %parallel_loop3A_587 = arith.addf %parallel_loop3A_582, %parallel_loop3A_586 : vector<16xf32>
        %parallel_loop3A_588 = arith.constant 2 : i32
        %parallel_loop3A_589 = arith.index_cast %parallel_loop3A_588 : i32 to index
        %parallel_loop3A_590 = arith.index_cast %parallel_loop3A_577 : i32 to index
        %parallel_loop3A_591 = tpu.vector_load %arg11[%parallel_loop3A_589, %parallel_loop3A_590] {strides = array<i32>} : memref<8x2048xf32, #tpu.memory_space<vmem>>, vector<16xf32>,
        tpu.vector_store %arg11[%parallel_loop3A_589, %parallel_loop3A_590], %parallel_loop3A_587 {add = true, strides = array<i32>} : memref<8x2048xf32, #tpu.memory_space<vmem>>, vector<16xf32>,
      } {sc.loop_unroll_factor = 4 : i64, sc.parallel_access}
      %add3A_103 = arith.constant 3 : i32
      %add3A_104 = arith.addi %mul3A_72, %add3A_103 : i32
      %broadcast_in_dim3A_105 = vector.broadcast %add3A_104 : i32 to vector<16xi32>
      %gather3A_106 = tpu.vector_load_idx %arg9[%broadcast_in_dim3A_105] : memref<256xi32, #tpu.memory_space<vmem>>[vector<16xi32>], vector<16xi32>,
      %mul3A_107 = arith.constant 2048 : i32
      %mul3A_108 = vector.broadcast %mul3A_107 : i32 to vector<16xi32>
      %mul3A_109 = arith.muli %gather3A_106, %mul3A_108 : vector<16xi32>
      %add3A_110 = arith.addi %mul3A_109, %iota3A : vector<16xi32>
      %parallel_loop3A_111 = arith.constant 0 : i32
      %parallel_loop3A_112 = arith.constant 128 : i32
      %parallel_loop3A_113 = arith.constant 1 : i32
      scf.for %parallel_loop3A_575 = %parallel_loop3A_111 to %parallel_loop3A_112 step %parallel_loop3A_113  : i32 {
        %parallel_loop3A_576 = arith.constant 16 : i32
        %parallel_loop3A_577 = arith.muli %parallel_loop3A_575, %parallel_loop3A_576 : i32
        %parallel_loop3A_578 = arith.constant 16 : i32
        %parallel_loop3A_579 = arith.muli %parallel_loop3A_575, %parallel_loop3A_578 : i32
        %parallel_loop3A_580 = vector.broadcast %parallel_loop3A_579 : i32 to vector<16xi32>
        %parallel_loop3A_581 = arith.addi %add3A_110, %parallel_loop3A_580 : vector<16xi32>
        %parallel_loop3A_582 = tpu.vector_load_idx %arg10[%parallel_loop3A_581] : memref<6144xf32, #tpu.memory_space<vmem>>[vector<16xi32>], vector<16xf32>,
        %parallel_loop3A_583 = arith.constant 3 : i32
        %parallel_loop3A_584 = arith.index_cast %parallel_loop3A_583 : i32 to index
        %parallel_loop3A_585 = arith.index_cast %parallel_loop3A_577 : i32 to index
        %parallel_loop3A_586 = tpu.vector_load %arg15[%parallel_loop3A_584, %parallel_loop3A_585] {strides = array<i32>} : memref<8x2048xf32, #tpu.memory_space<vmem>>, vector<16xf32>,
        %parallel_loop3A_587 = arith.addf %parallel_loop3A_582, %parallel_loop3A_586 : vector<16xf32>
        %parallel_loop3A_588 = arith.constant 3 : i32
        %parallel_loop3A_589 = arith.index_cast %parallel_loop3A_588 : i32 to index
        %parallel_loop3A_590 = arith.index_cast %parallel_loop3A_577 : i32 to index
        %parallel_loop3A_591 = tpu.vector_load %arg11[%parallel_loop3A_589, %parallel_loop3A_590] {strides = array<i32>} : memref<8x2048xf32, #tpu.memory_space<vmem>>, vector<16xf32>,
        tpu.vector_store %arg11[%parallel_loop3A_589, %parallel_loop3A_590], %parallel_loop3A_587 {add = true, strides = array<i32>} : memref<8x2048xf32, #tpu.memory_space<vmem>>, vector<16xf32>,
      } {sc.loop_unroll_factor = 4 : i64, sc.parallel_access}
      %add3A_114 = arith.constant 4 : i32
      %add3A_115 = arith.addi %mul3A_72, %add3A_114 : i32
      %broadcast_in_dim3A_116 = vector.broadcast %add3A_115 : i32 to vector<16xi32>
      %gather3A_117 = tpu.vector_load_idx %arg9[%broadcast_in_dim3A_116] : memref<256xi32, #tpu.memory_space<vmem>>[vector<16xi32>], vector<16xi32>,
      %mul3A_118 = arith.constant 2048 : i32
      %mul3A_119 = vector.broadcast %mul3A_118 : i32 to vector<16xi32>
      %mul3A_120 = arith.muli %gather3A_117, %mul3A_119 : vector<16xi32>
      %add3A_121 = arith.addi %mul3A_120, %iota3A : vector<16xi32>
      %parallel_loop3A_122 = arith.constant 0 : i32
      %parallel_loop3A_123 = arith.constant 128 : i32
      %parallel_loop3A_124 = arith.constant 1 : i32
      scf.for %parallel_loop3A_575 = %parallel_loop3A_122 to %parallel_loop3A_123 step %parallel_loop3A_124  : i32 {
        %parallel_loop3A_576 = arith.constant 16 : i32
        %parallel_loop3A_577 = arith.muli %parallel_loop3A_575, %parallel_loop3A_576 : i32
        %parallel_loop3A_578 = arith.constant 16 : i32
        %parallel_loop3A_579 = arith.muli %parallel_loop3A_575, %parallel_loop3A_578 : i32
        %parallel_loop3A_580 = vector.broadcast %parallel_loop3A_579 : i32 to vector<16xi32>
        %parallel_loop3A_581 = arith.addi %add3A_121, %parallel_loop3A_580 : vector<16xi32>
        %parallel_loop3A_582 = tpu.vector_load_idx %arg10[%parallel_loop3A_581] : memref<6144xf32, #tpu.memory_space<vmem>>[vector<16xi32>], vector<16xf32>,
        %parallel_loop3A_583 = arith.constant 4 : i32
        %parallel_loop3A_584 = arith.index_cast %parallel_loop3A_583 : i32 to index
        %parallel_loop3A_585 = arith.index_cast %parallel_loop3A_577 : i32 to index
        %parallel_loop3A_586 = tpu.vector_load %arg15[%parallel_loop3A_584, %parallel_loop3A_585] {strides = array<i32>} : memref<8x2048xf32, #tpu.memory_space<vmem>>, vector<16xf32>,
        %parallel_loop3A_587 = arith.addf %parallel_loop3A_582, %parallel_loop3A_586 : vector<16xf32>
        %parallel_loop3A_588 = arith.constant 4 : i32
        %parallel_loop3A_589 = arith.index_cast %parallel_loop3A_588 : i32 to index
        %parallel_loop3A_590 = arith.index_cast %parallel_loop3A_577 : i32 to index
        %parallel_loop3A_591 = tpu.vector_load %arg11[%parallel_loop3A_589, %parallel_loop3A_590] {strides = array<i32>} : memref<8x2048xf32, #tpu.memory_space<vmem>>, vector<16xf32>,
        tpu.vector_store %arg11[%parallel_loop3A_589, %parallel_loop3A_590], %parallel_loop3A_587 {add = true, strides = array<i32>} : memref<8x2048xf32, #tpu.memory_space<vmem>>, vector<16xf32>,
      } {sc.loop_unroll_factor = 4 : i64, sc.parallel_access}
      %add3A_125 = arith.constant 5 : i32
      %add3A_126 = arith.addi %mul3A_72, %add3A_125 : i32
      %broadcast_in_dim3A_127 = vector.broadcast %add3A_126 : i32 to vector<16xi32>
      %gather3A_128 = tpu.vector_load_idx %arg9[%broadcast_in_dim3A_127] : memref<256xi32, #tpu.memory_space<vmem>>[vector<16xi32>], vector<16xi32>,
      %mul3A_129 = arith.constant 2048 : i32
      %mul3A_130 = vector.broadcast %mul3A_129 : i32 to vector<16xi32>
      %mul3A_131 = arith.muli %gather3A_128, %mul3A_130 : vector<16xi32>
      %add3A_132 = arith.addi %mul3A_131, %iota3A : vector<16xi32>
      %parallel_loop3A_133 = arith.constant 0 : i32
      %parallel_loop3A_134 = arith.constant 128 : i32
      %parallel_loop3A_135 = arith.constant 1 : i32
      scf.for %parallel_loop3A_575 = %parallel_loop3A_133 to %parallel_loop3A_134 step %parallel_loop3A_135  : i32 {
        %parallel_loop3A_576 = arith.constant 16 : i32
        %parallel_loop3A_577 = arith.muli %parallel_loop3A_575, %parallel_loop3A_576 : i32
        %parallel_loop3A_578 = arith.constant 16 : i32
        %parallel_loop3A_579 = arith.muli %parallel_loop3A_575, %parallel_loop3A_578 : i32
        %parallel_loop3A_580 = vector.broadcast %parallel_loop3A_579 : i32 to vector<16xi32>
        %parallel_loop3A_581 = arith.addi %add3A_132, %parallel_loop3A_580 : vector<16xi32>
        %parallel_loop3A_582 = tpu.vector_load_idx %arg10[%parallel_loop3A_581] : memref<6144xf32, #tpu.memory_space<vmem>>[vector<16xi32>], vector<16xf32>,
        %parallel_loop3A_583 = arith.constant 5 : i32
        %parallel_loop3A_584 = arith.index_cast %parallel_loop3A_583 : i32 to index
        %parallel_loop3A_585 = arith.index_cast %parallel_loop3A_577 : i32 to index
        %parallel_loop3A_586 = tpu.vector_load %arg15[%parallel_loop3A_584, %parallel_loop3A_585] {strides = array<i32>} : memref<8x2048xf32, #tpu.memory_space<vmem>>, vector<16xf32>,
        %parallel_loop3A_587 = arith.addf %parallel_loop3A_582, %parallel_loop3A_586 : vector<16xf32>
        %parallel_loop3A_588 = arith.constant 5 : i32
        %parallel_loop3A_589 = arith.index_cast %parallel_loop3A_588 : i32 to index
        %parallel_loop3A_590 = arith.index_cast %parallel_loop3A_577 : i32 to index
        %parallel_loop3A_591 = tpu.vector_load %arg11[%parallel_loop3A_589, %parallel_loop3A_590] {strides = array<i32>} : memref<8x2048xf32, #tpu.memory_space<vmem>>, vector<16xf32>,
        tpu.vector_store %arg11[%parallel_loop3A_589, %parallel_loop3A_590], %parallel_loop3A_587 {add = true, strides = array<i32>} : memref<8x2048xf32, #tpu.memory_space<vmem>>, vector<16xf32>,
      } {sc.loop_unroll_factor = 4 : i64, sc.parallel_access}
      %add3A_136 = arith.constant 6 : i32
      %add3A_137 = arith.addi %mul3A_72, %add3A_136 : i32
      %broadcast_in_dim3A_138 = vector.broadcast %add3A_137 : i32 to vector<16xi32>
      %gather3A_139 = tpu.vector_load_idx %arg9[%broadcast_in_dim3A_138] : memref<256xi32, #tpu.memory_space<vmem>>[vector<16xi32>], vector<16xi32>,
      %mul3A_140 = arith.constant 2048 : i32
      %mul3A_141 = vector.broadcast %mul3A_140 : i32 to vector<16xi32>
      %mul3A_142 = arith.muli %gather3A_139, %mul3A_141 : vector<16xi32>
      %add3A_143 = arith.addi %mul3A_142, %iota3A : vector<16xi32>
      %parallel_loop3A_144 = arith.constant 0 : i32
      %parallel_loop3A_145 = arith.constant 128 : i32
      %parallel_loop3A_146 = arith.constant 1 : i32
      scf.for %parallel_loop3A_575 = %parallel_loop3A_144 to %parallel_loop3A_145 step %parallel_loop3A_146  : i32 {
        %parallel_loop3A_576 = arith.constant 16 : i32
        %parallel_loop3A_577 = arith.muli %parallel_loop3A_575, %parallel_loop3A_576 : i32
        %parallel_loop3A_578 = arith.constant 16 : i32
        %parallel_loop3A_579 = arith.muli %parallel_loop3A_575, %parallel_loop3A_578 : i32
        %parallel_loop3A_580 = vector.broadcast %parallel_loop3A_579 : i32 to vector<16xi32>
        %parallel_loop3A_581 = arith.addi %add3A_143, %parallel_loop3A_580 : vector<16xi32>
        %parallel_loop3A_582 = tpu.vector_load_idx %arg10[%parallel_loop3A_581] : memref<6144xf32, #tpu.memory_space<vmem>>[vector<16xi32>], vector<16xf32>,
        %parallel_loop3A_583 = arith.constant 6 : i32
        %parallel_loop3A_584 = arith.index_cast %parallel_loop3A_583 : i32 to index
        %parallel_loop3A_585 = arith.index_cast %parallel_loop3A_577 : i32 to index
        %parallel_loop3A_586 = tpu.vector_load %arg15[%parallel_loop3A_584, %parallel_loop3A_585] {strides = array<i32>} : memref<8x2048xf32, #tpu.memory_space<vmem>>, vector<16xf32>,
        %parallel_loop3A_587 = arith.addf %parallel_loop3A_582, %parallel_loop3A_586 : vector<16xf32>
        %parallel_loop3A_588 = arith.constant 6 : i32
        %parallel_loop3A_589 = arith.index_cast %parallel_loop3A_588 : i32 to index
        %parallel_loop3A_590 = arith.index_cast %parallel_loop3A_577 : i32 to index
        %parallel_loop3A_591 = tpu.vector_load %arg11[%parallel_loop3A_589, %parallel_loop3A_590] {strides = array<i32>} : memref<8x2048xf32, #tpu.memory_space<vmem>>, vector<16xf32>,
        tpu.vector_store %arg11[%parallel_loop3A_589, %parallel_loop3A_590], %parallel_loop3A_587 {add = true, strides = array<i32>} : memref<8x2048xf32, #tpu.memory_space<vmem>>, vector<16xf32>,
      } {sc.loop_unroll_factor = 4 : i64, sc.parallel_access}
      %add3A_147 = arith.constant 7 : i32
      %add3A_148 = arith.addi %mul3A_72, %add3A_147 : i32
      %broadcast_in_dim3A_149 = vector.broadcast %add3A_148 : i32 to vector<16xi32>
      %gather3A_150 = tpu.vector_load_idx %arg9[%broadcast_in_dim3A_149] : memref<256xi32, #tpu.memory_space<vmem>>[vector<16xi32>], vector<16xi32>,
      %mul3A_151 = arith.constant 2048 : i32
      %mul3A_152 = vector.broadcast %mul3A_151 : i32 to vector<16xi32>
      %mul3A_153 = arith.muli %gather3A_150, %mul3A_152 : vector<16xi32>
      %add3A_154 = arith.addi %mul3A_153, %iota3A : vector<16xi32>
      %parallel_loop3A_155 = arith.constant 0 : i32
      %parallel_loop3A_156 = arith.constant 128 : i32
      %parallel_loop3A_157 = arith.constant 1 : i32
      scf.for %parallel_loop3A_575 = %parallel_loop3A_155 to %parallel_loop3A_156 step %parallel_loop3A_157  : i32 {
        %parallel_loop3A_576 = arith.constant 16 : i32
        %parallel_loop3A_577 = arith.muli %parallel_loop3A_575, %parallel_loop3A_576 : i32
        %parallel_loop3A_578 = arith.constant 16 : i32
        %parallel_loop3A_579 = arith.muli %parallel_loop3A_575, %parallel_loop3A_578 : i32
        %parallel_loop3A_580 = vector.broadcast %parallel_loop3A_579 : i32 to vector<16xi32>
        %parallel_loop3A_581 = arith.addi %add3A_154, %parallel_loop3A_580 : vector<16xi32>
        %parallel_loop3A_582 = tpu.vector_load_idx %arg10[%parallel_loop3A_581] : memref<6144xf32, #tpu.memory_space<vmem>>[vector<16xi32>], vector<16xf32>,
        %parallel_loop3A_583 = arith.constant 7 : i32
        %parallel_loop3A_584 = arith.index_cast %parallel_loop3A_583 : i32 to index
        %parallel_loop3A_585 = arith.index_cast %parallel_loop3A_577 : i32 to index
        %parallel_loop3A_586 = tpu.vector_load %arg15[%parallel_loop3A_584, %parallel_loop3A_585] {strides = array<i32>} : memref<8x2048xf32, #tpu.memory_space<vmem>>, vector<16xf32>,
        %parallel_loop3A_587 = arith.addf %parallel_loop3A_582, %parallel_loop3A_586 : vector<16xf32>
        %parallel_loop3A_588 = arith.constant 7 : i32
        %parallel_loop3A_589 = arith.index_cast %parallel_loop3A_588 : i32 to index
        %parallel_loop3A_590 = arith.index_cast %parallel_loop3A_577 : i32 to index
        %parallel_loop3A_591 = tpu.vector_load %arg11[%parallel_loop3A_589, %parallel_loop3A_590] {strides = array<i32>} : memref<8x2048xf32, #tpu.memory_space<vmem>>, vector<16xf32>,
        tpu.vector_store %arg11[%parallel_loop3A_589, %parallel_loop3A_590], %parallel_loop3A_587 {add = true, strides = array<i32>} : memref<8x2048xf32, #tpu.memory_space<vmem>>, vector<16xf32>,
      } {sc.loop_unroll_factor = 4 : i64, sc.parallel_access}
      %mul3A_158 = arith.constant 8 : i32
      %mul3A_159 = arith.muli %add3A_57, %mul3A_158 : i32
      %add3A_160 = arith.addi %mul3A_2, %mul3A_159 : i32
      %dma_start3A_161 = arith.constant 0 : i32
      %dma_start3A_162 = tpu.memref_slice %arg7[%add3A_160, %dma_start3A_161] : memref<8192x2048xf32, #tpu.memory_space<hbm>> -> memref<8x2048xf32, #tpu.memory_space<hbm>>
      %dma_start3A_163 = arith.constant 0 : i32
      %dma_start3A_164 = tpu.memref_slice %arg7[%add3A_160, %dma_start3A_163] : memref<8192x2048xf32, #tpu.memory_space<hbm>> -> memref<8x2048xf32, #tpu.memory_space<hbm>>
      tpu.enqueue_dma source(%arg11 : memref<8x2048xf32, #tpu.memory_space<vmem>>) target(%dma_start3A_164 : memref<8x2048xf32, #tpu.memory_space<hbm>>) target_semaphore(%arg23 : memref<!tpu.dma_semaphore, #tpu.memory_space<semaphore_mem>>)
      %gt3A = arith.constant 0 : i32
      %gt3A_165 = arith.cmpi sgt, %scan3A_53, %gt3A : i32
      %convert_element_type3A = arith.extui %gt3A_165 : i1 to i32
      %cond3A = arith.constant 0 : i32
      %cond3A_166 = arith.cmpi ne, %convert_element_type3A, %cond3A : i32
      scf.if %cond3A_166 {
        %sub3A_575 = arith.constant 2 : i32
        %sub3A_576 = arith.subi %add3A_57, %sub3A_575 : i32
        %mul3A_577 = arith.constant 8 : i32
        %mul3A_578 = arith.muli %sub3A_576, %mul3A_577 : i32
        %add3A_579 = arith.addi %mul3A_2, %mul3A_578 : i32
        %dma_wait3A_580 = arith.constant 0 : i32
        %dma_wait3A_581 = tpu.memref_slice %arg7[%add3A_579, %dma_wait3A_580] : memref<8192x2048xf32, #tpu.memory_space<hbm>> -> memref<8x2048xf32, #tpu.memory_space<hbm>>
        %dma_wait3A_582 = arith.constant 0 : i32
        %dma_wait3A_583 = tpu.memref_slice %arg7[%add3A_579, %dma_wait3A_582] : memref<8192x2048xf32, #tpu.memory_space<hbm>> -> memref<8x2048xf32, #tpu.memory_space<hbm>>
        tpu.wait_dma2 semaphore(%arg25 : memref<!tpu.dma_semaphore, #tpu.memory_space<semaphore_mem>>) src(%arg13 : memref<8x2048xf32, #tpu.memory_space<vmem>>) dst(%dma_wait3A_583 : memref<8x2048xf32, #tpu.memory_space<hbm>>)
      } else {
      }
      %add3A_167 = arith.constant 2 : i32
      %add3A_168 = arith.addi %add3A_57, %add3A_167 : i32
      %dma_start3A_169 = arith.constant 0 : i32
      %dma_start3A_170 = tpu.memref_slice %arg8[%add3A_168, %dma_start3A_169] : memref<32x8xi32, #tpu.memory_space<vmem>> -> memref<1x8xi32, #tpu.memory_space<vmem>>
      %dma_start3A_171 = tpu.memref_squeeze %dma_start3A_170 : memref<1x8xi32, #tpu.memory_space<vmem>> -> memref<8xi32, #tpu.memory_space<vmem>>
      %dma_start3A_172 = arith.constant 0 : i32
      %dma_start3A_173 = arith.constant 0 : i32
      %dma_start3A_174 = tpu.memref_slice %arg4[%dma_start3A_172, %dma_start3A_173] : memref<100000x2048xf32, #tpu.memory_space<hbm>> -> memref<100000x2048xf32, #tpu.memory_space<hbm>>
      tpu.enqueue_indirect_dma source(%dma_start3A_174 : memref<100000x2048xf32, #tpu.memory_space<hbm>>) target(%arg13 : memref<8x2048xf32, #tpu.memory_space<vmem>>) offsets(%dma_start3A_171 : memref<8xi32, #tpu.memory_space<vmem>>) semaphore(%arg19 : memref<!tpu.dma_semaphore, #tpu.memory_space<semaphore_mem>>)
      %add3A_175 = arith.constant 2 : i32
      %add3A_176 = arith.addi %add3A_57, %add3A_175 : i32
      %mul3A_177 = arith.constant 8 : i32
      %mul3A_178 = arith.muli %add3A_176, %mul3A_177 : i32
      %add3A_179 = arith.addi %select_n3A_11, %mul3A_178 : i32
      %dma_start3A_180 = arith.constant 0 : i32
      %dma_start3A_181 = tpu.memref_slice %arg6[%add3A_179, %dma_start3A_180] : memref<2048x2048xf32, #tpu.memory_space<hbm>> -> memref<8x2048xf32, #tpu.memory_space<hbm>>
      %dma_start3A_182 = arith.constant 0 : i32
      %dma_start3A_183 = tpu.memref_slice %arg6[%add3A_179, %dma_start3A_182] : memref<2048x2048xf32, #tpu.memory_space<hbm>> -> memref<8x2048xf32, #tpu.memory_space<hbm>>
      tpu.enqueue_dma source(%dma_start3A_183 : memref<8x2048xf32, #tpu.memory_space<hbm>>) target(%arg15 : memref<8x2048xf32, #tpu.memory_space<vmem>>) target_semaphore(%arg21 : memref<!tpu.dma_semaphore, #tpu.memory_space<semaphore_mem>>)
      %mul3A_184 = arith.constant 4 : i32
      %mul3A_185 = arith.muli %mul3A_184, %scan3A_53 : i32
      %add3A_186 = arith.constant 1 : i32
      %add3A_187 = arith.addi %mul3A_185, %add3A_186 : i32
      %dma_wait3A_188 = arith.constant 0 : i32
      %dma_wait3A_189 = tpu.memref_slice %arg8[%add3A_187, %dma_wait3A_188] : memref<32x8xi32, #tpu.memory_space<vmem>> -> memref<1x8xi32, #tpu.memory_space<vmem>>
      %dma_wait3A_190 = tpu.memref_squeeze %dma_wait3A_189 : memref<1x8xi32, #tpu.memory_space<vmem>> -> memref<8xi32, #tpu.memory_space<vmem>>
      %dma_wait3A_191 = arith.constant 0 : i32
      %dma_wait3A_192 = arith.constant 0 : i32
      %dma_wait3A_193 = tpu.memref_slice %arg4[%dma_wait3A_191, %dma_wait3A_192] : memref<100000x2048xf32, #tpu.memory_space<hbm>> -> memref<100000x2048xf32, #tpu.memory_space<hbm>>
      tpu.wait_indirect_dma semaphore(%arg18 : memref<!tpu.dma_semaphore, #tpu.memory_space<semaphore_mem>>) src(%dma_wait3A_193 : memref<100000x2048xf32, #tpu.memory_space<hbm>>) dst(%arg12 : memref<8x2048xf32, #tpu.memory_space<vmem>>)
      %mul3A_194 = arith.constant 8 : i32
      %mul3A_195 = arith.muli %add3A_187, %mul3A_194 : i32
      %add3A_196 = arith.addi %select_n3A_11, %mul3A_195 : i32
      %dma_wait3A_197 = arith.constant 0 : i32
      %dma_wait3A_198 = tpu.memref_slice %arg6[%add3A_196, %dma_wait3A_197] : memref<2048x2048xf32, #tpu.memory_space<hbm>> -> memref<8x2048xf32, #tpu.memory_space<hbm>>
      %dma_wait3A_199 = arith.constant 0 : i32
      %dma_wait3A_200 = tpu.memref_slice %arg6[%add3A_196, %dma_wait3A_199] : memref<2048x2048xf32, #tpu.memory_space<hbm>> -> memref<8x2048xf32, #tpu.memory_space<hbm>>
      tpu.wait_dma2 semaphore(%arg22 : memref<!tpu.dma_semaphore, #tpu.memory_space<semaphore_mem>>) src(%dma_wait3A_200 : memref<8x2048xf32, #tpu.memory_space<hbm>>) dst(%arg16 : memref<8x2048xf32, #tpu.memory_space<vmem>>)
      %mul3A_201 = arith.constant 8 : i32
      %mul3A_202 = arith.muli %add3A_187, %mul3A_201 : i32
      %add3A_203 = arith.constant 0 : i32
      %add3A_204 = arith.addi %mul3A_202, %add3A_203 : i32
      %broadcast_in_dim3A_205 = vector.broadcast %add3A_204 : i32 to vector<16xi32>
      %gather3A_206 = tpu.vector_load_idx %arg9[%broadcast_in_dim3A_205] : memref<256xi32, #tpu.memory_space<vmem>>[vector<16xi32>], vector<16xi32>,
      %mul3A_207 = arith.constant 2048 : i32
      %mul3A_208 = vector.broadcast %mul3A_207 : i32 to vector<16xi32>
      %mul3A_209 = arith.muli %gather3A_206, %mul3A_208 : vector<16xi32>
      %add3A_210 = arith.addi %mul3A_209, %iota3A : vector<16xi32>
      %parallel_loop3A_211 = arith.constant 0 : i32
      %parallel_loop3A_212 = arith.constant 128 : i32
      %parallel_loop3A_213 = arith.constant 1 : i32
      scf.for %parallel_loop3A_575 = %parallel_loop3A_211 to %parallel_loop3A_212 step %parallel_loop3A_213  : i32 {
        %parallel_loop3A_576 = arith.constant 16 : i32
        %parallel_loop3A_577 = arith.muli %parallel_loop3A_575, %parallel_loop3A_576 : i32
        %parallel_loop3A_578 = arith.constant 16 : i32
        %parallel_loop3A_579 = arith.muli %parallel_loop3A_575, %parallel_loop3A_578 : i32
        %parallel_loop3A_580 = vector.broadcast %parallel_loop3A_579 : i32 to vector<16xi32>
        %parallel_loop3A_581 = arith.addi %add3A_210, %parallel_loop3A_580 : vector<16xi32>
        %parallel_loop3A_582 = tpu.vector_load_idx %arg10[%parallel_loop3A_581] : memref<6144xf32, #tpu.memory_space<vmem>>[vector<16xi32>], vector<16xf32>,
        %parallel_loop3A_583 = arith.constant 0 : i32
        %parallel_loop3A_584 = arith.index_cast %parallel_loop3A_583 : i32 to index
        %parallel_loop3A_585 = arith.index_cast %parallel_loop3A_577 : i32 to index
        %parallel_loop3A_586 = tpu.vector_load %arg16[%parallel_loop3A_584, %parallel_loop3A_585] {strides = array<i32>} : memref<8x2048xf32, #tpu.memory_space<vmem>>, vector<16xf32>,
        %parallel_loop3A_587 = arith.addf %parallel_loop3A_582, %parallel_loop3A_586 : vector<16xf32>
        %parallel_loop3A_588 = arith.constant 0 : i32
        %parallel_loop3A_589 = arith.index_cast %parallel_loop3A_588 : i32 to index
        %parallel_loop3A_590 = arith.index_cast %parallel_loop3A_577 : i32 to index
        %parallel_loop3A_591 = tpu.vector_load %arg12[%parallel_loop3A_589, %parallel_loop3A_590] {strides = array<i32>} : memref<8x2048xf32, #tpu.memory_space<vmem>>, vector<16xf32>,
        tpu.vector_store %arg12[%parallel_loop3A_589, %parallel_loop3A_590], %parallel_loop3A_587 {add = true, strides = array<i32>} : memref<8x2048xf32, #tpu.memory_space<vmem>>, vector<16xf32>,
      } {sc.loop_unroll_factor = 4 : i64, sc.parallel_access}
      %add3A_214 = arith.constant 1 : i32
      %add3A_215 = arith.addi %mul3A_202, %add3A_214 : i32
      %broadcast_in_dim3A_216 = vector.broadcast %add3A_215 : i32 to vector<16xi32>
      %gather3A_217 = tpu.vector_load_idx %arg9[%broadcast_in_dim3A_216] : memref<256xi32, #tpu.memory_space<vmem>>[vector<16xi32>], vector<16xi32>,
      %mul3A_218 = arith.constant 2048 : i32
      %mul3A_219 = vector.broadcast %mul3A_218 : i32 to vector<16xi32>
      %mul3A_220 = arith.muli %gather3A_217, %mul3A_219 : vector<16xi32>
      %add3A_221 = arith.addi %mul3A_220, %iota3A : vector<16xi32>
      %parallel_loop3A_222 = arith.constant 0 : i32
      %parallel_loop3A_223 = arith.constant 128 : i32
      %parallel_loop3A_224 = arith.constant 1 : i32
      scf.for %parallel_loop3A_575 = %parallel_loop3A_222 to %parallel_loop3A_223 step %parallel_loop3A_224  : i32 {
        %parallel_loop3A_576 = arith.constant 16 : i32
        %parallel_loop3A_577 = arith.muli %parallel_loop3A_575, %parallel_loop3A_576 : i32
        %parallel_loop3A_578 = arith.constant 16 : i32
        %parallel_loop3A_579 = arith.muli %parallel_loop3A_575, %parallel_loop3A_578 : i32
        %parallel_loop3A_580 = vector.broadcast %parallel_loop3A_579 : i32 to vector<16xi32>
        %parallel_loop3A_581 = arith.addi %add3A_221, %parallel_loop3A_580 : vector<16xi32>
        %parallel_loop3A_582 = tpu.vector_load_idx %arg10[%parallel_loop3A_581] : memref<6144xf32, #tpu.memory_space<vmem>>[vector<16xi32>], vector<16xf32>,
        %parallel_loop3A_583 = arith.constant 1 : i32
        %parallel_loop3A_584 = arith.index_cast %parallel_loop3A_583 : i32 to index
        %parallel_loop3A_585 = arith.index_cast %parallel_loop3A_577 : i32 to index
        %parallel_loop3A_586 = tpu.vector_load %arg16[%parallel_loop3A_584, %parallel_loop3A_585] {strides = array<i32>} : memref<8x2048xf32, #tpu.memory_space<vmem>>, vector<16xf32>,
        %parallel_loop3A_587 = arith.addf %parallel_loop3A_582, %parallel_loop3A_586 : vector<16xf32>
        %parallel_loop3A_588 = arith.constant 1 : i32
        %parallel_loop3A_589 = arith.index_cast %parallel_loop3A_588 : i32 to index
        %parallel_loop3A_590 = arith.index_cast %parallel_loop3A_577 : i32 to index
        %parallel_loop3A_591 = tpu.vector_load %arg12[%parallel_loop3A_589, %parallel_loop3A_590] {strides = array<i32>} : memref<8x2048xf32, #tpu.memory_space<vmem>>, vector<16xf32>,
        tpu.vector_store %arg12[%parallel_loop3A_589, %parallel_loop3A_590], %parallel_loop3A_587 {add = true, strides = array<i32>} : memref<8x2048xf32, #tpu.memory_space<vmem>>, vector<16xf32>,
      } {sc.loop_unroll_factor = 4 : i64, sc.parallel_access}
      %add3A_225 = arith.constant 2 : i32
      %add3A_226 = arith.addi %mul3A_202, %add3A_225 : i32
      %broadcast_in_dim3A_227 = vector.broadcast %add3A_226 : i32 to vector<16xi32>
      %gather3A_228 = tpu.vector_load_idx %arg9[%broadcast_in_dim3A_227] : memref<256xi32, #tpu.memory_space<vmem>>[vector<16xi32>], vector<16xi32>,
      %mul3A_229 = arith.constant 2048 : i32
      %mul3A_230 = vector.broadcast %mul3A_229 : i32 to vector<16xi32>
      %mul3A_231 = arith.muli %gather3A_228, %mul3A_230 : vector<16xi32>
      %add3A_232 = arith.addi %mul3A_231, %iota3A : vector<16xi32>
      %parallel_loop3A_233 = arith.constant 0 : i32
      %parallel_loop3A_234 = arith.constant 128 : i32
      %parallel_loop3A_235 = arith.constant 1 : i32
      scf.for %parallel_loop3A_575 = %parallel_loop3A_233 to %parallel_loop3A_234 step %parallel_loop3A_235  : i32 {
        %parallel_loop3A_576 = arith.constant 16 : i32
        %parallel_loop3A_577 = arith.muli %parallel_loop3A_575, %parallel_loop3A_576 : i32
        %parallel_loop3A_578 = arith.constant 16 : i32
        %parallel_loop3A_579 = arith.muli %parallel_loop3A_575, %parallel_loop3A_578 : i32
        %parallel_loop3A_580 = vector.broadcast %parallel_loop3A_579 : i32 to vector<16xi32>
        %parallel_loop3A_581 = arith.addi %add3A_232, %parallel_loop3A_580 : vector<16xi32>
        %parallel_loop3A_582 = tpu.vector_load_idx %arg10[%parallel_loop3A_581] : memref<6144xf32, #tpu.memory_space<vmem>>[vector<16xi32>], vector<16xf32>,
        %parallel_loop3A_583 = arith.constant 2 : i32
        %parallel_loop3A_584 = arith.index_cast %parallel_loop3A_583 : i32 to index
        %parallel_loop3A_585 = arith.index_cast %parallel_loop3A_577 : i32 to index
        %parallel_loop3A_586 = tpu.vector_load %arg16[%parallel_loop3A_584, %parallel_loop3A_585] {strides = array<i32>} : memref<8x2048xf32, #tpu.memory_space<vmem>>, vector<16xf32>,
        %parallel_loop3A_587 = arith.addf %parallel_loop3A_582, %parallel_loop3A_586 : vector<16xf32>
        %parallel_loop3A_588 = arith.constant 2 : i32
        %parallel_loop3A_589 = arith.index_cast %parallel_loop3A_588 : i32 to index
        %parallel_loop3A_590 = arith.index_cast %parallel_loop3A_577 : i32 to index
        %parallel_loop3A_591 = tpu.vector_load %arg12[%parallel_loop3A_589, %parallel_loop3A_590] {strides = array<i32>} : memref<8x2048xf32, #tpu.memory_space<vmem>>, vector<16xf32>,
        tpu.vector_store %arg12[%parallel_loop3A_589, %parallel_loop3A_590], %parallel_loop3A_587 {add = true, strides = array<i32>} : memref<8x2048xf32, #tpu.memory_space<vmem>>, vector<16xf32>,
      } {sc.loop_unroll_factor = 4 : i64, sc.parallel_access}
      %add3A_236 = arith.constant 3 : i32
      %add3A_237 = arith.addi %mul3A_202, %add3A_236 : i32
      %broadcast_in_dim3A_238 = vector.broadcast %add3A_237 : i32 to vector<16xi32>
      %gather3A_239 = tpu.vector_load_idx %arg9[%broadcast_in_dim3A_238] : memref<256xi32, #tpu.memory_space<vmem>>[vector<16xi32>], vector<16xi32>,
      %mul3A_240 = arith.constant 2048 : i32
      %mul3A_241 = vector.broadcast %mul3A_240 : i32 to vector<16xi32>
      %mul3A_242 = arith.muli %gather3A_239, %mul3A_241 : vector<16xi32>
      %add3A_243 = arith.addi %mul3A_242, %iota3A : vector<16xi32>
      %parallel_loop3A_244 = arith.constant 0 : i32
      %parallel_loop3A_245 = arith.constant 128 : i32
      %parallel_loop3A_246 = arith.constant 1 : i32
      scf.for %parallel_loop3A_575 = %parallel_loop3A_244 to %parallel_loop3A_245 step %parallel_loop3A_246  : i32 {
        %parallel_loop3A_576 = arith.constant 16 : i32
        %parallel_loop3A_577 = arith.muli %parallel_loop3A_575, %parallel_loop3A_576 : i32
        %parallel_loop3A_578 = arith.constant 16 : i32
        %parallel_loop3A_579 = arith.muli %parallel_loop3A_575, %parallel_loop3A_578 : i32
        %parallel_loop3A_580 = vector.broadcast %parallel_loop3A_579 : i32 to vector<16xi32>
        %parallel_loop3A_581 = arith.addi %add3A_243, %parallel_loop3A_580 : vector<16xi32>
        %parallel_loop3A_582 = tpu.vector_load_idx %arg10[%parallel_loop3A_581] : memref<6144xf32, #tpu.memory_space<vmem>>[vector<16xi32>], vector<16xf32>,
        %parallel_loop3A_583 = arith.constant 3 : i32
        %parallel_loop3A_584 = arith.index_cast %parallel_loop3A_583 : i32 to index
        %parallel_loop3A_585 = arith.index_cast %parallel_loop3A_577 : i32 to index
        %parallel_loop3A_586 = tpu.vector_load %arg16[%parallel_loop3A_584, %parallel_loop3A_585] {strides = array<i32>} : memref<8x2048xf32, #tpu.memory_space<vmem>>, vector<16xf32>,
        %parallel_loop3A_587 = arith.addf %parallel_loop3A_582, %parallel_loop3A_586 : vector<16xf32>
        %parallel_loop3A_588 = arith.constant 3 : i32
        %parallel_loop3A_589 = arith.index_cast %parallel_loop3A_588 : i32 to index
        %parallel_loop3A_590 = arith.index_cast %parallel_loop3A_577 : i32 to index
        %parallel_loop3A_591 = tpu.vector_load %arg12[%parallel_loop3A_589, %parallel_loop3A_590] {strides = array<i32>} : memref<8x2048xf32, #tpu.memory_space<vmem>>, vector<16xf32>,
        tpu.vector_store %arg12[%parallel_loop3A_589, %parallel_loop3A_590], %parallel_loop3A_587 {add = true, strides = array<i32>} : memref<8x2048xf32, #tpu.memory_space<vmem>>, vector<16xf32>,
      } {sc.loop_unroll_factor = 4 : i64, sc.parallel_access}
      %add3A_247 = arith.constant 4 : i32
      %add3A_248 = arith.addi %mul3A_202, %add3A_247 : i32
      %broadcast_in_dim3A_249 = vector.broadcast %add3A_248 : i32 to vector<16xi32>
      %gather3A_250 = tpu.vector_load_idx %arg9[%broadcast_in_dim3A_249] : memref<256xi32, #tpu.memory_space<vmem>>[vector<16xi32>], vector<16xi32>,
      %mul3A_251 = arith.constant 2048 : i32
      %mul3A_252 = vector.broadcast %mul3A_251 : i32 to vector<16xi32>
      %mul3A_253 = arith.muli %gather3A_250, %mul3A_252 : vector<16xi32>
      %add3A_254 = arith.addi %mul3A_253, %iota3A : vector<16xi32>
      %parallel_loop3A_255 = arith.constant 0 : i32
      %parallel_loop3A_256 = arith.constant 128 : i32
      %parallel_loop3A_257 = arith.constant 1 : i32
      scf.for %parallel_loop3A_575 = %parallel_loop3A_255 to %parallel_loop3A_256 step %parallel_loop3A_257  : i32 {
        %parallel_loop3A_576 = arith.constant 16 : i32
        %parallel_loop3A_577 = arith.muli %parallel_loop3A_575, %parallel_loop3A_576 : i32
        %parallel_loop3A_578 = arith.constant 16 : i32
        %parallel_loop3A_579 = arith.muli %parallel_loop3A_575, %parallel_loop3A_578 : i32
        %parallel_loop3A_580 = vector.broadcast %parallel_loop3A_579 : i32 to vector<16xi32>
        %parallel_loop3A_581 = arith.addi %add3A_254, %parallel_loop3A_580 : vector<16xi32>
        %parallel_loop3A_582 = tpu.vector_load_idx %arg10[%parallel_loop3A_581] : memref<6144xf32, #tpu.memory_space<vmem>>[vector<16xi32>], vector<16xf32>,
        %parallel_loop3A_583 = arith.constant 4 : i32
        %parallel_loop3A_584 = arith.index_cast %parallel_loop3A_583 : i32 to index
        %parallel_loop3A_585 = arith.index_cast %parallel_loop3A_577 : i32 to index
        %parallel_loop3A_586 = tpu.vector_load %arg16[%parallel_loop3A_584, %parallel_loop3A_585] {strides = array<i32>} : memref<8x2048xf32, #tpu.memory_space<vmem>>, vector<16xf32>,
        %parallel_loop3A_587 = arith.addf %parallel_loop3A_582, %parallel_loop3A_586 : vector<16xf32>
        %parallel_loop3A_588 = arith.constant 4 : i32
        %parallel_loop3A_589 = arith.index_cast %parallel_loop3A_588 : i32 to index
        %parallel_loop3A_590 = arith.index_cast %parallel_loop3A_577 : i32 to index
        %parallel_loop3A_591 = tpu.vector_load %arg12[%parallel_loop3A_589, %parallel_loop3A_590] {strides = array<i32>} : memref<8x2048xf32, #tpu.memory_space<vmem>>, vector<16xf32>,
        tpu.vector_store %arg12[%parallel_loop3A_589, %parallel_loop3A_590], %parallel_loop3A_587 {add = true, strides = array<i32>} : memref<8x2048xf32, #tpu.memory_space<vmem>>, vector<16xf32>,
      } {sc.loop_unroll_factor = 4 : i64, sc.parallel_access}
      %add3A_258 = arith.constant 5 : i32
      %add3A_259 = arith.addi %mul3A_202, %add3A_258 : i32
      %broadcast_in_dim3A_260 = vector.broadcast %add3A_259 : i32 to vector<16xi32>
      %gather3A_261 = tpu.vector_load_idx %arg9[%broadcast_in_dim3A_260] : memref<256xi32, #tpu.memory_space<vmem>>[vector<16xi32>], vector<16xi32>,
      %mul3A_262 = arith.constant 2048 : i32
      %mul3A_263 = vector.broadcast %mul3A_262 : i32 to vector<16xi32>
      %mul3A_264 = arith.muli %gather3A_261, %mul3A_263 : vector<16xi32>
      %add3A_265 = arith.addi %mul3A_264, %iota3A : vector<16xi32>
      %parallel_loop3A_266 = arith.constant 0 : i32
      %parallel_loop3A_267 = arith.constant 128 : i32
      %parallel_loop3A_268 = arith.constant 1 : i32
      scf.for %parallel_loop3A_575 = %parallel_loop3A_266 to %parallel_loop3A_267 step %parallel_loop3A_268  : i32 {
        %parallel_loop3A_576 = arith.constant 16 : i32
        %parallel_loop3A_577 = arith.muli %parallel_loop3A_575, %parallel_loop3A_576 : i32
        %parallel_loop3A_578 = arith.constant 16 : i32
        %parallel_loop3A_579 = arith.muli %parallel_loop3A_575, %parallel_loop3A_578 : i32
        %parallel_loop3A_580 = vector.broadcast %parallel_loop3A_579 : i32 to vector<16xi32>
        %parallel_loop3A_581 = arith.addi %add3A_265, %parallel_loop3A_580 : vector<16xi32>
        %parallel_loop3A_582 = tpu.vector_load_idx %arg10[%parallel_loop3A_581] : memref<6144xf32, #tpu.memory_space<vmem>>[vector<16xi32>], vector<16xf32>,
        %parallel_loop3A_583 = arith.constant 5 : i32
        %parallel_loop3A_584 = arith.index_cast %parallel_loop3A_583 : i32 to index
        %parallel_loop3A_585 = arith.index_cast %parallel_loop3A_577 : i32 to index
        %parallel_loop3A_586 = tpu.vector_load %arg16[%parallel_loop3A_584, %parallel_loop3A_585] {strides = array<i32>} : memref<8x2048xf32, #tpu.memory_space<vmem>>, vector<16xf32>,
        %parallel_loop3A_587 = arith.addf %parallel_loop3A_582, %parallel_loop3A_586 : vector<16xf32>
        %parallel_loop3A_588 = arith.constant 5 : i32
        %parallel_loop3A_589 = arith.index_cast %parallel_loop3A_588 : i32 to index
        %parallel_loop3A_590 = arith.index_cast %parallel_loop3A_577 : i32 to index
        %parallel_loop3A_591 = tpu.vector_load %arg12[%parallel_loop3A_589, %parallel_loop3A_590] {strides = array<i32>} : memref<8x2048xf32, #tpu.memory_space<vmem>>, vector<16xf32>,
        tpu.vector_store %arg12[%parallel_loop3A_589, %parallel_loop3A_590], %parallel_loop3A_587 {add = true, strides = array<i32>} : memref<8x2048xf32, #tpu.memory_space<vmem>>, vector<16xf32>,
      } {sc.loop_unroll_factor = 4 : i64, sc.parallel_access}
      %add3A_269 = arith.constant 6 : i32
      %add3A_270 = arith.addi %mul3A_202, %add3A_269 : i32
      %broadcast_in_dim3A_271 = vector.broadcast %add3A_270 : i32 to vector<16xi32>
      %gather3A_272 = tpu.vector_load_idx %arg9[%broadcast_in_dim3A_271] : memref<256xi32, #tpu.memory_space<vmem>>[vector<16xi32>], vector<16xi32>,
      %mul3A_273 = arith.constant 2048 : i32
      %mul3A_274 = vector.broadcast %mul3A_273 : i32 to vector<16xi32>
      %mul3A_275 = arith.muli %gather3A_272, %mul3A_274 : vector<16xi32>
      %add3A_276 = arith.addi %mul3A_275, %iota3A : vector<16xi32>
      %parallel_loop3A_277 = arith.constant 0 : i32
      %parallel_loop3A_278 = arith.constant 128 : i32
      %parallel_loop3A_279 = arith.constant 1 : i32
      scf.for %parallel_loop3A_575 = %parallel_loop3A_277 to %parallel_loop3A_278 step %parallel_loop3A_279  : i32 {
        %parallel_loop3A_576 = arith.constant 16 : i32
        %parallel_loop3A_577 = arith.muli %parallel_loop3A_575, %parallel_loop3A_576 : i32
        %parallel_loop3A_578 = arith.constant 16 : i32
        %parallel_loop3A_579 = arith.muli %parallel_loop3A_575, %parallel_loop3A_578 : i32
        %parallel_loop3A_580 = vector.broadcast %parallel_loop3A_579 : i32 to vector<16xi32>
        %parallel_loop3A_581 = arith.addi %add3A_276, %parallel_loop3A_580 : vector<16xi32>
        %parallel_loop3A_582 = tpu.vector_load_idx %arg10[%parallel_loop3A_581] : memref<6144xf32, #tpu.memory_space<vmem>>[vector<16xi32>], vector<16xf32>,
        %parallel_loop3A_583 = arith.constant 6 : i32
        %parallel_loop3A_584 = arith.index_cast %parallel_loop3A_583 : i32 to index
        %parallel_loop3A_585 = arith.index_cast %parallel_loop3A_577 : i32 to index
        %parallel_loop3A_586 = tpu.vector_load %arg16[%parallel_loop3A_584, %parallel_loop3A_585] {strides = array<i32>} : memref<8x2048xf32, #tpu.memory_space<vmem>>, vector<16xf32>,
        %parallel_loop3A_587 = arith.addf %parallel_loop3A_582, %parallel_loop3A_586 : vector<16xf32>
        %parallel_loop3A_588 = arith.constant 6 : i32
        %parallel_loop3A_589 = arith.index_cast %parallel_loop3A_588 : i32 to index
        %parallel_loop3A_590 = arith.index_cast %parallel_loop3A_577 : i32 to index
        %parallel_loop3A_591 = tpu.vector_load %arg12[%parallel_loop3A_589, %parallel_loop3A_590] {strides = array<i32>} : memref<8x2048xf32, #tpu.memory_space<vmem>>, vector<16xf32>,
        tpu.vector_store %arg12[%parallel_loop3A_589, %parallel_loop3A_590], %parallel_loop3A_587 {add = true, strides = array<i32>} : memref<8x2048xf32, #tpu.memory_space<vmem>>, vector<16xf32>,
      } {sc.loop_unroll_factor = 4 : i64, sc.parallel_access}
      %add3A_280 = arith.constant 7 : i32
      %add3A_281 = arith.addi %mul3A_202, %add3A_280 : i32
      %broadcast_in_dim3A_282 = vector.broadcast %add3A_281 : i32 to vector<16xi32>
      %gather3A_283 = tpu.vector_load_idx %arg9[%broadcast_in_dim3A_282] : memref<256xi32, #tpu.memory_space<vmem>>[vector<16xi32>], vector<16xi32>,
      %mul3A_284 = arith.constant 2048 : i32
      %mul3A_285 = vector.broadcast %mul3A_284 : i32 to vector<16xi32>
      %mul3A_286 = arith.muli %gather3A_283, %mul3A_285 : vector<16xi32>
      %add3A_287 = arith.addi %mul3A_286, %iota3A : vector<16xi32>
      %parallel_loop3A_288 = arith.constant 0 : i32
      %parallel_loop3A_289 = arith.constant 128 : i32
      %parallel_loop3A_290 = arith.constant 1 : i32
      scf.for %parallel_loop3A_575 = %parallel_loop3A_288 to %parallel_loop3A_289 step %parallel_loop3A_290  : i32 {
        %parallel_loop3A_576 = arith.constant 16 : i32
        %parallel_loop3A_577 = arith.muli %parallel_loop3A_575, %parallel_loop3A_576 : i32
        %parallel_loop3A_578 = arith.constant 16 : i32
        %parallel_loop3A_579 = arith.muli %parallel_loop3A_575, %parallel_loop3A_578 : i32
        %parallel_loop3A_580 = vector.broadcast %parallel_loop3A_579 : i32 to vector<16xi32>
        %parallel_loop3A_581 = arith.addi %add3A_287, %parallel_loop3A_580 : vector<16xi32>
        %parallel_loop3A_582 = tpu.vector_load_idx %arg10[%parallel_loop3A_581] : memref<6144xf32, #tpu.memory_space<vmem>>[vector<16xi32>], vector<16xf32>,
        %parallel_loop3A_583 = arith.constant 7 : i32
        %parallel_loop3A_584 = arith.index_cast %parallel_loop3A_583 : i32 to index
        %parallel_loop3A_585 = arith.index_cast %parallel_loop3A_577 : i32 to index
        %parallel_loop3A_586 = tpu.vector_load %arg16[%parallel_loop3A_584, %parallel_loop3A_585] {strides = array<i32>} : memref<8x2048xf32, #tpu.memory_space<vmem>>, vector<16xf32>,
        %parallel_loop3A_587 = arith.addf %parallel_loop3A_582, %parallel_loop3A_586 : vector<16xf32>
        %parallel_loop3A_588 = arith.constant 7 : i32
        %parallel_loop3A_589 = arith.index_cast %parallel_loop3A_588 : i32 to index
        %parallel_loop3A_590 = arith.index_cast %parallel_loop3A_577 : i32 to index
        %parallel_loop3A_591 = tpu.vector_load %arg12[%parallel_loop3A_589, %parallel_loop3A_590] {strides = array<i32>} : memref<8x2048xf32, #tpu.memory_space<vmem>>, vector<16xf32>,
        tpu.vector_store %arg12[%parallel_loop3A_589, %parallel_loop3A_590], %parallel_loop3A_587 {add = true, strides = array<i32>} : memref<8x2048xf32, #tpu.memory_space<vmem>>, vector<16xf32>,
      } {sc.loop_unroll_factor = 4 : i64, sc.parallel_access}
      %mul3A_291 = arith.constant 8 : i32
      %mul3A_292 = arith.muli %add3A_187, %mul3A_291 : i32
      %add3A_293 = arith.addi %mul3A_2, %mul3A_292 : i32
      %dma_start3A_294 = arith.constant 0 : i32
      %dma_start3A_295 = tpu.memref_slice %arg7[%add3A_293, %dma_start3A_294] : memref<8192x2048xf32, #tpu.memory_space<hbm>> -> memref<8x2048xf32, #tpu.memory_space<hbm>>
      %dma_start3A_296 = arith.constant 0 : i32
      %dma_start3A_297 = tpu.memref_slice %arg7[%add3A_293, %dma_start3A_296] : memref<8192x2048xf32, #tpu.memory_space<hbm>> -> memref<8x2048xf32, #tpu.memory_space<hbm>>
      tpu.enqueue_dma source(%arg12 : memref<8x2048xf32, #tpu.memory_space<vmem>>) target(%dma_start3A_297 : memref<8x2048xf32, #tpu.memory_space<hbm>>) target_semaphore(%arg24 : memref<!tpu.dma_semaphore, #tpu.memory_space<semaphore_mem>>)
      %gt3A_298 = arith.constant 0 : i32
      %gt3A_299 = arith.cmpi sgt, %scan3A_53, %gt3A_298 : i32
      %convert_element_type3A_300 = arith.extui %gt3A_299 : i1 to i32
      %cond3A_301 = arith.constant 0 : i32
      %cond3A_302 = arith.cmpi ne, %convert_element_type3A_300, %cond3A_301 : i32
      scf.if %cond3A_302 {
        %sub3A_575 = arith.constant 2 : i32
        %sub3A_576 = arith.subi %add3A_187, %sub3A_575 : i32
        %mul3A_577 = arith.constant 8 : i32
        %mul3A_578 = arith.muli %sub3A_576, %mul3A_577 : i32
        %add3A_579 = arith.addi %mul3A_2, %mul3A_578 : i32
        %dma_wait3A_580 = arith.constant 0 : i32
        %dma_wait3A_581 = tpu.memref_slice %arg7[%add3A_579, %dma_wait3A_580] : memref<8192x2048xf32, #tpu.memory_space<hbm>> -> memref<8x2048xf32, #tpu.memory_space<hbm>>
        %dma_wait3A_582 = arith.constant 0 : i32
        %dma_wait3A_583 = tpu.memref_slice %arg7[%add3A_579, %dma_wait3A_582] : memref<8192x2048xf32, #tpu.memory_space<hbm>> -> memref<8x2048xf32, #tpu.memory_space<hbm>>
        tpu.wait_dma2 semaphore(%arg26 : memref<!tpu.dma_semaphore, #tpu.memory_space<semaphore_mem>>) src(%arg14 : memref<8x2048xf32, #tpu.memory_space<vmem>>) dst(%dma_wait3A_583 : memref<8x2048xf32, #tpu.memory_space<hbm>>)
      } else {
      }
      %add3A_303 = arith.constant 2 : i32
      %add3A_304 = arith.addi %add3A_187, %add3A_303 : i32
      %dma_start3A_305 = arith.constant 0 : i32
      %dma_start3A_306 = tpu.memref_slice %arg8[%add3A_304, %dma_start3A_305] : memref<32x8xi32, #tpu.memory_space<vmem>> -> memref<1x8xi32, #tpu.memory_space<vmem>>
      %dma_start3A_307 = tpu.memref_squeeze %dma_start3A_306 : memref<1x8xi32, #tpu.memory_space<vmem>> -> memref<8xi32, #tpu.memory_space<vmem>>
      %dma_start3A_308 = arith.constant 0 : i32
      %dma_start3A_309 = arith.constant 0 : i32
      %dma_start3A_310 = tpu.memref_slice %arg4[%dma_start3A_308, %dma_start3A_309] : memref<100000x2048xf32, #tpu.memory_space<hbm>> -> memref<100000x2048xf32, #tpu.memory_space<hbm>>
      tpu.enqueue_indirect_dma source(%dma_start3A_310 : memref<100000x2048xf32, #tpu.memory_space<hbm>>) target(%arg14 : memref<8x2048xf32, #tpu.memory_space<vmem>>) offsets(%dma_start3A_307 : memref<8xi32, #tpu.memory_space<vmem>>) semaphore(%arg20 : memref<!tpu.dma_semaphore, #tpu.memory_space<semaphore_mem>>)
      %add3A_311 = arith.constant 2 : i32
      %add3A_312 = arith.addi %add3A_187, %add3A_311 : i32
      %mul3A_313 = arith.constant 8 : i32
      %mul3A_314 = arith.muli %add3A_312, %mul3A_313 : i32
      %add3A_315 = arith.addi %select_n3A_11, %mul3A_314 : i32
      %dma_start3A_316 = arith.constant 0 : i32
      %dma_start3A_317 = tpu.memref_slice %arg6[%add3A_315, %dma_start3A_316] : memref<2048x2048xf32, #tpu.memory_space<hbm>> -> memref<8x2048xf32, #tpu.memory_space<hbm>>
      %dma_start3A_318 = arith.constant 0 : i32
      %dma_start3A_319 = tpu.memref_slice %arg6[%add3A_315, %dma_start3A_318] : memref<2048x2048xf32, #tpu.memory_space<hbm>> -> memref<8x2048xf32, #tpu.memory_space<hbm>>
      tpu.enqueue_dma source(%dma_start3A_319 : memref<8x2048xf32, #tpu.memory_space<hbm>>) target(%arg16 : memref<8x2048xf32, #tpu.memory_space<vmem>>) target_semaphore(%arg22 : memref<!tpu.dma_semaphore, #tpu.memory_space<semaphore_mem>>)
      %mul3A_320 = arith.constant 4 : i32
      %mul3A_321 = arith.muli %mul3A_320, %scan3A_53 : i32
      %add3A_322 = arith.constant 2 : i32
      %add3A_323 = arith.addi %mul3A_321, %add3A_322 : i32
      %dma_wait3A_324 = arith.constant 0 : i32
      %dma_wait3A_325 = tpu.memref_slice %arg8[%add3A_323, %dma_wait3A_324] : memref<32x8xi32, #tpu.memory_space<vmem>> -> memref<1x8xi32, #tpu.memory_space<vmem>>
      %dma_wait3A_326 = tpu.memref_squeeze %dma_wait3A_325 : memref<1x8xi32, #tpu.memory_space<vmem>> -> memref<8xi32, #tpu.memory_space<vmem>>
      %dma_wait3A_327 = arith.constant 0 : i32
      %dma_wait3A_328 = arith.constant 0 : i32
      %dma_wait3A_329 = tpu.memref_slice %arg4[%dma_wait3A_327, %dma_wait3A_328] : memref<100000x2048xf32, #tpu.memory_space<hbm>> -> memref<100000x2048xf32, #tpu.memory_space<hbm>>
      tpu.wait_indirect_dma semaphore(%arg19 : memref<!tpu.dma_semaphore, #tpu.memory_space<semaphore_mem>>) src(%dma_wait3A_329 : memref<100000x2048xf32, #tpu.memory_space<hbm>>) dst(%arg13 : memref<8x2048xf32, #tpu.memory_space<vmem>>)
      %mul3A_330 = arith.constant 8 : i32
      %mul3A_331 = arith.muli %add3A_323, %mul3A_330 : i32
      %add3A_332 = arith.addi %select_n3A_11, %mul3A_331 : i32
      %dma_wait3A_333 = arith.constant 0 : i32
      %dma_wait3A_334 = tpu.memref_slice %arg6[%add3A_332, %dma_wait3A_333] : memref<2048x2048xf32, #tpu.memory_space<hbm>> -> memref<8x2048xf32, #tpu.memory_space<hbm>>
      %dma_wait3A_335 = arith.constant 0 : i32
      %dma_wait3A_336 = tpu.memref_slice %arg6[%add3A_332, %dma_wait3A_335] : memref<2048x2048xf32, #tpu.memory_space<hbm>> -> memref<8x2048xf32, #tpu.memory_space<hbm>>
      tpu.wait_dma2 semaphore(%arg21 : memref<!tpu.dma_semaphore, #tpu.memory_space<semaphore_mem>>) src(%dma_wait3A_336 : memref<8x2048xf32, #tpu.memory_space<hbm>>) dst(%arg15 : memref<8x2048xf32, #tpu.memory_space<vmem>>)
      %mul3A_337 = arith.constant 8 : i32
      %mul3A_338 = arith.muli %add3A_323, %mul3A_337 : i32
      %add3A_339 = arith.constant 0 : i32
      %add3A_340 = arith.addi %mul3A_338, %add3A_339 : i32
      %broadcast_in_dim3A_341 = vector.broadcast %add3A_340 : i32 to vector<16xi32>
      %gather3A_342 = tpu.vector_load_idx %arg9[%broadcast_in_dim3A_341] : memref<256xi32, #tpu.memory_space<vmem>>[vector<16xi32>], vector<16xi32>,
      %mul3A_343 = arith.constant 2048 : i32
      %mul3A_344 = vector.broadcast %mul3A_343 : i32 to vector<16xi32>
      %mul3A_345 = arith.muli %gather3A_342, %mul3A_344 : vector<16xi32>
      %add3A_346 = arith.addi %mul3A_345, %iota3A : vector<16xi32>
      %parallel_loop3A_347 = arith.constant 0 : i32
      %parallel_loop3A_348 = arith.constant 128 : i32
      %parallel_loop3A_349 = arith.constant 1 : i32
      scf.for %parallel_loop3A_575 = %parallel_loop3A_347 to %parallel_loop3A_348 step %parallel_loop3A_349  : i32 {
        %parallel_loop3A_576 = arith.constant 16 : i32
        %parallel_loop3A_577 = arith.muli %parallel_loop3A_575, %parallel_loop3A_576 : i32
        %parallel_loop3A_578 = arith.constant 16 : i32
        %parallel_loop3A_579 = arith.muli %parallel_loop3A_575, %parallel_loop3A_578 : i32
        %parallel_loop3A_580 = vector.broadcast %parallel_loop3A_579 : i32 to vector<16xi32>
        %parallel_loop3A_581 = arith.addi %add3A_346, %parallel_loop3A_580 : vector<16xi32>
        %parallel_loop3A_582 = tpu.vector_load_idx %arg10[%parallel_loop3A_581] : memref<6144xf32, #tpu.memory_space<vmem>>[vector<16xi32>], vector<16xf32>,
        %parallel_loop3A_583 = arith.constant 0 : i32
        %parallel_loop3A_584 = arith.index_cast %parallel_loop3A_583 : i32 to index
        %parallel_loop3A_585 = arith.index_cast %parallel_loop3A_577 : i32 to index
        %parallel_loop3A_586 = tpu.vector_load %arg15[%parallel_loop3A_584, %parallel_loop3A_585] {strides = array<i32>} : memref<8x2048xf32, #tpu.memory_space<vmem>>, vector<16xf32>,
        %parallel_loop3A_587 = arith.addf %parallel_loop3A_582, %parallel_loop3A_586 : vector<16xf32>
        %parallel_loop3A_588 = arith.constant 0 : i32
        %parallel_loop3A_589 = arith.index_cast %parallel_loop3A_588 : i32 to index
        %parallel_loop3A_590 = arith.index_cast %parallel_loop3A_577 : i32 to index
        %parallel_loop3A_591 = tpu.vector_load %arg13[%parallel_loop3A_589, %parallel_loop3A_590] {strides = array<i32>} : memref<8x2048xf32, #tpu.memory_space<vmem>>, vector<16xf32>,
        tpu.vector_store %arg13[%parallel_loop3A_589, %parallel_loop3A_590], %parallel_loop3A_587 {add = true, strides = array<i32>} : memref<8x2048xf32, #tpu.memory_space<vmem>>, vector<16xf32>,
      } {sc.loop_unroll_factor = 4 : i64, sc.parallel_access}
      %add3A_350 = arith.constant 1 : i32
      %add3A_351 = arith.addi %mul3A_338, %add3A_350 : i32
      %broadcast_in_dim3A_352 = vector.broadcast %add3A_351 : i32 to vector<16xi32>
      %gather3A_353 = tpu.vector_load_idx %arg9[%broadcast_in_dim3A_352] : memref<256xi32, #tpu.memory_space<vmem>>[vector<16xi32>], vector<16xi32>,
      %mul3A_354 = arith.constant 2048 : i32
      %mul3A_355 = vector.broadcast %mul3A_354 : i32 to vector<16xi32>
      %mul3A_356 = arith.muli %gather3A_353, %mul3A_355 : vector<16xi32>
      %add3A_357 = arith.addi %mul3A_356, %iota3A : vector<16xi32>
      %parallel_loop3A_358 = arith.constant 0 : i32
      %parallel_loop3A_359 = arith.constant 128 : i32
      %parallel_loop3A_360 = arith.constant 1 : i32
      scf.for %parallel_loop3A_575 = %parallel_loop3A_358 to %parallel_loop3A_359 step %parallel_loop3A_360  : i32 {
        %parallel_loop3A_576 = arith.constant 16 : i32
        %parallel_loop3A_577 = arith.muli %parallel_loop3A_575, %parallel_loop3A_576 : i32
        %parallel_loop3A_578 = arith.constant 16 : i32
        %parallel_loop3A_579 = arith.muli %parallel_loop3A_575, %parallel_loop3A_578 : i32
        %parallel_loop3A_580 = vector.broadcast %parallel_loop3A_579 : i32 to vector<16xi32>
        %parallel_loop3A_581 = arith.addi %add3A_357, %parallel_loop3A_580 : vector<16xi32>
        %parallel_loop3A_582 = tpu.vector_load_idx %arg10[%parallel_loop3A_581] : memref<6144xf32, #tpu.memory_space<vmem>>[vector<16xi32>], vector<16xf32>,
        %parallel_loop3A_583 = arith.constant 1 : i32
        %parallel_loop3A_584 = arith.index_cast %parallel_loop3A_583 : i32 to index
        %parallel_loop3A_585 = arith.index_cast %parallel_loop3A_577 : i32 to index
        %parallel_loop3A_586 = tpu.vector_load %arg15[%parallel_loop3A_584, %parallel_loop3A_585] {strides = array<i32>} : memref<8x2048xf32, #tpu.memory_space<vmem>>, vector<16xf32>,
        %parallel_loop3A_587 = arith.addf %parallel_loop3A_582, %parallel_loop3A_586 : vector<16xf32>
        %parallel_loop3A_588 = arith.constant 1 : i32
        %parallel_loop3A_589 = arith.index_cast %parallel_loop3A_588 : i32 to index
        %parallel_loop3A_590 = arith.index_cast %parallel_loop3A_577 : i32 to index
        %parallel_loop3A_591 = tpu.vector_load %arg13[%parallel_loop3A_589, %parallel_loop3A_590] {strides = array<i32>} : memref<8x2048xf32, #tpu.memory_space<vmem>>, vector<16xf32>,
        tpu.vector_store %arg13[%parallel_loop3A_589, %parallel_loop3A_590], %parallel_loop3A_587 {add = true, strides = array<i32>} : memref<8x2048xf32, #tpu.memory_space<vmem>>, vector<16xf32>,
      } {sc.loop_unroll_factor = 4 : i64, sc.parallel_access}
      %add3A_361 = arith.constant 2 : i32
      %add3A_362 = arith.addi %mul3A_338, %add3A_361 : i32
      %broadcast_in_dim3A_363 = vector.broadcast %add3A_362 : i32 to vector<16xi32>
      %gather3A_364 = tpu.vector_load_idx %arg9[%broadcast_in_dim3A_363] : memref<256xi32, #tpu.memory_space<vmem>>[vector<16xi32>], vector<16xi32>,
      %mul3A_365 = arith.constant 2048 : i32
      %mul3A_366 = vector.broadcast %mul3A_365 : i32 to vector<16xi32>
      %mul3A_367 = arith.muli %gather3A_364, %mul3A_366 : vector<16xi32>
      %add3A_368 = arith.addi %mul3A_367, %iota3A : vector<16xi32>
      %parallel_loop3A_369 = arith.constant 0 : i32
      %parallel_loop3A_370 = arith.constant 128 : i32
      %parallel_loop3A_371 = arith.constant 1 : i32
      scf.for %parallel_loop3A_575 = %parallel_loop3A_369 to %parallel_loop3A_370 step %parallel_loop3A_371  : i32 {
        %parallel_loop3A_576 = arith.constant 16 : i32
        %parallel_loop3A_577 = arith.muli %parallel_loop3A_575, %parallel_loop3A_576 : i32
        %parallel_loop3A_578 = arith.constant 16 : i32
        %parallel_loop3A_579 = arith.muli %parallel_loop3A_575, %parallel_loop3A_578 : i32
        %parallel_loop3A_580 = vector.broadcast %parallel_loop3A_579 : i32 to vector<16xi32>
        %parallel_loop3A_581 = arith.addi %add3A_368, %parallel_loop3A_580 : vector<16xi32>
        %parallel_loop3A_582 = tpu.vector_load_idx %arg10[%parallel_loop3A_581] : memref<6144xf32, #tpu.memory_space<vmem>>[vector<16xi32>], vector<16xf32>,
        %parallel_loop3A_583 = arith.constant 2 : i32
        %parallel_loop3A_584 = arith.index_cast %parallel_loop3A_583 : i32 to index
        %parallel_loop3A_585 = arith.index_cast %parallel_loop3A_577 : i32 to index
        %parallel_loop3A_586 = tpu.vector_load %arg15[%parallel_loop3A_584, %parallel_loop3A_585] {strides = array<i32>} : memref<8x2048xf32, #tpu.memory_space<vmem>>, vector<16xf32>,
        %parallel_loop3A_587 = arith.addf %parallel_loop3A_582, %parallel_loop3A_586 : vector<16xf32>
        %parallel_loop3A_588 = arith.constant 2 : i32
        %parallel_loop3A_589 = arith.index_cast %parallel_loop3A_588 : i32 to index
        %parallel_loop3A_590 = arith.index_cast %parallel_loop3A_577 : i32 to index
        %parallel_loop3A_591 = tpu.vector_load %arg13[%parallel_loop3A_589, %parallel_loop3A_590] {strides = array<i32>} : memref<8x2048xf32, #tpu.memory_space<vmem>>, vector<16xf32>,
        tpu.vector_store %arg13[%parallel_loop3A_589, %parallel_loop3A_590], %parallel_loop3A_587 {add = true, strides = array<i32>} : memref<8x2048xf32, #tpu.memory_space<vmem>>, vector<16xf32>,
      } {sc.loop_unroll_factor = 4 : i64, sc.parallel_access}
      %add3A_372 = arith.constant 3 : i32
      %add3A_373 = arith.addi %mul3A_338, %add3A_372 : i32
      %broadcast_in_dim3A_374 = vector.broadcast %add3A_373 : i32 to vector<16xi32>
      %gather3A_375 = tpu.vector_load_idx %arg9[%broadcast_in_dim3A_374] : memref<256xi32, #tpu.memory_space<vmem>>[vector<16xi32>], vector<16xi32>,
      %mul3A_376 = arith.constant 2048 : i32
      %mul3A_377 = vector.broadcast %mul3A_376 : i32 to vector<16xi32>
      %mul3A_378 = arith.muli %gather3A_375, %mul3A_377 : vector<16xi32>
      %add3A_379 = arith.addi %mul3A_378, %iota3A : vector<16xi32>
      %parallel_loop3A_380 = arith.constant 0 : i32
      %parallel_loop3A_381 = arith.constant 128 : i32
      %parallel_loop3A_382 = arith.constant 1 : i32
      scf.for %parallel_loop3A_575 = %parallel_loop3A_380 to %parallel_loop3A_381 step %parallel_loop3A_382  : i32 {
        %parallel_loop3A_576 = arith.constant 16 : i32
        %parallel_loop3A_577 = arith.muli %parallel_loop3A_575, %parallel_loop3A_576 : i32
        %parallel_loop3A_578 = arith.constant 16 : i32
        %parallel_loop3A_579 = arith.muli %parallel_loop3A_575, %parallel_loop3A_578 : i32
        %parallel_loop3A_580 = vector.broadcast %parallel_loop3A_579 : i32 to vector<16xi32>
        %parallel_loop3A_581 = arith.addi %add3A_379, %parallel_loop3A_580 : vector<16xi32>
        %parallel_loop3A_582 = tpu.vector_load_idx %arg10[%parallel_loop3A_581] : memref<6144xf32, #tpu.memory_space<vmem>>[vector<16xi32>], vector<16xf32>,
        %parallel_loop3A_583 = arith.constant 3 : i32
        %parallel_loop3A_584 = arith.index_cast %parallel_loop3A_583 : i32 to index
        %parallel_loop3A_585 = arith.index_cast %parallel_loop3A_577 : i32 to index
        %parallel_loop3A_586 = tpu.vector_load %arg15[%parallel_loop3A_584, %parallel_loop3A_585] {strides = array<i32>} : memref<8x2048xf32, #tpu.memory_space<vmem>>, vector<16xf32>,
        %parallel_loop3A_587 = arith.addf %parallel_loop3A_582, %parallel_loop3A_586 : vector<16xf32>
        %parallel_loop3A_588 = arith.constant 3 : i32
        %parallel_loop3A_589 = arith.index_cast %parallel_loop3A_588 : i32 to index
        %parallel_loop3A_590 = arith.index_cast %parallel_loop3A_577 : i32 to index
        %parallel_loop3A_591 = tpu.vector_load %arg13[%parallel_loop3A_589, %parallel_loop3A_590] {strides = array<i32>} : memref<8x2048xf32, #tpu.memory_space<vmem>>, vector<16xf32>,
        tpu.vector_store %arg13[%parallel_loop3A_589, %parallel_loop3A_590], %parallel_loop3A_587 {add = true, strides = array<i32>} : memref<8x2048xf32, #tpu.memory_space<vmem>>, vector<16xf32>,
      } {sc.loop_unroll_factor = 4 : i64, sc.parallel_access}
      %add3A_383 = arith.constant 4 : i32
      %add3A_384 = arith.addi %mul3A_338, %add3A_383 : i32
      %broadcast_in_dim3A_385 = vector.broadcast %add3A_384 : i32 to vector<16xi32>
      %gather3A_386 = tpu.vector_load_idx %arg9[%broadcast_in_dim3A_385] : memref<256xi32, #tpu.memory_space<vmem>>[vector<16xi32>], vector<16xi32>,
      %mul3A_387 = arith.constant 2048 : i32
      %mul3A_388 = vector.broadcast %mul3A_387 : i32 to vector<16xi32>
      %mul3A_389 = arith.muli %gather3A_386, %mul3A_388 : vector<16xi32>
      %add3A_390 = arith.addi %mul3A_389, %iota3A : vector<16xi32>
      %parallel_loop3A_391 = arith.constant 0 : i32
      %parallel_loop3A_392 = arith.constant 128 : i32
      %parallel_loop3A_393 = arith.constant 1 : i32
      scf.for %parallel_loop3A_575 = %parallel_loop3A_391 to %parallel_loop3A_392 step %parallel_loop3A_393  : i32 {
        %parallel_loop3A_576 = arith.constant 16 : i32
        %parallel_loop3A_577 = arith.muli %parallel_loop3A_575, %parallel_loop3A_576 : i32
        %parallel_loop3A_578 = arith.constant 16 : i32
        %parallel_loop3A_579 = arith.muli %parallel_loop3A_575, %parallel_loop3A_578 : i32
        %parallel_loop3A_580 = vector.broadcast %parallel_loop3A_579 : i32 to vector<16xi32>
        %parallel_loop3A_581 = arith.addi %add3A_390, %parallel_loop3A_580 : vector<16xi32>
        %parallel_loop3A_582 = tpu.vector_load_idx %arg10[%parallel_loop3A_581] : memref<6144xf32, #tpu.memory_space<vmem>>[vector<16xi32>], vector<16xf32>,
        %parallel_loop3A_583 = arith.constant 4 : i32
        %parallel_loop3A_584 = arith.index_cast %parallel_loop3A_583 : i32 to index
        %parallel_loop3A_585 = arith.index_cast %parallel_loop3A_577 : i32 to index
        %parallel_loop3A_586 = tpu.vector_load %arg15[%parallel_loop3A_584, %parallel_loop3A_585] {strides = array<i32>} : memref<8x2048xf32, #tpu.memory_space<vmem>>, vector<16xf32>,
        %parallel_loop3A_587 = arith.addf %parallel_loop3A_582, %parallel_loop3A_586 : vector<16xf32>
        %parallel_loop3A_588 = arith.constant 4 : i32
        %parallel_loop3A_589 = arith.index_cast %parallel_loop3A_588 : i32 to index
        %parallel_loop3A_590 = arith.index_cast %parallel_loop3A_577 : i32 to index
        %parallel_loop3A_591 = tpu.vector_load %arg13[%parallel_loop3A_589, %parallel_loop3A_590] {strides = array<i32>} : memref<8x2048xf32, #tpu.memory_space<vmem>>, vector<16xf32>,
        tpu.vector_store %arg13[%parallel_loop3A_589, %parallel_loop3A_590], %parallel_loop3A_587 {add = true, strides = array<i32>} : memref<8x2048xf32, #tpu.memory_space<vmem>>, vector<16xf32>,
      } {sc.loop_unroll_factor = 4 : i64, sc.parallel_access}
      %add3A_394 = arith.constant 5 : i32
      %add3A_395 = arith.addi %mul3A_338, %add3A_394 : i32
      %broadcast_in_dim3A_396 = vector.broadcast %add3A_395 : i32 to vector<16xi32>
      %gather3A_397 = tpu.vector_load_idx %arg9[%broadcast_in_dim3A_396] : memref<256xi32, #tpu.memory_space<vmem>>[vector<16xi32>], vector<16xi32>,
      %mul3A_398 = arith.constant 2048 : i32
      %mul3A_399 = vector.broadcast %mul3A_398 : i32 to vector<16xi32>
      %mul3A_400 = arith.muli %gather3A_397, %mul3A_399 : vector<16xi32>
      %add3A_401 = arith.addi %mul3A_400, %iota3A : vector<16xi32>
      %parallel_loop3A_402 = arith.constant 0 : i32
      %parallel_loop3A_403 = arith.constant 128 : i32
      %parallel_loop3A_404 = arith.constant 1 : i32
      scf.for %parallel_loop3A_575 = %parallel_loop3A_402 to %parallel_loop3A_403 step %parallel_loop3A_404  : i32 {
        %parallel_loop3A_576 = arith.constant 16 : i32
        %parallel_loop3A_577 = arith.muli %parallel_loop3A_575, %parallel_loop3A_576 : i32
        %parallel_loop3A_578 = arith.constant 16 : i32
        %parallel_loop3A_579 = arith.muli %parallel_loop3A_575, %parallel_loop3A_578 : i32
        %parallel_loop3A_580 = vector.broadcast %parallel_loop3A_579 : i32 to vector<16xi32>
        %parallel_loop3A_581 = arith.addi %add3A_401, %parallel_loop3A_580 : vector<16xi32>
        %parallel_loop3A_582 = tpu.vector_load_idx %arg10[%parallel_loop3A_581] : memref<6144xf32, #tpu.memory_space<vmem>>[vector<16xi32>], vector<16xf32>,
        %parallel_loop3A_583 = arith.constant 5 : i32
        %parallel_loop3A_584 = arith.index_cast %parallel_loop3A_583 : i32 to index
        %parallel_loop3A_585 = arith.index_cast %parallel_loop3A_577 : i32 to index
        %parallel_loop3A_586 = tpu.vector_load %arg15[%parallel_loop3A_584, %parallel_loop3A_585] {strides = array<i32>} : memref<8x2048xf32, #tpu.memory_space<vmem>>, vector<16xf32>,
        %parallel_loop3A_587 = arith.addf %parallel_loop3A_582, %parallel_loop3A_586 : vector<16xf32>
        %parallel_loop3A_588 = arith.constant 5 : i32
        %parallel_loop3A_589 = arith.index_cast %parallel_loop3A_588 : i32 to index
        %parallel_loop3A_590 = arith.index_cast %parallel_loop3A_577 : i32 to index
        %parallel_loop3A_591 = tpu.vector_load %arg13[%parallel_loop3A_589, %parallel_loop3A_590] {strides = array<i32>} : memref<8x2048xf32, #tpu.memory_space<vmem>>, vector<16xf32>,
        tpu.vector_store %arg13[%parallel_loop3A_589, %parallel_loop3A_590], %parallel_loop3A_587 {add = true, strides = array<i32>} : memref<8x2048xf32, #tpu.memory_space<vmem>>, vector<16xf32>,
      } {sc.loop_unroll_factor = 4 : i64, sc.parallel_access}
      %add3A_405 = arith.constant 6 : i32
      %add3A_406 = arith.addi %mul3A_338, %add3A_405 : i32
      %broadcast_in_dim3A_407 = vector.broadcast %add3A_406 : i32 to vector<16xi32>
      %gather3A_408 = tpu.vector_load_idx %arg9[%broadcast_in_dim3A_407] : memref<256xi32, #tpu.memory_space<vmem>>[vector<16xi32>], vector<16xi32>,
      %mul3A_409 = arith.constant 2048 : i32
      %mul3A_410 = vector.broadcast %mul3A_409 : i32 to vector<16xi32>
      %mul3A_411 = arith.muli %gather3A_408, %mul3A_410 : vector<16xi32>
      %add3A_412 = arith.addi %mul3A_411, %iota3A : vector<16xi32>
      %parallel_loop3A_413 = arith.constant 0 : i32
      %parallel_loop3A_414 = arith.constant 128 : i32
      %parallel_loop3A_415 = arith.constant 1 : i32
      scf.for %parallel_loop3A_575 = %parallel_loop3A_413 to %parallel_loop3A_414 step %parallel_loop3A_415  : i32 {
        %parallel_loop3A_576 = arith.constant 16 : i32
        %parallel_loop3A_577 = arith.muli %parallel_loop3A_575, %parallel_loop3A_576 : i32
        %parallel_loop3A_578 = arith.constant 16 : i32
        %parallel_loop3A_579 = arith.muli %parallel_loop3A_575, %parallel_loop3A_578 : i32
        %parallel_loop3A_580 = vector.broadcast %parallel_loop3A_579 : i32 to vector<16xi32>
        %parallel_loop3A_581 = arith.addi %add3A_412, %parallel_loop3A_580 : vector<16xi32>
        %parallel_loop3A_582 = tpu.vector_load_idx %arg10[%parallel_loop3A_581] : memref<6144xf32, #tpu.memory_space<vmem>>[vector<16xi32>], vector<16xf32>,
        %parallel_loop3A_583 = arith.constant 6 : i32
        %parallel_loop3A_584 = arith.index_cast %parallel_loop3A_583 : i32 to index
        %parallel_loop3A_585 = arith.index_cast %parallel_loop3A_577 : i32 to index
        %parallel_loop3A_586 = tpu.vector_load %arg15[%parallel_loop3A_584, %parallel_loop3A_585] {strides = array<i32>} : memref<8x2048xf32, #tpu.memory_space<vmem>>, vector<16xf32>,
        %parallel_loop3A_587 = arith.addf %parallel_loop3A_582, %parallel_loop3A_586 : vector<16xf32>
        %parallel_loop3A_588 = arith.constant 6 : i32
        %parallel_loop3A_589 = arith.index_cast %parallel_loop3A_588 : i32 to index
        %parallel_loop3A_590 = arith.index_cast %parallel_loop3A_577 : i32 to index
        %parallel_loop3A_591 = tpu.vector_load %arg13[%parallel_loop3A_589, %parallel_loop3A_590] {strides = array<i32>} : memref<8x2048xf32, #tpu.memory_space<vmem>>, vector<16xf32>,
        tpu.vector_store %arg13[%parallel_loop3A_589, %parallel_loop3A_590], %parallel_loop3A_587 {add = true, strides = array<i32>} : memref<8x2048xf32, #tpu.memory_space<vmem>>, vector<16xf32>,
      } {sc.loop_unroll_factor = 4 : i64, sc.parallel_access}
      %add3A_416 = arith.constant 7 : i32
      %add3A_417 = arith.addi %mul3A_338, %add3A_416 : i32
      %broadcast_in_dim3A_418 = vector.broadcast %add3A_417 : i32 to vector<16xi32>
      %gather3A_419 = tpu.vector_load_idx %arg9[%broadcast_in_dim3A_418] : memref<256xi32, #tpu.memory_space<vmem>>[vector<16xi32>], vector<16xi32>,
      %mul3A_420 = arith.constant 2048 : i32
      %mul3A_421 = vector.broadcast %mul3A_420 : i32 to vector<16xi32>
      %mul3A_422 = arith.muli %gather3A_419, %mul3A_421 : vector<16xi32>
      %add3A_423 = arith.addi %mul3A_422, %iota3A : vector<16xi32>
      %parallel_loop3A_424 = arith.constant 0 : i32
      %parallel_loop3A_425 = arith.constant 128 : i32
      %parallel_loop3A_426 = arith.constant 1 : i32
      scf.for %parallel_loop3A_575 = %parallel_loop3A_424 to %parallel_loop3A_425 step %parallel_loop3A_426  : i32 {
        %parallel_loop3A_576 = arith.constant 16 : i32
        %parallel_loop3A_577 = arith.muli %parallel_loop3A_575, %parallel_loop3A_576 : i32
        %parallel_loop3A_578 = arith.constant 16 : i32
        %parallel_loop3A_579 = arith.muli %parallel_loop3A_575, %parallel_loop3A_578 : i32
        %parallel_loop3A_580 = vector.broadcast %parallel_loop3A_579 : i32 to vector<16xi32>
        %parallel_loop3A_581 = arith.addi %add3A_423, %parallel_loop3A_580 : vector<16xi32>
        %parallel_loop3A_582 = tpu.vector_load_idx %arg10[%parallel_loop3A_581] : memref<6144xf32, #tpu.memory_space<vmem>>[vector<16xi32>], vector<16xf32>,
        %parallel_loop3A_583 = arith.constant 7 : i32
        %parallel_loop3A_584 = arith.index_cast %parallel_loop3A_583 : i32 to index
        %parallel_loop3A_585 = arith.index_cast %parallel_loop3A_577 : i32 to index
        %parallel_loop3A_586 = tpu.vector_load %arg15[%parallel_loop3A_584, %parallel_loop3A_585] {strides = array<i32>} : memref<8x2048xf32, #tpu.memory_space<vmem>>, vector<16xf32>,
        %parallel_loop3A_587 = arith.addf %parallel_loop3A_582, %parallel_loop3A_586 : vector<16xf32>
        %parallel_loop3A_588 = arith.constant 7 : i32
        %parallel_loop3A_589 = arith.index_cast %parallel_loop3A_588 : i32 to index
        %parallel_loop3A_590 = arith.index_cast %parallel_loop3A_577 : i32 to index
        %parallel_loop3A_591 = tpu.vector_load %arg13[%parallel_loop3A_589, %parallel_loop3A_590] {strides = array<i32>} : memref<8x2048xf32, #tpu.memory_space<vmem>>, vector<16xf32>,
        tpu.vector_store %arg13[%parallel_loop3A_589, %parallel_loop3A_590], %parallel_loop3A_587 {add = true, strides = array<i32>} : memref<8x2048xf32, #tpu.memory_space<vmem>>, vector<16xf32>,
      } {sc.loop_unroll_factor = 4 : i64, sc.parallel_access}
      %mul3A_427 = arith.constant 8 : i32
      %mul3A_428 = arith.muli %add3A_323, %mul3A_427 : i32
      %add3A_429 = arith.addi %mul3A_2, %mul3A_428 : i32
      %dma_start3A_430 = arith.constant 0 : i32
      %dma_start3A_431 = tpu.memref_slice %arg7[%add3A_429, %dma_start3A_430] : memref<8192x2048xf32, #tpu.memory_space<hbm>> -> memref<8x2048xf32, #tpu.memory_space<hbm>>
      %dma_start3A_432 = arith.constant 0 : i32
      %dma_start3A_433 = tpu.memref_slice %arg7[%add3A_429, %dma_start3A_432] : memref<8192x2048xf32, #tpu.memory_space<hbm>> -> memref<8x2048xf32, #tpu.memory_space<hbm>>
      tpu.enqueue_dma source(%arg13 : memref<8x2048xf32, #tpu.memory_space<vmem>>) target(%dma_start3A_433 : memref<8x2048xf32, #tpu.memory_space<hbm>>) target_semaphore(%arg25 : memref<!tpu.dma_semaphore, #tpu.memory_space<semaphore_mem>>)
      %sub3A = arith.constant 2 : i32
      %sub3A_434 = arith.subi %add3A_323, %sub3A : i32
      %mul3A_435 = arith.constant 8 : i32
      %mul3A_436 = arith.muli %sub3A_434, %mul3A_435 : i32
      %add3A_437 = arith.addi %mul3A_2, %mul3A_436 : i32
      %dma_wait3A_438 = arith.constant 0 : i32
      %dma_wait3A_439 = tpu.memref_slice %arg7[%add3A_437, %dma_wait3A_438] : memref<8192x2048xf32, #tpu.memory_space<hbm>> -> memref<8x2048xf32, #tpu.memory_space<hbm>>
      %dma_wait3A_440 = arith.constant 0 : i32
      %dma_wait3A_441 = tpu.memref_slice %arg7[%add3A_437, %dma_wait3A_440] : memref<8192x2048xf32, #tpu.memory_space<hbm>> -> memref<8x2048xf32, #tpu.memory_space<hbm>>
      tpu.wait_dma2 semaphore(%arg23 : memref<!tpu.dma_semaphore, #tpu.memory_space<semaphore_mem>>) src(%arg11 : memref<8x2048xf32, #tpu.memory_space<vmem>>) dst(%dma_wait3A_441 : memref<8x2048xf32, #tpu.memory_space<hbm>>)
      %lt3A_442 = arith.constant 7 : i32
      %lt3A_443 = arith.cmpi slt, %scan3A_53, %lt3A_442 : i32
      %convert_element_type3A_444 = arith.extui %lt3A_443 : i1 to i32
      %cond3A_445 = arith.constant 0 : i32
      %cond3A_446 = arith.cmpi ne, %convert_element_type3A_444, %cond3A_445 : i32
      scf.if %cond3A_446 {
        %add3A_575 = arith.constant 2 : i32
        %add3A_576 = arith.addi %add3A_323, %add3A_575 : i32
        %dma_start3A_577 = arith.constant 0 : i32
        %dma_start3A_578 = tpu.memref_slice %arg8[%add3A_576, %dma_start3A_577] : memref<32x8xi32, #tpu.memory_space<vmem>> -> memref<1x8xi32, #tpu.memory_space<vmem>>
        %dma_start3A_579 = tpu.memref_squeeze %dma_start3A_578 : memref<1x8xi32, #tpu.memory_space<vmem>> -> memref<8xi32, #tpu.memory_space<vmem>>
        %dma_start3A_580 = arith.constant 0 : i32
        %dma_start3A_581 = arith.constant 0 : i32
        %dma_start3A_582 = tpu.memref_slice %arg4[%dma_start3A_580, %dma_start3A_581] : memref<100000x2048xf32, #tpu.memory_space<hbm>> -> memref<100000x2048xf32, #tpu.memory_space<hbm>>
        tpu.enqueue_indirect_dma source(%dma_start3A_582 : memref<100000x2048xf32, #tpu.memory_space<hbm>>) target(%arg11 : memref<8x2048xf32, #tpu.memory_space<vmem>>) offsets(%dma_start3A_579 : memref<8xi32, #tpu.memory_space<vmem>>) semaphore(%arg17 : memref<!tpu.dma_semaphore, #tpu.memory_space<semaphore_mem>>)
        %add3A_583 = arith.constant 2 : i32
        %add3A_584 = arith.addi %add3A_323, %add3A_583 : i32
        %mul3A_585 = arith.constant 8 : i32
        %mul3A_586 = arith.muli %add3A_584, %mul3A_585 : i32
        %add3A_587 = arith.addi %select_n3A_11, %mul3A_586 : i32
        %dma_start3A_588 = arith.constant 0 : i32
        %dma_start3A_589 = tpu.memref_slice %arg6[%add3A_587, %dma_start3A_588] : memref<2048x2048xf32, #tpu.memory_space<hbm>> -> memref<8x2048xf32, #tpu.memory_space<hbm>>
        %dma_start3A_590 = arith.constant 0 : i32
        %dma_start3A_591 = tpu.memref_slice %arg6[%add3A_587, %dma_start3A_590] : memref<2048x2048xf32, #tpu.memory_space<hbm>> -> memref<8x2048xf32, #tpu.memory_space<hbm>>
        tpu.enqueue_dma source(%dma_start3A_591 : memref<8x2048xf32, #tpu.memory_space<hbm>>) target(%arg15 : memref<8x2048xf32, #tpu.memory_space<vmem>>) target_semaphore(%arg21 : memref<!tpu.dma_semaphore, #tpu.memory_space<semaphore_mem>>)
      } else {
      }
      %mul3A_447 = arith.constant 4 : i32
      %mul3A_448 = arith.muli %mul3A_447, %scan3A_53 : i32
      %add3A_449 = arith.constant 3 : i32
      %add3A_450 = arith.addi %mul3A_448, %add3A_449 : i32
      %dma_wait3A_451 = arith.constant 0 : i32
      %dma_wait3A_452 = tpu.memref_slice %arg8[%add3A_450, %dma_wait3A_451] : memref<32x8xi32, #tpu.memory_space<vmem>> -> memref<1x8xi32, #tpu.memory_space<vmem>>
      %dma_wait3A_453 = tpu.memref_squeeze %dma_wait3A_452 : memref<1x8xi32, #tpu.memory_space<vmem>> -> memref<8xi32, #tpu.memory_space<vmem>>
      %dma_wait3A_454 = arith.constant 0 : i32
      %dma_wait3A_455 = arith.constant 0 : i32
      %dma_wait3A_456 = tpu.memref_slice %arg4[%dma_wait3A_454, %dma_wait3A_455] : memref<100000x2048xf32, #tpu.memory_space<hbm>> -> memref<100000x2048xf32, #tpu.memory_space<hbm>>
      tpu.wait_indirect_dma semaphore(%arg20 : memref<!tpu.dma_semaphore, #tpu.memory_space<semaphore_mem>>) src(%dma_wait3A_456 : memref<100000x2048xf32, #tpu.memory_space<hbm>>) dst(%arg14 : memref<8x2048xf32, #tpu.memory_space<vmem>>)
      %mul3A_457 = arith.constant 8 : i32
      %mul3A_458 = arith.muli %add3A_450, %mul3A_457 : i32
      %add3A_459 = arith.addi %select_n3A_11, %mul3A_458 : i32
      %dma_wait3A_460 = arith.constant 0 : i32
      %dma_wait3A_461 = tpu.memref_slice %arg6[%add3A_459, %dma_wait3A_460] : memref<2048x2048xf32, #tpu.memory_space<hbm>> -> memref<8x2048xf32, #tpu.memory_space<hbm>>
      %dma_wait3A_462 = arith.constant 0 : i32
      %dma_wait3A_463 = tpu.memref_slice %arg6[%add3A_459, %dma_wait3A_462] : memref<2048x2048xf32, #tpu.memory_space<hbm>> -> memref<8x2048xf32, #tpu.memory_space<hbm>>
      tpu.wait_dma2 semaphore(%arg22 : memref<!tpu.dma_semaphore, #tpu.memory_space<semaphore_mem>>) src(%dma_wait3A_463 : memref<8x2048xf32, #tpu.memory_space<hbm>>) dst(%arg16 : memref<8x2048xf32, #tpu.memory_space<vmem>>)
      %mul3A_464 = arith.constant 8 : i32
      %mul3A_465 = arith.muli %add3A_450, %mul3A_464 : i32
      %add3A_466 = arith.constant 0 : i32
      %add3A_467 = arith.addi %mul3A_465, %add3A_466 : i32
      %broadcast_in_dim3A_468 = vector.broadcast %add3A_467 : i32 to vector<16xi32>
      %gather3A_469 = tpu.vector_load_idx %arg9[%broadcast_in_dim3A_468] : memref<256xi32, #tpu.memory_space<vmem>>[vector<16xi32>], vector<16xi32>,
      %mul3A_470 = arith.constant 2048 : i32
      %mul3A_471 = vector.broadcast %mul3A_470 : i32 to vector<16xi32>
      %mul3A_472 = arith.muli %gather3A_469, %mul3A_471 : vector<16xi32>
      %add3A_473 = arith.addi %mul3A_472, %iota3A : vector<16xi32>
      %parallel_loop3A_474 = arith.constant 0 : i32
      %parallel_loop3A_475 = arith.constant 128 : i32
      %parallel_loop3A_476 = arith.constant 1 : i32
      scf.for %parallel_loop3A_575 = %parallel_loop3A_474 to %parallel_loop3A_475 step %parallel_loop3A_476  : i32 {
        %parallel_loop3A_576 = arith.constant 16 : i32
        %parallel_loop3A_577 = arith.muli %parallel_loop3A_575, %parallel_loop3A_576 : i32
        %parallel_loop3A_578 = arith.constant 16 : i32
        %parallel_loop3A_579 = arith.muli %parallel_loop3A_575, %parallel_loop3A_578 : i32
        %parallel_loop3A_580 = vector.broadcast %parallel_loop3A_579 : i32 to vector<16xi32>
        %parallel_loop3A_581 = arith.addi %add3A_473, %parallel_loop3A_580 : vector<16xi32>
        %parallel_loop3A_582 = tpu.vector_load_idx %arg10[%parallel_loop3A_581] : memref<6144xf32, #tpu.memory_space<vmem>>[vector<16xi32>], vector<16xf32>,
        %parallel_loop3A_583 = arith.constant 0 : i32
        %parallel_loop3A_584 = arith.index_cast %parallel_loop3A_583 : i32 to index
        %parallel_loop3A_585 = arith.index_cast %parallel_loop3A_577 : i32 to index
        %parallel_loop3A_586 = tpu.vector_load %arg16[%parallel_loop3A_584, %parallel_loop3A_585] {strides = array<i32>} : memref<8x2048xf32, #tpu.memory_space<vmem>>, vector<16xf32>,
        %parallel_loop3A_587 = arith.addf %parallel_loop3A_582, %parallel_loop3A_586 : vector<16xf32>
        %parallel_loop3A_588 = arith.constant 0 : i32
        %parallel_loop3A_589 = arith.index_cast %parallel_loop3A_588 : i32 to index
        %parallel_loop3A_590 = arith.index_cast %parallel_loop3A_577 : i32 to index
        %parallel_loop3A_591 = tpu.vector_load %arg14[%parallel_loop3A_589, %parallel_loop3A_590] {strides = array<i32>} : memref<8x2048xf32, #tpu.memory_space<vmem>>, vector<16xf32>,
        tpu.vector_store %arg14[%parallel_loop3A_589, %parallel_loop3A_590], %parallel_loop3A_587 {add = true, strides = array<i32>} : memref<8x2048xf32, #tpu.memory_space<vmem>>, vector<16xf32>,
      } {sc.loop_unroll_factor = 4 : i64, sc.parallel_access}
      %add3A_477 = arith.constant 1 : i32
      %add3A_478 = arith.addi %mul3A_465, %add3A_477 : i32
      %broadcast_in_dim3A_479 = vector.broadcast %add3A_478 : i32 to vector<16xi32>
      %gather3A_480 = tpu.vector_load_idx %arg9[%broadcast_in_dim3A_479] : memref<256xi32, #tpu.memory_space<vmem>>[vector<16xi32>], vector<16xi32>,
      %mul3A_481 = arith.constant 2048 : i32
      %mul3A_482 = vector.broadcast %mul3A_481 : i32 to vector<16xi32>
      %mul3A_483 = arith.muli %gather3A_480, %mul3A_482 : vector<16xi32>
      %add3A_484 = arith.addi %mul3A_483, %iota3A : vector<16xi32>
      %parallel_loop3A_485 = arith.constant 0 : i32
      %parallel_loop3A_486 = arith.constant 128 : i32
      %parallel_loop3A_487 = arith.constant 1 : i32
      scf.for %parallel_loop3A_575 = %parallel_loop3A_485 to %parallel_loop3A_486 step %parallel_loop3A_487  : i32 {
        %parallel_loop3A_576 = arith.constant 16 : i32
        %parallel_loop3A_577 = arith.muli %parallel_loop3A_575, %parallel_loop3A_576 : i32
        %parallel_loop3A_578 = arith.constant 16 : i32
        %parallel_loop3A_579 = arith.muli %parallel_loop3A_575, %parallel_loop3A_578 : i32
        %parallel_loop3A_580 = vector.broadcast %parallel_loop3A_579 : i32 to vector<16xi32>
        %parallel_loop3A_581 = arith.addi %add3A_484, %parallel_loop3A_580 : vector<16xi32>
        %parallel_loop3A_582 = tpu.vector_load_idx %arg10[%parallel_loop3A_581] : memref<6144xf32, #tpu.memory_space<vmem>>[vector<16xi32>], vector<16xf32>,
        %parallel_loop3A_583 = arith.constant 1 : i32
        %parallel_loop3A_584 = arith.index_cast %parallel_loop3A_583 : i32 to index
        %parallel_loop3A_585 = arith.index_cast %parallel_loop3A_577 : i32 to index
        %parallel_loop3A_586 = tpu.vector_load %arg16[%parallel_loop3A_584, %parallel_loop3A_585] {strides = array<i32>} : memref<8x2048xf32, #tpu.memory_space<vmem>>, vector<16xf32>,
        %parallel_loop3A_587 = arith.addf %parallel_loop3A_582, %parallel_loop3A_586 : vector<16xf32>
        %parallel_loop3A_588 = arith.constant 1 : i32
        %parallel_loop3A_589 = arith.index_cast %parallel_loop3A_588 : i32 to index
        %parallel_loop3A_590 = arith.index_cast %parallel_loop3A_577 : i32 to index
        %parallel_loop3A_591 = tpu.vector_load %arg14[%parallel_loop3A_589, %parallel_loop3A_590] {strides = array<i32>} : memref<8x2048xf32, #tpu.memory_space<vmem>>, vector<16xf32>,
        tpu.vector_store %arg14[%parallel_loop3A_589, %parallel_loop3A_590], %parallel_loop3A_587 {add = true, strides = array<i32>} : memref<8x2048xf32, #tpu.memory_space<vmem>>, vector<16xf32>,
      } {sc.loop_unroll_factor = 4 : i64, sc.parallel_access}
      %add3A_488 = arith.constant 2 : i32
      %add3A_489 = arith.addi %mul3A_465, %add3A_488 : i32
      %broadcast_in_dim3A_490 = vector.broadcast %add3A_489 : i32 to vector<16xi32>
      %gather3A_491 = tpu.vector_load_idx %arg9[%broadcast_in_dim3A_490] : memref<256xi32, #tpu.memory_space<vmem>>[vector<16xi32>], vector<16xi32>,
      %mul3A_492 = arith.constant 2048 : i32
      %mul3A_493 = vector.broadcast %mul3A_492 : i32 to vector<16xi32>
      %mul3A_494 = arith.muli %gather3A_491, %mul3A_493 : vector<16xi32>
      %add3A_495 = arith.addi %mul3A_494, %iota3A : vector<16xi32>
      %parallel_loop3A_496 = arith.constant 0 : i32
      %parallel_loop3A_497 = arith.constant 128 : i32
      %parallel_loop3A_498 = arith.constant 1 : i32
      scf.for %parallel_loop3A_575 = %parallel_loop3A_496 to %parallel_loop3A_497 step %parallel_loop3A_498  : i32 {
        %parallel_loop3A_576 = arith.constant 16 : i32
        %parallel_loop3A_577 = arith.muli %parallel_loop3A_575, %parallel_loop3A_576 : i32
        %parallel_loop3A_578 = arith.constant 16 : i32
        %parallel_loop3A_579 = arith.muli %parallel_loop3A_575, %parallel_loop3A_578 : i32
        %parallel_loop3A_580 = vector.broadcast %parallel_loop3A_579 : i32 to vector<16xi32>
        %parallel_loop3A_581 = arith.addi %add3A_495, %parallel_loop3A_580 : vector<16xi32>
        %parallel_loop3A_582 = tpu.vector_load_idx %arg10[%parallel_loop3A_581] : memref<6144xf32, #tpu.memory_space<vmem>>[vector<16xi32>], vector<16xf32>,
        %parallel_loop3A_583 = arith.constant 2 : i32
        %parallel_loop3A_584 = arith.index_cast %parallel_loop3A_583 : i32 to index
        %parallel_loop3A_585 = arith.index_cast %parallel_loop3A_577 : i32 to index
        %parallel_loop3A_586 = tpu.vector_load %arg16[%parallel_loop3A_584, %parallel_loop3A_585] {strides = array<i32>} : memref<8x2048xf32, #tpu.memory_space<vmem>>, vector<16xf32>,
        %parallel_loop3A_587 = arith.addf %parallel_loop3A_582, %parallel_loop3A_586 : vector<16xf32>
        %parallel_loop3A_588 = arith.constant 2 : i32
        %parallel_loop3A_589 = arith.index_cast %parallel_loop3A_588 : i32 to index
        %parallel_loop3A_590 = arith.index_cast %parallel_loop3A_577 : i32 to index
        %parallel_loop3A_591 = tpu.vector_load %arg14[%parallel_loop3A_589, %parallel_loop3A_590] {strides = array<i32>} : memref<8x2048xf32, #tpu.memory_space<vmem>>, vector<16xf32>,
        tpu.vector_store %arg14[%parallel_loop3A_589, %parallel_loop3A_590], %parallel_loop3A_587 {add = true, strides = array<i32>} : memref<8x2048xf32, #tpu.memory_space<vmem>>, vector<16xf32>,
      } {sc.loop_unroll_factor = 4 : i64, sc.parallel_access}
      %add3A_499 = arith.constant 3 : i32
      %add3A_500 = arith.addi %mul3A_465, %add3A_499 : i32
      %broadcast_in_dim3A_501 = vector.broadcast %add3A_500 : i32 to vector<16xi32>
      %gather3A_502 = tpu.vector_load_idx %arg9[%broadcast_in_dim3A_501] : memref<256xi32, #tpu.memory_space<vmem>>[vector<16xi32>], vector<16xi32>,
      %mul3A_503 = arith.constant 2048 : i32
      %mul3A_504 = vector.broadcast %mul3A_503 : i32 to vector<16xi32>
      %mul3A_505 = arith.muli %gather3A_502, %mul3A_504 : vector<16xi32>
      %add3A_506 = arith.addi %mul3A_505, %iota3A : vector<16xi32>
      %parallel_loop3A_507 = arith.constant 0 : i32
      %parallel_loop3A_508 = arith.constant 128 : i32
      %parallel_loop3A_509 = arith.constant 1 : i32
      scf.for %parallel_loop3A_575 = %parallel_loop3A_507 to %parallel_loop3A_508 step %parallel_loop3A_509  : i32 {
        %parallel_loop3A_576 = arith.constant 16 : i32
        %parallel_loop3A_577 = arith.muli %parallel_loop3A_575, %parallel_loop3A_576 : i32
        %parallel_loop3A_578 = arith.constant 16 : i32
        %parallel_loop3A_579 = arith.muli %parallel_loop3A_575, %parallel_loop3A_578 : i32
        %parallel_loop3A_580 = vector.broadcast %parallel_loop3A_579 : i32 to vector<16xi32>
        %parallel_loop3A_581 = arith.addi %add3A_506, %parallel_loop3A_580 : vector<16xi32>
        %parallel_loop3A_582 = tpu.vector_load_idx %arg10[%parallel_loop3A_581] : memref<6144xf32, #tpu.memory_space<vmem>>[vector<16xi32>], vector<16xf32>,
        %parallel_loop3A_583 = arith.constant 3 : i32
        %parallel_loop3A_584 = arith.index_cast %parallel_loop3A_583 : i32 to index
        %parallel_loop3A_585 = arith.index_cast %parallel_loop3A_577 : i32 to index
        %parallel_loop3A_586 = tpu.vector_load %arg16[%parallel_loop3A_584, %parallel_loop3A_585] {strides = array<i32>} : memref<8x2048xf32, #tpu.memory_space<vmem>>, vector<16xf32>,
        %parallel_loop3A_587 = arith.addf %parallel_loop3A_582, %parallel_loop3A_586 : vector<16xf32>
        %parallel_loop3A_588 = arith.constant 3 : i32
        %parallel_loop3A_589 = arith.index_cast %parallel_loop3A_588 : i32 to index
        %parallel_loop3A_590 = arith.index_cast %parallel_loop3A_577 : i32 to index
        %parallel_loop3A_591 = tpu.vector_load %arg14[%parallel_loop3A_589, %parallel_loop3A_590] {strides = array<i32>} : memref<8x2048xf32, #tpu.memory_space<vmem>>, vector<16xf32>,
        tpu.vector_store %arg14[%parallel_loop3A_589, %parallel_loop3A_590], %parallel_loop3A_587 {add = true, strides = array<i32>} : memref<8x2048xf32, #tpu.memory_space<vmem>>, vector<16xf32>,
      } {sc.loop_unroll_factor = 4 : i64, sc.parallel_access}
      %add3A_510 = arith.constant 4 : i32
      %add3A_511 = arith.addi %mul3A_465, %add3A_510 : i32
      %broadcast_in_dim3A_512 = vector.broadcast %add3A_511 : i32 to vector<16xi32>
      %gather3A_513 = tpu.vector_load_idx %arg9[%broadcast_in_dim3A_512] : memref<256xi32, #tpu.memory_space<vmem>>[vector<16xi32>], vector<16xi32>,
      %mul3A_514 = arith.constant 2048 : i32
      %mul3A_515 = vector.broadcast %mul3A_514 : i32 to vector<16xi32>
      %mul3A_516 = arith.muli %gather3A_513, %mul3A_515 : vector<16xi32>
      %add3A_517 = arith.addi %mul3A_516, %iota3A : vector<16xi32>
      %parallel_loop3A_518 = arith.constant 0 : i32
      %parallel_loop3A_519 = arith.constant 128 : i32
      %parallel_loop3A_520 = arith.constant 1 : i32
      scf.for %parallel_loop3A_575 = %parallel_loop3A_518 to %parallel_loop3A_519 step %parallel_loop3A_520  : i32 {
        %parallel_loop3A_576 = arith.constant 16 : i32
        %parallel_loop3A_577 = arith.muli %parallel_loop3A_575, %parallel_loop3A_576 : i32
        %parallel_loop3A_578 = arith.constant 16 : i32
        %parallel_loop3A_579 = arith.muli %parallel_loop3A_575, %parallel_loop3A_578 : i32
        %parallel_loop3A_580 = vector.broadcast %parallel_loop3A_579 : i32 to vector<16xi32>
        %parallel_loop3A_581 = arith.addi %add3A_517, %parallel_loop3A_580 : vector<16xi32>
        %parallel_loop3A_582 = tpu.vector_load_idx %arg10[%parallel_loop3A_581] : memref<6144xf32, #tpu.memory_space<vmem>>[vector<16xi32>], vector<16xf32>,
        %parallel_loop3A_583 = arith.constant 4 : i32
        %parallel_loop3A_584 = arith.index_cast %parallel_loop3A_583 : i32 to index
        %parallel_loop3A_585 = arith.index_cast %parallel_loop3A_577 : i32 to index
        %parallel_loop3A_586 = tpu.vector_load %arg16[%parallel_loop3A_584, %parallel_loop3A_585] {strides = array<i32>} : memref<8x2048xf32, #tpu.memory_space<vmem>>, vector<16xf32>,
        %parallel_loop3A_587 = arith.addf %parallel_loop3A_582, %parallel_loop3A_586 : vector<16xf32>
        %parallel_loop3A_588 = arith.constant 4 : i32
        %parallel_loop3A_589 = arith.index_cast %parallel_loop3A_588 : i32 to index
        %parallel_loop3A_590 = arith.index_cast %parallel_loop3A_577 : i32 to index
        %parallel_loop3A_591 = tpu.vector_load %arg14[%parallel_loop3A_589, %parallel_loop3A_590] {strides = array<i32>} : memref<8x2048xf32, #tpu.memory_space<vmem>>, vector<16xf32>,
        tpu.vector_store %arg14[%parallel_loop3A_589, %parallel_loop3A_590], %parallel_loop3A_587 {add = true, strides = array<i32>} : memref<8x2048xf32, #tpu.memory_space<vmem>>, vector<16xf32>,
      } {sc.loop_unroll_factor = 4 : i64, sc.parallel_access}
      %add3A_521 = arith.constant 5 : i32
      %add3A_522 = arith.addi %mul3A_465, %add3A_521 : i32
      %broadcast_in_dim3A_523 = vector.broadcast %add3A_522 : i32 to vector<16xi32>
      %gather3A_524 = tpu.vector_load_idx %arg9[%broadcast_in_dim3A_523] : memref<256xi32, #tpu.memory_space<vmem>>[vector<16xi32>], vector<16xi32>,
      %mul3A_525 = arith.constant 2048 : i32
      %mul3A_526 = vector.broadcast %mul3A_525 : i32 to vector<16xi32>
      %mul3A_527 = arith.muli %gather3A_524, %mul3A_526 : vector<16xi32>
      %add3A_528 = arith.addi %mul3A_527, %iota3A : vector<16xi32>
      %parallel_loop3A_529 = arith.constant 0 : i32
      %parallel_loop3A_530 = arith.constant 128 : i32
      %parallel_loop3A_531 = arith.constant 1 : i32
      scf.for %parallel_loop3A_575 = %parallel_loop3A_529 to %parallel_loop3A_530 step %parallel_loop3A_531  : i32 {
        %parallel_loop3A_576 = arith.constant 16 : i32
        %parallel_loop3A_577 = arith.muli %parallel_loop3A_575, %parallel_loop3A_576 : i32
        %parallel_loop3A_578 = arith.constant 16 : i32
        %parallel_loop3A_579 = arith.muli %parallel_loop3A_575, %parallel_loop3A_578 : i32
        %parallel_loop3A_580 = vector.broadcast %parallel_loop3A_579 : i32 to vector<16xi32>
        %parallel_loop3A_581 = arith.addi %add3A_528, %parallel_loop3A_580 : vector<16xi32>
        %parallel_loop3A_582 = tpu.vector_load_idx %arg10[%parallel_loop3A_581] : memref<6144xf32, #tpu.memory_space<vmem>>[vector<16xi32>], vector<16xf32>,
        %parallel_loop3A_583 = arith.constant 5 : i32
        %parallel_loop3A_584 = arith.index_cast %parallel_loop3A_583 : i32 to index
        %parallel_loop3A_585 = arith.index_cast %parallel_loop3A_577 : i32 to index
        %parallel_loop3A_586 = tpu.vector_load %arg16[%parallel_loop3A_584, %parallel_loop3A_585] {strides = array<i32>} : memref<8x2048xf32, #tpu.memory_space<vmem>>, vector<16xf32>,
        %parallel_loop3A_587 = arith.addf %parallel_loop3A_582, %parallel_loop3A_586 : vector<16xf32>
        %parallel_loop3A_588 = arith.constant 5 : i32
        %parallel_loop3A_589 = arith.index_cast %parallel_loop3A_588 : i32 to index
        %parallel_loop3A_590 = arith.index_cast %parallel_loop3A_577 : i32 to index
        %parallel_loop3A_591 = tpu.vector_load %arg14[%parallel_loop3A_589, %parallel_loop3A_590] {strides = array<i32>} : memref<8x2048xf32, #tpu.memory_space<vmem>>, vector<16xf32>,
        tpu.vector_store %arg14[%parallel_loop3A_589, %parallel_loop3A_590], %parallel_loop3A_587 {add = true, strides = array<i32>} : memref<8x2048xf32, #tpu.memory_space<vmem>>, vector<16xf32>,
      } {sc.loop_unroll_factor = 4 : i64, sc.parallel_access}
      %add3A_532 = arith.constant 6 : i32
      %add3A_533 = arith.addi %mul3A_465, %add3A_532 : i32
      %broadcast_in_dim3A_534 = vector.broadcast %add3A_533 : i32 to vector<16xi32>
      %gather3A_535 = tpu.vector_load_idx %arg9[%broadcast_in_dim3A_534] : memref<256xi32, #tpu.memory_space<vmem>>[vector<16xi32>], vector<16xi32>,
      %mul3A_536 = arith.constant 2048 : i32
      %mul3A_537 = vector.broadcast %mul3A_536 : i32 to vector<16xi32>
      %mul3A_538 = arith.muli %gather3A_535, %mul3A_537 : vector<16xi32>
      %add3A_539 = arith.addi %mul3A_538, %iota3A : vector<16xi32>
      %parallel_loop3A_540 = arith.constant 0 : i32
      %parallel_loop3A_541 = arith.constant 128 : i32
      %parallel_loop3A_542 = arith.constant 1 : i32
      scf.for %parallel_loop3A_575 = %parallel_loop3A_540 to %parallel_loop3A_541 step %parallel_loop3A_542  : i32 {
        %parallel_loop3A_576 = arith.constant 16 : i32
        %parallel_loop3A_577 = arith.muli %parallel_loop3A_575, %parallel_loop3A_576 : i32
        %parallel_loop3A_578 = arith.constant 16 : i32
        %parallel_loop3A_579 = arith.muli %parallel_loop3A_575, %parallel_loop3A_578 : i32
        %parallel_loop3A_580 = vector.broadcast %parallel_loop3A_579 : i32 to vector<16xi32>
        %parallel_loop3A_581 = arith.addi %add3A_539, %parallel_loop3A_580 : vector<16xi32>
        %parallel_loop3A_582 = tpu.vector_load_idx %arg10[%parallel_loop3A_581] : memref<6144xf32, #tpu.memory_space<vmem>>[vector<16xi32>], vector<16xf32>,
        %parallel_loop3A_583 = arith.constant 6 : i32
        %parallel_loop3A_584 = arith.index_cast %parallel_loop3A_583 : i32 to index
        %parallel_loop3A_585 = arith.index_cast %parallel_loop3A_577 : i32 to index
        %parallel_loop3A_586 = tpu.vector_load %arg16[%parallel_loop3A_584, %parallel_loop3A_585] {strides = array<i32>} : memref<8x2048xf32, #tpu.memory_space<vmem>>, vector<16xf32>,
        %parallel_loop3A_587 = arith.addf %parallel_loop3A_582, %parallel_loop3A_586 : vector<16xf32>
        %parallel_loop3A_588 = arith.constant 6 : i32
        %parallel_loop3A_589 = arith.index_cast %parallel_loop3A_588 : i32 to index
        %parallel_loop3A_590 = arith.index_cast %parallel_loop3A_577 : i32 to index
        %parallel_loop3A_591 = tpu.vector_load %arg14[%parallel_loop3A_589, %parallel_loop3A_590] {strides = array<i32>} : memref<8x2048xf32, #tpu.memory_space<vmem>>, vector<16xf32>,
        tpu.vector_store %arg14[%parallel_loop3A_589, %parallel_loop3A_590], %parallel_loop3A_587 {add = true, strides = array<i32>} : memref<8x2048xf32, #tpu.memory_space<vmem>>, vector<16xf32>,
      } {sc.loop_unroll_factor = 4 : i64, sc.parallel_access}
      %add3A_543 = arith.constant 7 : i32
      %add3A_544 = arith.addi %mul3A_465, %add3A_543 : i32
      %broadcast_in_dim3A_545 = vector.broadcast %add3A_544 : i32 to vector<16xi32>
      %gather3A_546 = tpu.vector_load_idx %arg9[%broadcast_in_dim3A_545] : memref<256xi32, #tpu.memory_space<vmem>>[vector<16xi32>], vector<16xi32>,
      %mul3A_547 = arith.constant 2048 : i32
      %mul3A_548 = vector.broadcast %mul3A_547 : i32 to vector<16xi32>
      %mul3A_549 = arith.muli %gather3A_546, %mul3A_548 : vector<16xi32>
      %add3A_550 = arith.addi %mul3A_549, %iota3A : vector<16xi32>
      %parallel_loop3A_551 = arith.constant 0 : i32
      %parallel_loop3A_552 = arith.constant 128 : i32
      %parallel_loop3A_553 = arith.constant 1 : i32
      scf.for %parallel_loop3A_575 = %parallel_loop3A_551 to %parallel_loop3A_552 step %parallel_loop3A_553  : i32 {
        %parallel_loop3A_576 = arith.constant 16 : i32
        %parallel_loop3A_577 = arith.muli %parallel_loop3A_575, %parallel_loop3A_576 : i32
        %parallel_loop3A_578 = arith.constant 16 : i32
        %parallel_loop3A_579 = arith.muli %parallel_loop3A_575, %parallel_loop3A_578 : i32
        %parallel_loop3A_580 = vector.broadcast %parallel_loop3A_579 : i32 to vector<16xi32>
        %parallel_loop3A_581 = arith.addi %add3A_550, %parallel_loop3A_580 : vector<16xi32>
        %parallel_loop3A_582 = tpu.vector_load_idx %arg10[%parallel_loop3A_581] : memref<6144xf32, #tpu.memory_space<vmem>>[vector<16xi32>], vector<16xf32>,
        %parallel_loop3A_583 = arith.constant 7 : i32
        %parallel_loop3A_584 = arith.index_cast %parallel_loop3A_583 : i32 to index
        %parallel_loop3A_585 = arith.index_cast %parallel_loop3A_577 : i32 to index
        %parallel_loop3A_586 = tpu.vector_load %arg16[%parallel_loop3A_584, %parallel_loop3A_585] {strides = array<i32>} : memref<8x2048xf32, #tpu.memory_space<vmem>>, vector<16xf32>,
        %parallel_loop3A_587 = arith.addf %parallel_loop3A_582, %parallel_loop3A_586 : vector<16xf32>
        %parallel_loop3A_588 = arith.constant 7 : i32
        %parallel_loop3A_589 = arith.index_cast %parallel_loop3A_588 : i32 to index
        %parallel_loop3A_590 = arith.index_cast %parallel_loop3A_577 : i32 to index
        %parallel_loop3A_591 = tpu.vector_load %arg14[%parallel_loop3A_589, %parallel_loop3A_590] {strides = array<i32>} : memref<8x2048xf32, #tpu.memory_space<vmem>>, vector<16xf32>,
        tpu.vector_store %arg14[%parallel_loop3A_589, %parallel_loop3A_590], %parallel_loop3A_587 {add = true, strides = array<i32>} : memref<8x2048xf32, #tpu.memory_space<vmem>>, vector<16xf32>,
      } {sc.loop_unroll_factor = 4 : i64, sc.parallel_access}
      %mul3A_554 = arith.constant 8 : i32
      %mul3A_555 = arith.muli %add3A_450, %mul3A_554 : i32
      %add3A_556 = arith.addi %mul3A_2, %mul3A_555 : i32
      %dma_start3A_557 = arith.constant 0 : i32
      %dma_start3A_558 = tpu.memref_slice %arg7[%add3A_556, %dma_start3A_557] : memref<8192x2048xf32, #tpu.memory_space<hbm>> -> memref<8x2048xf32, #tpu.memory_space<hbm>>
      %dma_start3A_559 = arith.constant 0 : i32
      %dma_start3A_560 = tpu.memref_slice %arg7[%add3A_556, %dma_start3A_559] : memref<8192x2048xf32, #tpu.memory_space<hbm>> -> memref<8x2048xf32, #tpu.memory_space<hbm>>
      tpu.enqueue_dma source(%arg14 : memref<8x2048xf32, #tpu.memory_space<vmem>>) target(%dma_start3A_560 : memref<8x2048xf32, #tpu.memory_space<hbm>>) target_semaphore(%arg26 : memref<!tpu.dma_semaphore, #tpu.memory_space<semaphore_mem>>)
      %sub3A_561 = arith.constant 2 : i32
      %sub3A_562 = arith.subi %add3A_450, %sub3A_561 : i32
      %mul3A_563 = arith.constant 8 : i32
      %mul3A_564 = arith.muli %sub3A_562, %mul3A_563 : i32
      %add3A_565 = arith.addi %mul3A_2, %mul3A_564 : i32
      %dma_wait3A_566 = arith.constant 0 : i32
      %dma_wait3A_567 = tpu.memref_slice %arg7[%add3A_565, %dma_wait3A_566] : memref<8192x2048xf32, #tpu.memory_space<hbm>> -> memref<8x2048xf32, #tpu.memory_space<hbm>>
      %dma_wait3A_568 = arith.constant 0 : i32
      %dma_wait3A_569 = tpu.memref_slice %arg7[%add3A_565, %dma_wait3A_568] : memref<8192x2048xf32, #tpu.memory_space<hbm>> -> memref<8x2048xf32, #tpu.memory_space<hbm>>
      tpu.wait_dma2 semaphore(%arg24 : memref<!tpu.dma_semaphore, #tpu.memory_space<semaphore_mem>>) src(%arg12 : memref<8x2048xf32, #tpu.memory_space<vmem>>) dst(%dma_wait3A_569 : memref<8x2048xf32, #tpu.memory_space<hbm>>)
      %lt3A_570 = arith.constant 7 : i32
      %lt3A_571 = arith.cmpi slt, %scan3A_53, %lt3A_570 : i32
      %convert_element_type3A_572 = arith.extui %lt3A_571 : i1 to i32
      %cond3A_573 = arith.constant 0 : i32
      %cond3A_574 = arith.cmpi ne, %convert_element_type3A_572, %cond3A_573 : i32
      scf.if %cond3A_574 {
        %add3A_575 = arith.constant 2 : i32
        %add3A_576 = arith.addi %add3A_450, %add3A_575 : i32
        %dma_start3A_577 = arith.constant 0 : i32
        %dma_start3A_578 = tpu.memref_slice %arg8[%add3A_576, %dma_start3A_577] : memref<32x8xi32, #tpu.memory_space<vmem>> -> memref<1x8xi32, #tpu.memory_space<vmem>>
        %dma_start3A_579 = tpu.memref_squeeze %dma_start3A_578 : memref<1x8xi32, #tpu.memory_space<vmem>> -> memref<8xi32, #tpu.memory_space<vmem>>
        %dma_start3A_580 = arith.constant 0 : i32
        %dma_start3A_581 = arith.constant 0 : i32
        %dma_start3A_582 = tpu.memref_slice %arg4[%dma_start3A_580, %dma_start3A_581] : memref<100000x2048xf32, #tpu.memory_space<hbm>> -> memref<100000x2048xf32, #tpu.memory_space<hbm>>
        tpu.enqueue_indirect_dma source(%dma_start3A_582 : memref<100000x2048xf32, #tpu.memory_space<hbm>>) target(%arg12 : memref<8x2048xf32, #tpu.memory_space<vmem>>) offsets(%dma_start3A_579 : memref<8xi32, #tpu.memory_space<vmem>>) semaphore(%arg18 : memref<!tpu.dma_semaphore, #tpu.memory_space<semaphore_mem>>)
        %add3A_583 = arith.constant 2 : i32
        %add3A_584 = arith.addi %add3A_450, %add3A_583 : i32
        %mul3A_585 = arith.constant 8 : i32
        %mul3A_586 = arith.muli %add3A_584, %mul3A_585 : i32
        %add3A_587 = arith.addi %select_n3A_11, %mul3A_586 : i32
        %dma_start3A_588 = arith.constant 0 : i32
        %dma_start3A_589 = tpu.memref_slice %arg6[%add3A_587, %dma_start3A_588] : memref<2048x2048xf32, #tpu.memory_space<hbm>> -> memref<8x2048xf32, #tpu.memory_space<hbm>>
        %dma_start3A_590 = arith.constant 0 : i32
        %dma_start3A_591 = tpu.memref_slice %arg6[%add3A_587, %dma_start3A_590] : memref<2048x2048xf32, #tpu.memory_space<hbm>> -> memref<8x2048xf32, #tpu.memory_space<hbm>>
        tpu.enqueue_dma source(%dma_start3A_591 : memref<8x2048xf32, #tpu.memory_space<hbm>>) target(%arg16 : memref<8x2048xf32, #tpu.memory_space<vmem>>) target_semaphore(%arg22 : memref<!tpu.dma_semaphore, #tpu.memory_space<semaphore_mem>>)
      } else {
      }
    }
    %scan3A_41 = arith.constant 8 : i32
    %add3A_42 = arith.constant 240 : i32
    %add3A_43 = arith.addi %mul3A_2, %add3A_42 : i32
    %dma_wait3A = arith.constant 0 : i32
    %dma_wait3A_44 = tpu.memref_slice %arg7[%add3A_43, %dma_wait3A] : memref<8192x2048xf32, #tpu.memory_space<hbm>> -> memref<8x2048xf32, #tpu.memory_space<hbm>>
    %dma_wait3A_45 = arith.constant 0 : i32
    %dma_wait3A_46 = tpu.memref_slice %arg7[%add3A_43, %dma_wait3A_45] : memref<8192x2048xf32, #tpu.memory_space<hbm>> -> memref<8x2048xf32, #tpu.memory_space<hbm>>
    tpu.wait_dma2 semaphore(%arg25 : memref<!tpu.dma_semaphore, #tpu.memory_space<semaphore_mem>>) src(%arg13 : memref<8x2048xf32, #tpu.memory_space<vmem>>) dst(%dma_wait3A_46 : memref<8x2048xf32, #tpu.memory_space<hbm>>)
    %add3A_47 = arith.constant 248 : i32
    %add3A_48 = arith.addi %mul3A_2, %add3A_47 : i32
    %dma_wait3A_49 = arith.constant 0 : i32
    %dma_wait3A_50 = tpu.memref_slice %arg7[%add3A_48, %dma_wait3A_49] : memref<8192x2048xf32, #tpu.memory_space<hbm>> -> memref<8x2048xf32, #tpu.memory_space<hbm>>
    %dma_wait3A_51 = arith.constant 0 : i32
    %dma_wait3A_52 = tpu.memref_slice %arg7[%add3A_48, %dma_wait3A_51] : memref<8192x2048xf32, #tpu.memory_space<hbm>> -> memref<8x2048xf32, #tpu.memory_space<hbm>>
    tpu.wait_dma2 semaphore(%arg26 : memref<!tpu.dma_semaphore, #tpu.memory_space<semaphore_mem>>) src(%arg14 : memref<8x2048xf32, #tpu.memory_space<vmem>>) dst(%dma_wait3A_52 : memref<8x2048xf32, #tpu.memory_space<hbm>>)
    return
  }
}

</mosaic_0001>

<sc_bundles>
// kernel: kernel.3.cloned.1.call-start
scs
__scs_entry_jumppad:
0x0: {  	(pc) =	sbr.rel $0x88, $3  }
0x1: {  	(tag) =	ssettag $0x0;
	lr =	simm.s32 $0x1  }
0x2: {  	[smem:$0x3F9D] =	sst lr;
	_ =	strace $0xD0000000  }
0x3: {  	_ = 	snop  }
0x4: {  	_ = 	snop  }
0x5: {  	_ = 	snop  }
0x6: {  	_ = 	snop  }
0x7: {  	_ = 	snop  }
__scs_overlays_trampoline_lowered:
0x8: {  	[smem:$0x3FAC] =	sst s0  }
0x9: {  	[smem:$0x3FAD] =	sst s1  }
0xa: {  	[smem:$0x3FAE] =	sst s2  }
0xb: {  	[smem:$0x3FAF] =	sst s3  }
0xc: {  	[smem:$0x3FB0] =	sst s4  }
0xd: {  	[smem:$0x3FB1] =	sst s5  }
0xe: {  	[smem:$0x3FB2] =	sst s6  }
0xf: {  	[smem:$0x3FB3] =	sst s7  }
0x10: {  	[smem:$0x3FB4] =	sst s8  }
0x11: {  	[smem:$0x3FB5] =	sst s9;
	s0 =	simm.s32 @!p0 $0x0  }
0x12: {  	s1 =	sld [smem:$0x3F9B];
	s0 =	simm.s32 @p0 $0x1  }
0x13: {  	[smem:$0x3FB6] =	sst s0;
	s0 =	simm.s32 @!p1 $0x0  }
0x14: {  	s2 =	sld [smem:$0x3F9A];
	s0 =	simm.s32 @p1 $0x1  }
0x15: {  	[smem:$0x3FB7] =	sst s0;
	s0 =	simm.s32 @!p2 $0x0  }
0x16: {  	s3 =	sld [smem:$0x3FDB];
	s0 =	simm.s32 @p2 $0x1  }
0x17: {  	s4 =	simm.s32 $0x1BF5;
	[smem:$0x3FB9] =	sst s0  }
0x18: {  	s0 =	sld [smem:$0x3F9C];
	_ =	swait.ge [sflag:s4], $0x0  }
0x19: {  	s7 =	sld [smem:$0x3F9D]  }
0x1a: {  	s8 =	sadd.s32 $0xFFFFE003, lr  }
0x1b: {  	s9 =	sadd.s32 $0xFFFFFEF7, lr;
	s5 =	simm.s32 $0xFFFFFFFF;
	p2 =	slt.u32 s8, $0xFFFFF086  }
0x1c: {  	p1 =	slt.u32 s9, $0xF7A;
	s5 =	simm.s32 @!p2 $0x0  }
0x1d: {  	s5 =	simm.s32 @p1 $0x1;
	p0 =	seq.s32 s7, s2  }
0x1e: {  	s7 =	smul.u32 @!p0 $0xF7A, s2;
	p2 =	seq.s32 @!p0 s5, $0x0  }
0x1f: {  	s9 =	smul.u32 $0xF7A, s1;
	s8 =	simm.s32 @!p0 $0x1BF5;
	p2 =	por !p2, p0  }
0x20: {  	[sflag:s8] =	ssyncset.s32 @!p0 $0xFFFFF086;
	s6 =	sadd.s32 @!p0 s3, s7;
	s7 =	simm.s32 @!p0 $0x108  }
0x21: {  	s3 =	sadd.s32 s3, s9;
	s6 =	sadd.s32 @!p0 $0x88, s6;
	s7 =	simm.s32 @p2 $0x1082  }
0x22: {  	[simem:s7], [sflag:s8] =	dma.local @!p0 [hbm:s6], $0xF7A  }
0x23: {  	s9 =	sor.u32 $0xD0000000, s2;
	s6 =	simm.s32 $0x108;
	_ =	swait.ge @!p0 [sflag:s8], $0x0  }
0x24: {  	s3 =	sadd.s32 $0x88, s3;
	s6 =	simm.s32 @!p1 $0x1082;
	[sflag:s4] =	ssyncset.s32 $0xFFFFF086  }
0x25: {  	[simem:s6], [sflag:s4] =	dma.local [hbm:s3], $0xF7A  }
0x26: {  	[smem:$0x3F9D] =	sst s1;
	(tag) =	ssettag s2;
	_ =	strace s9  }
0x27: {  	s1 =	sld [smem:$0x3FAD]  }
0x28: {  	s2 =	sld [smem:$0x3FAE]  }
0x29: {  	s4 =	sld [smem:$0x3FB0]  }
0x2a: {  	p0 =	seq.s32 s5, $0x0;
	s5 =	sld [smem:$0x3FB1]  }
0x2b: {  	s6 =	sld [smem:$0x3FB2]  }
0x2c: {  	s7 =	sld [smem:$0x3FB3]  }
0x2d: {  	s3 =	simm.s32 $0x108;
	s8 =	sld [smem:$0x3FB4]  }
0x2e: {  	s3 =	simm.s32 @!p0 $0x1082;
	s9 =	sld [smem:$0x3FB5]  }
0x2f: {  	lr =	sadd.s32 s0, s3;
	s0 =	sld [smem:$0x3FAC]  }
0x30: {  	s3 =	sld [smem:$0x3FAF]  }
0x31: {  	[smem:$0x3FB8] =	sst s10  }
0x32: {  	s10 =	sld [smem:$0x3FB6];
	_ =	sdelay $0x3  }
0x33: {  	p0 =	seq.s32 s10, $0x1;
	s10 =	sld [smem:$0x3FB8];
	_ =	sdelay $0x3  }
0x34: {  	[smem:$0x3FB8] =	sst s10  }
0x35: {  	s10 =	sld [smem:$0x3FB7];
	_ =	sdelay $0x3  }
0x36: {  	p1 =	seq.s32 s10, $0x1;
	s10 =	sld [smem:$0x3FB8];
	_ =	sdelay $0x3  }
0x37: {  	[smem:$0x3FB8] =	sst s10  }
0x38: {  	s10 =	sld [smem:$0x3FB9]  }
0x39: {  	_ = 	snop;
	(pc) =	sbr.ind lr, $3  }
0x3a: {  	_ = 	snop  }
0x3b: {  	_ = 	snop  }
0x3c: {  	p2 =	seq.s32 s10, $0x1;
	s10 =	sld [smem:$0x3FB8]  }
0x3d: {  	_ =	shalt  }
0x3e: {  	_ =	shalt  }
0x3f: {  	_ =	shalt  }
0x40: {  	_ =	shalt  }
0x41: {  	_ =	shalt  }
0x42: {  	_ =	shalt  }
0x43: {  	_ =	shalt  }
0x44: {  	_ =	shalt  }
0x45: {  	_ =	shalt  }
0x46: {  	_ =	shalt  }
0x47: {  	_ =	shalt  }
0x48: {  	_ =	shalt  }
0x49: {  	_ =	shalt  }
0x4a: {  	_ =	shalt  }
0x4b: {  	_ =	shalt  }
0x4c: {  	_ =	shalt  }
0x4d: {  	_ =	shalt  }
0x4e: {  	_ =	shalt  }
0x4f: {  	_ =	shalt  }
0x50: {  	_ =	shalt  }
0x51: {  	_ =	shalt  }
0x52: {  	_ =	shalt  }
0x53: {  	_ =	shalt  }
0x54: {  	_ =	shalt  }
0x55: {  	_ =	shalt  }
0x56: {  	_ =	shalt  }
0x57: {  	_ =	shalt  }
0x58: {  	_ =	shalt  }
0x59: {  	_ =	shalt  }
0x5a: {  	_ =	shalt  }
0x5b: {  	_ =	shalt  }
0x5c: {  	_ =	shalt  }
0x5d: {  	_ =	shalt  }
0x5e: {  	_ =	shalt  }
0x5f: {  	_ =	shalt  }
0x60: {  	_ =	shalt  }
0x61: {  	_ =	shalt  }
0x62: {  	_ =	shalt  }
0x63: {  	_ =	shalt  }
0x64: {  	_ =	shalt  }
0x65: {  	_ =	shalt  }
0x66: {  	_ =	shalt  }
0x67: {  	_ =	shalt  }
0x68: {  	_ =	shalt  }
0x69: {  	_ =	shalt  }
0x6a: {  	_ =	shalt  }
0x6b: {  	_ =	shalt  }
0x6c: {  	_ =	shalt  }
0x6d: {  	_ =	shalt  }
0x6e: {  	_ =	shalt  }
0x6f: {  	_ =	shalt  }
0x70: {  	_ =	shalt  }
0x71: {  	_ =	shalt  }
0x72: {  	_ =	shalt  }
0x73: {  	_ =	shalt  }
0x74: {  	_ =	shalt  }
0x75: {  	_ =	shalt  }
0x76: {  	_ =	shalt  }
0x77: {  	_ =	shalt  }
0x78: {  	_ =	shalt  }
0x79: {  	_ =	shalt  }
0x7a: {  	_ =	shalt  }
0x7b: {  	_ =	shalt  }
0x7c: {  	_ =	shalt  }
0x7d: {  	_ =	shalt  }
0x7e: {  	_ =	shalt  }
0x7f: {  	_ =	shalt  }
0x80: {  	_ =	shalt  }
0x81: {  	_ =	shalt  }
0x82: {  	_ =	shalt  }
0x83: {  	_ =	shalt  }
0x84: {  	_ =	shalt  }
0x85: {  	_ =	shalt  }
0x86: {  	_ =	shalt  }
0x87: {  	_ =	shalt  }
.Lfunc_end0:
.L_simem_size_0:
called_computation_lowered:
.L_overlay_start_0:
0x88: {  	s2 =	sld [smem:$0x3FD9]  }
0x89: {  	s3 =	sld [smem:$0x3FFE];
	_ =	sdelay $0x1  }
0x8a: {  	s1 =	srdreg.scid  }
0x8b: {  	s0 =	sand.u32 $0x1, s1  }
0x8c: {  	s17 =	sshll.u32 s0, $0xA;
	s2 =	sadd.s32 s3, s2  }
0x8d: {  	s2 =	sadd.s32 s2, s17  }
0x8e: {  	[smem:$0x3FC4] =	sst s2  }
0x8f: {  	_ = 	snop  }
0x90: {  	s2 =	sld [smem:$0x3FC7]  }
0x91: {  	s18 =	sld [smem:$0x3FD0];
	(tm) =	ssettm $0x1  }
0x92: {  	s4 =	sld [smem:$0x3FFB];
	_ =	sdelay $0x3  }
0x93: {  	_ =	strace s4  }
0x94: {  	s4 =	sld [smem:$0x3FFC];
	_ =	sdelay $0x3  }
0x95: {  	_ =	strace s4  }
0x96: {  	s4 =	sld [smem:$0x3FFD];
	_ =	sdelay $0x3  }
0x97: {  	_ =	strace s4  }
0x98: {  	_ =	strace $0x8FFFFFFF  }
0x99: {  	s19 =	sld [smem:$0x3FDB];
	_ =	sdelay $0x1  }
0x9a: {  	s5 =	simm.s32 $_scs_section_size  }
0x9b: {  	s6 =	simm.s32 $_size__tile_overlayer_lowered;
	s7 =	simm.s32 $_tile_overlayer_lowered  }
0x9c: {  	s22 =	simm.s32 $0x1BFF;
	s21 =	sshll.u32 s7, $0x1;
	s4 =	sadd.s32 s5, s19  }
0x9d: {  	s8 =	simm.s32 $0x0;
	s20 =	sshll.u32 s6, $0x1;
	s6 =	sadd.s32 s21, s4  }
0x9e: {  	[timem:s8], [sflag:s22] =	dma.local [hbm:s6], s20  }
0x9f: {  	_ =	swait.ge [sflag:s22], s20  }
0xa0: {  	s5 =	ssub.s32 $0x0, s20;
	[sflag:s22] =	ssyncset.done $0x0  }
0xa1: {  	[sflag:s22] =	ssyncadd.s32 s5;
	_ =	sdelay $0x1  }
0xa2: {  	s23 =	simm.s32 $0x1B8B  }
0xa3: {  	_ =	swait.ge [sflag:s23], $0x1  }
0xa4: {  	[sflag:s23] =	ssyncset.done $0x0  }
0xa5: {  	s25 =	simm.s32 $0x1B8E;
	s24 =	sld [smem:$0x3FFE];
	[sflag:s23] =	ssyncadd.s32 $0xFFFFFFFF  }
0xa6: {  	s26 =	simm.s32 $execute0_lowered;
	[smem:$0x3FD2] =	sst s25  }
0xa7: {  	s6 =	sshll.u32 s26, $0x1;
	_ =	strace $0x80000046;
	[dreg:$0x1] =	wrdreg $0xFFFFFFFF  }
0xa8: {  	s28 =	simm.s32 $_size_execute0_lowered;
	s4 =	sadd.s32 s4, s6;
	[dreg:$0x0] =	wrdreg $0x0  }
0xa9: {  	s6 =	sshll.u32 s28, $0x1;
	[dreg:$0x2] =	wrdreg s4  }
0xaa: {  	[dreg:$0x3] =	wrdreg s6  }
0xab: {  	[dreg:$0x4] =	wrdreg $0xC0  }
0xac: {  	_ =	task [dreg:s8], $0x5FFFF  }
0xad: {  	[dreg:$0x1] =	wrdreg $0xFFFFFFFF  }
0xae: {  	[dreg:$0x0] =	wrdreg $0x60  }
0xaf: {  	[dreg:$0x2] =	wrdreg s24  }
0xb0: {  	[dreg:$0x3] =	wrdreg s2  }
0xb1: {  	[dreg:$0x4] =	wrdreg s18  }
0xb2: {  	[dreg:$0x5] =	wrdreg $0x9  }
0xb3: {  	_ =	task.clear_ibuf [dreg:s8], $0x6FFFF;
	_ =	strace $0x90000046  }
0xb4: {  	s29 =	simm.s32 $0x9;
	_ =	strace $0x80000048  }
0xb5: {  	_ =	swait.ge [sflag:s29], $0x1  }
0xb6: {  	[sflag:s29] =	ssyncadd.s32 $0xFFFFFFFF  }
0xb7: {  	_ =	strace $0x90000048  }
0xb8: {  	_ =	sfence  }
0xb9: {  	s30 =	sld [smem:$0x0];
	_ =	sdelay $0x2  }
0xba: {  	s31 =	sshll.u32 s1, $0xD;
	s1 =	sshrl.u32 s1, $0x2  }
0xbb: {  	s3 =	sand.u32 $0x4000, s31;
	s1 =	sadd.s32 s1, s30  }
0xbc: {  	s0 =	sor.u32 s3, s0;
	s1 =	sshll.u32 s1, $0x11  }
0xbd: {  	s0 =	sor.u32 s1, s0  }
0xbe: {  	s0 =	sadd.s32 $0x8F2B, s0  }
0xbf: {  	[sflag:s0] =	ssyncadd.remote.s32 $0x1  }
0xc0: {  	_ =	sfence.sel $0xFFFF  }
0xc1: {  	[dreg:$0x0] =	wrdreg $0xFFFFFFFF;
	(pc) =	sbr.abs _section_cstart, $3  }
0xc2: {  	[dreg:$0x1] =	wrdreg $0xFFFFFFFF  }
0xc3: {  	_ =	task.clear_ibuf [dreg:s8], $0x2FFFF;
	_ =	strace $0x9FFFFFFF  }
0xc4: {  	(tm) =	ssettm $0x7FFFFFFF  }
0xc5: {  	_ =	shalt  }
tec
execute0_lowered:
.L_overlay_start_1:
0x0: {  	(tag) =	ssettag $0x1  }
0x1: {  	s0 =	rddreg [dreg:$0x0]  }
0x2: {  	s30 =	rddreg [dreg:$0x1]  }
0x3: {  	s1 =	srdreg.scid;
	s2 =	stileid.u32  }
0x4: {  	s4 =	simm.s32 $0x0;
	s1 =	sand.u32 $0x1, s1;
	s3 =	sshll.u32 s2, $0x1  }
0x5: {  	[smem:$0x7FF] =	sst s4;
	s22 =	sadd.s32 $0x400, s0;
	s23 =	sadd.s32 $0x4C00, s0  }
0x6: {  	s11 =	sadd.s32 $0x100, s30;
	s12 =	sadd.s32 $0x200, s30;
	s13 =	sadd.s32 $0x300, s30  }
0x7: {  	s14 =	sadd.s32 $0x400, s30;
	s15 =	sadd.s32 $0x500, s30;
	s16 =	sadd.s32 $0x600, s30  }
0x8: {  	s17 =	sadd.s32 $0x700, s30;
	_ =	strace $0x80000047;
	[dreg:$0x4] =	wrdreg s22  }
0x9: {  	s3 =	sor.u32 s1, s3;
	s1 =	ssub.s32 $0x2, s1;
	[dreg:$0x5] =	wrdreg s23  }
0xa: {  	s5 =	sshll.u32 s3, $0x9;
	s6 =	sshll.u32 s3, $0x5;
	s25 =	sshll.u32 s3, $0x8  }
0xb: {  	s7 =	sshrl.u32 s1, $0x1;
	s5 =	sadd.s32 s5, s0;
	s3 =	sand.u32 $0x700, s25  }
0xc: {  	s8 =	sadd.s32 s6, s0;
	s26 =	sadd.s32 $0xC00, s5;
	[dreg:$0x6] =	wrdreg s3  }
0xd: {  	s24 =	ssub.s32 s1, s7;
	s28 =	sadd.s32 $0x800, s8;
	[dreg:$0x7] =	wrdreg s26  }
.Ltmp0:
0xe: {  	s31 =	sshrl.u32 s3, $0x3;
	[dreg:$0x8] =	wrdreg s28;
	(pc) =	sbr.rel .LBB2_1-.Ltmp0, $4  }
0xf: {  	s29 =	sshll.u32 s3, $0x8;
	s0 =	smax.u32 s24, $0x1;
	[dreg:$0xb] =	wrdreg s31  }
0x10: {  	v0 =	vlaneseq.u32;
	s2 =	simm.s32 $0x0;
	s1 =	sadd.s32 s23, s29;
	[dreg:$0xc] =	wrdreg s0  }
0x11: {  	v2 =	vshrl.u32 v0, $0x3;
	s22 =	simm.s32 $0x1100;
	[dreg:$0x9] =	wrdreg s1;
	s1 =	sadd.s32 $0x800, s1  }
0x12: {  	vm0 =	vmmov $0xffff;
	v1 =	vand.u32 $0x7, v0;
	v2 =	vmul.u32 $0x8, v2;
	s7 =	smov.u32 s25;
	s24 =	simm.s32 $0x1000;
	[dreg:$0xa] =	wrdreg s1  }
.LBB2_68:
0x13: {  	s0 =	simm.s32 $0x9  }
0x14: {  	_ =	swait.ge [sflag:s0], $0x4000  }
0x15: {  	[sflag:s0] =	ssyncset.done $0x0  }
0x16: {  	s1 =	simm.s32 $0xA;
	[sflag:s0] =	ssyncadd.s32 $0xFFFFC000  }
0x17: {  	_ =	swait.ge [sflag:s1], $0x4000  }
0x18: {  	s2 =	rddreg [dreg:$0xd]  }
0x19: {  	s31 =	rddreg [dreg:$0xc];
	s2 =	sadd.s32 $0x1, s2  }
0x1a: {  	p0 =	sne.s32 s2, s31  }
.Ltmp1:
0x1b: {  	_ = 	snop;
	(pc) =	sbr.rel @!p0 .LBB2_69-.Ltmp1, $3  }
0x1c: {  	_ =	sdelay $0x1  }
0x1d: {  	[sflag:s1] =	ssyncset.done $0x0  }
0x1e: {  	[sflag:s1] =	ssyncadd.s32 $0xFFFFC000  }
.LBB2_1:
0x1f: {  	[dreg:$0xd] =	wrdreg s2  }
0x20: {  	s0 =	rddreg [dreg:$0x4];
	s1 =	simm.s32 $0xB  }
0x21: {  	[tilespmem:s22], [sflag:$0xB] =	stream.linear.gather [hbm4b:s0+s4], $0x1800, $0x38;
	[tilespmem:$0x1A900] =	vst v63  }
0x22: {  	_ =	swait.ge [sflag:s1], $0x1800  }
0x23: {  	[sflag:s1] =	ssyncset.done $0x0  }
0x24: {  	s25 =	rddreg [dreg:$0x7];
	[sflag:s1] =	ssyncadd.s32 $0xFFFFE800  }
0x25: {  	[tilespmem:s4], [sflag:$0xB] =	stream.linear.gather [hbm4b:s25+s4], $0x1000, $0x38;
	[tilespmem:$0x1A900] =	vst v63  }
0x26: {  	_ =	swait.ge [sflag:s1], $0x1000  }
0x27: {  	[sflag:s1] =	ssyncset.done $0x0  }
0x28: {  	s26 =	rddreg [dreg:$0x8];
	[sflag:s1] =	ssyncadd.s32 $0xFFFFF000  }
0x29: {  	[tilespmem:s24], [sflag:$0xB] =	stream.linear.gather [hbm4b:s26+s4], $0x100, $0x38;
	[tilespmem:$0x1A900] =	vst v63  }
0x2a: {  	_ =	swait.ge [sflag:s1], $0x100  }
0x2b: {  	[sflag:s1] =	ssyncset.done $0x0  }
0x2c: {  	[sflag:s1] =	ssyncadd.s32 $0xFFFFFF00  }
0x2d: {  	v3 =	vld.msk [tilespmem:$0x0], $0xff;
	_ =	sdelay $0x4  }
0x2e: {  	v4 =	vshll.u32 v3, $0x4  }
0x2f: {  	v3 =	vand.u32 $0x7, v3;
	v4 =	vand.u32 $0xFFFFFF80, v4  }
0x30: {  	v3 =	vor.u32 v3, v4  }
0x31: {  	v3 =	vperm.xlane v3, v1;
	_ =	sdelay $0x1  }
0x32: {  	v3 =	vadd.s32 v2, v3;
	_ =	sdelay $0x3  }
0x33: {  	s28 =	simm.s32 $0x2900  }
0x34: {  	[tilespmem:s28], [sflag:$0x1] =	stream.indirect_vreg.gather [hbm4b:s30+s4], $0x80, v3, vm0, $0xb8;
	[tilespmem:$0x1A900] =	vst v63  }
0x35: {  	s29 =	simm.s32 $0x3100  }
0x36: {  	[tilespmem:s29], [sflag:$0x1] =	stream.indirect_vreg.gather [hbm4b:s11+s4], $0x80, v3, vm0, $0xb8;
	[tilespmem:$0x1A900] =	vst v63  }
0x37: {  	s1 =	simm.s32 $0x3900  }
0x38: {  	[tilespmem:s1], [sflag:$0x1] =	stream.indirect_vreg.gather [hbm4b:s12+s4], $0x80, v3, vm0, $0xb8;
	[tilespmem:$0x1A900] =	vst v63  }
0x39: {  	s2 =	simm.s32 $0x4100  }
0x3a: {  	[tilespmem:s2], [sflag:$0x1] =	stream.indirect_vreg.gather [hbm4b:s13+s4], $0x80, v3, vm0, $0xb8;
	[tilespmem:$0x1A900] =	vst v63  }
0x3b: {  	s3 =	simm.s32 $0x4900  }
0x3c: {  	[tilespmem:s3], [sflag:$0x1] =	stream.indirect_vreg.gather [hbm4b:s14+s4], $0x80, v3, vm0, $0xb8;
	[tilespmem:$0x1A900] =	vst v63  }
0x3d: {  	s5 =	simm.s32 $0x5100  }
0x3e: {  	[tilespmem:s5], [sflag:$0x1] =	stream.indirect_vreg.gather [hbm4b:s15+s4], $0x80, v3, vm0, $0xb8;
	[tilespmem:$0x1A900] =	vst v63  }
0x3f: {  	s6 =	simm.s32 $0x5900  }
0x40: {  	[tilespmem:s6], [sflag:$0x1] =	stream.indirect_vreg.gather [hbm4b:s16+s4], $0x80, v3, vm0, $0xb8;
	[tilespmem:$0x1A900] =	vst v63  }
0x41: {  	s8 =	simm.s32 $0x6100  }
0x42: {  	[tilespmem:s8], [sflag:$0x1] =	stream.indirect_vreg.gather [hbm4b:s17+s4], $0x80, v3, vm0, $0xb8;
	[tilespmem:$0x1A900] =	vst v63  }
0x43: {  	s10 =	simm.s32 $0x12900;
	s9 =	rddreg [dreg:$0x9]  }
0x44: {  	[tilespmem:s10], [sflag:$0x5] =	stream.linear.gather [hbm4b:s9+s4], $0x4000, $0x38;
	[tilespmem:$0x1A900] =	vst v63  }
0x45: {  	v3 =	vld.msk [tilespmem:$0x80], $0xff;
	_ =	sdelay $0x4  }
0x46: {  	v63 =	vshll.u32 v3, $0x4  }
0x47: {  	v3 =	vand.u32 $0x7, v3;
	v4 =	vand.u32 $0xFFFFFF80, v63  }
0x48: {  	v3 =	vor.u32 v3, v4  }
0x49: {  	v3 =	vperm.xlane v3, v1;
	_ =	sdelay $0x1  }
0x4a: {  	v3 =	vadd.s32 v2, v3;
	_ =	sdelay $0x3  }
0x4b: {  	s18 =	simm.s32 $0x6900  }
0x4c: {  	[tilespmem:s18], [sflag:$0x2] =	stream.indirect_vreg.gather [hbm4b:s30+s4], $0x80, v3, vm0, $0xb8;
	[tilespmem:$0x1A900] =	vst v63  }
0x4d: {  	s19 =	simm.s32 $0x7100  }
0x4e: {  	[tilespmem:s19], [sflag:$0x2] =	stream.indirect_vreg.gather [hbm4b:s11+s4], $0x80, v3, vm0, $0xb8;
	[tilespmem:$0x1A900] =	vst v63  }
0x4f: {  	s20 =	simm.s32 $0x7900  }
0x50: {  	[tilespmem:s20], [sflag:$0x2] =	stream.indirect_vreg.gather [hbm4b:s12+s4], $0x80, v3, vm0, $0xb8;
	[tilespmem:$0x1A900] =	vst v63  }
0x51: {  	s21 =	simm.s32 $0x8100  }
0x52: {  	[tilespmem:s21], [sflag:$0x2] =	stream.indirect_vreg.gather [hbm4b:s13+s4], $0x80, v3, vm0, $0xb8;
	[tilespmem:$0x1A900] =	vst v63  }
0x53: {  	s23 =	simm.s32 $0x8900  }
0x54: {  	[tilespmem:s23], [sflag:$0x2] =	stream.indirect_vreg.gather [hbm4b:s14+s4], $0x80, v3, vm0, $0xb8;
	[tilespmem:$0x1A900] =	vst v63  }
0x55: {  	s25 =	simm.s32 $0x9100  }
0x56: {  	[tilespmem:s25], [sflag:$0x2] =	stream.indirect_vreg.gather [hbm4b:s15+s4], $0x80, v3, vm0, $0xb8;
	[tilespmem:$0x1A900] =	vst v63  }
0x57: {  	s26 =	simm.s32 $0x9900  }
0x58: {  	[tilespmem:s26], [sflag:$0x2] =	stream.indirect_vreg.gather [hbm4b:s16+s4], $0x80, v3, vm0, $0xb8;
	[tilespmem:$0x1A900] =	vst v63  }
0x59: {  	s28 =	simm.s32 $0xA100  }
0x5a: {  	[tilespmem:s28], [sflag:$0x2] =	stream.indirect_vreg.gather [hbm4b:s17+s4], $0x80, v3, vm0, $0xb8;
	[tilespmem:$0x1A900] =	vst v63  }
0x5b: {  	s31 =	simm.s32 $0x0;
	s29 =	rddreg [dreg:$0xa];
	s30 =	simm.s32 $0x16900  }
0x5c: {  	[tilespmem:s30], [sflag:$0x6] =	stream.linear.gather [hbm4b:s29+s4], $0x4000, $0x38;
	[tilespmem:$0x1A900] =	vst v63  }
.LBB2_2:
0x5d: {  	s26 =	sshll.u32 s31, $0x5  }
0x5e: {  	s0 =	simm.s32 $0x1;
	v3 =	vmov s26  }
0x5f: {  	_ =	swait.ge [sflag:s0], $0x4000;
	v3 =	vbroadcast v3, $0x0  }
0x60: {  	[sflag:s0] =	ssyncset.done $0x0  }
0x61: {  	s10 =	simm.s32 $0x5;
	[sflag:s0] =	ssyncadd.s32 $0xFFFFC000  }
0x62: {  	_ =	swait.ge [sflag:s10], $0x4000  }
0x63: {  	[sflag:s10] =	ssyncset.done $0x0  }
0x64: {  	[sflag:s10] =	ssyncadd.s32 $0xFFFFC000  }
0x65: {  	v3 =	vld.idx.msk [tilespmem:v3+s24+$0x0], $0xffff;
	_ =	sdelay $0x4  }
0x66: {  	v3 =	vshll.u32 v3, $0xB  }
0x67: {  	s18 =	simm.s32 $0x20;
	s1 =	simm.s32 $0x30;
	s5 =	simm.s32 $0x0;
	v3 =	vor.u32 v0, v3  }
0x68: {  	s3 =	simm.s32 $0x0;
	s5 =	sand.u32 $0x3C00, s5;
	s0 =	sand.u32 $0x60, s18;
	v4 =	vor.u32 s18, v3  }
0x69: {  	s8 =	simm.s32 $0x10;
	s19 =	sand.u32 $0x40, s3;
	s9 =	sor.u32 s5, s0;
	v5 =	vor.u32 s1, v3  }
0x6a: {  	s21 =	sand.u32 $0x50, s8;
	s0 =	sor.u32 s19, s5;
	v8 =	vld [tilespmem:s9+$0x12900];
	v6 =	vor.u32 s3, v3  }
0x6b: {  	s10 =	sor.u32 s5, s21;
	v10 =	vld [tilespmem:s0+$0x12900];
	v7 =	vor.u32 s8, v3  }
0x6c: {  	v14 =	vld [tilespmem:s10+$0x12900]  }
0x6d: {  	s23 =	simm.s32 $0x60;
	v4 =	vld.idx.msk [tilespmem:v4+s22+$0x0], $0xffff  }
0x6e: {  	s1 =	sand.u32 $0x70, s1;
	v9 =	vor.u32 s23, v3;
	v11 =	vld.idx.msk [tilespmem:v5+s22+$0x0], $0xffff  }
0x6f: {  	s20 =	simm.s32 $0x70;
	s18 =	sor.u32 s5, s1;
	s1 =	simm.s32 $0x200;
	v5 =	vld.idx.msk [tilespmem:v6+s22+$0x0], $0xffff  }
0x70: {  	s8 =	sand.u32 $0x60, s23;
	s25 =	sand.u32 $0x3C00, s1;
	v6 =	vld.idx.msk [tilespmem:v7+s22+$0x0], $0xffff;
	v7 =	vor.u32 s20, v3  }
0x71: {  	v15 =	vld [tilespmem:s18+$0x12900];
	s19 =	sor.u32 s25, s8  }
0x72: {  	s28 =	simm.s32 $0x40;
	v13 =	vld [tilespmem:s19+$0x12900];
	v4 =	vadd.f32 v8, v4  }
0x73: {  	s29 =	simm.s32 $0x50;
	v12 =	vld.idx.msk [tilespmem:v9+s22+$0x0], $0xffff;
	v8 =	vor.u32 s28, v3  }
0x74: {  	v16 =	vor.u32 s29, v3;
	s3 =	sand.u32 $0x40, s28;
	[tilespmem:s9+$0x2900] =	vst.add.f32.msk $0xffff, v4  }
0x75: {  	s5 =	sand.u32 $0x50, s29;
	s3 =	sor.u32 s3, s25;
	v4 =	vld.idx.msk [tilespmem:v7+s22+$0x0], $0xffff  }
0x76: {  	s5 =	sor.u32 s25, s5;
	v7 =	vadd.f32 v10, v5;
	v10 =	vld [tilespmem:s3+$0x12900]  }
0x77: {  	v5 =	vadd.f32 v14, v6;
	v6 =	vadd.f32 v15, v11;
	v11 =	vld [tilespmem:s5+$0x12900]  }
0x78: {  	s30 =	sand.u32 $0x70, s20;
	v9 =	vld.idx.msk [tilespmem:v8+s22+$0x0], $0xffff  }
0x79: {  	s8 =	sor.u32 s25, s30;
	s20 =	simm.s32 $0xB0;
	s9 =	simm.s32 $0x4;
	v8 =	vld.idx.msk [tilespmem:v16+s22+$0x0], $0xffff  }
.LBB2_3:
0x7a: {  	s25 =	sadd.s32 $0xFFFFFFE0, s20;
	s28 =	sadd.s32 $0xFFFFFFF0, s20;
	v14 =	vor.u32 s20, v3;
	s9 =	sadd.s32 $0x4, s9;
	v12 =	vadd.f32 v13, v12;
	v13 =	vld [tilespmem:s8+$0x12900]  }
0x7b: {  	s29 =	sadd.s32 $0xFFFFFFD0, s20;
	v15 =	vor.u32 s25, v3;
	s25 =	sand.u32 $0x50, s25;
	v16 =	vor.u32 s28, v3;
	p0 =	slt.u32 s9, $0x7C;
	[tilespmem:s0+$0x2900] =	vst.add.f32.msk $0xffff, v7  }
0x7c: {  	s30 =	sand.u32 $0x70, s20;
	v17 =	vor.u32 s29, v3;
	s29 =	sand.u32 $0x40, s29;
	s0 =	smov.u32 s3;
	[tilespmem:s19+$0x2900] =	vst.add.f32.msk $0xffff, v12  }
0x7d: {  	v7 =	vadd.f32 v10, v9;
	[tilespmem:s10+$0x2900] =	vst.add.f32.msk $0xffff, v5;
	s10 =	smov.u32 s5  }
0x7e: {  	s1 =	sadd.s32 $0x200, s1;
	v5 =	vadd.f32 v11, v8;
	[tilespmem:s18+$0x2900] =	vst.add.f32.msk $0xffff, v6;
	s18 =	smov.u32 s8  }
0x7f: {  	s19 =	sand.u32 $0x60, s28;
	s8 =	sand.u32 $0x3C00, s1;
	v6 =	vadd.f32 v13, v4;
	v4 =	vld.idx.msk [tilespmem:v14+s22+$0x0], $0xffff  }
0x80: {  	s3 =	sor.u32 s29, s8;
	s5 =	sor.u32 s8, s25;
	s19 =	sor.u32 s8, s19;
	v12 =	vld.idx.msk [tilespmem:v16+s22+$0x0], $0xffff  }
.Ltmp2:
0x81: {  	s8 =	sor.u32 s8, s30;
	v13 =	vld [tilespmem:s19+$0x12900];
	(pc) =	sbr.rel @p0 .LBB2_3-.Ltmp2, $4  }
0x82: {  	v9 =	vld.idx.msk [tilespmem:v17+s22+$0x0], $0xffff  }
0x83: {  	v8 =	vld.idx.msk [tilespmem:v15+s22+$0x0], $0xffff  }
0x84: {  	v10 =	vld [tilespmem:s3+$0x12900]  }
0x85: {  	s20 =	sadd.s32 $0x40, s20;
	v11 =	vld [tilespmem:s5+$0x12900]  }
0x86: {  	s1 =	sor.u32 $0x1, s26  }
0x87: {  	v3 =	vadd.f32 v13, v12;
	v12 =	vld [tilespmem:s8+$0x12900];
	v13 =	vmov s1  }
0x88: {  	[tilespmem:s0+$0x2900] =	vst.add.f32.msk $0xffff, v7;
	v7 =	vand.u32 $0xFFFFFFE1, v13  }
0x89: {  	[tilespmem:s19+$0x2900] =	vst.add.f32.msk $0xffff, v3;
	v3 =	vbroadcast v7, $0x0  }
0x8a: {  	[tilespmem:s10+$0x2900] =	vst.add.f32.msk $0xffff, v5;
	v7 =	vadd.f32 v10, v9  }
0x8b: {  	[tilespmem:s18+$0x2900] =	vst.add.f32.msk $0xffff, v6;
	v5 =	vadd.f32 v11, v8  }
0x8c: {  	v4 =	vadd.f32 v12, v4;
	[tilespmem:s3+$0x2900] =	vst.add.f32.msk $0xffff, v7  }
0x8d: {  	[tilespmem:s5+$0x2900] =	vst.add.f32.msk $0xffff, v5  }
0x8e: {  	[tilespmem:s8+$0x2900] =	vst.add.f32.msk $0xffff, v4  }
0x8f: {  	v3 =	vld.idx.msk [tilespmem:v3+s24+$0x0], $0xffff;
	_ =	sdelay $0x4  }
0x90: {  	v3 =	vshll.u32 v3, $0xB  }
0x91: {  	s6 =	simm.s32 $0x30;
	s10 =	simm.s32 $0x0;
	s3 =	simm.s32 $0x20;
	v3 =	vor.u32 v0, v3  }
0x92: {  	s18 =	simm.s32 $0x10;
	s5 =	sand.u32 $0x3C00, s10;
	s0 =	sand.u32 $0x60, s3;
	v4 =	vor.u32 s3, v3  }
0x93: {  	s21 =	sand.u32 $0x50, s18;
	s8 =	simm.s32 $0x0;
	s9 =	sor.u32 s0, s5;
	v5 =	vor.u32 s6, v3  }
0x94: {  	s10 =	sor.u32 s21, s5;
	v8 =	vld [tilespmem:s9+$0x12980];
	s19 =	sand.u32 $0x40, s8;
	v6 =	vor.u32 s8, v3  }
0x95: {  	v14 =	vld [tilespmem:s10+$0x12980];
	s0 =	sor.u32 s19, s5;
	v7 =	vor.u32 s18, v3  }
0x96: {  	v10 =	vld [tilespmem:s0+$0x12980]  }
0x97: {  	s23 =	simm.s32 $0x60;
	v4 =	vld.idx.msk [tilespmem:v4+s22+$0x0], $0xffff  }
0x98: {  	s1 =	sand.u32 $0x70, s6;
	v9 =	vor.u32 s23, v3;
	v11 =	vld.idx.msk [tilespmem:v5+s22+$0x0], $0xffff  }
0x99: {  	s20 =	simm.s32 $0x70;
	s18 =	sor.u32 s1, s5;
	s1 =	simm.s32 $0x200;
	v5 =	vld.idx.msk [tilespmem:v6+s22+$0x0], $0xffff  }
0x9a: {  	s8 =	sand.u32 $0x60, s23;
	s25 =	sand.u32 $0x3C00, s1;
	v6 =	vld.idx.msk [tilespmem:v7+s22+$0x0], $0xffff;
	v7 =	vor.u32 s20, v3  }
0x9b: {  	v15 =	vld [tilespmem:s18+$0x12980];
	s19 =	sor.u32 s8, s25  }
0x9c: {  	s28 =	simm.s32 $0x40;
	v13 =	vld [tilespmem:s19+$0x12980];
	v4 =	vadd.f32 v8, v4  }
0x9d: {  	s29 =	simm.s32 $0x50;
	v12 =	vld.idx.msk [tilespmem:v9+s22+$0x0], $0xffff;
	v8 =	vor.u32 s28, v3  }
0x9e: {  	v16 =	vor.u32 s29, v3;
	s3 =	sand.u32 $0x40, s28;
	[tilespmem:s9+$0x2980] =	vst.add.f32.msk $0xffff, v4  }
0x9f: {  	s5 =	sand.u32 $0x50, s29;
	s3 =	sor.u32 s3, s25;
	v4 =	vld.idx.msk [tilespmem:v7+s22+$0x0], $0xffff  }
0xa0: {  	s5 =	sor.u32 s5, s25;
	v7 =	vadd.f32 v10, v5;
	v10 =	vld [tilespmem:s3+$0x12980]  }
0xa1: {  	v5 =	vadd.f32 v14, v6;
	v6 =	vadd.f32 v15, v11;
	v11 =	vld [tilespmem:s5+$0x12980]  }
0xa2: {  	s30 =	sand.u32 $0x70, s20;
	v9 =	vld.idx.msk [tilespmem:v8+s22+$0x0], $0xffff  }
0xa3: {  	s8 =	sor.u32 s30, s25;
	s20 =	simm.s32 $0xB0;
	s9 =	simm.s32 $0x4;
	v8 =	vld.idx.msk [tilespmem:v16+s22+$0x0], $0xffff  }
.LBB2_5:
0xa4: {  	s25 =	sadd.s32 $0xFFFFFFE0, s20;
	s28 =	sadd.s32 $0xFFFFFFF0, s20;
	v14 =	vor.u32 s20, v3;
	s9 =	sadd.s32 $0x4, s9;
	v12 =	vadd.f32 v13, v12;
	v13 =	vld [tilespmem:s8+$0x12980]  }
0xa5: {  	s29 =	sadd.s32 $0xFFFFFFD0, s20;
	v15 =	vor.u32 s25, v3;
	s25 =	sand.u32 $0x50, s25;
	v16 =	vor.u32 s28, v3;
	p0 =	slt.u32 s9, $0x7C;
	[tilespmem:s0+$0x2980] =	vst.add.f32.msk $0xffff, v7  }
0xa6: {  	s30 =	sand.u32 $0x70, s20;
	v17 =	vor.u32 s29, v3;
	s29 =	sand.u32 $0x40, s29;
	s0 =	smov.u32 s3;
	[tilespmem:s19+$0x2980] =	vst.add.f32.msk $0xffff, v12  }
0xa7: {  	v7 =	vadd.f32 v10, v9;
	[tilespmem:s10+$0x2980] =	vst.add.f32.msk $0xffff, v5;
	s10 =	smov.u32 s5  }
0xa8: {  	s1 =	sadd.s32 $0x200, s1;
	v5 =	vadd.f32 v11, v8;
	[tilespmem:s18+$0x2980] =	vst.add.f32.msk $0xffff, v6;
	s18 =	smov.u32 s8  }
0xa9: {  	s19 =	sand.u32 $0x60, s28;
	s8 =	sand.u32 $0x3C00, s1;
	v6 =	vadd.f32 v13, v4;
	v4 =	vld.idx.msk [tilespmem:v14+s22+$0x0], $0xffff  }
0xaa: {  	s3 =	sor.u32 s29, s8;
	s5 =	sor.u32 s25, s8;
	s19 =	sor.u32 s19, s8;
	v12 =	vld.idx.msk [tilespmem:v16+s22+$0x0], $0xffff  }
.Ltmp3:
0xab: {  	s8 =	sor.u32 s30, s8;
	v13 =	vld [tilespmem:s19+$0x12980];
	(pc) =	sbr.rel @p0 .LBB2_5-.Ltmp3, $4  }
0xac: {  	v9 =	vld.idx.msk [tilespmem:v17+s22+$0x0], $0xffff  }
0xad: {  	v8 =	vld.idx.msk [tilespmem:v15+s22+$0x0], $0xffff  }
0xae: {  	v10 =	vld [tilespmem:s3+$0x12980]  }
0xaf: {  	s20 =	sadd.s32 $0x40, s20;
	v11 =	vld [tilespmem:s5+$0x12980]  }
0xb0: {  	s1 =	sor.u32 $0x2, s26  }
0xb1: {  	v3 =	vadd.f32 v13, v12;
	v12 =	vld [tilespmem:s8+$0x12980];
	v13 =	vmov s1  }
0xb2: {  	[tilespmem:s0+$0x2980] =	vst.add.f32.msk $0xffff, v7;
	v7 =	vand.u32 $0xFFFFFFE2, v13  }
0xb3: {  	[tilespmem:s19+$0x2980] =	vst.add.f32.msk $0xffff, v3;
	v3 =	vbroadcast v7, $0x0  }
0xb4: {  	[tilespmem:s10+$0x2980] =	vst.add.f32.msk $0xffff, v5;
	v7 =	vadd.f32 v10, v9  }
0xb5: {  	[tilespmem:s18+$0x2980] =	vst.add.f32.msk $0xffff, v6;
	v5 =	vadd.f32 v11, v8  }
0xb6: {  	v4 =	vadd.f32 v12, v4;
	[tilespmem:s3+$0x2980] =	vst.add.f32.msk $0xffff, v7  }
0xb7: {  	[tilespmem:s5+$0x2980] =	vst.add.f32.msk $0xffff, v5  }
0xb8: {  	[tilespmem:s8+$0x2980] =	vst.add.f32.msk $0xffff, v4  }
0xb9: {  	v3 =	vld.idx.msk [tilespmem:v3+s24+$0x0], $0xffff;
	_ =	sdelay $0x4  }
0xba: {  	v3 =	vshll.u32 v3, $0xB  }
0xbb: {  	s6 =	simm.s32 $0x30;
	s10 =	simm.s32 $0x0;
	s3 =	simm.s32 $0x20;
	v3 =	vor.u32 v0, v3  }
0xbc: {  	s18 =	simm.s32 $0x10;
	s5 =	sand.u32 $0x3C00, s10;
	s0 =	sand.u32 $0x60, s3;
	v4 =	vor.u32 s3, v3  }
0xbd: {  	s21 =	sand.u32 $0x50, s18;
	s8 =	simm.s32 $0x0;
	s9 =	sor.u32 s0, s5;
	v5 =	vor.u32 s6, v3  }
0xbe: {  	s10 =	sor.u32 s21, s5;
	v8 =	vld [tilespmem:s9+$0x12A00];
	s19 =	sand.u32 $0x40, s8;
	v6 =	vor.u32 s8, v3  }
0xbf: {  	v14 =	vld [tilespmem:s10+$0x12A00];
	s0 =	sor.u32 s19, s5;
	v7 =	vor.u32 s18, v3  }
0xc0: {  	v10 =	vld [tilespmem:s0+$0x12A00]  }
0xc1: {  	s23 =	simm.s32 $0x60;
	v4 =	vld.idx.msk [tilespmem:v4+s22+$0x0], $0xffff  }
0xc2: {  	s1 =	sand.u32 $0x70, s6;
	v9 =	vor.u32 s23, v3;
	v11 =	vld.idx.msk [tilespmem:v5+s22+$0x0], $0xffff  }
0xc3: {  	s20 =	simm.s32 $0x70;
	s18 =	sor.u32 s1, s5;
	s1 =	simm.s32 $0x200;
	v5 =	vld.idx.msk [tilespmem:v6+s22+$0x0], $0xffff  }
0xc4: {  	s8 =	sand.u32 $0x60, s23;
	s25 =	sand.u32 $0x3C00, s1;
	v6 =	vld.idx.msk [tilespmem:v7+s22+$0x0], $0xffff;
	v7 =	vor.u32 s20, v3  }
0xc5: {  	v15 =	vld [tilespmem:s18+$0x12A00];
	s19 =	sor.u32 s8, s25  }
0xc6: {  	s28 =	simm.s32 $0x40;
	v13 =	vld [tilespmem:s19+$0x12A00];
	v4 =	vadd.f32 v8, v4  }
0xc7: {  	s29 =	simm.s32 $0x50;
	v12 =	vld.idx.msk [tilespmem:v9+s22+$0x0], $0xffff;
	v8 =	vor.u32 s28, v3  }
0xc8: {  	v16 =	vor.u32 s29, v3;
	s3 =	sand.u32 $0x40, s28;
	[tilespmem:s9+$0x2A00] =	vst.add.f32.msk $0xffff, v4  }
0xc9: {  	s5 =	sand.u32 $0x50, s29;
	s3 =	sor.u32 s3, s25;
	v4 =	vld.idx.msk [tilespmem:v7+s22+$0x0], $0xffff  }
0xca: {  	s5 =	sor.u32 s5, s25;
	v7 =	vadd.f32 v10, v5;
	v10 =	vld [tilespmem:s3+$0x12A00]  }
0xcb: {  	v5 =	vadd.f32 v14, v6;
	v6 =	vadd.f32 v15, v11;
	v11 =	vld [tilespmem:s5+$0x12A00]  }
0xcc: {  	s30 =	sand.u32 $0x70, s20;
	v9 =	vld.idx.msk [tilespmem:v8+s22+$0x0], $0xffff  }
0xcd: {  	s8 =	sor.u32 s30, s25;
	s20 =	simm.s32 $0xB0;
	s9 =	simm.s32 $0x4;
	v8 =	vld.idx.msk [tilespmem:v16+s22+$0x0], $0xffff  }
.LBB2_7:
0xce: {  	s25 =	sadd.s32 $0xFFFFFFE0, s20;
	s28 =	sadd.s32 $0xFFFFFFF0, s20;
	v14 =	vor.u32 s20, v3;
	s9 =	sadd.s32 $0x4, s9;
	v12 =	vadd.f32 v13, v12;
	v13 =	vld [tilespmem:s8+$0x12A00]  }
0xcf: {  	s29 =	sadd.s32 $0xFFFFFFD0, s20;
	v15 =	vor.u32 s25, v3;
	s25 =	sand.u32 $0x50, s25;
	v16 =	vor.u32 s28, v3;
	p0 =	slt.u32 s9, $0x7C;
	[tilespmem:s0+$0x2A00] =	vst.add.f32.msk $0xffff, v7  }
0xd0: {  	s30 =	sand.u32 $0x70, s20;
	v17 =	vor.u32 s29, v3;
	s29 =	sand.u32 $0x40, s29;
	s0 =	smov.u32 s3;
	[tilespmem:s19+$0x2A00] =	vst.add.f32.msk $0xffff, v12  }
0xd1: {  	v7 =	vadd.f32 v10, v9;
	[tilespmem:s10+$0x2A00] =	vst.add.f32.msk $0xffff, v5;
	s10 =	smov.u32 s5  }
0xd2: {  	s1 =	sadd.s32 $0x200, s1;
	v5 =	vadd.f32 v11, v8;
	[tilespmem:s18+$0x2A00] =	vst.add.f32.msk $0xffff, v6;
	s18 =	smov.u32 s8  }
0xd3: {  	s19 =	sand.u32 $0x60, s28;
	s8 =	sand.u32 $0x3C00, s1;
	v6 =	vadd.f32 v13, v4;
	v4 =	vld.idx.msk [tilespmem:v14+s22+$0x0], $0xffff  }
0xd4: {  	s3 =	sor.u32 s29, s8;
	s5 =	sor.u32 s25, s8;
	s19 =	sor.u32 s19, s8;
	v12 =	vld.idx.msk [tilespmem:v16+s22+$0x0], $0xffff  }
.Ltmp4:
0xd5: {  	s8 =	sor.u32 s30, s8;
	v13 =	vld [tilespmem:s19+$0x12A00];
	(pc) =	sbr.rel @p0 .LBB2_7-.Ltmp4, $4  }
0xd6: {  	v9 =	vld.idx.msk [tilespmem:v17+s22+$0x0], $0xffff  }
0xd7: {  	v8 =	vld.idx.msk [tilespmem:v15+s22+$0x0], $0xffff  }
0xd8: {  	v10 =	vld [tilespmem:s3+$0x12A00]  }
0xd9: {  	s20 =	sadd.s32 $0x40, s20;
	v11 =	vld [tilespmem:s5+$0x12A00]  }
0xda: {  	s1 =	sor.u32 $0x3, s26  }
0xdb: {  	v3 =	vadd.f32 v13, v12;
	v12 =	vld [tilespmem:s8+$0x12A00];
	v13 =	vmov s1  }
0xdc: {  	[tilespmem:s0+$0x2A00] =	vst.add.f32.msk $0xffff, v7;
	v7 =	vand.u32 $0xFFFFFFE3, v13  }
0xdd: {  	[tilespmem:s19+$0x2A00] =	vst.add.f32.msk $0xffff, v3;
	v3 =	vbroadcast v7, $0x0  }
0xde: {  	[tilespmem:s10+$0x2A00] =	vst.add.f32.msk $0xffff, v5;
	v7 =	vadd.f32 v10, v9  }
0xdf: {  	[tilespmem:s18+$0x2A00] =	vst.add.f32.msk $0xffff, v6;
	v5 =	vadd.f32 v11, v8  }
0xe0: {  	v4 =	vadd.f32 v12, v4;
	[tilespmem:s3+$0x2A00] =	vst.add.f32.msk $0xffff, v7  }
0xe1: {  	[tilespmem:s5+$0x2A00] =	vst.add.f32.msk $0xffff, v5  }
0xe2: {  	[tilespmem:s8+$0x2A00] =	vst.add.f32.msk $0xffff, v4  }
0xe3: {  	v3 =	vld.idx.msk [tilespmem:v3+s24+$0x0], $0xffff;
	_ =	sdelay $0x4  }
0xe4: {  	v3 =	vshll.u32 v3, $0xB  }
0xe5: {  	s6 =	simm.s32 $0x30;
	s10 =	simm.s32 $0x0;
	s3 =	simm.s32 $0x20;
	v3 =	vor.u32 v0, v3  }
0xe6: {  	s18 =	simm.s32 $0x10;
	s5 =	sand.u32 $0x3C00, s10;
	s0 =	sand.u32 $0x60, s3;
	v4 =	vor.u32 s3, v3  }
0xe7: {  	s21 =	sand.u32 $0x50, s18;
	s8 =	simm.s32 $0x0;
	s9 =	sor.u32 s0, s5;
	v5 =	vor.u32 s6, v3  }
0xe8: {  	s10 =	sor.u32 s21, s5;
	v8 =	vld [tilespmem:s9+$0x12A80];
	s19 =	sand.u32 $0x40, s8;
	v6 =	vor.u32 s8, v3  }
0xe9: {  	v14 =	vld [tilespmem:s10+$0x12A80];
	s0 =	sor.u32 s19, s5;
	v7 =	vor.u32 s18, v3  }
0xea: {  	v10 =	vld [tilespmem:s0+$0x12A80]  }
0xeb: {  	s23 =	simm.s32 $0x60;
	v4 =	vld.idx.msk [tilespmem:v4+s22+$0x0], $0xffff  }
0xec: {  	s1 =	sand.u32 $0x70, s6;
	v9 =	vor.u32 s23, v3;
	v11 =	vld.idx.msk [tilespmem:v5+s22+$0x0], $0xffff  }
0xed: {  	s20 =	simm.s32 $0x70;
	s18 =	sor.u32 s1, s5;
	s1 =	simm.s32 $0x200;
	v5 =	vld.idx.msk [tilespmem:v6+s22+$0x0], $0xffff  }
0xee: {  	s8 =	sand.u32 $0x60, s23;
	s25 =	sand.u32 $0x3C00, s1;
	v6 =	vld.idx.msk [tilespmem:v7+s22+$0x0], $0xffff;
	v7 =	vor.u32 s20, v3  }
0xef: {  	v15 =	vld [tilespmem:s18+$0x12A80];
	s19 =	sor.u32 s8, s25  }
0xf0: {  	s28 =	simm.s32 $0x40;
	v13 =	vld [tilespmem:s19+$0x12A80];
	v4 =	vadd.f32 v8, v4  }
0xf1: {  	s29 =	simm.s32 $0x50;
	v12 =	vld.idx.msk [tilespmem:v9+s22+$0x0], $0xffff;
	v8 =	vor.u32 s28, v3  }
0xf2: {  	v16 =	vor.u32 s29, v3;
	s3 =	sand.u32 $0x40, s28;
	[tilespmem:s9+$0x2A80] =	vst.add.f32.msk $0xffff, v4  }
0xf3: {  	s5 =	sand.u32 $0x50, s29;
	s3 =	sor.u32 s3, s25;
	v4 =	vld.idx.msk [tilespmem:v7+s22+$0x0], $0xffff  }
0xf4: {  	s5 =	sor.u32 s5, s25;
	v7 =	vadd.f32 v10, v5;
	v10 =	vld [tilespmem:s3+$0x12A80]  }
0xf5: {  	v5 =	vadd.f32 v14, v6;
	v6 =	vadd.f32 v15, v11;
	v11 =	vld [tilespmem:s5+$0x12A80]  }
0xf6: {  	s30 =	sand.u32 $0x70, s20;
	v9 =	vld.idx.msk [tilespmem:v8+s22+$0x0], $0xffff  }
0xf7: {  	s8 =	sor.u32 s30, s25;
	s20 =	simm.s32 $0xB0;
	s9 =	simm.s32 $0x4;
	v8 =	vld.idx.msk [tilespmem:v16+s22+$0x0], $0xffff  }
.LBB2_9:
0xf8: {  	s25 =	sadd.s32 $0xFFFFFFE0, s20;
	s28 =	sadd.s32 $0xFFFFFFF0, s20;
	v14 =	vor.u32 s20, v3;
	s9 =	sadd.s32 $0x4, s9;
	v12 =	vadd.f32 v13, v12;
	v13 =	vld [tilespmem:s8+$0x12A80]  }
0xf9: {  	s29 =	sadd.s32 $0xFFFFFFD0, s20;
	v15 =	vor.u32 s25, v3;
	s25 =	sand.u32 $0x50, s25;
	v16 =	vor.u32 s28, v3;
	p0 =	slt.u32 s9, $0x7C;
	[tilespmem:s0+$0x2A80] =	vst.add.f32.msk $0xffff, v7  }
0xfa: {  	s30 =	sand.u32 $0x70, s20;
	v17 =	vor.u32 s29, v3;
	s29 =	sand.u32 $0x40, s29;
	s0 =	smov.u32 s3;
	[tilespmem:s19+$0x2A80] =	vst.add.f32.msk $0xffff, v12  }
0xfb: {  	v7 =	vadd.f32 v10, v9;
	[tilespmem:s10+$0x2A80] =	vst.add.f32.msk $0xffff, v5;
	s10 =	smov.u32 s5  }
0xfc: {  	s1 =	sadd.s32 $0x200, s1;
	v5 =	vadd.f32 v11, v8;
	[tilespmem:s18+$0x2A80] =	vst.add.f32.msk $0xffff, v6;
	s18 =	smov.u32 s8  }
0xfd: {  	s19 =	sand.u32 $0x60, s28;
	s8 =	sand.u32 $0x3C00, s1;
	v6 =	vadd.f32 v13, v4;
	v4 =	vld.idx.msk [tilespmem:v14+s22+$0x0], $0xffff  }
0xfe: {  	s3 =	sor.u32 s29, s8;
	s5 =	sor.u32 s25, s8;
	s19 =	sor.u32 s19, s8;
	v12 =	vld.idx.msk [tilespmem:v16+s22+$0x0], $0xffff  }
.Ltmp5:
0xff: {  	s8 =	sor.u32 s30, s8;
	v13 =	vld [tilespmem:s19+$0x12A80];
	(pc) =	sbr.rel @p0 .LBB2_9-.Ltmp5, $4  }
0x100: {  	v9 =	vld.idx.msk [tilespmem:v17+s22+$0x0], $0xffff  }
0x101: {  	v8 =	vld.idx.msk [tilespmem:v15+s22+$0x0], $0xffff  }
0x102: {  	v10 =	vld [tilespmem:s3+$0x12A80]  }
0x103: {  	s20 =	sadd.s32 $0x40, s20;
	v11 =	vld [tilespmem:s5+$0x12A80]  }
0x104: {  	s1 =	sor.u32 $0x4, s26  }
0x105: {  	v3 =	vadd.f32 v13, v12;
	v59 =	vld [tilespmem:s8+$0x12A80];
	v60 =	vmov s1  }
0x106: {  	[tilespmem:s0+$0x2A80] =	vst.add.f32.msk $0xffff, v7;
	v7 =	vand.u32 $0xFFFFFFE4, v60  }
0x107: {  	[tilespmem:s19+$0x2A80] =	vst.add.f32.msk $0xffff, v3;
	v3 =	vbroadcast v7, $0x0  }
0x108: {  	[tilespmem:s10+$0x2A80] =	vst.add.f32.msk $0xffff, v5;
	v7 =	vadd.f32 v10, v9  }
0x109: {  	[tilespmem:s18+$0x2A80] =	vst.add.f32.msk $0xffff, v6;
	v5 =	vadd.f32 v11, v8  }
0x10a: {  	v4 =	vadd.f32 v59, v4;
	[tilespmem:s3+$0x2A80] =	vst.add.f32.msk $0xffff, v7  }
0x10b: {  	[tilespmem:s5+$0x2A80] =	vst.add.f32.msk $0xffff, v5  }
0x10c: {  	[tilespmem:s8+$0x2A80] =	vst.add.f32.msk $0xffff, v4  }
0x10d: {  	v3 =	vld.idx.msk [tilespmem:v3+s24+$0x0], $0xffff;
	_ =	sdelay $0x2  }
0x10e: {  	s21 =	simm.s32 $0x0  }
0x10f: {  	p0 =	por $0x0, $0x0;
	s23 =	simm.s32 $0x30;
	s1 =	simm.s32 $0x1  }
0x110: {  	s29 =	simm.s32 $0x20;
	s9 =	simm.s32 $0x0;
	s1 =	simm.s32 @!p0 $0x0;
	v3 =	vshll.u32 v3, $0xB  }
0x111: {  	s25 =	sand.u32 $0x7, s21;
	s0 =	sand.u32 $0x3, s21;
	s1 =	sshll.u32 s1, $0x6;
	v3 =	vor.u32 v0, v3  }
0x112: {  	s0 =	sshll.u32 s0, $0x5;
	s1 =	sadd.s32 $0x0, s1;
	s5 =	sshll.u32 s25, $0x4;
	v4 =	vor.u32 s23, v3  }
0x113: {  	s0 =	sadd.s32 $0x20, s0;
	s2 =	sor.u32 $0x200, s1;
	s30 =	sadd.s32 $0x0, s5;
	v5 =	vor.u32 s29, v3  }
0x114: {  	s0 =	sor.u32 $0x200, s0;
	s6 =	sadd.s32 $0x30, s30;
	v6 =	vld [tilespmem:s2+$0x12900];
	v7 =	vor.u32 s9, v3  }
0x115: {  	s10 =	simm.s32 $0x10;
	v61 =	vld [tilespmem:s0+$0x12900];
	s1 =	sor.u32 $0x200, s6  }
0x116: {  	v8 =	vld [tilespmem:s1+$0x12900];
	v9 =	vor.u32 s10, v3  }
0x117: {  	s18 =	simm.s32 $0x4;
	p0 =	por !p0, !p0;
	s9 =	simm.s32 $0x1;
	v10 =	vld.idx.msk [tilespmem:v4+s22+$0x0], $0xffff  }
0x118: {  	s19 =	sand.u32 $0x7, s18;
	s3 =	sadd.s32 $0x10, s30;
	s9 =	simm.s32 @!p0 $0x0;
	v11 =	vld.idx.msk [tilespmem:v5+s22+$0x0], $0xffff  }
0x119: {  	s10 =	sor.u32 $0x200, s3;
	s3 =	sshll.u32 s19, $0x4;
	s20 =	sshll.u32 s9, $0x6;
	v7 =	vld.idx.msk [tilespmem:v7+s22+$0x0], $0xffff  }
0x11a: {  	v62 =	vld [tilespmem:s10+$0x12900];
	s3 =	sadd.s32 $0x200, s3;
	s9 =	simm.s32 $0x70;
	s5 =	sadd.s32 $0x200, s20  }
0x11b: {  	s21 =	sadd.s32 $0x10, s3;
	s18 =	sor.u32 $0x200, s5;
	v14 =	vld.idx.msk [tilespmem:v9+s22+$0x0], $0xffff;
	v9 =	vor.u32 s9, v3  }
0x11c: {  	s3 =	sadd.s32 $0x30, s3;
	s25 =	sor.u32 $0x200, s21;
	v4 =	vld [tilespmem:s18+$0x12900]  }
0x11d: {  	s23 =	simm.s32 $0x60;
	s19 =	sor.u32 $0x200, s3;
	v5 =	vld [tilespmem:s25+$0x12900];
	v8 =	vadd.f32 v8, v10;
	v10 =	vadd.f32 v61, v11  }
0x11e: {  	v63 =	vor.u32 s23, v3;
	v7 =	vadd.f32 v6, v7;
	v6 =	vld [tilespmem:s19+$0x12900]  }
0x11f: {  	[tilespmem:s0+$0x2900] =	vst.add.f32.msk $0xffff, v10;
	s0 =	simm.s32 $0x2  }
0x120: {  	s20 =	simm.s32 $0x40;
	v11 =	vld.idx.msk [tilespmem:v9+s22+$0x0], $0xffff;
	s29 =	sand.u32 $0x3, s0  }
0x121: {  	s28 =	simm.s32 $0x220;
	s30 =	simm.s32 $0x50;
	[tilespmem:s2+$0x2900] =	vst.add.f32.msk $0xffff, v7;
	v7 =	vor.u32 s20, v3;
	s3 =	sshll.u32 s29, $0x5  }
0x122: {  	p0 =	por !p0, !p0;
	s5 =	simm.s32 $0x4;
	v9 =	vor.u32 s30, v3;
	[tilespmem:s1+$0x2900] =	vst.add.f32.msk $0xffff, v8;
	s3 =	sadd.s32 $0x220, s3  }
0x123: {  	s1 =	simm.s32 $0x200;
	v10 =	vadd.f32 v62, v14;
	v8 =	vld.idx.msk [tilespmem:v63+s22+$0x0], $0xffff;
	s20 =	simm.s32 $0x8;
	s3 =	sor.u32 $0x200, s3  }
.LBB2_11:
0x124: {  	s29 =	simm.s32 $0x1  }
0x125: {  	s8 =	sand.u32 $0x7, s20;
	v12 =	vld [tilespmem:s3+$0x12900];
	s29 =	simm.s32 @!p0 $0x0  }
0x126: {  	s1 =	sadd.s32 $0x200, s1;
	s8 =	sshll.u32 s8, $0x4;
	s29 =	sshll.u32 s29, $0x6;
	v13 =	vld.idx.msk [tilespmem:v7+s22+$0x0], $0xffff  }
0x127: {  	s8 =	sadd.s32 s8, s1;
	s29 =	sadd.s32 s29, s1;
	v14 =	vld.idx.msk [tilespmem:v9+s22+$0x0], $0xffff  }
0x128: {  	s30 =	sadd.s32 $0x10, s8;
	s29 =	sor.u32 $0x200, s29;
	[tilespmem:s10+$0x2900] =	vst.add.f32.msk $0xffff, v10;
	s10 =	smov.u32 s25  }
0x129: {  	s9 =	sadd.s32 $0x40, s9;
	v6 =	vadd.f32 v6, v11;
	s25 =	sor.u32 $0x200, s30;
	v15 =	vld [tilespmem:s29+$0x12900]  }
0x12a: {  	s5 =	sadd.s32 $0x4, s5;
	s2 =	sadd.s32 $0xFFFFFFF0, s9;
	v11 =	vor.u32 s9, v3;
	s30 =	sadd.s32 $0xFFFFFFD0, s9;
	v8 =	vadd.f32 v12, v8;
	v16 =	vld [tilespmem:s25+$0x12900]  }
0x12b: {  	p1 =	slt.u32 s5, $0x7C;
	v7 =	vor.u32 s30, v3;
	s30 =	sadd.s32 $0xFFFFFFE0, s9;
	v12 =	vor.u32 s2, v3;
	s2 =	sadd.s32 $0x30, s8;
	[tilespmem:s19+$0x2900] =	vst.add.f32.msk $0xffff, v6  }
.Ltmp6:
0x12c: {  	s0 =	sadd.s32 $0x2, s0;
	v9 =	vor.u32 s30, v3;
	s19 =	sor.u32 $0x200, s2;
	v13 =	vadd.f32 v4, v13;
	[tilespmem:s3+$0x2900] =	vst.add.f32.msk $0xffff, v8;
	(pc) =	sbr.rel @p1 .LBB2_11-.Ltmp6, $4  }
0x12d: {  	s2 =	sand.u32 $0x3, s0;
	v10 =	vadd.f32 v5, v14;
	v6 =	vld [tilespmem:s19+$0x12900]  }
0x12e: {  	s28 =	sadd.s32 $0x200, s28;
	s2 =	sshll.u32 s2, $0x5;
	[tilespmem:s18+$0x2900] =	vst.add.f32.msk $0xffff, v13;
	v4 =	vmov v15;
	s18 =	smov.u32 s29  }
0x12f: {  	s2 =	sadd.s32 s2, s28;
	v11 =	vld.idx.msk [tilespmem:v11+s22+$0x0], $0xffff;
	v5 =	vmov v16  }
0x130: {  	s20 =	sadd.s32 $0x4, s20;
	p0 =	por !p0, !p0;
	s3 =	sor.u32 $0x200, s2;
	v8 =	vld.idx.msk [tilespmem:v12+s22+$0x0], $0xffff  }
0x131: {  	_ =	sdelay $0x2  }
0x132: {  	v3 =	vld [tilespmem:s3+$0x12900]  }
0x133: {  	v7 =	vld.idx.msk [tilespmem:v7+s22+$0x0], $0xffff;
	s0 =	sor.u32 $0x5, s26  }
0x134: {  	v9 =	vld.idx.msk [tilespmem:v9+s22+$0x0], $0xffff;
	v12 =	vmov s0  }
0x135: {  	v12 =	vand.u32 $0xFFFFFFE5, v12  }
0x136: {  	v6 =	vadd.f32 v6, v11;
	v11 =	vbroadcast v12, $0x0  }
0x137: {  	[tilespmem:s10+$0x2900] =	vst.add.f32.msk $0xffff, v10;
	v3 =	vadd.f32 v3, v8  }
0x138: {  	[tilespmem:s19+$0x2900] =	vst.add.f32.msk $0xffff, v6;
	v4 =	vadd.f32 v4, v7  }
0x139: {  	[tilespmem:s3+$0x2900] =	vst.add.f32.msk $0xffff, v3;
	v3 =	vadd.f32 v5, v9  }
0x13a: {  	[tilespmem:s18+$0x2900] =	vst.add.f32.msk $0xffff, v4  }
0x13b: {  	[tilespmem:s25+$0x2900] =	vst.add.f32.msk $0xffff, v3  }
0x13c: {  	v3 =	vld.idx.msk [tilespmem:v11+s24+$0x0], $0xffff;
	_ =	sdelay $0x2  }
0x13d: {  	s23 =	simm.s32 $0x0  }
0x13e: {  	p0 =	por $0x0, $0x0;
	s1 =	simm.s32 $0x1;
	s2 =	simm.s32 $0x30  }
0x13f: {  	s5 =	simm.s32 $0x20;
	s6 =	simm.s32 $0x0;
	s1 =	simm.s32 @!p0 $0x0;
	v3 =	vshll.u32 v3, $0xB  }
0x140: {  	s0 =	sand.u32 $0x3, s23;
	s1 =	sshll.u32 s1, $0x6;
	s25 =	sand.u32 $0x7, s23;
	v3 =	vor.u32 v0, v3  }
0x141: {  	s0 =	sshll.u32 s0, $0x5;
	s1 =	sadd.s32 $0x0, s1;
	s3 =	sshll.u32 s25, $0x4;
	v4 =	vor.u32 s2, v3  }
0x142: {  	s0 =	sadd.s32 $0x20, s0;
	s30 =	sor.u32 $0x280, s1;
	s29 =	sadd.s32 $0x0, s3;
	v5 =	vor.u32 s5, v3  }
0x143: {  	s0 =	sor.u32 $0x280, s0;
	v6 =	vld [tilespmem:s30+$0x12900];
	s5 =	sadd.s32 $0x30, s29;
	v7 =	vor.u32 s6, v3  }
0x144: {  	s8 =	simm.s32 $0x10;
	v62 =	vld [tilespmem:s0+$0x12900];
	s1 =	sor.u32 $0x280, s5  }
0x145: {  	v9 =	vor.u32 s8, v3;
	v8 =	vld [tilespmem:s1+$0x12900]  }
0x146: {  	s9 =	simm.s32 $0x4;
	p0 =	por !p0, !p0;
	s8 =	simm.s32 $0x1;
	v10 =	vld.idx.msk [tilespmem:v4+s22+$0x0], $0xffff  }
0x147: {  	s18 =	sand.u32 $0x7, s9;
	s2 =	sadd.s32 $0x10, s29;
	s8 =	simm.s32 @!p0 $0x0;
	v11 =	vld.idx.msk [tilespmem:v5+s22+$0x0], $0xffff  }
0x148: {  	s10 =	sor.u32 $0x280, s2;
	s2 =	sshll.u32 s18, $0x4;
	s19 =	sshll.u32 s8, $0x6;
	v7 =	vld.idx.msk [tilespmem:v7+s22+$0x0], $0xffff  }
0x149: {  	s9 =	simm.s32 $0x70;
	v13 =	vld [tilespmem:s10+$0x12900];
	s2 =	sadd.s32 $0x200, s2;
	s5 =	sadd.s32 $0x200, s19  }
0x14a: {  	s20 =	sadd.s32 $0x10, s2;
	s18 =	sor.u32 $0x280, s5;
	v14 =	vld.idx.msk [tilespmem:v9+s22+$0x0], $0xffff;
	v9 =	vor.u32 s9, v3  }
0x14b: {  	s2 =	sadd.s32 $0x30, s2;
	s25 =	sor.u32 $0x280, s20;
	v4 =	vld [tilespmem:s18+$0x12900]  }
0x14c: {  	s21 =	simm.s32 $0x60;
	s19 =	sor.u32 $0x280, s2;
	v5 =	vld [tilespmem:s25+$0x12900];
	v8 =	vadd.f32 v8, v10;
	v10 =	vadd.f32 v62, v11  }
0x14d: {  	v63 =	vor.u32 s21, v3;
	v7 =	vadd.f32 v6, v7;
	v6 =	vld [tilespmem:s19+$0x12900]  }
0x14e: {  	[tilespmem:s0+$0x2900] =	vst.add.f32.msk $0xffff, v10;
	s0 =	simm.s32 $0x2  }
0x14f: {  	s29 =	simm.s32 $0x40;
	v11 =	vld.idx.msk [tilespmem:v9+s22+$0x0], $0xffff;
	s23 =	sand.u32 $0x3, s0  }
0x150: {  	s28 =	simm.s32 $0x220;
	[tilespmem:s30+$0x2900] =	vst.add.f32.msk $0xffff, v7;
	s30 =	simm.s32 $0x50;
	v7 =	vor.u32 s29, v3;
	s2 =	sshll.u32 s23, $0x5  }
0x151: {  	p0 =	por !p0, !p0;
	s5 =	simm.s32 $0x4;
	[tilespmem:s1+$0x2900] =	vst.add.f32.msk $0xffff, v8;
	v9 =	vor.u32 s30, v3;
	s2 =	sadd.s32 $0x220, s2  }
0x152: {  	s20 =	simm.s32 $0x8;
	s1 =	simm.s32 $0x200;
	v10 =	vadd.f32 v13, v14;
	v8 =	vld.idx.msk [tilespmem:v63+s22+$0x0], $0xffff;
	s3 =	sor.u32 $0x280, s2  }
.LBB2_13:
0x153: {  	s8 =	simm.s32 $0x1  }
0x154: {  	s2 =	sand.u32 $0x7, s20;
	v12 =	vld [tilespmem:s3+$0x12900];
	s8 =	simm.s32 @!p0 $0x0  }
0x155: {  	s1 =	sadd.s32 $0x200, s1;
	s2 =	sshll.u32 s2, $0x4;
	s8 =	sshll.u32 s8, $0x6;
	v13 =	vld.idx.msk [tilespmem:v7+s22+$0x0], $0xffff  }
0x156: {  	s2 =	sadd.s32 s2, s1;
	s8 =	sadd.s32 s8, s1;
	v14 =	vld.idx.msk [tilespmem:v9+s22+$0x0], $0xffff  }
0x157: {  	s29 =	sadd.s32 $0x10, s2;
	s8 =	sor.u32 $0x280, s8;
	[tilespmem:s10+$0x2900] =	vst.add.f32.msk $0xffff, v10;
	s10 =	smov.u32 s25  }
0x158: {  	s9 =	sadd.s32 $0x40, s9;
	v6 =	vadd.f32 v6, v11;
	s25 =	sor.u32 $0x280, s29;
	v15 =	vld [tilespmem:s8+$0x12900]  }
0x159: {  	s5 =	sadd.s32 $0x4, s5;
	s30 =	sadd.s32 $0xFFFFFFF0, s9;
	v11 =	vor.u32 s9, v3;
	s29 =	sadd.s32 $0xFFFFFFD0, s9;
	v8 =	vadd.f32 v12, v8;
	v16 =	vld [tilespmem:s25+$0x12900]  }
0x15a: {  	p1 =	slt.u32 s5, $0x7C;
	s2 =	sadd.s32 $0x30, s2;
	v7 =	vor.u32 s29, v3;
	s29 =	sadd.s32 $0xFFFFFFE0, s9;
	v12 =	vor.u32 s30, v3;
	[tilespmem:s19+$0x2900] =	vst.add.f32.msk $0xffff, v6  }
.Ltmp7:
0x15b: {  	s0 =	sadd.s32 $0x2, s0;
	v9 =	vor.u32 s29, v3;
	s19 =	sor.u32 $0x280, s2;
	v13 =	vadd.f32 v4, v13;
	[tilespmem:s3+$0x2900] =	vst.add.f32.msk $0xffff, v8;
	(pc) =	sbr.rel @p1 .LBB2_13-.Ltmp7, $4  }
0x15c: {  	s2 =	sand.u32 $0x3, s0;
	v10 =	vadd.f32 v5, v14;
	v6 =	vld [tilespmem:s19+$0x12900]  }
0x15d: {  	s28 =	sadd.s32 $0x200, s28;
	s2 =	sshll.u32 s2, $0x5;
	[tilespmem:s18+$0x2900] =	vst.add.f32.msk $0xffff, v13;
	v4 =	vmov v15;
	s18 =	smov.u32 s8  }
0x15e: {  	s2 =	sadd.s32 s2, s28;
	v11 =	vld.idx.msk [tilespmem:v11+s22+$0x0], $0xffff;
	v5 =	vmov v16  }
0x15f: {  	s20 =	sadd.s32 $0x4, s20;
	p0 =	por !p0, !p0;
	s3 =	sor.u32 $0x280, s2;
	v8 =	vld.idx.msk [tilespmem:v12+s22+$0x0], $0xffff  }
0x160: {  	_ =	sdelay $0x2  }
0x161: {  	v3 =	vld [tilespmem:s3+$0x12900]  }
0x162: {  	v7 =	vld.idx.msk [tilespmem:v7+s22+$0x0], $0xffff;
	s0 =	sor.u32 $0x6, s26  }
0x163: {  	v9 =	vld.idx.msk [tilespmem:v9+s22+$0x0], $0xffff;
	v12 =	vmov s0  }
0x164: {  	v12 =	vand.u32 $0xFFFFFFE6, v12  }
0x165: {  	v6 =	vadd.f32 v6, v11;
	v11 =	vbroadcast v12, $0x0  }
0x166: {  	[tilespmem:s10+$0x2900] =	vst.add.f32.msk $0xffff, v10;
	v3 =	vadd.f32 v3, v8  }
0x167: {  	[tilespmem:s19+$0x2900] =	vst.add.f32.msk $0xffff, v6;
	v4 =	vadd.f32 v4, v7  }
0x168: {  	[tilespmem:s3+$0x2900] =	vst.add.f32.msk $0xffff, v3;
	v3 =	vadd.f32 v5, v9  }
0x169: {  	[tilespmem:s18+$0x2900] =	vst.add.f32.msk $0xffff, v4  }
0x16a: {  	[tilespmem:s25+$0x2900] =	vst.add.f32.msk $0xffff, v3  }
0x16b: {  	v3 =	vld.idx.msk [tilespmem:v11+s24+$0x0], $0xffff;
	_ =	sdelay $0x2  }
0x16c: {  	s23 =	simm.s32 $0x0  }
0x16d: {  	p0 =	por $0x0, $0x0;
	s1 =	simm.s32 $0x1;
	s2 =	simm.s32 $0x30  }
0x16e: {  	s5 =	simm.s32 $0x20;
	s6 =	simm.s32 $0x0;
	s1 =	simm.s32 @!p0 $0x0;
	v3 =	vshll.u32 v3, $0xB  }
0x16f: {  	s0 =	sand.u32 $0x3, s23;
	s1 =	sshll.u32 s1, $0x6;
	s25 =	sand.u32 $0x7, s23;
	v3 =	vor.u32 v0, v3  }
0x170: {  	s0 =	sshll.u32 s0, $0x5;
	s1 =	sadd.s32 $0x0, s1;
	s3 =	sshll.u32 s25, $0x4;
	v4 =	vor.u32 s2, v3  }
0x171: {  	s0 =	sadd.s32 $0x20, s0;
	s30 =	sor.u32 $0x300, s1;
	s29 =	sadd.s32 $0x0, s3;
	v5 =	vor.u32 s5, v3  }
0x172: {  	s0 =	sor.u32 $0x300, s0;
	v6 =	vld [tilespmem:s30+$0x12900];
	s5 =	sadd.s32 $0x30, s29;
	v7 =	vor.u32 s6, v3  }
0x173: {  	s8 =	simm.s32 $0x10;
	v62 =	vld [tilespmem:s0+$0x12900];
	s1 =	sor.u32 $0x300, s5  }
0x174: {  	v9 =	vor.u32 s8, v3;
	v8 =	vld [tilespmem:s1+$0x12900]  }
0x175: {  	s9 =	simm.s32 $0x4;
	p0 =	por !p0, !p0;
	s8 =	simm.s32 $0x1;
	v10 =	vld.idx.msk [tilespmem:v4+s22+$0x0], $0xffff  }
0x176: {  	s18 =	sand.u32 $0x7, s9;
	s2 =	sadd.s32 $0x10, s29;
	s8 =	simm.s32 @!p0 $0x0;
	v11 =	vld.idx.msk [tilespmem:v5+s22+$0x0], $0xffff  }
0x177: {  	s10 =	sor.u32 $0x300, s2;
	s2 =	sshll.u32 s18, $0x4;
	s19 =	sshll.u32 s8, $0x6;
	v7 =	vld.idx.msk [tilespmem:v7+s22+$0x0], $0xffff  }
0x178: {  	s9 =	simm.s32 $0x70;
	v13 =	vld [tilespmem:s10+$0x12900];
	s2 =	sadd.s32 $0x200, s2;
	s5 =	sadd.s32 $0x200, s19  }
0x179: {  	s20 =	sadd.s32 $0x10, s2;
	s18 =	sor.u32 $0x300, s5;
	v14 =	vld.idx.msk [tilespmem:v9+s22+$0x0], $0xffff;
	v9 =	vor.u32 s9, v3  }
0x17a: {  	s2 =	sadd.s32 $0x30, s2;
	s25 =	sor.u32 $0x300, s20;
	v4 =	vld [tilespmem:s18+$0x12900]  }
0x17b: {  	s21 =	simm.s32 $0x60;
	s19 =	sor.u32 $0x300, s2;
	v5 =	vld [tilespmem:s25+$0x12900];
	v8 =	vadd.f32 v8, v10;
	v10 =	vadd.f32 v62, v11  }
0x17c: {  	v63 =	vor.u32 s21, v3;
	v7 =	vadd.f32 v6, v7;
	v6 =	vld [tilespmem:s19+$0x12900]  }
0x17d: {  	[tilespmem:s0+$0x2900] =	vst.add.f32.msk $0xffff, v10;
	s0 =	simm.s32 $0x2  }
0x17e: {  	s29 =	simm.s32 $0x40;
	v11 =	vld.idx.msk [tilespmem:v9+s22+$0x0], $0xffff;
	s23 =	sand.u32 $0x3, s0  }
0x17f: {  	s28 =	simm.s32 $0x220;
	[tilespmem:s30+$0x2900] =	vst.add.f32.msk $0xffff, v7;
	s30 =	simm.s32 $0x50;
	v7 =	vor.u32 s29, v3;
	s2 =	sshll.u32 s23, $0x5  }
0x180: {  	p0 =	por !p0, !p0;
	s5 =	simm.s32 $0x4;
	[tilespmem:s1+$0x2900] =	vst.add.f32.msk $0xffff, v8;
	v9 =	vor.u32 s30, v3;
	s2 =	sadd.s32 $0x220, s2  }
0x181: {  	s20 =	simm.s32 $0x8;
	s1 =	simm.s32 $0x200;
	v10 =	vadd.f32 v13, v14;
	v8 =	vld.idx.msk [tilespmem:v63+s22+$0x0], $0xffff;
	s3 =	sor.u32 $0x300, s2  }
.LBB2_15:
0x182: {  	s8 =	simm.s32 $0x1  }
0x183: {  	s2 =	sand.u32 $0x7, s20;
	v12 =	vld [tilespmem:s3+$0x12900];
	s8 =	simm.s32 @!p0 $0x0  }
0x184: {  	s1 =	sadd.s32 $0x200, s1;
	s2 =	sshll.u32 s2, $0x4;
	s8 =	sshll.u32 s8, $0x6;
	v13 =	vld.idx.msk [tilespmem:v7+s22+$0x0], $0xffff  }
0x185: {  	s2 =	sadd.s32 s2, s1;
	s8 =	sadd.s32 s8, s1;
	v14 =	vld.idx.msk [tilespmem:v9+s22+$0x0], $0xffff  }
0x186: {  	s29 =	sadd.s32 $0x10, s2;
	s8 =	sor.u32 $0x300, s8;
	[tilespmem:s10+$0x2900] =	vst.add.f32.msk $0xffff, v10;
	s10 =	smov.u32 s25  }
0x187: {  	s9 =	sadd.s32 $0x40, s9;
	v6 =	vadd.f32 v6, v11;
	s25 =	sor.u32 $0x300, s29;
	v15 =	vld [tilespmem:s8+$0x12900]  }
0x188: {  	s5 =	sadd.s32 $0x4, s5;
	s30 =	sadd.s32 $0xFFFFFFF0, s9;
	v11 =	vor.u32 s9, v3;
	s29 =	sadd.s32 $0xFFFFFFD0, s9;
	v8 =	vadd.f32 v12, v8;
	v16 =	vld [tilespmem:s25+$0x12900]  }
0x189: {  	p1 =	slt.u32 s5, $0x7C;
	s2 =	sadd.s32 $0x30, s2;
	v7 =	vor.u32 s29, v3;
	s29 =	sadd.s32 $0xFFFFFFE0, s9;
	v12 =	vor.u32 s30, v3;
	[tilespmem:s19+$0x2900] =	vst.add.f32.msk $0xffff, v6  }
.Ltmp8:
0x18a: {  	s0 =	sadd.s32 $0x2, s0;
	v9 =	vor.u32 s29, v3;
	s19 =	sor.u32 $0x300, s2;
	v13 =	vadd.f32 v4, v13;
	[tilespmem:s3+$0x2900] =	vst.add.f32.msk $0xffff, v8;
	(pc) =	sbr.rel @p1 .LBB2_15-.Ltmp8, $4  }
0x18b: {  	s2 =	sand.u32 $0x3, s0;
	v10 =	vadd.f32 v5, v14;
	v6 =	vld [tilespmem:s19+$0x12900]  }
0x18c: {  	s28 =	sadd.s32 $0x200, s28;
	s2 =	sshll.u32 s2, $0x5;
	[tilespmem:s18+$0x2900] =	vst.add.f32.msk $0xffff, v13;
	v4 =	vmov v15;
	s18 =	smov.u32 s8  }
0x18d: {  	s2 =	sadd.s32 s2, s28;
	v11 =	vld.idx.msk [tilespmem:v11+s22+$0x0], $0xffff;
	v5 =	vmov v16  }
0x18e: {  	s20 =	sadd.s32 $0x4, s20;
	p0 =	por !p0, !p0;
	s3 =	sor.u32 $0x300, s2;
	v8 =	vld.idx.msk [tilespmem:v12+s22+$0x0], $0xffff  }
0x18f: {  	_ =	sdelay $0x2  }
0x190: {  	v3 =	vld [tilespmem:s3+$0x12900]  }
0x191: {  	v7 =	vld.idx.msk [tilespmem:v7+s22+$0x0], $0xffff;
	s0 =	sor.u32 $0x7, s26  }
0x192: {  	v9 =	vld.idx.msk [tilespmem:v9+s22+$0x0], $0xffff;
	v12 =	vmov s0  }
0x193: {  	v12 =	vand.u32 $0xFFFFFFE7, v12  }
0x194: {  	v6 =	vadd.f32 v6, v11;
	v11 =	vbroadcast v12, $0x0  }
0x195: {  	[tilespmem:s10+$0x2900] =	vst.add.f32.msk $0xffff, v10;
	v3 =	vadd.f32 v3, v8  }
0x196: {  	[tilespmem:s19+$0x2900] =	vst.add.f32.msk $0xffff, v6;
	v4 =	vadd.f32 v4, v7  }
0x197: {  	[tilespmem:s3+$0x2900] =	vst.add.f32.msk $0xffff, v3;
	v3 =	vadd.f32 v5, v9  }
0x198: {  	[tilespmem:s18+$0x2900] =	vst.add.f32.msk $0xffff, v4  }
0x199: {  	[tilespmem:s25+$0x2900] =	vst.add.f32.msk $0xffff, v3  }
0x19a: {  	v3 =	vld.idx.msk [tilespmem:v11+s24+$0x0], $0xffff;
	_ =	sdelay $0x2  }
0x19b: {  	s20 =	simm.s32 $0x0  }
0x19c: {  	p0 =	por $0x0, $0x0;
	s1 =	simm.s32 $0x1;
	s2 =	simm.s32 $0x30  }
0x19d: {  	s5 =	simm.s32 $0x20;
	s29 =	simm.s32 $0x0;
	s1 =	simm.s32 @!p0 $0x0;
	v3 =	vshll.u32 v3, $0xB  }
0x19e: {  	s21 =	sand.u32 $0x7, s20;
	s0 =	sand.u32 $0x3, s20;
	s1 =	sshll.u32 s1, $0x6;
	v3 =	vor.u32 v0, v3  }
0x19f: {  	s0 =	sshll.u32 s0, $0x5;
	s1 =	sadd.s32 $0x0, s1;
	s3 =	sshll.u32 s21, $0x4;
	v4 =	vor.u32 s2, v3  }
0x1a0: {  	s0 =	sadd.s32 $0x20, s0;
	s23 =	sadd.s32 $0x0, s3;
	s3 =	sor.u32 $0x380, s1;
	v5 =	vor.u32 s5, v3  }
0x1a1: {  	s6 =	sor.u32 $0x380, s0;
	s25 =	sadd.s32 $0x30, s23;
	v6 =	vld [tilespmem:s3+$0x12900];
	v7 =	vor.u32 s29, v3  }
0x1a2: {  	s30 =	simm.s32 $0x10;
	s1 =	sor.u32 $0x380, s25;
	v62 =	vld [tilespmem:s6+$0x12900]  }
0x1a3: {  	v8 =	vld [tilespmem:s1+$0x12900];
	v9 =	vor.u32 s30, v3  }
0x1a4: {  	s8 =	simm.s32 $0x1;
	p0 =	por !p0, !p0;
	s18 =	simm.s32 $0x4;
	v10 =	vld.idx.msk [tilespmem:v4+s22+$0x0], $0xffff  }
0x1a5: {  	s8 =	simm.s32 @!p0 $0x0;
	s0 =	sand.u32 $0x7, s18;
	s2 =	sadd.s32 $0x10, s23;
	v11 =	vld.idx.msk [tilespmem:v5+s22+$0x0], $0xffff  }
0x1a6: {  	s19 =	sshll.u32 s8, $0x6;
	s0 =	sshll.u32 s0, $0x4;
	s10 =	sor.u32 $0x380, s2;
	v7 =	vld.idx.msk [tilespmem:v7+s22+$0x0], $0xffff  }
0x1a7: {  	s0 =	sadd.s32 $0x200, s0;
	s2 =	sadd.s32 $0x200, s19;
	v13 =	vld [tilespmem:s10+$0x12900]  }
0x1a8: {  	s20 =	sadd.s32 $0x10, s0;
	s18 =	sor.u32 $0x380, s2;
	v9 =	vld.idx.msk [tilespmem:v9+s22+$0x0], $0xffff  }
0x1a9: {  	s9 =	simm.s32 $0x70;
	s0 =	sadd.s32 $0x30, s0;
	s19 =	sor.u32 $0x380, s20;
	v4 =	vld [tilespmem:s18+$0x12900]  }
0x1aa: {  	s21 =	simm.s32 $0x60;
	s0 =	sor.u32 $0x380, s0;
	v5 =	vld [tilespmem:s19+$0x12900];
	v8 =	vadd.f32 v8, v10;
	v10 =	vor.u32 s9, v3  }
0x1ab: {  	v63 =	vor.u32 s21, v3;
	v11 =	vadd.f32 v62, v11;
	v7 =	vadd.f32 v6, v7;
	v6 =	vld [tilespmem:s0+$0x12900]  }
0x1ac: {  	s25 =	simm.s32 $0x2;
	[tilespmem:s1+$0x2900] =	vst.add.f32.msk $0xffff, v8  }
0x1ad: {  	s23 =	sand.u32 $0x3, s25;
	s29 =	simm.s32 $0x40;
	[tilespmem:s6+$0x2900] =	vst.add.f32.msk $0xffff, v11  }
0x1ae: {  	s28 =	simm.s32 $0x220;
	s30 =	simm.s32 $0x50;
	s2 =	sshll.u32 s23, $0x5;
	[tilespmem:s3+$0x2900] =	vst.add.f32.msk $0xffff, v7;
	v7 =	vor.u32 s29, v3  }
0x1af: {  	p0 =	por !p0, !p0;
	s5 =	simm.s32 $0x4;
	s2 =	sadd.s32 $0x220, s2;
	v8 =	vor.u32 s30, v3;
	v11 =	vld.idx.msk [tilespmem:v10+s22+$0x0], $0xffff  }
0x1b0: {  	s20 =	simm.s32 $0x8;
	s1 =	simm.s32 $0x200;
	s3 =	sor.u32 $0x380, s2;
	v10 =	vadd.f32 v13, v9;
	v9 =	vld.idx.msk [tilespmem:v63+s22+$0x0], $0xffff  }
.LBB2_17:
0x1b1: {  	s8 =	simm.s32 $0x1  }
0x1b2: {  	s2 =	sand.u32 $0x7, s20;
	v12 =	vld [tilespmem:s3+$0x12900];
	s8 =	simm.s32 @!p0 $0x0  }
0x1b3: {  	s1 =	sadd.s32 $0x200, s1;
	s2 =	sshll.u32 s2, $0x4;
	s8 =	sshll.u32 s8, $0x6;
	v13 =	vld.idx.msk [tilespmem:v7+s22+$0x0], $0xffff  }
0x1b4: {  	s2 =	sadd.s32 s2, s1;
	s8 =	sadd.s32 s8, s1;
	v14 =	vld.idx.msk [tilespmem:v8+s22+$0x0], $0xffff  }
0x1b5: {  	s29 =	sadd.s32 $0x10, s2;
	s8 =	sor.u32 $0x380, s8;
	[tilespmem:s10+$0x2900] =	vst.add.f32.msk $0xffff, v10;
	s10 =	smov.u32 s19  }
0x1b6: {  	s9 =	sadd.s32 $0x40, s9;
	v6 =	vadd.f32 v6, v11;
	s19 =	sor.u32 $0x380, s29;
	v15 =	vld [tilespmem:s8+$0x12900]  }
0x1b7: {  	s5 =	sadd.s32 $0x4, s5;
	s30 =	sadd.s32 $0xFFFFFFF0, s9;
	v11 =	vor.u32 s9, v3;
	s29 =	sadd.s32 $0xFFFFFFD0, s9;
	v9 =	vadd.f32 v12, v9;
	v16 =	vld [tilespmem:s19+$0x12900]  }
0x1b8: {  	p1 =	slt.u32 s5, $0x7C;
	s2 =	sadd.s32 $0x30, s2;
	v7 =	vor.u32 s29, v3;
	s29 =	sadd.s32 $0xFFFFFFE0, s9;
	v12 =	vor.u32 s30, v3;
	[tilespmem:s0+$0x2900] =	vst.add.f32.msk $0xffff, v6  }
.Ltmp9:
0x1b9: {  	s25 =	sadd.s32 $0x2, s25;
	v8 =	vor.u32 s29, v3;
	s0 =	sor.u32 $0x380, s2;
	v13 =	vadd.f32 v4, v13;
	[tilespmem:s3+$0x2900] =	vst.add.f32.msk $0xffff, v9;
	(pc) =	sbr.rel @p1 .LBB2_17-.Ltmp9, $4  }
0x1ba: {  	s2 =	sand.u32 $0x3, s25;
	v10 =	vadd.f32 v5, v14;
	v6 =	vld [tilespmem:s0+$0x12900]  }
0x1bb: {  	s28 =	sadd.s32 $0x200, s28;
	s2 =	sshll.u32 s2, $0x5;
	[tilespmem:s18+$0x2900] =	vst.add.f32.msk $0xffff, v13;
	v4 =	vmov v15;
	s18 =	smov.u32 s8  }
0x1bc: {  	s2 =	sadd.s32 s2, s28;
	v11 =	vld.idx.msk [tilespmem:v11+s22+$0x0], $0xffff;
	v5 =	vmov v16  }
0x1bd: {  	s20 =	sadd.s32 $0x4, s20;
	p0 =	por !p0, !p0;
	s3 =	sor.u32 $0x380, s2;
	v9 =	vld.idx.msk [tilespmem:v12+s22+$0x0], $0xffff  }
0x1be: {  	_ =	sdelay $0x2  }
0x1bf: {  	v3 =	vld [tilespmem:s3+$0x12900]  }
0x1c0: {  	v7 =	vld.idx.msk [tilespmem:v7+s22+$0x0], $0xffff  }
0x1c1: {  	v8 =	vld.idx.msk [tilespmem:v8+s22+$0x0], $0xffff;
	_ =	sdelay $0x1  }
0x1c2: {  	v6 =	vadd.f32 v6, v11  }
0x1c3: {  	[tilespmem:s10+$0x2900] =	vst.add.f32.msk $0xffff, v10;
	v3 =	vadd.f32 v3, v9  }
0x1c4: {  	[tilespmem:s0+$0x2900] =	vst.add.f32.msk $0xffff, v6;
	v4 =	vadd.f32 v4, v7  }
0x1c5: {  	s2 =	sadd.s32 s7, s26;
	[tilespmem:s3+$0x2900] =	vst.add.f32.msk $0xffff, v3;
	v3 =	vadd.f32 v5, v8  }
0x1c6: {  	s1 =	rddreg [dreg:$0x2];
	s0 =	sshll.u32 s2, $0x8;
	[tilespmem:s18+$0x2900] =	vst.add.f32.msk $0xffff, v4  }
0x1c7: {  	p0 =	seq.s32 s31, $0x0;
	s0 =	sadd.s32 s1, s0;
	s3 =	simm.s32 $0x2900;
	[tilespmem:s19+$0x2900] =	vst.add.f32.msk $0xffff, v3  }
0x1c8: {  	[hbm4b:s0+s4] =	stream.linear.scatter [tilespmem:s3], [sflag:$0x7], $0x4000, $0x38;
	[tilespmem:$0x1A900] =	vst v63  }
0x1c9: {  	s25 =	sshll.u32 s31, $0x2;
	s0 =	simm.s32 @!p0 $0x9  }
0x1ca: {  	s5 =	sor.u32 $0x2, s25;
	_ =	swait.ge @!p0 [sflag:s0], $0x4000  }
0x1cb: {  	s2 =	sshll.u32 s5, $0x7;
	[sflag:s0] =	ssyncset.done @!p0 $0x0  }
0x1cc: {  	s6 =	sand.u32 $0x3FFFFF80, s2;
	[sflag:s0] =	ssyncadd.s32 @!p0 $0xFFFFC000  }
0x1cd: {  	v3 =	vld.msk [tilespmem:s6+$0x0], $0xff;
	_ =	sdelay $0x4  }
0x1ce: {  	v4 =	vshll.u32 v3, $0x4  }
0x1cf: {  	v3 =	vand.u32 $0x7, v3;
	v4 =	vand.u32 $0xFFFFFF80, v4  }
0x1d0: {  	v3 =	vor.u32 v3, v4  }
0x1d1: {  	v3 =	vperm.xlane v3, v1;
	_ =	sdelay $0x1  }
0x1d2: {  	v3 =	vadd.s32 v2, v3;
	_ =	sdelay $0x3  }
0x1d3: {  	s9 =	simm.s32 $0xA900;
	s0 =	simm.s32 $0x0;
	s8 =	rddreg [dreg:$0x1]  }
0x1d4: {  	[tilespmem:s9], [sflag:$0x3] =	stream.indirect_vreg.gather [hbm4b:s8+s0], $0x80, v3, vm0, $0xb8;
	[tilespmem:$0x1A900] =	vst v63  }
0x1d5: {  	s10 =	simm.s32 $0xB100  }
0x1d6: {  	[tilespmem:s10], [sflag:$0x3] =	stream.indirect_vreg.gather [hbm4b:s11+s0], $0x80, v3, vm0, $0xb8;
	[tilespmem:$0x1A900] =	vst v63  }
0x1d7: {  	s18 =	simm.s32 $0xB900  }
0x1d8: {  	[tilespmem:s18], [sflag:$0x3] =	stream.indirect_vreg.gather [hbm4b:s12+s0], $0x80, v3, vm0, $0xb8;
	[tilespmem:$0x1A900] =	vst v63  }
0x1d9: {  	s19 =	simm.s32 $0xC100  }
0x1da: {  	[tilespmem:s19], [sflag:$0x3] =	stream.indirect_vreg.gather [hbm4b:s13+s0], $0x80, v3, vm0, $0xb8;
	[tilespmem:$0x1A900] =	vst v63  }
0x1db: {  	s20 =	simm.s32 $0xC900  }
0x1dc: {  	[tilespmem:s20], [sflag:$0x3] =	stream.indirect_vreg.gather [hbm4b:s14+s0], $0x80, v3, vm0, $0xb8;
	[tilespmem:$0x1A900] =	vst v63  }
0x1dd: {  	s21 =	simm.s32 $0xD100;
	s28 =	sshll.u32 s5, $0x3;
	s2 =	rddreg [dreg:$0x6]  }
0x1de: {  	[tilespmem:s21], [sflag:$0x3] =	stream.indirect_vreg.gather [hbm4b:s15+s0], $0x80, v3, vm0, $0xb8;
	[tilespmem:$0x1A900] =	vst v63  }
0x1df: {  	s23 =	simm.s32 $0xD900;
	s30 =	simm.s32 $0xE100;
	s1 =	sadd.s32 s2, s28  }
0x1e0: {  	[tilespmem:s23], [sflag:$0x3] =	stream.indirect_vreg.gather [hbm4b:s16+s0], $0x80, v3, vm0, $0xb8;
	[tilespmem:$0x1A900] =	vst v63  }
0x1e1: {  	s3 =	rddreg [dreg:$0x5];
	s1 =	sshll.u32 s1, $0x8;
	s10 =	sor.u32 $0x8, s26  }
0x1e2: {  	[tilespmem:s30], [sflag:$0x3] =	stream.indirect_vreg.gather [hbm4b:s17+s0], $0x80, v3, vm0, $0xb8;
	[tilespmem:$0x1A900] =	vst v63  }
0x1e3: {  	s5 =	simm.s32 $0x12900;
	s6 =	simm.s32 $0x2;
	s1 =	sadd.s32 s3, s1;
	v3 =	vmov s10  }
0x1e4: {  	v3 =	vand.u32 $0xFFFFFFE8, v3;
	[tilespmem:s5], [sflag:$0x5] =	stream.linear.gather [hbm4b:s1+s0], $0x4000, $0x38;
	[tilespmem:$0x1A900] =	vst v63  }
0x1e5: {  	v3 =	vbroadcast v3, $0x0;
	_ =	swait.ge [sflag:s6], $0x4000  }
0x1e6: {  	[sflag:s6] =	ssyncset.done $0x0  }
0x1e7: {  	s8 =	simm.s32 $0x6;
	[sflag:s6] =	ssyncadd.s32 $0xFFFFC000  }
0x1e8: {  	_ =	swait.ge [sflag:s8], $0x4000  }
0x1e9: {  	[sflag:s8] =	ssyncset.done $0x0  }
0x1ea: {  	[sflag:s8] =	ssyncadd.s32 $0xFFFFC000  }
0x1eb: {  	v3 =	vld.idx.msk [tilespmem:v3+s24+$0x0], $0xffff;
	_ =	sdelay $0x4  }
0x1ec: {  	v3 =	vshll.u32 v3, $0xB  }
0x1ed: {  	s9 =	simm.s32 $0x20;
	v3 =	vor.u32 v0, v3  }
0x1ee: {  	v4 =	vor.u32 s9, v3  }
0x1ef: {  	s18 =	simm.s32 $0x30  }
0x1f0: {  	s19 =	simm.s32 $0x0;
	s20 =	sand.u32 $0x60, s9;
	s8 =	sand.u32 $0x3C00, s0;
	v5 =	vor.u32 s18, v3  }
0x1f1: {  	s5 =	simm.s32 $0x10;
	s1 =	sor.u32 s8, s20;
	v6 =	vor.u32 s19, v3  }
0x1f2: {  	s21 =	sand.u32 $0x40, s19;
	v8 =	vld [tilespmem:s1+$0x16900];
	v7 =	vor.u32 s5, v3  }
0x1f3: {  	s0 =	sor.u32 s21, s8;
	v4 =	vld.idx.msk [tilespmem:v4+s22+$0x0], $0xffff  }
0x1f4: {  	v10 =	vld [tilespmem:s0+$0x16900]  }
0x1f5: {  	s30 =	simm.s32 $0x60;
	v11 =	vld.idx.msk [tilespmem:v5+s22+$0x0], $0xffff  }
0x1f6: {  	s23 =	sand.u32 $0x50, s5;
	s9 =	simm.s32 $0x70;
	v9 =	vor.u32 s30, v3;
	v5 =	vld.idx.msk [tilespmem:v6+s22+$0x0], $0xffff  }
0x1f7: {  	s2 =	sand.u32 $0x70, s18;
	s18 =	sor.u32 s8, s23;
	v6 =	vld.idx.msk [tilespmem:v7+s22+$0x0], $0xffff;
	v7 =	vor.u32 s9, v3  }
0x1f8: {  	s6 =	simm.s32 $0x40;
	s19 =	sor.u32 s8, s2;
	v14 =	vld [tilespmem:s18+$0x16900];
	v4 =	vadd.f32 v8, v4  }
0x1f9: {  	s8 =	simm.s32 $0x50;
	v15 =	vld [tilespmem:s19+$0x16900];
	v8 =	vor.u32 s6, v3  }
0x1fa: {  	v16 =	vor.u32 s8, v3;
	[tilespmem:s1+$0x6900] =	vst.add.f32.msk $0xffff, v4;
	s1 =	simm.s32 $0x200  }
0x1fb: {  	s5 =	sand.u32 $0x60, s30;
	v12 =	vld.idx.msk [tilespmem:v9+s22+$0x0], $0xffff;
	s21 =	sand.u32 $0x3C00, s1  }
0x1fc: {  	v4 =	vld.idx.msk [tilespmem:v7+s22+$0x0], $0xffff;
	s20 =	sor.u32 s21, s5  }
0x1fd: {  	v13 =	vld [tilespmem:s20+$0x16900]  }
0x1fe: {  	s2 =	sand.u32 $0x40, s6;
	v9 =	vld.idx.msk [tilespmem:v8+s22+$0x0], $0xffff  }
0x1ff: {  	s23 =	sand.u32 $0x50, s8;
	s3 =	sor.u32 s2, s21;
	v8 =	vld.idx.msk [tilespmem:v16+s22+$0x0], $0xffff  }
0x200: {  	s30 =	sand.u32 $0x70, s9;
	v7 =	vadd.f32 v10, v5;
	s5 =	sor.u32 s21, s23;
	v10 =	vld [tilespmem:s3+$0x16900]  }
0x201: {  	s29 =	simm.s32 $0xB0;
	s9 =	simm.s32 $0x4;
	v5 =	vadd.f32 v14, v6;
	v6 =	vadd.f32 v15, v11;
	s8 =	sor.u32 s21, s30;
	v11 =	vld [tilespmem:s5+$0x16900]  }
.LBB2_19:
0x202: {  	s2 =	sadd.s32 $0xFFFFFFE0, s29;
	s30 =	sadd.s32 $0xFFFFFFF0, s29;
	v14 =	vor.u32 s29, v3;
	s9 =	sadd.s32 $0x4, s9;
	v12 =	vadd.f32 v13, v12;
	v13 =	vld [tilespmem:s8+$0x16900]  }
0x203: {  	s21 =	sadd.s32 $0xFFFFFFD0, s29;
	v15 =	vor.u32 s2, v3;
	s2 =	sand.u32 $0x50, s2;
	v16 =	vor.u32 s30, v3;
	p1 =	slt.u32 s9, $0x7C;
	[tilespmem:s0+$0x6900] =	vst.add.f32.msk $0xffff, v7  }
0x204: {  	s23 =	sand.u32 $0x70, s29;
	v17 =	vor.u32 s21, v3;
	s21 =	sand.u32 $0x40, s21;
	s0 =	smov.u32 s3;
	[tilespmem:s20+$0x6900] =	vst.add.f32.msk $0xffff, v12  }
0x205: {  	v7 =	vadd.f32 v10, v9;
	[tilespmem:s18+$0x6900] =	vst.add.f32.msk $0xffff, v5;
	s18 =	smov.u32 s5  }
0x206: {  	s1 =	sadd.s32 $0x200, s1;
	v5 =	vadd.f32 v11, v8;
	[tilespmem:s19+$0x6900] =	vst.add.f32.msk $0xffff, v6;
	s19 =	smov.u32 s8  }
0x207: {  	s20 =	sand.u32 $0x60, s30;
	s8 =	sand.u32 $0x3C00, s1;
	v6 =	vadd.f32 v13, v4;
	v4 =	vld.idx.msk [tilespmem:v14+s22+$0x0], $0xffff  }
0x208: {  	s3 =	sor.u32 s21, s8;
	s5 =	sor.u32 s8, s2;
	s20 =	sor.u32 s8, s20;
	v12 =	vld.idx.msk [tilespmem:v16+s22+$0x0], $0xffff  }
.Ltmp10:
0x209: {  	s8 =	sor.u32 s8, s23;
	v13 =	vld [tilespmem:s20+$0x16900];
	(pc) =	sbr.rel @p1 .LBB2_19-.Ltmp10, $4  }
0x20a: {  	v9 =	vld.idx.msk [tilespmem:v17+s22+$0x0], $0xffff  }
0x20b: {  	v8 =	vld.idx.msk [tilespmem:v15+s22+$0x0], $0xffff  }
0x20c: {  	v10 =	vld [tilespmem:s3+$0x16900]  }
0x20d: {  	s29 =	sadd.s32 $0x40, s29;
	v11 =	vld [tilespmem:s5+$0x16900]  }
0x20e: {  	s1 =	sor.u32 $0x9, s26  }
0x20f: {  	v3 =	vadd.f32 v13, v12;
	v12 =	vld [tilespmem:s8+$0x16900];
	v13 =	vmov s1  }
0x210: {  	[tilespmem:s0+$0x6900] =	vst.add.f32.msk $0xffff, v7;
	v7 =	vand.u32 $0xFFFFFFE9, v13  }
0x211: {  	[tilespmem:s20+$0x6900] =	vst.add.f32.msk $0xffff, v3;
	v3 =	vbroadcast v7, $0x0  }
0x212: {  	[tilespmem:s18+$0x6900] =	vst.add.f32.msk $0xffff, v5;
	v7 =	vadd.f32 v10, v9  }
0x213: {  	[tilespmem:s19+$0x6900] =	vst.add.f32.msk $0xffff, v6;
	v5 =	vadd.f32 v11, v8  }
0x214: {  	v4 =	vadd.f32 v12, v4;
	[tilespmem:s3+$0x6900] =	vst.add.f32.msk $0xffff, v7  }
0x215: {  	[tilespmem:s5+$0x6900] =	vst.add.f32.msk $0xffff, v5  }
0x216: {  	[tilespmem:s8+$0x6900] =	vst.add.f32.msk $0xffff, v4  }
0x217: {  	v3 =	vld.idx.msk [tilespmem:v3+s24+$0x0], $0xffff;
	_ =	sdelay $0x4  }
0x218: {  	v3 =	vshll.u32 v3, $0xB  }
0x219: {  	s19 =	simm.s32 $0x20;
	v3 =	vor.u32 v0, v3  }
0x21a: {  	s2 =	simm.s32 $0x0;
	s21 =	simm.s32 $0x0;
	s20 =	simm.s32 $0x30;
	v4 =	vor.u32 s19, v3  }
0x21b: {  	s23 =	simm.s32 $0x10;
	s0 =	sand.u32 $0x60, s19;
	s3 =	sand.u32 $0x3C00, s21;
	v5 =	vor.u32 s20, v3  }
0x21c: {  	s30 =	sor.u32 s0, s3;
	s5 =	sand.u32 $0x50, s23;
	v6 =	vor.u32 s2, v3  }
0x21d: {  	s18 =	sor.u32 s5, s3;
	v8 =	vld [tilespmem:s30+$0x16980];
	v7 =	vor.u32 s23, v3  }
0x21e: {  	v14 =	vld [tilespmem:s18+$0x16980]  }
0x21f: {  	s9 =	simm.s32 $0x60;
	v4 =	vld.idx.msk [tilespmem:v4+s22+$0x0], $0xffff  }
0x220: {  	v9 =	vor.u32 s9, v3;
	v11 =	vld.idx.msk [tilespmem:v5+s22+$0x0], $0xffff  }
0x221: {  	s6 =	simm.s32 $0x70;
	s1 =	sand.u32 $0x70, s20;
	v5 =	vld.idx.msk [tilespmem:v6+s22+$0x0], $0xffff  }
0x222: {  	s2 =	sand.u32 $0x40, s2;
	s19 =	sor.u32 s1, s3;
	v6 =	vld.idx.msk [tilespmem:v7+s22+$0x0], $0xffff;
	v7 =	vor.u32 s6, v3  }
0x223: {  	s0 =	sor.u32 s2, s3;
	v15 =	vld [tilespmem:s19+$0x16980]  }
0x224: {  	v10 =	vld [tilespmem:s0+$0x16980];
	v4 =	vadd.f32 v8, v4  }
0x225: {  	s21 =	simm.s32 $0x40;
	s1 =	simm.s32 $0x200;
	v12 =	vld.idx.msk [tilespmem:v9+s22+$0x0], $0xffff  }
0x226: {  	s23 =	simm.s32 $0x50;
	s9 =	sand.u32 $0x60, s9;
	v8 =	vor.u32 s21, v3;
	[tilespmem:s30+$0x6980] =	vst.add.f32.msk $0xffff, v4;
	s30 =	sand.u32 $0x3C00, s1  }
0x227: {  	v16 =	vor.u32 s23, v3;
	s3 =	sand.u32 $0x40, s21;
	v4 =	vld.idx.msk [tilespmem:v7+s22+$0x0], $0xffff;
	s20 =	sor.u32 s9, s30  }
0x228: {  	s5 =	sand.u32 $0x50, s23;
	s3 =	sor.u32 s3, s30;
	v13 =	vld [tilespmem:s20+$0x16980]  }
0x229: {  	v7 =	vadd.f32 v10, v5;
	s5 =	sor.u32 s5, s30;
	v10 =	vld [tilespmem:s3+$0x16980]  }
0x22a: {  	v5 =	vadd.f32 v14, v6;
	v6 =	vadd.f32 v15, v11;
	v11 =	vld [tilespmem:s5+$0x16980]  }
0x22b: {  	s2 =	sand.u32 $0x70, s6;
	v9 =	vld.idx.msk [tilespmem:v8+s22+$0x0], $0xffff  }
0x22c: {  	s29 =	simm.s32 $0xB0;
	s9 =	simm.s32 $0x4;
	s8 =	sor.u32 s2, s30;
	v8 =	vld.idx.msk [tilespmem:v16+s22+$0x0], $0xffff  }
.LBB2_21:
0x22d: {  	s2 =	sadd.s32 $0xFFFFFFE0, s29;
	s21 =	sadd.s32 $0xFFFFFFF0, s29;
	v14 =	vor.u32 s29, v3;
	s9 =	sadd.s32 $0x4, s9;
	v12 =	vadd.f32 v13, v12;
	v13 =	vld [tilespmem:s8+$0x16980]  }
0x22e: {  	s23 =	sadd.s32 $0xFFFFFFD0, s29;
	v15 =	vor.u32 s2, v3;
	s2 =	sand.u32 $0x50, s2;
	v16 =	vor.u32 s21, v3;
	p1 =	slt.u32 s9, $0x7C;
	[tilespmem:s0+$0x6980] =	vst.add.f32.msk $0xffff, v7  }
0x22f: {  	s30 =	sand.u32 $0x70, s29;
	v17 =	vor.u32 s23, v3;
	s23 =	sand.u32 $0x40, s23;
	s0 =	smov.u32 s3;
	[tilespmem:s20+$0x6980] =	vst.add.f32.msk $0xffff, v12  }
0x230: {  	v7 =	vadd.f32 v10, v9;
	[tilespmem:s18+$0x6980] =	vst.add.f32.msk $0xffff, v5;
	s18 =	smov.u32 s5  }
0x231: {  	s1 =	sadd.s32 $0x200, s1;
	v5 =	vadd.f32 v11, v8;
	[tilespmem:s19+$0x6980] =	vst.add.f32.msk $0xffff, v6;
	s19 =	smov.u32 s8  }
0x232: {  	s20 =	sand.u32 $0x60, s21;
	s8 =	sand.u32 $0x3C00, s1;
	v6 =	vadd.f32 v13, v4;
	v4 =	vld.idx.msk [tilespmem:v14+s22+$0x0], $0xffff  }
0x233: {  	s3 =	sor.u32 s23, s8;
	s5 =	sor.u32 s2, s8;
	s20 =	sor.u32 s20, s8;
	v12 =	vld.idx.msk [tilespmem:v16+s22+$0x0], $0xffff  }
.Ltmp11:
0x234: {  	s8 =	sor.u32 s30, s8;
	v13 =	vld [tilespmem:s20+$0x16980];
	(pc) =	sbr.rel @p1 .LBB2_21-.Ltmp11, $4  }
0x235: {  	v9 =	vld.idx.msk [tilespmem:v17+s22+$0x0], $0xffff  }
0x236: {  	v8 =	vld.idx.msk [tilespmem:v15+s22+$0x0], $0xffff  }
0x237: {  	v10 =	vld [tilespmem:s3+$0x16980]  }
0x238: {  	s29 =	sadd.s32 $0x40, s29;
	v11 =	vld [tilespmem:s5+$0x16980]  }
0x239: {  	s1 =	sor.u32 $0xA, s26  }
0x23a: {  	v3 =	vadd.f32 v13, v12;
	v12 =	vld [tilespmem:s8+$0x16980];
	v13 =	vmov s1  }
0x23b: {  	[tilespmem:s0+$0x6980] =	vst.add.f32.msk $0xffff, v7;
	v7 =	vand.u32 $0xFFFFFFEA, v13  }
0x23c: {  	[tilespmem:s20+$0x6980] =	vst.add.f32.msk $0xffff, v3;
	v3 =	vbroadcast v7, $0x0  }
0x23d: {  	[tilespmem:s18+$0x6980] =	vst.add.f32.msk $0xffff, v5;
	v7 =	vadd.f32 v10, v9  }
0x23e: {  	[tilespmem:s19+$0x6980] =	vst.add.f32.msk $0xffff, v6;
	v5 =	vadd.f32 v11, v8  }
0x23f: {  	v4 =	vadd.f32 v12, v4;
	[tilespmem:s3+$0x6980] =	vst.add.f32.msk $0xffff, v7  }
0x240: {  	[tilespmem:s5+$0x6980] =	vst.add.f32.msk $0xffff, v5  }
0x241: {  	[tilespmem:s8+$0x6980] =	vst.add.f32.msk $0xffff, v4  }
0x242: {  	v3 =	vld.idx.msk [tilespmem:v3+s24+$0x0], $0xffff;
	_ =	sdelay $0x4  }
0x243: {  	v3 =	vshll.u32 v3, $0xB  }
0x244: {  	s19 =	simm.s32 $0x20;
	v3 =	vor.u32 v0, v3  }
0x245: {  	s2 =	simm.s32 $0x0;
	s21 =	simm.s32 $0x0;
	s20 =	simm.s32 $0x30;
	v4 =	vor.u32 s19, v3  }
0x246: {  	s23 =	simm.s32 $0x10;
	s0 =	sand.u32 $0x60, s19;
	s3 =	sand.u32 $0x3C00, s21;
	v5 =	vor.u32 s20, v3  }
0x247: {  	s30 =	sor.u32 s0, s3;
	s5 =	sand.u32 $0x50, s23;
	v6 =	vor.u32 s2, v3  }
0x248: {  	s18 =	sor.u32 s5, s3;
	v8 =	vld [tilespmem:s30+$0x16A00];
	v7 =	vor.u32 s23, v3  }
0x249: {  	v14 =	vld [tilespmem:s18+$0x16A00]  }
0x24a: {  	s9 =	simm.s32 $0x60;
	v4 =	vld.idx.msk [tilespmem:v4+s22+$0x0], $0xffff  }
0x24b: {  	v9 =	vor.u32 s9, v3;
	v11 =	vld.idx.msk [tilespmem:v5+s22+$0x0], $0xffff  }
0x24c: {  	s6 =	simm.s32 $0x70;
	s1 =	sand.u32 $0x70, s20;
	v5 =	vld.idx.msk [tilespmem:v6+s22+$0x0], $0xffff  }
0x24d: {  	s2 =	sand.u32 $0x40, s2;
	s19 =	sor.u32 s1, s3;
	v6 =	vld.idx.msk [tilespmem:v7+s22+$0x0], $0xffff;
	v7 =	vor.u32 s6, v3  }
0x24e: {  	s0 =	sor.u32 s2, s3;
	v15 =	vld [tilespmem:s19+$0x16A00]  }
0x24f: {  	v10 =	vld [tilespmem:s0+$0x16A00];
	v4 =	vadd.f32 v8, v4  }
0x250: {  	s21 =	simm.s32 $0x40;
	s1 =	simm.s32 $0x200;
	v12 =	vld.idx.msk [tilespmem:v9+s22+$0x0], $0xffff  }
0x251: {  	s23 =	simm.s32 $0x50;
	s9 =	sand.u32 $0x60, s9;
	v8 =	vor.u32 s21, v3;
	[tilespmem:s30+$0x6A00] =	vst.add.f32.msk $0xffff, v4;
	s30 =	sand.u32 $0x3C00, s1  }
0x252: {  	v16 =	vor.u32 s23, v3;
	s3 =	sand.u32 $0x40, s21;
	v4 =	vld.idx.msk [tilespmem:v7+s22+$0x0], $0xffff;
	s20 =	sor.u32 s9, s30  }
0x253: {  	s5 =	sand.u32 $0x50, s23;
	s3 =	sor.u32 s3, s30;
	v13 =	vld [tilespmem:s20+$0x16A00]  }
0x254: {  	v7 =	vadd.f32 v10, v5;
	s5 =	sor.u32 s5, s30;
	v10 =	vld [tilespmem:s3+$0x16A00]  }
0x255: {  	v5 =	vadd.f32 v14, v6;
	v6 =	vadd.f32 v15, v11;
	v11 =	vld [tilespmem:s5+$0x16A00]  }
0x256: {  	s2 =	sand.u32 $0x70, s6;
	v9 =	vld.idx.msk [tilespmem:v8+s22+$0x0], $0xffff  }
0x257: {  	s29 =	simm.s32 $0xB0;
	s9 =	simm.s32 $0x4;
	s8 =	sor.u32 s2, s30;
	v8 =	vld.idx.msk [tilespmem:v16+s22+$0x0], $0xffff  }
.LBB2_23:
0x258: {  	s2 =	sadd.s32 $0xFFFFFFE0, s29;
	s21 =	sadd.s32 $0xFFFFFFF0, s29;
	v14 =	vor.u32 s29, v3;
	s9 =	sadd.s32 $0x4, s9;
	v12 =	vadd.f32 v13, v12;
	v13 =	vld [tilespmem:s8+$0x16A00]  }
0x259: {  	s23 =	sadd.s32 $0xFFFFFFD0, s29;
	v15 =	vor.u32 s2, v3;
	s2 =	sand.u32 $0x50, s2;
	v16 =	vor.u32 s21, v3;
	p1 =	slt.u32 s9, $0x7C;
	[tilespmem:s0+$0x6A00] =	vst.add.f32.msk $0xffff, v7  }
0x25a: {  	s30 =	sand.u32 $0x70, s29;
	v17 =	vor.u32 s23, v3;
	s23 =	sand.u32 $0x40, s23;
	s0 =	smov.u32 s3;
	[tilespmem:s20+$0x6A00] =	vst.add.f32.msk $0xffff, v12  }
0x25b: {  	v7 =	vadd.f32 v10, v9;
	[tilespmem:s18+$0x6A00] =	vst.add.f32.msk $0xffff, v5;
	s18 =	smov.u32 s5  }
0x25c: {  	s1 =	sadd.s32 $0x200, s1;
	v5 =	vadd.f32 v11, v8;
	[tilespmem:s19+$0x6A00] =	vst.add.f32.msk $0xffff, v6;
	s19 =	smov.u32 s8  }
0x25d: {  	s20 =	sand.u32 $0x60, s21;
	s8 =	sand.u32 $0x3C00, s1;
	v6 =	vadd.f32 v13, v4;
	v4 =	vld.idx.msk [tilespmem:v14+s22+$0x0], $0xffff  }
0x25e: {  	s3 =	sor.u32 s23, s8;
	s5 =	sor.u32 s2, s8;
	s20 =	sor.u32 s20, s8;
	v12 =	vld.idx.msk [tilespmem:v16+s22+$0x0], $0xffff  }
.Ltmp12:
0x25f: {  	s8 =	sor.u32 s30, s8;
	v13 =	vld [tilespmem:s20+$0x16A00];
	(pc) =	sbr.rel @p1 .LBB2_23-.Ltmp12, $4  }
0x260: {  	v9 =	vld.idx.msk [tilespmem:v17+s22+$0x0], $0xffff  }
0x261: {  	v8 =	vld.idx.msk [tilespmem:v15+s22+$0x0], $0xffff  }
0x262: {  	v10 =	vld [tilespmem:s3+$0x16A00]  }
0x263: {  	s29 =	sadd.s32 $0x40, s29;
	v11 =	vld [tilespmem:s5+$0x16A00]  }
0x264: {  	s1 =	sor.u32 $0xB, s26  }
0x265: {  	v3 =	vadd.f32 v13, v12;
	v12 =	vld [tilespmem:s8+$0x16A00];
	v13 =	vmov s1  }
0x266: {  	[tilespmem:s0+$0x6A00] =	vst.add.f32.msk $0xffff, v7;
	v7 =	vand.u32 $0xFFFFFFEB, v13  }
0x267: {  	[tilespmem:s20+$0x6A00] =	vst.add.f32.msk $0xffff, v3;
	v3 =	vbroadcast v7, $0x0  }
0x268: {  	[tilespmem:s18+$0x6A00] =	vst.add.f32.msk $0xffff, v5;
	v7 =	vadd.f32 v10, v9  }
0x269: {  	[tilespmem:s19+$0x6A00] =	vst.add.f32.msk $0xffff, v6;
	v5 =	vadd.f32 v11, v8  }
0x26a: {  	v4 =	vadd.f32 v12, v4;
	[tilespmem:s3+$0x6A00] =	vst.add.f32.msk $0xffff, v7  }
0x26b: {  	[tilespmem:s5+$0x6A00] =	vst.add.f32.msk $0xffff, v5  }
0x26c: {  	[tilespmem:s8+$0x6A00] =	vst.add.f32.msk $0xffff, v4  }
0x26d: {  	v3 =	vld.idx.msk [tilespmem:v3+s24+$0x0], $0xffff;
	_ =	sdelay $0x4  }
0x26e: {  	v3 =	vshll.u32 v3, $0xB  }
0x26f: {  	s19 =	simm.s32 $0x20;
	v3 =	vor.u32 v0, v3  }
0x270: {  	s2 =	simm.s32 $0x0;
	s21 =	simm.s32 $0x0;
	s20 =	simm.s32 $0x30;
	v4 =	vor.u32 s19, v3  }
0x271: {  	s23 =	simm.s32 $0x10;
	s0 =	sand.u32 $0x60, s19;
	s3 =	sand.u32 $0x3C00, s21;
	v5 =	vor.u32 s20, v3  }
0x272: {  	s30 =	sor.u32 s0, s3;
	s5 =	sand.u32 $0x50, s23;
	v6 =	vor.u32 s2, v3  }
0x273: {  	s18 =	sor.u32 s5, s3;
	v8 =	vld [tilespmem:s30+$0x16A80];
	v7 =	vor.u32 s23, v3  }
0x274: {  	v14 =	vld [tilespmem:s18+$0x16A80]  }
0x275: {  	s9 =	simm.s32 $0x60;
	v4 =	vld.idx.msk [tilespmem:v4+s22+$0x0], $0xffff  }
0x276: {  	v9 =	vor.u32 s9, v3;
	v11 =	vld.idx.msk [tilespmem:v5+s22+$0x0], $0xffff  }
0x277: {  	s6 =	simm.s32 $0x70;
	s1 =	sand.u32 $0x70, s20;
	v5 =	vld.idx.msk [tilespmem:v6+s22+$0x0], $0xffff  }
0x278: {  	s2 =	sand.u32 $0x40, s2;
	s19 =	sor.u32 s1, s3;
	v6 =	vld.idx.msk [tilespmem:v7+s22+$0x0], $0xffff;
	v7 =	vor.u32 s6, v3  }
0x279: {  	s0 =	sor.u32 s2, s3;
	v15 =	vld [tilespmem:s19+$0x16A80]  }
0x27a: {  	v10 =	vld [tilespmem:s0+$0x16A80];
	v4 =	vadd.f32 v8, v4  }
0x27b: {  	s21 =	simm.s32 $0x40;
	s1 =	simm.s32 $0x200;
	v12 =	vld.idx.msk [tilespmem:v9+s22+$0x0], $0xffff  }
0x27c: {  	s23 =	simm.s32 $0x50;
	s9 =	sand.u32 $0x60, s9;
	v8 =	vor.u32 s21, v3;
	[tilespmem:s30+$0x6A80] =	vst.add.f32.msk $0xffff, v4;
	s30 =	sand.u32 $0x3C00, s1  }
0x27d: {  	v16 =	vor.u32 s23, v3;
	s3 =	sand.u32 $0x40, s21;
	v4 =	vld.idx.msk [tilespmem:v7+s22+$0x0], $0xffff;
	s20 =	sor.u32 s9, s30  }
0x27e: {  	s5 =	sand.u32 $0x50, s23;
	s3 =	sor.u32 s3, s30;
	v13 =	vld [tilespmem:s20+$0x16A80]  }
0x27f: {  	v7 =	vadd.f32 v10, v5;
	s5 =	sor.u32 s5, s30;
	v10 =	vld [tilespmem:s3+$0x16A80]  }
0x280: {  	v5 =	vadd.f32 v14, v6;
	v6 =	vadd.f32 v15, v11;
	v11 =	vld [tilespmem:s5+$0x16A80]  }
0x281: {  	s2 =	sand.u32 $0x70, s6;
	v9 =	vld.idx.msk [tilespmem:v8+s22+$0x0], $0xffff  }
0x282: {  	s29 =	simm.s32 $0xB0;
	s9 =	simm.s32 $0x4;
	s8 =	sor.u32 s2, s30;
	v8 =	vld.idx.msk [tilespmem:v16+s22+$0x0], $0xffff  }
.LBB2_25:
0x283: {  	s2 =	sadd.s32 $0xFFFFFFE0, s29;
	s21 =	sadd.s32 $0xFFFFFFF0, s29;
	v14 =	vor.u32 s29, v3;
	s9 =	sadd.s32 $0x4, s9;
	v12 =	vadd.f32 v13, v12;
	v13 =	vld [tilespmem:s8+$0x16A80]  }
0x284: {  	s23 =	sadd.s32 $0xFFFFFFD0, s29;
	v15 =	vor.u32 s2, v3;
	s2 =	sand.u32 $0x50, s2;
	v16 =	vor.u32 s21, v3;
	p1 =	slt.u32 s9, $0x7C;
	[tilespmem:s0+$0x6A80] =	vst.add.f32.msk $0xffff, v7  }
0x285: {  	s30 =	sand.u32 $0x70, s29;
	v17 =	vor.u32 s23, v3;
	s23 =	sand.u32 $0x40, s23;
	s0 =	smov.u32 s3;
	[tilespmem:s20+$0x6A80] =	vst.add.f32.msk $0xffff, v12  }
0x286: {  	v7 =	vadd.f32 v10, v9;
	[tilespmem:s18+$0x6A80] =	vst.add.f32.msk $0xffff, v5;
	s18 =	smov.u32 s5  }
0x287: {  	s1 =	sadd.s32 $0x200, s1;
	v5 =	vadd.f32 v11, v8;
	[tilespmem:s19+$0x6A80] =	vst.add.f32.msk $0xffff, v6;
	s19 =	smov.u32 s8  }
0x288: {  	s20 =	sand.u32 $0x60, s21;
	s8 =	sand.u32 $0x3C00, s1;
	v6 =	vadd.f32 v13, v4;
	v4 =	vld.idx.msk [tilespmem:v14+s22+$0x0], $0xffff  }
0x289: {  	s3 =	sor.u32 s23, s8;
	s5 =	sor.u32 s2, s8;
	s20 =	sor.u32 s20, s8;
	v12 =	vld.idx.msk [tilespmem:v16+s22+$0x0], $0xffff  }
.Ltmp13:
0x28a: {  	s8 =	sor.u32 s30, s8;
	v13 =	vld [tilespmem:s20+$0x16A80];
	(pc) =	sbr.rel @p1 .LBB2_25-.Ltmp13, $4  }
0x28b: {  	v9 =	vld.idx.msk [tilespmem:v17+s22+$0x0], $0xffff  }
0x28c: {  	v8 =	vld.idx.msk [tilespmem:v15+s22+$0x0], $0xffff  }
0x28d: {  	v10 =	vld [tilespmem:s3+$0x16A80]  }
0x28e: {  	s29 =	sadd.s32 $0x40, s29;
	v11 =	vld [tilespmem:s5+$0x16A80]  }
0x28f: {  	s1 =	sor.u32 $0xC, s26  }
0x290: {  	v3 =	vadd.f32 v13, v12;
	v59 =	vld [tilespmem:s8+$0x16A80];
	v60 =	vmov s1  }
0x291: {  	[tilespmem:s0+$0x6A80] =	vst.add.f32.msk $0xffff, v7;
	v7 =	vand.u32 $0xFFFFFFEC, v60  }
0x292: {  	[tilespmem:s20+$0x6A80] =	vst.add.f32.msk $0xffff, v3;
	v3 =	vbroadcast v7, $0x0  }
0x293: {  	[tilespmem:s18+$0x6A80] =	vst.add.f32.msk $0xffff, v5;
	v7 =	vadd.f32 v10, v9  }
0x294: {  	[tilespmem:s19+$0x6A80] =	vst.add.f32.msk $0xffff, v6;
	v5 =	vadd.f32 v11, v8  }
0x295: {  	v4 =	vadd.f32 v59, v4;
	[tilespmem:s3+$0x6A80] =	vst.add.f32.msk $0xffff, v7  }
0x296: {  	[tilespmem:s5+$0x6A80] =	vst.add.f32.msk $0xffff, v5  }
0x297: {  	[tilespmem:s8+$0x6A80] =	vst.add.f32.msk $0xffff, v4  }
0x298: {  	v3 =	vld.idx.msk [tilespmem:v3+s24+$0x0], $0xffff;
	_ =	sdelay $0x2  }
0x299: {  	p1 =	por $0x0, $0x0;
	s2 =	simm.s32 $0x30;
	s1 =	simm.s32 $0x1  }
0x29a: {  	s9 =	simm.s32 $0x0;
	s20 =	simm.s32 $0x0;
	s1 =	simm.s32 @!p1 $0x0  }
0x29b: {  	s21 =	sand.u32 $0x7, s20;
	s1 =	sshll.u32 s1, $0x6;
	s0 =	sand.u32 $0x3, s20;
	v3 =	vshll.u32 v3, $0xB  }
0x29c: {  	s1 =	sadd.s32 $0x0, s1;
	s0 =	sshll.u32 s0, $0x5;
	s3 =	sshll.u32 s21, $0x4;
	v3 =	vor.u32 v0, v3  }
0x29d: {  	s0 =	sadd.s32 $0x20, s0;
	s6 =	sadd.s32 $0x0, s3;
	s3 =	sor.u32 $0x200, s1;
	v4 =	vor.u32 s2, v3  }
0x29e: {  	s23 =	simm.s32 $0x20;
	s5 =	sor.u32 $0x200, s0;
	s8 =	sadd.s32 $0x30, s6;
	v6 =	vld [tilespmem:s3+$0x16900];
	v7 =	vor.u32 s9, v3  }
0x29f: {  	s18 =	simm.s32 $0x10;
	s1 =	sor.u32 $0x200, s8;
	v61 =	vld [tilespmem:s5+$0x16900];
	v5 =	vor.u32 s23, v3;
	s2 =	sadd.s32 $0x10, s6  }
0x2a0: {  	v8 =	vld [tilespmem:s1+$0x16900];
	v9 =	vor.u32 s18, v3;
	s18 =	sor.u32 $0x200, s2  }
0x2a1: {  	s19 =	simm.s32 $0x4;
	p1 =	por !p1, !p1;
	s8 =	simm.s32 $0x1;
	v62 =	vld [tilespmem:s18+$0x16900]  }
0x2a2: {  	s0 =	sand.u32 $0x7, s19;
	s8 =	simm.s32 @!p1 $0x0;
	v10 =	vld.idx.msk [tilespmem:v4+s22+$0x0], $0xffff  }
0x2a3: {  	s0 =	sshll.u32 s0, $0x4;
	s20 =	sshll.u32 s8, $0x6;
	v7 =	vld.idx.msk [tilespmem:v7+s22+$0x0], $0xffff  }
0x2a4: {  	s21 =	sadd.s32 $0x200, s0;
	s0 =	simm.s32 $0x70;
	s23 =	sadd.s32 $0x200, s20;
	v11 =	vld.idx.msk [tilespmem:v5+s22+$0x0], $0xffff  }
0x2a5: {  	s29 =	sor.u32 $0x200, s23;
	s2 =	sadd.s32 $0x10, s21;
	v14 =	vld.idx.msk [tilespmem:v9+s22+$0x0], $0xffff;
	v9 =	vor.u32 s0, v3  }
0x2a6: {  	s9 =	sadd.s32 $0x30, s21;
	s19 =	sor.u32 $0x200, s2;
	v4 =	vld [tilespmem:s29+$0x16900]  }
0x2a7: {  	s6 =	simm.s32 $0x60;
	s9 =	sor.u32 $0x200, s9;
	v5 =	vld [tilespmem:s19+$0x16900];
	v8 =	vadd.f32 v8, v10  }
0x2a8: {  	v63 =	vor.u32 s6, v3;
	v7 =	vadd.f32 v6, v7;
	v6 =	vld [tilespmem:s9+$0x16900]  }
0x2a9: {  	[tilespmem:s1+$0x6900] =	vst.add.f32.msk $0xffff, v8;
	s1 =	simm.s32 $0x2  }
0x2aa: {  	s21 =	simm.s32 $0x40;
	v10 =	vadd.f32 v61, v11;
	v11 =	vld.idx.msk [tilespmem:v9+s22+$0x0], $0xffff;
	s20 =	sand.u32 $0x3, s1  }
0x2ab: {  	s30 =	simm.s32 $0x4;
	s23 =	simm.s32 $0x50;
	[tilespmem:s3+$0x6900] =	vst.add.f32.msk $0xffff, v7;
	v7 =	vor.u32 s21, v3;
	s2 =	sshll.u32 s20, $0x5  }
0x2ac: {  	p1 =	por !p1, !p1;
	v9 =	vor.u32 s23, v3;
	[tilespmem:s5+$0x6900] =	vst.add.f32.msk $0xffff, v10;
	s5 =	simm.s32 $0x200;
	s2 =	sadd.s32 $0x220, s2  }
0x2ad: {  	v10 =	vadd.f32 v62, v14;
	v8 =	vld.idx.msk [tilespmem:v63+s22+$0x0], $0xffff;
	s3 =	simm.s32 $0x8;
	s20 =	simm.s32 $0x220;
	s8 =	sor.u32 $0x200, s2  }
.LBB2_27:
0x2ae: {  	s21 =	simm.s32 $0x1  }
0x2af: {  	s2 =	sand.u32 $0x7, s3;
	v12 =	vld [tilespmem:s8+$0x16900];
	s21 =	simm.s32 @!p1 $0x0  }
0x2b0: {  	s5 =	sadd.s32 $0x200, s5;
	s2 =	sshll.u32 s2, $0x4;
	s21 =	sshll.u32 s21, $0x6;
	v13 =	vld.idx.msk [tilespmem:v7+s22+$0x0], $0xffff  }
0x2b1: {  	s2 =	sadd.s32 s2, s5;
	s21 =	sadd.s32 s21, s5;
	v14 =	vld.idx.msk [tilespmem:v9+s22+$0x0], $0xffff  }
0x2b2: {  	s23 =	sadd.s32 $0x10, s2;
	s21 =	sor.u32 $0x200, s21;
	[tilespmem:s18+$0x6900] =	vst.add.f32.msk $0xffff, v10;
	s18 =	smov.u32 s19  }
0x2b3: {  	s0 =	sadd.s32 $0x40, s0;
	v6 =	vadd.f32 v6, v11;
	s19 =	sor.u32 $0x200, s23;
	v15 =	vld [tilespmem:s21+$0x16900]  }
0x2b4: {  	s30 =	sadd.s32 $0x4, s30;
	s6 =	sadd.s32 $0xFFFFFFF0, s0;
	v11 =	vor.u32 s0, v3;
	s23 =	sadd.s32 $0xFFFFFFD0, s0;
	v8 =	vadd.f32 v12, v8;
	v16 =	vld [tilespmem:s19+$0x16900]  }
0x2b5: {  	p2 =	slt.u32 s30, $0x7C;
	s2 =	sadd.s32 $0x30, s2;
	v7 =	vor.u32 s23, v3;
	s23 =	sadd.s32 $0xFFFFFFE0, s0;
	v12 =	vor.u32 s6, v3;
	[tilespmem:s9+$0x6900] =	vst.add.f32.msk $0xffff, v6  }
.Ltmp14:
0x2b6: {  	s1 =	sadd.s32 $0x2, s1;
	v9 =	vor.u32 s23, v3;
	s9 =	sor.u32 $0x200, s2;
	v13 =	vadd.f32 v4, v13;
	[tilespmem:s8+$0x6900] =	vst.add.f32.msk $0xffff, v8;
	(pc) =	sbr.rel @p2 .LBB2_27-.Ltmp14, $4  }
0x2b7: {  	s2 =	sand.u32 $0x3, s1;
	v10 =	vadd.f32 v5, v14;
	v6 =	vld [tilespmem:s9+$0x16900]  }
0x2b8: {  	s20 =	sadd.s32 $0x200, s20;
	s2 =	sshll.u32 s2, $0x5;
	[tilespmem:s29+$0x6900] =	vst.add.f32.msk $0xffff, v13;
	v4 =	vmov v15;
	s29 =	smov.u32 s21  }
0x2b9: {  	s2 =	sadd.s32 s2, s20;
	v11 =	vld.idx.msk [tilespmem:v11+s22+$0x0], $0xffff;
	v5 =	vmov v16  }
0x2ba: {  	s3 =	sadd.s32 $0x4, s3;
	p1 =	por !p1, !p1;
	s8 =	sor.u32 $0x200, s2;
	v8 =	vld.idx.msk [tilespmem:v12+s22+$0x0], $0xffff  }
0x2bb: {  	_ =	sdelay $0x2  }
0x2bc: {  	v3 =	vld [tilespmem:s8+$0x16900]  }
0x2bd: {  	v7 =	vld.idx.msk [tilespmem:v7+s22+$0x0], $0xffff;
	s0 =	sor.u32 $0xD, s26  }
0x2be: {  	v9 =	vld.idx.msk [tilespmem:v9+s22+$0x0], $0xffff;
	v12 =	vmov s0  }
0x2bf: {  	v12 =	vand.u32 $0xFFFFFFED, v12  }
0x2c0: {  	v6 =	vadd.f32 v6, v11;
	v11 =	vbroadcast v12, $0x0  }
0x2c1: {  	[tilespmem:s18+$0x6900] =	vst.add.f32.msk $0xffff, v10;
	v3 =	vadd.f32 v3, v8  }
0x2c2: {  	[tilespmem:s9+$0x6900] =	vst.add.f32.msk $0xffff, v6;
	v4 =	vadd.f32 v4, v7  }
0x2c3: {  	[tilespmem:s8+$0x6900] =	vst.add.f32.msk $0xffff, v3;
	v3 =	vadd.f32 v5, v9  }
0x2c4: {  	[tilespmem:s29+$0x6900] =	vst.add.f32.msk $0xffff, v4  }
0x2c5: {  	[tilespmem:s19+$0x6900] =	vst.add.f32.msk $0xffff, v3  }
0x2c6: {  	v3 =	vld.idx.msk [tilespmem:v11+s24+$0x0], $0xffff;
	_ =	sdelay $0x2  }
0x2c7: {  	s23 =	simm.s32 $0x0;
	p1 =	por $0x0, $0x0;
	s1 =	simm.s32 $0x1  }
0x2c8: {  	s2 =	simm.s32 $0x30;
	s3 =	sand.u32 $0x7, s23;
	s1 =	simm.s32 @!p1 $0x0  }
0x2c9: {  	s0 =	sand.u32 $0x3, s23;
	s3 =	sshll.u32 s3, $0x4;
	s1 =	sshll.u32 s1, $0x6;
	v3 =	vshll.u32 v3, $0xB  }
0x2ca: {  	s0 =	sshll.u32 s0, $0x5;
	s6 =	sadd.s32 $0x0, s3;
	s1 =	sadd.s32 $0x0, s1;
	v3 =	vor.u32 v0, v3  }
0x2cb: {  	s3 =	sor.u32 $0x280, s1;
	s9 =	simm.s32 $0x0;
	s8 =	sadd.s32 $0x30, s6;
	v4 =	vor.u32 s2, v3  }
0x2cc: {  	s5 =	simm.s32 $0x20;
	s0 =	sadd.s32 $0x20, s0;
	s1 =	sor.u32 $0x280, s8;
	v6 =	vld [tilespmem:s3+$0x16900];
	v7 =	vor.u32 s9, v3  }
0x2cd: {  	s18 =	simm.s32 $0x10;
	v8 =	vld [tilespmem:s1+$0x16900];
	v5 =	vor.u32 s5, v3;
	s2 =	sadd.s32 $0x10, s6;
	s5 =	sor.u32 $0x280, s0  }
0x2ce: {  	v9 =	vor.u32 s18, v3;
	s18 =	sor.u32 $0x280, s2;
	v62 =	vld [tilespmem:s5+$0x16900]  }
0x2cf: {  	p1 =	por !p1, !p1;
	s19 =	simm.s32 $0x4;
	s6 =	simm.s32 $0x1;
	v13 =	vld [tilespmem:s18+$0x16900]  }
0x2d0: {  	s0 =	sand.u32 $0x7, s19;
	s6 =	simm.s32 @!p1 $0x0;
	v10 =	vld.idx.msk [tilespmem:v4+s22+$0x0], $0xffff  }
0x2d1: {  	s0 =	sshll.u32 s0, $0x4;
	s20 =	sshll.u32 s6, $0x6;
	v7 =	vld.idx.msk [tilespmem:v7+s22+$0x0], $0xffff  }
0x2d2: {  	s21 =	sadd.s32 $0x200, s0;
	s0 =	simm.s32 $0x70;
	s23 =	sadd.s32 $0x200, s20;
	v11 =	vld.idx.msk [tilespmem:v5+s22+$0x0], $0xffff  }
0x2d3: {  	s2 =	sadd.s32 $0x10, s21;
	s29 =	sor.u32 $0x280, s23;
	v14 =	vld.idx.msk [tilespmem:v9+s22+$0x0], $0xffff;
	v9 =	vor.u32 s0, v3  }
0x2d4: {  	s9 =	sadd.s32 $0x30, s21;
	s19 =	sor.u32 $0x280, s2;
	v4 =	vld [tilespmem:s29+$0x16900]  }
0x2d5: {  	s8 =	simm.s32 $0x60;
	s9 =	sor.u32 $0x280, s9;
	v5 =	vld [tilespmem:s19+$0x16900];
	v8 =	vadd.f32 v8, v10  }
0x2d6: {  	v63 =	vor.u32 s8, v3;
	v7 =	vadd.f32 v6, v7;
	v6 =	vld [tilespmem:s9+$0x16900]  }
0x2d7: {  	[tilespmem:s1+$0x6900] =	vst.add.f32.msk $0xffff, v8;
	s1 =	simm.s32 $0x2  }
0x2d8: {  	s21 =	simm.s32 $0x40;
	v10 =	vadd.f32 v62, v11;
	v11 =	vld.idx.msk [tilespmem:v9+s22+$0x0], $0xffff;
	s20 =	sand.u32 $0x3, s1  }
0x2d9: {  	s30 =	simm.s32 $0x4;
	s23 =	simm.s32 $0x50;
	[tilespmem:s3+$0x6900] =	vst.add.f32.msk $0xffff, v7;
	v7 =	vor.u32 s21, v3;
	s2 =	sshll.u32 s20, $0x5  }
0x2da: {  	p1 =	por !p1, !p1;
	v9 =	vor.u32 s23, v3;
	[tilespmem:s5+$0x6900] =	vst.add.f32.msk $0xffff, v10;
	s5 =	simm.s32 $0x200;
	s2 =	sadd.s32 $0x220, s2  }
0x2db: {  	v10 =	vadd.f32 v13, v14;
	v8 =	vld.idx.msk [tilespmem:v63+s22+$0x0], $0xffff;
	s3 =	simm.s32 $0x8;
	s20 =	simm.s32 $0x220;
	s8 =	sor.u32 $0x280, s2  }
.LBB2_29:
0x2dc: {  	s6 =	simm.s32 $0x1  }
0x2dd: {  	s2 =	sand.u32 $0x7, s3;
	v12 =	vld [tilespmem:s8+$0x16900];
	s6 =	simm.s32 @!p1 $0x0  }
0x2de: {  	s5 =	sadd.s32 $0x200, s5;
	s2 =	sshll.u32 s2, $0x4;
	s6 =	sshll.u32 s6, $0x6;
	v13 =	vld.idx.msk [tilespmem:v7+s22+$0x0], $0xffff  }
0x2df: {  	s2 =	sadd.s32 s2, s5;
	s6 =	sadd.s32 s6, s5;
	v14 =	vld.idx.msk [tilespmem:v9+s22+$0x0], $0xffff  }
0x2e0: {  	s21 =	sadd.s32 $0x10, s2;
	s6 =	sor.u32 $0x280, s6;
	[tilespmem:s18+$0x6900] =	vst.add.f32.msk $0xffff, v10;
	s18 =	smov.u32 s19  }
0x2e1: {  	s0 =	sadd.s32 $0x40, s0;
	v6 =	vadd.f32 v6, v11;
	s19 =	sor.u32 $0x280, s21;
	v15 =	vld [tilespmem:s6+$0x16900]  }
0x2e2: {  	s30 =	sadd.s32 $0x4, s30;
	s23 =	sadd.s32 $0xFFFFFFF0, s0;
	v11 =	vor.u32 s0, v3;
	s21 =	sadd.s32 $0xFFFFFFD0, s0;
	v8 =	vadd.f32 v12, v8;
	v16 =	vld [tilespmem:s19+$0x16900]  }
0x2e3: {  	p2 =	slt.u32 s30, $0x7C;
	s2 =	sadd.s32 $0x30, s2;
	v7 =	vor.u32 s21, v3;
	s21 =	sadd.s32 $0xFFFFFFE0, s0;
	v12 =	vor.u32 s23, v3;
	[tilespmem:s9+$0x6900] =	vst.add.f32.msk $0xffff, v6  }
.Ltmp15:
0x2e4: {  	s1 =	sadd.s32 $0x2, s1;
	v9 =	vor.u32 s21, v3;
	s9 =	sor.u32 $0x280, s2;
	v13 =	vadd.f32 v4, v13;
	[tilespmem:s8+$0x6900] =	vst.add.f32.msk $0xffff, v8;
	(pc) =	sbr.rel @p2 .LBB2_29-.Ltmp15, $4  }
0x2e5: {  	s2 =	sand.u32 $0x3, s1;
	v10 =	vadd.f32 v5, v14;
	v6 =	vld [tilespmem:s9+$0x16900]  }
0x2e6: {  	s20 =	sadd.s32 $0x200, s20;
	s2 =	sshll.u32 s2, $0x5;
	[tilespmem:s29+$0x6900] =	vst.add.f32.msk $0xffff, v13;
	v4 =	vmov v15;
	s29 =	smov.u32 s6  }
0x2e7: {  	s2 =	sadd.s32 s2, s20;
	v11 =	vld.idx.msk [tilespmem:v11+s22+$0x0], $0xffff;
	v5 =	vmov v16  }
0x2e8: {  	s3 =	sadd.s32 $0x4, s3;
	p1 =	por !p1, !p1;
	s8 =	sor.u32 $0x280, s2;
	v8 =	vld.idx.msk [tilespmem:v12+s22+$0x0], $0xffff  }
0x2e9: {  	_ =	sdelay $0x2  }
0x2ea: {  	v3 =	vld [tilespmem:s8+$0x16900]  }
0x2eb: {  	v7 =	vld.idx.msk [tilespmem:v7+s22+$0x0], $0xffff;
	s0 =	sor.u32 $0xE, s26  }
0x2ec: {  	v9 =	vld.idx.msk [tilespmem:v9+s22+$0x0], $0xffff;
	v12 =	vmov s0  }
0x2ed: {  	v12 =	vand.u32 $0xFFFFFFEE, v12  }
0x2ee: {  	v6 =	vadd.f32 v6, v11;
	v11 =	vbroadcast v12, $0x0  }
0x2ef: {  	[tilespmem:s18+$0x6900] =	vst.add.f32.msk $0xffff, v10;
	v3 =	vadd.f32 v3, v8  }
0x2f0: {  	[tilespmem:s9+$0x6900] =	vst.add.f32.msk $0xffff, v6;
	v4 =	vadd.f32 v4, v7  }
0x2f1: {  	[tilespmem:s8+$0x6900] =	vst.add.f32.msk $0xffff, v3;
	v3 =	vadd.f32 v5, v9  }
0x2f2: {  	[tilespmem:s29+$0x6900] =	vst.add.f32.msk $0xffff, v4  }
0x2f3: {  	[tilespmem:s19+$0x6900] =	vst.add.f32.msk $0xffff, v3  }
0x2f4: {  	v3 =	vld.idx.msk [tilespmem:v11+s24+$0x0], $0xffff;
	_ =	sdelay $0x2  }
0x2f5: {  	s23 =	simm.s32 $0x0;
	p1 =	por $0x0, $0x0;
	s1 =	simm.s32 $0x1  }
0x2f6: {  	s2 =	simm.s32 $0x30;
	s3 =	sand.u32 $0x7, s23;
	s1 =	simm.s32 @!p1 $0x0  }
0x2f7: {  	s0 =	sand.u32 $0x3, s23;
	s3 =	sshll.u32 s3, $0x4;
	s1 =	sshll.u32 s1, $0x6;
	v3 =	vshll.u32 v3, $0xB  }
0x2f8: {  	s0 =	sshll.u32 s0, $0x5;
	s6 =	sadd.s32 $0x0, s3;
	s1 =	sadd.s32 $0x0, s1;
	v3 =	vor.u32 v0, v3  }
0x2f9: {  	s3 =	sor.u32 $0x300, s1;
	s9 =	simm.s32 $0x0;
	s8 =	sadd.s32 $0x30, s6;
	v4 =	vor.u32 s2, v3  }
0x2fa: {  	s5 =	simm.s32 $0x20;
	s0 =	sadd.s32 $0x20, s0;
	s1 =	sor.u32 $0x300, s8;
	v6 =	vld [tilespmem:s3+$0x16900];
	v7 =	vor.u32 s9, v3  }
0x2fb: {  	s18 =	simm.s32 $0x10;
	v8 =	vld [tilespmem:s1+$0x16900];
	v5 =	vor.u32 s5, v3;
	s2 =	sadd.s32 $0x10, s6;
	s5 =	sor.u32 $0x300, s0  }
0x2fc: {  	v9 =	vor.u32 s18, v3;
	s18 =	sor.u32 $0x300, s2;
	v62 =	vld [tilespmem:s5+$0x16900]  }
0x2fd: {  	p1 =	por !p1, !p1;
	s19 =	simm.s32 $0x4;
	s6 =	simm.s32 $0x1;
	v13 =	vld [tilespmem:s18+$0x16900]  }
0x2fe: {  	s0 =	sand.u32 $0x7, s19;
	s6 =	simm.s32 @!p1 $0x0;
	v10 =	vld.idx.msk [tilespmem:v4+s22+$0x0], $0xffff  }
0x2ff: {  	s0 =	sshll.u32 s0, $0x4;
	s20 =	sshll.u32 s6, $0x6;
	v7 =	vld.idx.msk [tilespmem:v7+s22+$0x0], $0xffff  }
0x300: {  	s21 =	sadd.s32 $0x200, s0;
	s0 =	simm.s32 $0x70;
	s23 =	sadd.s32 $0x200, s20;
	v11 =	vld.idx.msk [tilespmem:v5+s22+$0x0], $0xffff  }
0x301: {  	s2 =	sadd.s32 $0x10, s21;
	s29 =	sor.u32 $0x300, s23;
	v14 =	vld.idx.msk [tilespmem:v9+s22+$0x0], $0xffff;
	v9 =	vor.u32 s0, v3  }
0x302: {  	s9 =	sadd.s32 $0x30, s21;
	s19 =	sor.u32 $0x300, s2;
	v4 =	vld [tilespmem:s29+$0x16900]  }
0x303: {  	s8 =	simm.s32 $0x60;
	s9 =	sor.u32 $0x300, s9;
	v5 =	vld [tilespmem:s19+$0x16900];
	v8 =	vadd.f32 v8, v10  }
0x304: {  	v63 =	vor.u32 s8, v3;
	v7 =	vadd.f32 v6, v7;
	v6 =	vld [tilespmem:s9+$0x16900]  }
0x305: {  	[tilespmem:s1+$0x6900] =	vst.add.f32.msk $0xffff, v8;
	s1 =	simm.s32 $0x2  }
0x306: {  	s21 =	simm.s32 $0x40;
	v10 =	vadd.f32 v62, v11;
	v11 =	vld.idx.msk [tilespmem:v9+s22+$0x0], $0xffff;
	s20 =	sand.u32 $0x3, s1  }
0x307: {  	s30 =	simm.s32 $0x4;
	s23 =	simm.s32 $0x50;
	[tilespmem:s3+$0x6900] =	vst.add.f32.msk $0xffff, v7;
	v7 =	vor.u32 s21, v3;
	s2 =	sshll.u32 s20, $0x5  }
0x308: {  	p1 =	por !p1, !p1;
	v9 =	vor.u32 s23, v3;
	[tilespmem:s5+$0x6900] =	vst.add.f32.msk $0xffff, v10;
	s5 =	simm.s32 $0x200;
	s2 =	sadd.s32 $0x220, s2  }
0x309: {  	v10 =	vadd.f32 v13, v14;
	v8 =	vld.idx.msk [tilespmem:v63+s22+$0x0], $0xffff;
	s3 =	simm.s32 $0x8;
	s20 =	simm.s32 $0x220;
	s8 =	sor.u32 $0x300, s2  }
.LBB2_31:
0x30a: {  	s6 =	simm.s32 $0x1  }
0x30b: {  	s2 =	sand.u32 $0x7, s3;
	v12 =	vld [tilespmem:s8+$0x16900];
	s6 =	simm.s32 @!p1 $0x0  }
0x30c: {  	s5 =	sadd.s32 $0x200, s5;
	s2 =	sshll.u32 s2, $0x4;
	s6 =	sshll.u32 s6, $0x6;
	v13 =	vld.idx.msk [tilespmem:v7+s22+$0x0], $0xffff  }
0x30d: {  	s2 =	sadd.s32 s2, s5;
	s6 =	sadd.s32 s6, s5;
	v14 =	vld.idx.msk [tilespmem:v9+s22+$0x0], $0xffff  }
0x30e: {  	s21 =	sadd.s32 $0x10, s2;
	s6 =	sor.u32 $0x300, s6;
	[tilespmem:s18+$0x6900] =	vst.add.f32.msk $0xffff, v10;
	s18 =	smov.u32 s19  }
0x30f: {  	s0 =	sadd.s32 $0x40, s0;
	v6 =	vadd.f32 v6, v11;
	s19 =	sor.u32 $0x300, s21;
	v15 =	vld [tilespmem:s6+$0x16900]  }
0x310: {  	s30 =	sadd.s32 $0x4, s30;
	s23 =	sadd.s32 $0xFFFFFFF0, s0;
	v11 =	vor.u32 s0, v3;
	s21 =	sadd.s32 $0xFFFFFFD0, s0;
	v8 =	vadd.f32 v12, v8;
	v16 =	vld [tilespmem:s19+$0x16900]  }
0x311: {  	p2 =	slt.u32 s30, $0x7C;
	s2 =	sadd.s32 $0x30, s2;
	v7 =	vor.u32 s21, v3;
	s21 =	sadd.s32 $0xFFFFFFE0, s0;
	v12 =	vor.u32 s23, v3;
	[tilespmem:s9+$0x6900] =	vst.add.f32.msk $0xffff, v6  }
.Ltmp16:
0x312: {  	s1 =	sadd.s32 $0x2, s1;
	v9 =	vor.u32 s21, v3;
	s9 =	sor.u32 $0x300, s2;
	v13 =	vadd.f32 v4, v13;
	[tilespmem:s8+$0x6900] =	vst.add.f32.msk $0xffff, v8;
	(pc) =	sbr.rel @p2 .LBB2_31-.Ltmp16, $4  }
0x313: {  	s2 =	sand.u32 $0x3, s1;
	v10 =	vadd.f32 v5, v14;
	v6 =	vld [tilespmem:s9+$0x16900]  }
0x314: {  	s20 =	sadd.s32 $0x200, s20;
	s2 =	sshll.u32 s2, $0x5;
	[tilespmem:s29+$0x6900] =	vst.add.f32.msk $0xffff, v13;
	v4 =	vmov v15;
	s29 =	smov.u32 s6  }
0x315: {  	s2 =	sadd.s32 s2, s20;
	v11 =	vld.idx.msk [tilespmem:v11+s22+$0x0], $0xffff;
	v5 =	vmov v16  }
0x316: {  	s3 =	sadd.s32 $0x4, s3;
	p1 =	por !p1, !p1;
	s8 =	sor.u32 $0x300, s2;
	v8 =	vld.idx.msk [tilespmem:v12+s22+$0x0], $0xffff  }
0x317: {  	_ =	sdelay $0x2  }
0x318: {  	v3 =	vld [tilespmem:s8+$0x16900]  }
0x319: {  	v7 =	vld.idx.msk [tilespmem:v7+s22+$0x0], $0xffff;
	s0 =	sor.u32 $0xF, s26  }
0x31a: {  	v9 =	vld.idx.msk [tilespmem:v9+s22+$0x0], $0xffff;
	v12 =	vmov s0  }
0x31b: {  	v12 =	vand.u32 $0xFFFFFFEF, v12  }
0x31c: {  	v6 =	vadd.f32 v6, v11;
	v11 =	vbroadcast v12, $0x0  }
0x31d: {  	[tilespmem:s18+$0x6900] =	vst.add.f32.msk $0xffff, v10;
	v3 =	vadd.f32 v3, v8  }
0x31e: {  	[tilespmem:s9+$0x6900] =	vst.add.f32.msk $0xffff, v6;
	v4 =	vadd.f32 v4, v7  }
0x31f: {  	[tilespmem:s8+$0x6900] =	vst.add.f32.msk $0xffff, v3;
	v3 =	vadd.f32 v5, v9  }
0x320: {  	[tilespmem:s29+$0x6900] =	vst.add.f32.msk $0xffff, v4  }
0x321: {  	[tilespmem:s19+$0x6900] =	vst.add.f32.msk $0xffff, v3  }
0x322: {  	v3 =	vld.idx.msk [tilespmem:v11+s24+$0x0], $0xffff;
	_ =	sdelay $0x2  }
0x323: {  	p1 =	por $0x0, $0x0;
	s1 =	simm.s32 $0x1  }
0x324: {  	s2 =	simm.s32 $0x30;
	s1 =	simm.s32 @!p1 $0x0  }
0x325: {  	s5 =	simm.s32 $0x20;
	s1 =	sshll.u32 s1, $0x6;
	s8 =	simm.s32 $0x0;
	v3 =	vshll.u32 v3, $0xB  }
0x326: {  	s1 =	sadd.s32 $0x0, s1;
	s3 =	sand.u32 $0x7, s8;
	s0 =	sand.u32 $0x3, s8;
	v3 =	vor.u32 v0, v3  }
0x327: {  	s3 =	sshll.u32 s3, $0x4;
	s19 =	simm.s32 $0x0;
	s0 =	sshll.u32 s0, $0x5;
	v4 =	vor.u32 s2, v3  }
0x328: {  	s9 =	sadd.s32 $0x0, s3;
	s3 =	sor.u32 $0x380, s1;
	s0 =	sadd.s32 $0x20, s0;
	v5 =	vor.u32 s5, v3  }
0x329: {  	s18 =	sadd.s32 $0x30, s9;
	v6 =	vld [tilespmem:s3+$0x16900];
	s21 =	sor.u32 $0x380, s0;
	v7 =	vor.u32 s19, v3  }
0x32a: {  	s20 =	simm.s32 $0x10;
	s1 =	sor.u32 $0x380, s18;
	v62 =	vld [tilespmem:s21+$0x16900]  }
0x32b: {  	v8 =	vld [tilespmem:s1+$0x16900];
	v9 =	vor.u32 s20, v3  }
0x32c: {  	s23 =	simm.s32 $0x4;
	s6 =	simm.s32 $0x1;
	p1 =	por !p1, !p1;
	v10 =	vld.idx.msk [tilespmem:v4+s22+$0x0], $0xffff  }
0x32d: {  	s6 =	simm.s32 @!p1 $0x0;
	s0 =	sand.u32 $0x7, s23;
	s2 =	sadd.s32 $0x10, s9;
	v11 =	vld.idx.msk [tilespmem:v5+s22+$0x0], $0xffff  }
0x32e: {  	s26 =	sshll.u32 s6, $0x6;
	s0 =	sshll.u32 s0, $0x4;
	s18 =	sor.u32 $0x380, s2;
	v7 =	vld.idx.msk [tilespmem:v7+s22+$0x0], $0xffff  }
0x32f: {  	s30 =	sadd.s32 $0x200, s0;
	s2 =	sadd.s32 $0x200, s26;
	v13 =	vld [tilespmem:s18+$0x16900]  }
0x330: {  	s0 =	simm.s32 $0x70;
	s8 =	sadd.s32 $0x10, s30;
	s19 =	sor.u32 $0x380, s2;
	v9 =	vld.idx.msk [tilespmem:v9+s22+$0x0], $0xffff  }
0x331: {  	s9 =	simm.s32 $0x60;
	s20 =	sadd.s32 $0x30, s30;
	s26 =	sor.u32 $0x380, s8;
	v4 =	vld [tilespmem:s19+$0x16900]  }
0x332: {  	v63 =	vor.u32 s9, v3;
	s9 =	sor.u32 $0x380, s20;
	v5 =	vld [tilespmem:s26+$0x16900];
	v8 =	vadd.f32 v8, v10;
	v10 =	vor.u32 s0, v3  }
0x333: {  	v11 =	vadd.f32 v62, v11;
	v7 =	vadd.f32 v6, v7;
	v6 =	vld [tilespmem:s9+$0x16900]  }
0x334: {  	[tilespmem:s1+$0x6900] =	vst.add.f32.msk $0xffff, v8;
	s1 =	simm.s32 $0x2  }
0x335: {  	s23 =	simm.s32 $0x40;
	[tilespmem:s21+$0x6900] =	vst.add.f32.msk $0xffff, v11;
	s21 =	sand.u32 $0x3, s1  }
0x336: {  	p1 =	por !p1, !p1;
	s30 =	simm.s32 $0x50;
	[tilespmem:s3+$0x6900] =	vst.add.f32.msk $0xffff, v7;
	v7 =	vor.u32 s23, v3;
	s2 =	sshll.u32 s21, $0x5  }
0x337: {  	s29 =	simm.s32 $0x4;
	s5 =	simm.s32 $0x200;
	v8 =	vor.u32 s30, v3;
	s2 =	sadd.s32 $0x220, s2;
	v11 =	vld.idx.msk [tilespmem:v10+s22+$0x0], $0xffff  }
0x338: {  	s20 =	simm.s32 $0x220;
	s3 =	simm.s32 $0x8;
	v10 =	vadd.f32 v13, v9;
	v9 =	vld.idx.msk [tilespmem:v63+s22+$0x0], $0xffff;
	s8 =	sor.u32 $0x380, s2  }
.LBB2_33:
0x339: {  	s6 =	simm.s32 $0x1  }
0x33a: {  	s2 =	sand.u32 $0x7, s3;
	v12 =	vld [tilespmem:s8+$0x16900];
	s6 =	simm.s32 @!p1 $0x0  }
0x33b: {  	s5 =	sadd.s32 $0x200, s5;
	s2 =	sshll.u32 s2, $0x4;
	s6 =	sshll.u32 s6, $0x6;
	v13 =	vld.idx.msk [tilespmem:v7+s22+$0x0], $0xffff  }
0x33c: {  	s2 =	sadd.s32 s2, s5;
	s6 =	sadd.s32 s6, s5;
	v14 =	vld.idx.msk [tilespmem:v8+s22+$0x0], $0xffff  }
0x33d: {  	s21 =	sadd.s32 $0x10, s2;
	s6 =	sor.u32 $0x380, s6;
	[tilespmem:s18+$0x6900] =	vst.add.f32.msk $0xffff, v10;
	s18 =	smov.u32 s26  }
0x33e: {  	s0 =	sadd.s32 $0x40, s0;
	v6 =	vadd.f32 v6, v11;
	s26 =	sor.u32 $0x380, s21;
	v15 =	vld [tilespmem:s6+$0x16900]  }
0x33f: {  	s29 =	sadd.s32 $0x4, s29;
	s23 =	sadd.s32 $0xFFFFFFF0, s0;
	v11 =	vor.u32 s0, v3;
	s21 =	sadd.s32 $0xFFFFFFD0, s0;
	v9 =	vadd.f32 v12, v9;
	v16 =	vld [tilespmem:s26+$0x16900]  }
0x340: {  	p2 =	slt.u32 s29, $0x7C;
	s2 =	sadd.s32 $0x30, s2;
	v7 =	vor.u32 s21, v3;
	s21 =	sadd.s32 $0xFFFFFFE0, s0;
	v12 =	vor.u32 s23, v3;
	[tilespmem:s9+$0x6900] =	vst.add.f32.msk $0xffff, v6  }
.Ltmp17:
0x341: {  	s1 =	sadd.s32 $0x2, s1;
	v8 =	vor.u32 s21, v3;
	s9 =	sor.u32 $0x380, s2;
	v13 =	vadd.f32 v4, v13;
	[tilespmem:s8+$0x6900] =	vst.add.f32.msk $0xffff, v9;
	(pc) =	sbr.rel @p2 .LBB2_33-.Ltmp17, $4  }
0x342: {  	s2 =	sand.u32 $0x3, s1;
	v10 =	vadd.f32 v5, v14;
	v6 =	vld [tilespmem:s9+$0x16900]  }
0x343: {  	s20 =	sadd.s32 $0x200, s20;
	s2 =	sshll.u32 s2, $0x5;
	[tilespmem:s19+$0x6900] =	vst.add.f32.msk $0xffff, v13;
	v4 =	vmov v15;
	s19 =	smov.u32 s6  }
0x344: {  	s2 =	sadd.s32 s2, s20;
	v11 =	vld.idx.msk [tilespmem:v11+s22+$0x0], $0xffff;
	v5 =	vmov v16  }
0x345: {  	s3 =	sadd.s32 $0x4, s3;
	p1 =	por !p1, !p1;
	s8 =	sor.u32 $0x380, s2;
	v9 =	vld.idx.msk [tilespmem:v12+s22+$0x0], $0xffff  }
0x346: {  	_ =	sdelay $0x2  }
0x347: {  	v3 =	vld [tilespmem:s8+$0x16900]  }
0x348: {  	v7 =	vld.idx.msk [tilespmem:v7+s22+$0x0], $0xffff  }
0x349: {  	v8 =	vld.idx.msk [tilespmem:v8+s22+$0x0], $0xffff;
	_ =	sdelay $0x1  }
0x34a: {  	v6 =	vadd.f32 v6, v11  }
0x34b: {  	[tilespmem:s18+$0x6900] =	vst.add.f32.msk $0xffff, v10;
	v3 =	vadd.f32 v3, v9  }
0x34c: {  	[tilespmem:s9+$0x6900] =	vst.add.f32.msk $0xffff, v6;
	v4 =	vadd.f32 v4, v7  }
0x34d: {  	s0 =	sadd.s32 s7, s10;
	[tilespmem:s8+$0x6900] =	vst.add.f32.msk $0xffff, v3;
	v3 =	vadd.f32 v5, v8  }
0x34e: {  	s1 =	rddreg [dreg:$0x2];
	s0 =	sshll.u32 s0, $0x8;
	[tilespmem:s19+$0x6900] =	vst.add.f32.msk $0xffff, v4  }
0x34f: {  	s0 =	sadd.s32 s1, s0;
	s8 =	simm.s32 $0x6900;
	[tilespmem:s26+$0x6900] =	vst.add.f32.msk $0xffff, v3  }
0x350: {  	[hbm4b:s0+s4] =	stream.linear.scatter [tilespmem:s8], [sflag:$0x8], $0x4000, $0x38;
	[tilespmem:$0x1A900] =	vst v63  }
0x351: {  	s0 =	simm.s32 @!p0 $0xA  }
0x352: {  	s9 =	sor.u32 $0x3, s25;
	_ =	swait.ge @!p0 [sflag:s0], $0x4000  }
0x353: {  	s2 =	sshll.u32 s9, $0x7;
	[sflag:s0] =	ssyncset.done @!p0 $0x0  }
0x354: {  	s10 =	sand.u32 $0x3FFFFF80, s2;
	[sflag:s0] =	ssyncadd.s32 @!p0 $0xFFFFC000  }
0x355: {  	v3 =	vld.msk [tilespmem:s10+$0x0], $0xff;
	_ =	sdelay $0x4  }
0x356: {  	v4 =	vshll.u32 v3, $0x4  }
0x357: {  	v3 =	vand.u32 $0x7, v3;
	v4 =	vand.u32 $0xFFFFFF80, v4  }
0x358: {  	v3 =	vor.u32 v3, v4  }
0x359: {  	v3 =	vperm.xlane v3, v1;
	_ =	sdelay $0x1  }
0x35a: {  	v3 =	vadd.s32 v2, v3;
	_ =	sdelay $0x3  }
0x35b: {  	s18 =	simm.s32 $0xE900;
	s0 =	simm.s32 $0x0;
	s30 =	rddreg [dreg:$0x1]  }
0x35c: {  	[tilespmem:s18], [sflag:$0x4] =	stream.indirect_vreg.gather [hbm4b:s30+s0], $0x80, v3, vm0, $0xb8;
	[tilespmem:$0x1A900] =	vst v63  }
0x35d: {  	s19 =	simm.s32 $0xF100  }
0x35e: {  	[tilespmem:s19], [sflag:$0x4] =	stream.indirect_vreg.gather [hbm4b:s11+s0], $0x80, v3, vm0, $0xb8;
	[tilespmem:$0x1A900] =	vst v63  }
0x35f: {  	s20 =	simm.s32 $0xF900  }
0x360: {  	[tilespmem:s20], [sflag:$0x4] =	stream.indirect_vreg.gather [hbm4b:s12+s0], $0x80, v3, vm0, $0xb8;
	[tilespmem:$0x1A900] =	vst v63  }
0x361: {  	s21 =	simm.s32 $0x10100  }
0x362: {  	[tilespmem:s21], [sflag:$0x4] =	stream.indirect_vreg.gather [hbm4b:s13+s0], $0x80, v3, vm0, $0xb8;
	[tilespmem:$0x1A900] =	vst v63  }
0x363: {  	s23 =	simm.s32 $0x10900  }
0x364: {  	[tilespmem:s23], [sflag:$0x4] =	stream.indirect_vreg.gather [hbm4b:s14+s0], $0x80, v3, vm0, $0xb8;
	[tilespmem:$0x1A900] =	vst v63  }
0x365: {  	s26 =	simm.s32 $0x11100  }
0x366: {  	[tilespmem:s26], [sflag:$0x4] =	stream.indirect_vreg.gather [hbm4b:s15+s0], $0x80, v3, vm0, $0xb8;
	[tilespmem:$0x1A900] =	vst v63  }
0x367: {  	s5 =	rddreg [dreg:$0x6];
	s26 =	sshll.u32 s9, $0x3  }
0x368: {  	s29 =	simm.s32 $0x11900;
	s1 =	sadd.s32 s5, s26  }
0x369: {  	[tilespmem:s29], [sflag:$0x4] =	stream.indirect_vreg.gather [hbm4b:s16+s0], $0x80, v3, vm0, $0xb8;
	[tilespmem:$0x1A900] =	vst v63  }
0x36a: {  	s3 =	simm.s32 $0x12100;
	s6 =	rddreg [dreg:$0x5];
	s1 =	sshll.u32 s1, $0x8  }
0x36b: {  	[tilespmem:s3], [sflag:$0x4] =	stream.indirect_vreg.gather [hbm4b:s17+s0], $0x80, v3, vm0, $0xb8;
	[tilespmem:$0x1A900] =	vst v63  }
0x36c: {  	s8 =	simm.s32 $0x16900;
	s9 =	simm.s32 $0x3;
	s1 =	sadd.s32 s6, s1;
	v3 =	vmov s28  }
0x36d: {  	v3 =	vand.u32 $0xFFFFFFF0, v3;
	[tilespmem:s8], [sflag:$0x6] =	stream.linear.gather [hbm4b:s1+s0], $0x4000, $0x38;
	[tilespmem:$0x1A900] =	vst v63  }
0x36e: {  	v3 =	vbroadcast v3, $0x0;
	_ =	swait.ge [sflag:s9], $0x4000  }
0x36f: {  	[sflag:s9] =	ssyncset.done $0x0  }
0x370: {  	s10 =	simm.s32 $0x5;
	[sflag:s9] =	ssyncadd.s32 $0xFFFFC000  }
0x371: {  	_ =	swait.ge [sflag:s10], $0x4000  }
0x372: {  	[sflag:s10] =	ssyncset.done $0x0  }
0x373: {  	[sflag:s10] =	ssyncadd.s32 $0xFFFFC000  }
0x374: {  	v3 =	vld.idx.msk [tilespmem:v3+s24+$0x0], $0xffff;
	_ =	sdelay $0x4  }
0x375: {  	v3 =	vshll.u32 v3, $0xB  }
0x376: {  	s18 =	simm.s32 $0x20;
	v3 =	vor.u32 v0, v3  }
0x377: {  	v4 =	vor.u32 s18, v3  }
0x378: {  	s19 =	simm.s32 $0x30  }
0x379: {  	s20 =	sand.u32 $0x60, s18;
	s6 =	sand.u32 $0x3C00, s0;
	s3 =	simm.s32 $0x0;
	v5 =	vor.u32 s19, v3  }
0x37a: {  	s5 =	simm.s32 $0x10;
	s1 =	sor.u32 s6, s20;
	v6 =	vor.u32 s3, v3  }
0x37b: {  	s21 =	sand.u32 $0x40, s3;
	v8 =	vld [tilespmem:s1+$0x12900];
	v7 =	vor.u32 s5, v3  }
0x37c: {  	s0 =	sor.u32 s21, s6;
	v4 =	vld.idx.msk [tilespmem:v4+s22+$0x0], $0xffff  }
0x37d: {  	v10 =	vld [tilespmem:s0+$0x12900]  }
0x37e: {  	s29 =	simm.s32 $0x60;
	v11 =	vld.idx.msk [tilespmem:v5+s22+$0x0], $0xffff  }
0x37f: {  	s23 =	sand.u32 $0x50, s5;
	s8 =	simm.s32 $0x70;
	v9 =	vor.u32 s29, v3;
	v5 =	vld.idx.msk [tilespmem:v6+s22+$0x0], $0xffff  }
0x380: {  	s2 =	sand.u32 $0x70, s19;
	s10 =	sor.u32 s6, s23;
	v6 =	vld.idx.msk [tilespmem:v7+s22+$0x0], $0xffff;
	v7 =	vor.u32 s8, v3  }
0x381: {  	s9 =	simm.s32 $0x40;
	v14 =	vld [tilespmem:s10+$0x12900];
	s18 =	sor.u32 s6, s2;
	v4 =	vadd.f32 v8, v4  }
0x382: {  	s20 =	simm.s32 $0x50;
	v15 =	vld [tilespmem:s18+$0x12900];
	v8 =	vor.u32 s9, v3  }
0x383: {  	v16 =	vor.u32 s20, v3;
	[tilespmem:s1+$0xA900] =	vst.add.f32.msk $0xffff, v4;
	s1 =	simm.s32 $0x200  }
0x384: {  	s5 =	sand.u32 $0x60, s29;
	v12 =	vld.idx.msk [tilespmem:v9+s22+$0x0], $0xffff;
	s21 =	sand.u32 $0x3C00, s1  }
0x385: {  	v4 =	vld.idx.msk [tilespmem:v7+s22+$0x0], $0xffff;
	s19 =	sor.u32 s21, s5  }
0x386: {  	v13 =	vld [tilespmem:s19+$0x12900]  }
0x387: {  	s2 =	sand.u32 $0x40, s9;
	v9 =	vld.idx.msk [tilespmem:v8+s22+$0x0], $0xffff  }
0x388: {  	s23 =	sand.u32 $0x50, s20;
	s3 =	sor.u32 s2, s21;
	v8 =	vld.idx.msk [tilespmem:v16+s22+$0x0], $0xffff  }
0x389: {  	s29 =	sand.u32 $0x70, s8;
	v7 =	vadd.f32 v10, v5;
	s5 =	sor.u32 s21, s23;
	v10 =	vld [tilespmem:s3+$0x12900]  }
0x38a: {  	s20 =	simm.s32 $0xB0;
	s9 =	simm.s32 $0x4;
	v5 =	vadd.f32 v14, v6;
	v6 =	vadd.f32 v15, v11;
	s8 =	sor.u32 s21, s29;
	v11 =	vld [tilespmem:s5+$0x12900]  }
.LBB2_35:
0x38b: {  	s2 =	sadd.s32 $0xFFFFFFE0, s20;
	s6 =	sadd.s32 $0xFFFFFFF0, s20;
	v14 =	vor.u32 s20, v3;
	s9 =	sadd.s32 $0x4, s9;
	v12 =	vadd.f32 v13, v12;
	v13 =	vld [tilespmem:s8+$0x12900]  }
0x38c: {  	s21 =	sadd.s32 $0xFFFFFFD0, s20;
	v15 =	vor.u32 s2, v3;
	s2 =	sand.u32 $0x50, s2;
	v16 =	vor.u32 s6, v3;
	p0 =	slt.u32 s9, $0x7C;
	[tilespmem:s0+$0xA900] =	vst.add.f32.msk $0xffff, v7  }
0x38d: {  	s23 =	sand.u32 $0x70, s20;
	v17 =	vor.u32 s21, v3;
	s21 =	sand.u32 $0x40, s21;
	s0 =	smov.u32 s3;
	[tilespmem:s19+$0xA900] =	vst.add.f32.msk $0xffff, v12  }
0x38e: {  	v7 =	vadd.f32 v10, v9;
	[tilespmem:s10+$0xA900] =	vst.add.f32.msk $0xffff, v5;
	s10 =	smov.u32 s5  }
0x38f: {  	s1 =	sadd.s32 $0x200, s1;
	v5 =	vadd.f32 v11, v8;
	[tilespmem:s18+$0xA900] =	vst.add.f32.msk $0xffff, v6;
	s18 =	smov.u32 s8  }
0x390: {  	s6 =	sand.u32 $0x60, s6;
	s8 =	sand.u32 $0x3C00, s1;
	v6 =	vadd.f32 v13, v4;
	v4 =	vld.idx.msk [tilespmem:v14+s22+$0x0], $0xffff  }
0x391: {  	s3 =	sor.u32 s21, s8;
	s5 =	sor.u32 s8, s2;
	s19 =	sor.u32 s8, s6;
	v12 =	vld.idx.msk [tilespmem:v16+s22+$0x0], $0xffff  }
.Ltmp18:
0x392: {  	s8 =	sor.u32 s8, s23;
	v13 =	vld [tilespmem:s19+$0x12900];
	(pc) =	sbr.rel @p0 .LBB2_35-.Ltmp18, $4  }
0x393: {  	v9 =	vld.idx.msk [tilespmem:v17+s22+$0x0], $0xffff  }
0x394: {  	v8 =	vld.idx.msk [tilespmem:v15+s22+$0x0], $0xffff  }
0x395: {  	v10 =	vld [tilespmem:s3+$0x12900]  }
0x396: {  	s20 =	sadd.s32 $0x40, s20;
	v11 =	vld [tilespmem:s5+$0x12900]  }
0x397: {  	s1 =	sor.u32 $0x1, s28  }
0x398: {  	v3 =	vadd.f32 v13, v12;
	v12 =	vld [tilespmem:s8+$0x12900];
	v13 =	vmov s1  }
0x399: {  	[tilespmem:s0+$0xA900] =	vst.add.f32.msk $0xffff, v7;
	v7 =	vand.u32 $0xFFFFFFF1, v13  }
0x39a: {  	[tilespmem:s19+$0xA900] =	vst.add.f32.msk $0xffff, v3;
	v3 =	vbroadcast v7, $0x0  }
0x39b: {  	[tilespmem:s10+$0xA900] =	vst.add.f32.msk $0xffff, v5;
	v7 =	vadd.f32 v10, v9  }
0x39c: {  	[tilespmem:s18+$0xA900] =	vst.add.f32.msk $0xffff, v6;
	v5 =	vadd.f32 v11, v8  }
0x39d: {  	v4 =	vadd.f32 v12, v4;
	[tilespmem:s3+$0xA900] =	vst.add.f32.msk $0xffff, v7  }
0x39e: {  	[tilespmem:s5+$0xA900] =	vst.add.f32.msk $0xffff, v5  }
0x39f: {  	[tilespmem:s8+$0xA900] =	vst.add.f32.msk $0xffff, v4  }
0x3a0: {  	v3 =	vld.idx.msk [tilespmem:v3+s24+$0x0], $0xffff;
	_ =	sdelay $0x4  }
0x3a1: {  	v3 =	vshll.u32 v3, $0xB  }
0x3a2: {  	s20 =	simm.s32 $0x20;
	s21 =	simm.s32 $0x30;
	s23 =	simm.s32 $0x0;
	v3 =	vor.u32 v0, v3  }
0x3a3: {  	s29 =	simm.s32 $0x10;
	s0 =	sand.u32 $0x60, s20;
	s3 =	sand.u32 $0x3C00, s23;
	v4 =	vor.u32 s20, v3  }
0x3a4: {  	s2 =	simm.s32 $0x0;
	s6 =	sor.u32 s0, s3;
	s5 =	sand.u32 $0x50, s29;
	v5 =	vor.u32 s21, v3  }
0x3a5: {  	s1 =	sand.u32 $0x70, s21;
	s10 =	sor.u32 s5, s3;
	v8 =	vld [tilespmem:s6+$0x12980];
	v6 =	vor.u32 s2, v3  }
0x3a6: {  	s18 =	sor.u32 s1, s3;
	v14 =	vld [tilespmem:s10+$0x12980];
	v7 =	vor.u32 s29, v3  }
0x3a7: {  	v15 =	vld [tilespmem:s18+$0x12980]  }
0x3a8: {  	s20 =	simm.s32 $0x60;
	v4 =	vld.idx.msk [tilespmem:v4+s22+$0x0], $0xffff  }
0x3a9: {  	v9 =	vor.u32 s20, v3;
	v11 =	vld.idx.msk [tilespmem:v5+s22+$0x0], $0xffff  }
0x3aa: {  	s9 =	simm.s32 $0x70;
	s1 =	simm.s32 $0x200;
	s8 =	sand.u32 $0x40, s2;
	v5 =	vld.idx.msk [tilespmem:v6+s22+$0x0], $0xffff  }
0x3ab: {  	s0 =	sor.u32 s8, s3;
	s29 =	sand.u32 $0x3C00, s1;
	s8 =	sand.u32 $0x60, s20;
	v6 =	vld.idx.msk [tilespmem:v7+s22+$0x0], $0xffff;
	v7 =	vor.u32 s9, v3  }
0x3ac: {  	v10 =	vld [tilespmem:s0+$0x12980];
	s19 =	sor.u32 s8, s29  }
0x3ad: {  	s21 =	simm.s32 $0x40;
	v13 =	vld [tilespmem:s19+$0x12980];
	v4 =	vadd.f32 v8, v4  }
0x3ae: {  	s23 =	simm.s32 $0x50;
	v12 =	vld.idx.msk [tilespmem:v9+s22+$0x0], $0xffff;
	v8 =	vor.u32 s21, v3  }
0x3af: {  	v16 =	vor.u32 s23, v3;
	s3 =	sand.u32 $0x40, s21;
	[tilespmem:s6+$0xA980] =	vst.add.f32.msk $0xffff, v4  }
0x3b0: {  	s5 =	sand.u32 $0x50, s23;
	s3 =	sor.u32 s3, s29;
	v4 =	vld.idx.msk [tilespmem:v7+s22+$0x0], $0xffff  }
0x3b1: {  	s5 =	sor.u32 s5, s29;
	v7 =	vadd.f32 v10, v5;
	v10 =	vld [tilespmem:s3+$0x12980]  }
0x3b2: {  	v5 =	vadd.f32 v14, v6;
	v6 =	vadd.f32 v15, v11;
	v11 =	vld [tilespmem:s5+$0x12980]  }
0x3b3: {  	s2 =	sand.u32 $0x70, s9;
	v9 =	vld.idx.msk [tilespmem:v8+s22+$0x0], $0xffff  }
0x3b4: {  	s20 =	simm.s32 $0xB0;
	s8 =	sor.u32 s2, s29;
	s9 =	simm.s32 $0x4;
	v8 =	vld.idx.msk [tilespmem:v16+s22+$0x0], $0xffff  }
.LBB2_37:
0x3b5: {  	s2 =	sadd.s32 $0xFFFFFFE0, s20;
	s6 =	sadd.s32 $0xFFFFFFF0, s20;
	v14 =	vor.u32 s20, v3;
	s9 =	sadd.s32 $0x4, s9;
	v12 =	vadd.f32 v13, v12;
	v13 =	vld [tilespmem:s8+$0x12980]  }
0x3b6: {  	s21 =	sadd.s32 $0xFFFFFFD0, s20;
	v15 =	vor.u32 s2, v3;
	s2 =	sand.u32 $0x50, s2;
	v16 =	vor.u32 s6, v3;
	p0 =	slt.u32 s9, $0x7C;
	[tilespmem:s0+$0xA980] =	vst.add.f32.msk $0xffff, v7  }
0x3b7: {  	s23 =	sand.u32 $0x70, s20;
	v17 =	vor.u32 s21, v3;
	s21 =	sand.u32 $0x40, s21;
	s0 =	smov.u32 s3;
	[tilespmem:s19+$0xA980] =	vst.add.f32.msk $0xffff, v12  }
0x3b8: {  	v7 =	vadd.f32 v10, v9;
	[tilespmem:s10+$0xA980] =	vst.add.f32.msk $0xffff, v5;
	s10 =	smov.u32 s5  }
0x3b9: {  	s1 =	sadd.s32 $0x200, s1;
	v5 =	vadd.f32 v11, v8;
	[tilespmem:s18+$0xA980] =	vst.add.f32.msk $0xffff, v6;
	s18 =	smov.u32 s8  }
0x3ba: {  	s6 =	sand.u32 $0x60, s6;
	s8 =	sand.u32 $0x3C00, s1;
	v6 =	vadd.f32 v13, v4;
	v4 =	vld.idx.msk [tilespmem:v14+s22+$0x0], $0xffff  }
0x3bb: {  	s3 =	sor.u32 s21, s8;
	s5 =	sor.u32 s2, s8;
	s19 =	sor.u32 s6, s8;
	v12 =	vld.idx.msk [tilespmem:v16+s22+$0x0], $0xffff  }
.Ltmp19:
0x3bc: {  	s8 =	sor.u32 s23, s8;
	v13 =	vld [tilespmem:s19+$0x12980];
	(pc) =	sbr.rel @p0 .LBB2_37-.Ltmp19, $4  }
0x3bd: {  	v9 =	vld.idx.msk [tilespmem:v17+s22+$0x0], $0xffff  }
0x3be: {  	v8 =	vld.idx.msk [tilespmem:v15+s22+$0x0], $0xffff  }
0x3bf: {  	v10 =	vld [tilespmem:s3+$0x12980]  }
0x3c0: {  	s20 =	sadd.s32 $0x40, s20;
	v11 =	vld [tilespmem:s5+$0x12980]  }
0x3c1: {  	s1 =	sor.u32 $0x2, s28  }
0x3c2: {  	v3 =	vadd.f32 v13, v12;
	v12 =	vld [tilespmem:s8+$0x12980];
	v13 =	vmov s1  }
0x3c3: {  	[tilespmem:s0+$0xA980] =	vst.add.f32.msk $0xffff, v7;
	v7 =	vand.u32 $0xFFFFFFF2, v13  }
0x3c4: {  	[tilespmem:s19+$0xA980] =	vst.add.f32.msk $0xffff, v3;
	v3 =	vbroadcast v7, $0x0  }
0x3c5: {  	[tilespmem:s10+$0xA980] =	vst.add.f32.msk $0xffff, v5;
	v7 =	vadd.f32 v10, v9  }
0x3c6: {  	[tilespmem:s18+$0xA980] =	vst.add.f32.msk $0xffff, v6;
	v5 =	vadd.f32 v11, v8  }
0x3c7: {  	v4 =	vadd.f32 v12, v4;
	[tilespmem:s3+$0xA980] =	vst.add.f32.msk $0xffff, v7  }
0x3c8: {  	[tilespmem:s5+$0xA980] =	vst.add.f32.msk $0xffff, v5  }
0x3c9: {  	[tilespmem:s8+$0xA980] =	vst.add.f32.msk $0xffff, v4  }
0x3ca: {  	v3 =	vld.idx.msk [tilespmem:v3+s24+$0x0], $0xffff;
	_ =	sdelay $0x4  }
0x3cb: {  	v3 =	vshll.u32 v3, $0xB  }
0x3cc: {  	s20 =	simm.s32 $0x20;
	s21 =	simm.s32 $0x30;
	s23 =	simm.s32 $0x0;
	v3 =	vor.u32 v0, v3  }
0x3cd: {  	s29 =	simm.s32 $0x10;
	s0 =	sand.u32 $0x60, s20;
	s3 =	sand.u32 $0x3C00, s23;
	v4 =	vor.u32 s20, v3  }
0x3ce: {  	s2 =	simm.s32 $0x0;
	s6 =	sor.u32 s0, s3;
	s5 =	sand.u32 $0x50, s29;
	v5 =	vor.u32 s21, v3  }
0x3cf: {  	s1 =	sand.u32 $0x70, s21;
	s10 =	sor.u32 s5, s3;
	v8 =	vld [tilespmem:s6+$0x12A00];
	v6 =	vor.u32 s2, v3  }
0x3d0: {  	s18 =	sor.u32 s1, s3;
	v14 =	vld [tilespmem:s10+$0x12A00];
	v7 =	vor.u32 s29, v3  }
0x3d1: {  	v15 =	vld [tilespmem:s18+$0x12A00]  }
0x3d2: {  	s20 =	simm.s32 $0x60;
	v4 =	vld.idx.msk [tilespmem:v4+s22+$0x0], $0xffff  }
0x3d3: {  	v9 =	vor.u32 s20, v3;
	v11 =	vld.idx.msk [tilespmem:v5+s22+$0x0], $0xffff  }
0x3d4: {  	s9 =	simm.s32 $0x70;
	s1 =	simm.s32 $0x200;
	s8 =	sand.u32 $0x40, s2;
	v5 =	vld.idx.msk [tilespmem:v6+s22+$0x0], $0xffff  }
0x3d5: {  	s0 =	sor.u32 s8, s3;
	s29 =	sand.u32 $0x3C00, s1;
	s8 =	sand.u32 $0x60, s20;
	v6 =	vld.idx.msk [tilespmem:v7+s22+$0x0], $0xffff;
	v7 =	vor.u32 s9, v3  }
0x3d6: {  	v10 =	vld [tilespmem:s0+$0x12A00];
	s19 =	sor.u32 s8, s29  }
0x3d7: {  	s21 =	simm.s32 $0x40;
	v13 =	vld [tilespmem:s19+$0x12A00];
	v4 =	vadd.f32 v8, v4  }
0x3d8: {  	s23 =	simm.s32 $0x50;
	v12 =	vld.idx.msk [tilespmem:v9+s22+$0x0], $0xffff;
	v8 =	vor.u32 s21, v3  }
0x3d9: {  	v16 =	vor.u32 s23, v3;
	s3 =	sand.u32 $0x40, s21;
	[tilespmem:s6+$0xAA00] =	vst.add.f32.msk $0xffff, v4  }
0x3da: {  	s5 =	sand.u32 $0x50, s23;
	s3 =	sor.u32 s3, s29;
	v4 =	vld.idx.msk [tilespmem:v7+s22+$0x0], $0xffff  }
0x3db: {  	s5 =	sor.u32 s5, s29;
	v7 =	vadd.f32 v10, v5;
	v10 =	vld [tilespmem:s3+$0x12A00]  }
0x3dc: {  	v5 =	vadd.f32 v14, v6;
	v6 =	vadd.f32 v15, v11;
	v11 =	vld [tilespmem:s5+$0x12A00]  }
0x3dd: {  	s2 =	sand.u32 $0x70, s9;
	v9 =	vld.idx.msk [tilespmem:v8+s22+$0x0], $0xffff  }
0x3de: {  	s20 =	simm.s32 $0xB0;
	s8 =	sor.u32 s2, s29;
	s9 =	simm.s32 $0x4;
	v8 =	vld.idx.msk [tilespmem:v16+s22+$0x0], $0xffff  }
.LBB2_39:
0x3df: {  	s2 =	sadd.s32 $0xFFFFFFE0, s20;
	s6 =	sadd.s32 $0xFFFFFFF0, s20;
	v14 =	vor.u32 s20, v3;
	s9 =	sadd.s32 $0x4, s9;
	v12 =	vadd.f32 v13, v12;
	v13 =	vld [tilespmem:s8+$0x12A00]  }
0x3e0: {  	s21 =	sadd.s32 $0xFFFFFFD0, s20;
	v15 =	vor.u32 s2, v3;
	s2 =	sand.u32 $0x50, s2;
	v16 =	vor.u32 s6, v3;
	p0 =	slt.u32 s9, $0x7C;
	[tilespmem:s0+$0xAA00] =	vst.add.f32.msk $0xffff, v7  }
0x3e1: {  	s23 =	sand.u32 $0x70, s20;
	v17 =	vor.u32 s21, v3;
	s21 =	sand.u32 $0x40, s21;
	s0 =	smov.u32 s3;
	[tilespmem:s19+$0xAA00] =	vst.add.f32.msk $0xffff, v12  }
0x3e2: {  	v7 =	vadd.f32 v10, v9;
	[tilespmem:s10+$0xAA00] =	vst.add.f32.msk $0xffff, v5;
	s10 =	smov.u32 s5  }
0x3e3: {  	s1 =	sadd.s32 $0x200, s1;
	v5 =	vadd.f32 v11, v8;
	[tilespmem:s18+$0xAA00] =	vst.add.f32.msk $0xffff, v6;
	s18 =	smov.u32 s8  }
0x3e4: {  	s6 =	sand.u32 $0x60, s6;
	s8 =	sand.u32 $0x3C00, s1;
	v6 =	vadd.f32 v13, v4;
	v4 =	vld.idx.msk [tilespmem:v14+s22+$0x0], $0xffff  }
0x3e5: {  	s3 =	sor.u32 s21, s8;
	s5 =	sor.u32 s2, s8;
	s19 =	sor.u32 s6, s8;
	v12 =	vld.idx.msk [tilespmem:v16+s22+$0x0], $0xffff  }
.Ltmp20:
0x3e6: {  	s8 =	sor.u32 s23, s8;
	v13 =	vld [tilespmem:s19+$0x12A00];
	(pc) =	sbr.rel @p0 .LBB2_39-.Ltmp20, $4  }
0x3e7: {  	v9 =	vld.idx.msk [tilespmem:v17+s22+$0x0], $0xffff  }
0x3e8: {  	v8 =	vld.idx.msk [tilespmem:v15+s22+$0x0], $0xffff  }
0x3e9: {  	v10 =	vld [tilespmem:s3+$0x12A00]  }
0x3ea: {  	s20 =	sadd.s32 $0x40, s20;
	v11 =	vld [tilespmem:s5+$0x12A00]  }
0x3eb: {  	s1 =	sor.u32 $0x3, s28  }
0x3ec: {  	v3 =	vadd.f32 v13, v12;
	v12 =	vld [tilespmem:s8+$0x12A00];
	v13 =	vmov s1  }
0x3ed: {  	[tilespmem:s0+$0xAA00] =	vst.add.f32.msk $0xffff, v7;
	v7 =	vand.u32 $0xFFFFFFF3, v13  }
0x3ee: {  	[tilespmem:s19+$0xAA00] =	vst.add.f32.msk $0xffff, v3;
	v3 =	vbroadcast v7, $0x0  }
0x3ef: {  	[tilespmem:s10+$0xAA00] =	vst.add.f32.msk $0xffff, v5;
	v7 =	vadd.f32 v10, v9  }
0x3f0: {  	[tilespmem:s18+$0xAA00] =	vst.add.f32.msk $0xffff, v6;
	v5 =	vadd.f32 v11, v8  }
0x3f1: {  	v4 =	vadd.f32 v12, v4;
	[tilespmem:s3+$0xAA00] =	vst.add.f32.msk $0xffff, v7  }
0x3f2: {  	[tilespmem:s5+$0xAA00] =	vst.add.f32.msk $0xffff, v5  }
0x3f3: {  	[tilespmem:s8+$0xAA00] =	vst.add.f32.msk $0xffff, v4  }
0x3f4: {  	v3 =	vld.idx.msk [tilespmem:v3+s24+$0x0], $0xffff;
	_ =	sdelay $0x4  }
0x3f5: {  	v3 =	vshll.u32 v3, $0xB  }
0x3f6: {  	s20 =	simm.s32 $0x20;
	s21 =	simm.s32 $0x30;
	s23 =	simm.s32 $0x0;
	v3 =	vor.u32 v0, v3  }
0x3f7: {  	s29 =	simm.s32 $0x10;
	s0 =	sand.u32 $0x60, s20;
	s3 =	sand.u32 $0x3C00, s23;
	v4 =	vor.u32 s20, v3  }
0x3f8: {  	s2 =	simm.s32 $0x0;
	s6 =	sor.u32 s0, s3;
	s5 =	sand.u32 $0x50, s29;
	v5 =	vor.u32 s21, v3  }
0x3f9: {  	s1 =	sand.u32 $0x70, s21;
	s10 =	sor.u32 s5, s3;
	v8 =	vld [tilespmem:s6+$0x12A80];
	v6 =	vor.u32 s2, v3  }
0x3fa: {  	s18 =	sor.u32 s1, s3;
	v14 =	vld [tilespmem:s10+$0x12A80];
	v7 =	vor.u32 s29, v3  }
0x3fb: {  	v15 =	vld [tilespmem:s18+$0x12A80]  }
0x3fc: {  	s20 =	simm.s32 $0x60;
	v4 =	vld.idx.msk [tilespmem:v4+s22+$0x0], $0xffff  }
0x3fd: {  	v9 =	vor.u32 s20, v3;
	v11 =	vld.idx.msk [tilespmem:v5+s22+$0x0], $0xffff  }
0x3fe: {  	s9 =	simm.s32 $0x70;
	s1 =	simm.s32 $0x200;
	s8 =	sand.u32 $0x40, s2;
	v5 =	vld.idx.msk [tilespmem:v6+s22+$0x0], $0xffff  }
0x3ff: {  	s0 =	sor.u32 s8, s3;
	s29 =	sand.u32 $0x3C00, s1;
	s8 =	sand.u32 $0x60, s20;
	v6 =	vld.idx.msk [tilespmem:v7+s22+$0x0], $0xffff;
	v7 =	vor.u32 s9, v3  }
0x400: {  	v10 =	vld [tilespmem:s0+$0x12A80];
	s19 =	sor.u32 s8, s29  }
0x401: {  	s21 =	simm.s32 $0x40;
	v13 =	vld [tilespmem:s19+$0x12A80];
	v4 =	vadd.f32 v8, v4  }
0x402: {  	s23 =	simm.s32 $0x50;
	v12 =	vld.idx.msk [tilespmem:v9+s22+$0x0], $0xffff;
	v8 =	vor.u32 s21, v3  }
0x403: {  	v16 =	vor.u32 s23, v3;
	s3 =	sand.u32 $0x40, s21;
	[tilespmem:s6+$0xAA80] =	vst.add.f32.msk $0xffff, v4  }
0x404: {  	s5 =	sand.u32 $0x50, s23;
	s3 =	sor.u32 s3, s29;
	v4 =	vld.idx.msk [tilespmem:v7+s22+$0x0], $0xffff  }
0x405: {  	s5 =	sor.u32 s5, s29;
	v7 =	vadd.f32 v10, v5;
	v10 =	vld [tilespmem:s3+$0x12A80]  }
0x406: {  	v5 =	vadd.f32 v14, v6;
	v6 =	vadd.f32 v15, v11;
	v11 =	vld [tilespmem:s5+$0x12A80]  }
0x407: {  	s2 =	sand.u32 $0x70, s9;
	v9 =	vld.idx.msk [tilespmem:v8+s22+$0x0], $0xffff  }
0x408: {  	s20 =	simm.s32 $0xB0;
	s8 =	sor.u32 s2, s29;
	s9 =	simm.s32 $0x4;
	v8 =	vld.idx.msk [tilespmem:v16+s22+$0x0], $0xffff  }
.LBB2_41:
0x409: {  	s2 =	sadd.s32 $0xFFFFFFE0, s20;
	s6 =	sadd.s32 $0xFFFFFFF0, s20;
	v14 =	vor.u32 s20, v3;
	s9 =	sadd.s32 $0x4, s9;
	v12 =	vadd.f32 v13, v12;
	v13 =	vld [tilespmem:s8+$0x12A80]  }
0x40a: {  	s21 =	sadd.s32 $0xFFFFFFD0, s20;
	v15 =	vor.u32 s2, v3;
	s2 =	sand.u32 $0x50, s2;
	v16 =	vor.u32 s6, v3;
	p0 =	slt.u32 s9, $0x7C;
	[tilespmem:s0+$0xAA80] =	vst.add.f32.msk $0xffff, v7  }
0x40b: {  	s23 =	sand.u32 $0x70, s20;
	v17 =	vor.u32 s21, v3;
	s21 =	sand.u32 $0x40, s21;
	s0 =	smov.u32 s3;
	[tilespmem:s19+$0xAA80] =	vst.add.f32.msk $0xffff, v12  }
0x40c: {  	v7 =	vadd.f32 v10, v9;
	[tilespmem:s10+$0xAA80] =	vst.add.f32.msk $0xffff, v5;
	s10 =	smov.u32 s5  }
0x40d: {  	s1 =	sadd.s32 $0x200, s1;
	v5 =	vadd.f32 v11, v8;
	[tilespmem:s18+$0xAA80] =	vst.add.f32.msk $0xffff, v6;
	s18 =	smov.u32 s8  }
0x40e: {  	s6 =	sand.u32 $0x60, s6;
	s8 =	sand.u32 $0x3C00, s1;
	v6 =	vadd.f32 v13, v4;
	v4 =	vld.idx.msk [tilespmem:v14+s22+$0x0], $0xffff  }
0x40f: {  	s3 =	sor.u32 s21, s8;
	s5 =	sor.u32 s2, s8;
	s19 =	sor.u32 s6, s8;
	v12 =	vld.idx.msk [tilespmem:v16+s22+$0x0], $0xffff  }
.Ltmp21:
0x410: {  	s8 =	sor.u32 s23, s8;
	v13 =	vld [tilespmem:s19+$0x12A80];
	(pc) =	sbr.rel @p0 .LBB2_41-.Ltmp21, $4  }
0x411: {  	v9 =	vld.idx.msk [tilespmem:v17+s22+$0x0], $0xffff  }
0x412: {  	v8 =	vld.idx.msk [tilespmem:v15+s22+$0x0], $0xffff  }
0x413: {  	v10 =	vld [tilespmem:s3+$0x12A80]  }
0x414: {  	s20 =	sadd.s32 $0x40, s20;
	v11 =	vld [tilespmem:s5+$0x12A80]  }
0x415: {  	s1 =	sor.u32 $0x4, s28  }
0x416: {  	v3 =	vadd.f32 v13, v12;
	v59 =	vld [tilespmem:s8+$0x12A80];
	v60 =	vmov s1  }
0x417: {  	[tilespmem:s0+$0xAA80] =	vst.add.f32.msk $0xffff, v7;
	v7 =	vand.u32 $0xFFFFFFF4, v60  }
0x418: {  	[tilespmem:s19+$0xAA80] =	vst.add.f32.msk $0xffff, v3;
	v3 =	vbroadcast v7, $0x0  }
0x419: {  	[tilespmem:s10+$0xAA80] =	vst.add.f32.msk $0xffff, v5;
	v7 =	vadd.f32 v10, v9  }
0x41a: {  	[tilespmem:s18+$0xAA80] =	vst.add.f32.msk $0xffff, v6;
	v5 =	vadd.f32 v11, v8  }
0x41b: {  	v4 =	vadd.f32 v59, v4;
	[tilespmem:s3+$0xAA80] =	vst.add.f32.msk $0xffff, v7  }
0x41c: {  	[tilespmem:s5+$0xAA80] =	vst.add.f32.msk $0xffff, v5  }
0x41d: {  	[tilespmem:s8+$0xAA80] =	vst.add.f32.msk $0xffff, v4  }
0x41e: {  	v3 =	vld.idx.msk [tilespmem:v3+s24+$0x0], $0xffff;
	_ =	sdelay $0x2  }
0x41f: {  	s23 =	simm.s32 $0x0;
	p0 =	por $0x0, $0x0;
	s2 =	simm.s32 $0x30  }
0x420: {  	s10 =	simm.s32 $0x0;
	s1 =	simm.s32 $0x1;
	s0 =	sand.u32 $0x3, s23  }
0x421: {  	s1 =	simm.s32 @!p0 $0x0;
	s0 =	sshll.u32 s0, $0x5;
	s5 =	sand.u32 $0x7, s23;
	v3 =	vshll.u32 v3, $0xB  }
0x422: {  	s1 =	sshll.u32 s1, $0x6;
	s0 =	sadd.s32 $0x20, s0;
	s3 =	sshll.u32 s5, $0x4;
	v3 =	vor.u32 v0, v3  }
0x423: {  	s1 =	sadd.s32 $0x0, s1;
	s5 =	sor.u32 $0x200, s0;
	s8 =	sadd.s32 $0x0, s3;
	v4 =	vor.u32 s2, v3  }
0x424: {  	s6 =	simm.s32 $0x20;
	s3 =	sor.u32 $0x200, s1;
	v61 =	vld [tilespmem:s5+$0x12900];
	s9 =	sadd.s32 $0x30, s8;
	v7 =	vor.u32 s10, v3  }
0x425: {  	s18 =	simm.s32 $0x10;
	v6 =	vld [tilespmem:s3+$0x12900];
	s1 =	sor.u32 $0x200, s9;
	v5 =	vor.u32 s6, v3;
	s2 =	sadd.s32 $0x10, s8  }
0x426: {  	v8 =	vld [tilespmem:s1+$0x12900];
	v9 =	vor.u32 s18, v3;
	s10 =	sor.u32 $0x200, s2  }
0x427: {  	s19 =	simm.s32 $0x4;
	p0 =	por !p0, !p0;
	s6 =	simm.s32 $0x1;
	v62 =	vld [tilespmem:s10+$0x12900]  }
0x428: {  	s0 =	sand.u32 $0x7, s19;
	s6 =	simm.s32 @!p0 $0x0;
	v10 =	vld.idx.msk [tilespmem:v4+s22+$0x0], $0xffff  }
0x429: {  	s0 =	sshll.u32 s0, $0x4;
	s20 =	sshll.u32 s6, $0x6;
	v7 =	vld.idx.msk [tilespmem:v7+s22+$0x0], $0xffff  }
0x42a: {  	s21 =	sadd.s32 $0x200, s0;
	s0 =	simm.s32 $0x70;
	s23 =	sadd.s32 $0x200, s20;
	v11 =	vld.idx.msk [tilespmem:v5+s22+$0x0], $0xffff  }
0x42b: {  	s2 =	sadd.s32 $0x10, s21;
	s18 =	sor.u32 $0x200, s23;
	v14 =	vld.idx.msk [tilespmem:v9+s22+$0x0], $0xffff;
	v9 =	vor.u32 s0, v3  }
0x42c: {  	s9 =	sadd.s32 $0x30, s21;
	s19 =	sor.u32 $0x200, s2;
	v4 =	vld [tilespmem:s18+$0x12900]  }
0x42d: {  	s9 =	sor.u32 $0x200, s9;
	s8 =	simm.s32 $0x60;
	v5 =	vld [tilespmem:s19+$0x12900];
	v8 =	vadd.f32 v8, v10  }
0x42e: {  	v63 =	vor.u32 s8, v3;
	v7 =	vadd.f32 v6, v7;
	v6 =	vld [tilespmem:s9+$0x12900]  }
0x42f: {  	[tilespmem:s1+$0xA900] =	vst.add.f32.msk $0xffff, v8;
	s1 =	simm.s32 $0x2  }
0x430: {  	s21 =	simm.s32 $0x40;
	v10 =	vadd.f32 v61, v11;
	v11 =	vld.idx.msk [tilespmem:v9+s22+$0x0], $0xffff;
	s20 =	sand.u32 $0x3, s1  }
0x431: {  	s29 =	simm.s32 $0x4;
	s23 =	simm.s32 $0x50;
	[tilespmem:s3+$0xA900] =	vst.add.f32.msk $0xffff, v7;
	v7 =	vor.u32 s21, v3;
	s2 =	sshll.u32 s20, $0x5  }
0x432: {  	p0 =	por !p0, !p0;
	v9 =	vor.u32 s23, v3;
	[tilespmem:s5+$0xA900] =	vst.add.f32.msk $0xffff, v10;
	s5 =	simm.s32 $0x200;
	s2 =	sadd.s32 $0x220, s2  }
0x433: {  	v10 =	vadd.f32 v62, v14;
	v8 =	vld.idx.msk [tilespmem:v63+s22+$0x0], $0xffff;
	s3 =	simm.s32 $0x8;
	s20 =	simm.s32 $0x220;
	s8 =	sor.u32 $0x200, s2  }
.LBB2_43:
0x434: {  	s6 =	simm.s32 $0x1  }
0x435: {  	s2 =	sand.u32 $0x7, s3;
	v12 =	vld [tilespmem:s8+$0x12900];
	s6 =	simm.s32 @!p0 $0x0  }
0x436: {  	s5 =	sadd.s32 $0x200, s5;
	s2 =	sshll.u32 s2, $0x4;
	s6 =	sshll.u32 s6, $0x6;
	v13 =	vld.idx.msk [tilespmem:v7+s22+$0x0], $0xffff  }
0x437: {  	s2 =	sadd.s32 s2, s5;
	s6 =	sadd.s32 s6, s5;
	v14 =	vld.idx.msk [tilespmem:v9+s22+$0x0], $0xffff  }
0x438: {  	s21 =	sadd.s32 $0x10, s2;
	s6 =	sor.u32 $0x200, s6;
	[tilespmem:s10+$0xA900] =	vst.add.f32.msk $0xffff, v10;
	s10 =	smov.u32 s19  }
0x439: {  	s0 =	sadd.s32 $0x40, s0;
	v6 =	vadd.f32 v6, v11;
	s19 =	sor.u32 $0x200, s21;
	v15 =	vld [tilespmem:s6+$0x12900]  }
0x43a: {  	s29 =	sadd.s32 $0x4, s29;
	s23 =	sadd.s32 $0xFFFFFFF0, s0;
	v11 =	vor.u32 s0, v3;
	s21 =	sadd.s32 $0xFFFFFFD0, s0;
	v8 =	vadd.f32 v12, v8;
	v16 =	vld [tilespmem:s19+$0x12900]  }
0x43b: {  	p1 =	slt.u32 s29, $0x7C;
	s2 =	sadd.s32 $0x30, s2;
	v7 =	vor.u32 s21, v3;
	s21 =	sadd.s32 $0xFFFFFFE0, s0;
	v12 =	vor.u32 s23, v3;
	[tilespmem:s9+$0xA900] =	vst.add.f32.msk $0xffff, v6  }
.Ltmp22:
0x43c: {  	s1 =	sadd.s32 $0x2, s1;
	v9 =	vor.u32 s21, v3;
	s9 =	sor.u32 $0x200, s2;
	v13 =	vadd.f32 v4, v13;
	[tilespmem:s8+$0xA900] =	vst.add.f32.msk $0xffff, v8;
	(pc) =	sbr.rel @p1 .LBB2_43-.Ltmp22, $4  }
0x43d: {  	s2 =	sand.u32 $0x3, s1;
	v10 =	vadd.f32 v5, v14;
	v6 =	vld [tilespmem:s9+$0x12900]  }
0x43e: {  	s20 =	sadd.s32 $0x200, s20;
	s2 =	sshll.u32 s2, $0x5;
	[tilespmem:s18+$0xA900] =	vst.add.f32.msk $0xffff, v13;
	v4 =	vmov v15;
	s18 =	smov.u32 s6  }
0x43f: {  	s2 =	sadd.s32 s2, s20;
	v11 =	vld.idx.msk [tilespmem:v11+s22+$0x0], $0xffff;
	v5 =	vmov v16  }
0x440: {  	s3 =	sadd.s32 $0x4, s3;
	p0 =	por !p0, !p0;
	s8 =	sor.u32 $0x200, s2;
	v8 =	vld.idx.msk [tilespmem:v12+s22+$0x0], $0xffff  }
0x441: {  	_ =	sdelay $0x2  }
0x442: {  	v3 =	vld [tilespmem:s8+$0x12900]  }
0x443: {  	v7 =	vld.idx.msk [tilespmem:v7+s22+$0x0], $0xffff;
	s0 =	sor.u32 $0x5, s28  }
0x444: {  	v9 =	vld.idx.msk [tilespmem:v9+s22+$0x0], $0xffff;
	v12 =	vmov s0  }
0x445: {  	v12 =	vand.u32 $0xFFFFFFF5, v12  }
0x446: {  	v6 =	vadd.f32 v6, v11;
	v11 =	vbroadcast v12, $0x0  }
0x447: {  	[tilespmem:s10+$0xA900] =	vst.add.f32.msk $0xffff, v10;
	v3 =	vadd.f32 v3, v8  }
0x448: {  	[tilespmem:s9+$0xA900] =	vst.add.f32.msk $0xffff, v6;
	v4 =	vadd.f32 v4, v7  }
0x449: {  	[tilespmem:s8+$0xA900] =	vst.add.f32.msk $0xffff, v3;
	v3 =	vadd.f32 v5, v9  }
0x44a: {  	[tilespmem:s18+$0xA900] =	vst.add.f32.msk $0xffff, v4  }
0x44b: {  	[tilespmem:s19+$0xA900] =	vst.add.f32.msk $0xffff, v3  }
0x44c: {  	v3 =	vld.idx.msk [tilespmem:v11+s24+$0x0], $0xffff;
	_ =	sdelay $0x2  }
0x44d: {  	s6 =	simm.s32 $0x0;
	p0 =	por $0x0, $0x0;
	s1 =	simm.s32 $0x1  }
0x44e: {  	s2 =	simm.s32 $0x30;
	s3 =	sand.u32 $0x7, s6;
	s1 =	simm.s32 @!p0 $0x0  }
0x44f: {  	s10 =	simm.s32 $0x0;
	s3 =	sshll.u32 s3, $0x4;
	s1 =	sshll.u32 s1, $0x6;
	v3 =	vshll.u32 v3, $0xB  }
0x450: {  	s0 =	sand.u32 $0x3, s6;
	s1 =	sadd.s32 $0x0, s1;
	s8 =	sadd.s32 $0x0, s3;
	v3 =	vor.u32 v0, v3  }
0x451: {  	s0 =	sshll.u32 s0, $0x5;
	s3 =	sor.u32 $0x280, s1;
	s9 =	sadd.s32 $0x30, s8;
	v4 =	vor.u32 s2, v3  }
0x452: {  	s5 =	simm.s32 $0x20;
	s0 =	sadd.s32 $0x20, s0;
	s1 =	sor.u32 $0x280, s9;
	v6 =	vld [tilespmem:s3+$0x12900];
	v7 =	vor.u32 s10, v3  }
0x453: {  	s18 =	simm.s32 $0x10;
	v8 =	vld [tilespmem:s1+$0x12900];
	v5 =	vor.u32 s5, v3;
	s2 =	sadd.s32 $0x10, s8;
	s5 =	sor.u32 $0x280, s0  }
0x454: {  	v9 =	vor.u32 s18, v3;
	s10 =	sor.u32 $0x280, s2;
	v62 =	vld [tilespmem:s5+$0x12900]  }
0x455: {  	p0 =	por !p0, !p0;
	s6 =	simm.s32 $0x1;
	s19 =	simm.s32 $0x4;
	v13 =	vld [tilespmem:s10+$0x12900]  }
0x456: {  	s6 =	simm.s32 @!p0 $0x0;
	s0 =	sand.u32 $0x7, s19;
	v10 =	vld.idx.msk [tilespmem:v4+s22+$0x0], $0xffff  }
0x457: {  	s20 =	sshll.u32 s6, $0x6;
	s0 =	sshll.u32 s0, $0x4;
	v7 =	vld.idx.msk [tilespmem:v7+s22+$0x0], $0xffff  }
0x458: {  	s23 =	sadd.s32 $0x200, s20;
	s21 =	sadd.s32 $0x200, s0;
	s0 =	simm.s32 $0x70;
	v11 =	vld.idx.msk [tilespmem:v5+s22+$0x0], $0xffff  }
0x459: {  	s18 =	sor.u32 $0x280, s23;
	s2 =	sadd.s32 $0x10, s21;
	v14 =	vld.idx.msk [tilespmem:v9+s22+$0x0], $0xffff;
	v9 =	vor.u32 s0, v3  }
0x45a: {  	s9 =	sadd.s32 $0x30, s21;
	s19 =	sor.u32 $0x280, s2;
	v4 =	vld [tilespmem:s18+$0x12900]  }
0x45b: {  	s8 =	simm.s32 $0x60;
	s9 =	sor.u32 $0x280, s9;
	v5 =	vld [tilespmem:s19+$0x12900];
	v8 =	vadd.f32 v8, v10  }
0x45c: {  	v63 =	vor.u32 s8, v3;
	v7 =	vadd.f32 v6, v7;
	v6 =	vld [tilespmem:s9+$0x12900]  }
0x45d: {  	[tilespmem:s1+$0xA900] =	vst.add.f32.msk $0xffff, v8;
	s1 =	simm.s32 $0x2  }
0x45e: {  	s21 =	simm.s32 $0x40;
	v10 =	vadd.f32 v62, v11;
	v11 =	vld.idx.msk [tilespmem:v9+s22+$0x0], $0xffff;
	s20 =	sand.u32 $0x3, s1  }
0x45f: {  	s29 =	simm.s32 $0x4;
	s23 =	simm.s32 $0x50;
	[tilespmem:s3+$0xA900] =	vst.add.f32.msk $0xffff, v7;
	v7 =	vor.u32 s21, v3;
	s2 =	sshll.u32 s20, $0x5  }
0x460: {  	p0 =	por !p0, !p0;
	v9 =	vor.u32 s23, v3;
	[tilespmem:s5+$0xA900] =	vst.add.f32.msk $0xffff, v10;
	s5 =	simm.s32 $0x200;
	s2 =	sadd.s32 $0x220, s2  }
0x461: {  	v10 =	vadd.f32 v13, v14;
	v8 =	vld.idx.msk [tilespmem:v63+s22+$0x0], $0xffff;
	s3 =	simm.s32 $0x8;
	s20 =	simm.s32 $0x220;
	s8 =	sor.u32 $0x280, s2  }
.LBB2_45:
0x462: {  	s6 =	simm.s32 $0x1  }
0x463: {  	s2 =	sand.u32 $0x7, s3;
	v12 =	vld [tilespmem:s8+$0x12900];
	s6 =	simm.s32 @!p0 $0x0  }
0x464: {  	s5 =	sadd.s32 $0x200, s5;
	s2 =	sshll.u32 s2, $0x4;
	s6 =	sshll.u32 s6, $0x6;
	v13 =	vld.idx.msk [tilespmem:v7+s22+$0x0], $0xffff  }
0x465: {  	s2 =	sadd.s32 s2, s5;
	s6 =	sadd.s32 s6, s5;
	v14 =	vld.idx.msk [tilespmem:v9+s22+$0x0], $0xffff  }
0x466: {  	s21 =	sadd.s32 $0x10, s2;
	s6 =	sor.u32 $0x280, s6;
	[tilespmem:s10+$0xA900] =	vst.add.f32.msk $0xffff, v10;
	s10 =	smov.u32 s19  }
0x467: {  	s0 =	sadd.s32 $0x40, s0;
	v6 =	vadd.f32 v6, v11;
	s19 =	sor.u32 $0x280, s21;
	v15 =	vld [tilespmem:s6+$0x12900]  }
0x468: {  	s29 =	sadd.s32 $0x4, s29;
	s23 =	sadd.s32 $0xFFFFFFF0, s0;
	v11 =	vor.u32 s0, v3;
	s21 =	sadd.s32 $0xFFFFFFD0, s0;
	v8 =	vadd.f32 v12, v8;
	v16 =	vld [tilespmem:s19+$0x12900]  }
0x469: {  	p1 =	slt.u32 s29, $0x7C;
	s2 =	sadd.s32 $0x30, s2;
	v7 =	vor.u32 s21, v3;
	s21 =	sadd.s32 $0xFFFFFFE0, s0;
	v12 =	vor.u32 s23, v3;
	[tilespmem:s9+$0xA900] =	vst.add.f32.msk $0xffff, v6  }
.Ltmp23:
0x46a: {  	s1 =	sadd.s32 $0x2, s1;
	v9 =	vor.u32 s21, v3;
	s9 =	sor.u32 $0x280, s2;
	v13 =	vadd.f32 v4, v13;
	[tilespmem:s8+$0xA900] =	vst.add.f32.msk $0xffff, v8;
	(pc) =	sbr.rel @p1 .LBB2_45-.Ltmp23, $4  }
0x46b: {  	s2 =	sand.u32 $0x3, s1;
	v10 =	vadd.f32 v5, v14;
	v6 =	vld [tilespmem:s9+$0x12900]  }
0x46c: {  	s20 =	sadd.s32 $0x200, s20;
	s2 =	sshll.u32 s2, $0x5;
	[tilespmem:s18+$0xA900] =	vst.add.f32.msk $0xffff, v13;
	v4 =	vmov v15;
	s18 =	smov.u32 s6  }
0x46d: {  	s2 =	sadd.s32 s2, s20;
	v11 =	vld.idx.msk [tilespmem:v11+s22+$0x0], $0xffff;
	v5 =	vmov v16  }
0x46e: {  	s3 =	sadd.s32 $0x4, s3;
	p0 =	por !p0, !p0;
	s8 =	sor.u32 $0x280, s2;
	v8 =	vld.idx.msk [tilespmem:v12+s22+$0x0], $0xffff  }
0x46f: {  	_ =	sdelay $0x2  }
0x470: {  	v3 =	vld [tilespmem:s8+$0x12900]  }
0x471: {  	v7 =	vld.idx.msk [tilespmem:v7+s22+$0x0], $0xffff;
	s0 =	sor.u32 $0x6, s28  }
0x472: {  	v9 =	vld.idx.msk [tilespmem:v9+s22+$0x0], $0xffff;
	v12 =	vmov s0  }
0x473: {  	v12 =	vand.u32 $0xFFFFFFF6, v12  }
0x474: {  	v6 =	vadd.f32 v6, v11;
	v11 =	vbroadcast v12, $0x0  }
0x475: {  	[tilespmem:s10+$0xA900] =	vst.add.f32.msk $0xffff, v10;
	v3 =	vadd.f32 v3, v8  }
0x476: {  	[tilespmem:s9+$0xA900] =	vst.add.f32.msk $0xffff, v6;
	v4 =	vadd.f32 v4, v7  }
0x477: {  	[tilespmem:s8+$0xA900] =	vst.add.f32.msk $0xffff, v3;
	v3 =	vadd.f32 v5, v9  }
0x478: {  	[tilespmem:s18+$0xA900] =	vst.add.f32.msk $0xffff, v4  }
0x479: {  	[tilespmem:s19+$0xA900] =	vst.add.f32.msk $0xffff, v3  }
0x47a: {  	v3 =	vld.idx.msk [tilespmem:v11+s24+$0x0], $0xffff;
	_ =	sdelay $0x2  }
0x47b: {  	s6 =	simm.s32 $0x0;
	p0 =	por $0x0, $0x0;
	s1 =	simm.s32 $0x1  }
0x47c: {  	s2 =	simm.s32 $0x30;
	s3 =	sand.u32 $0x7, s6;
	s1 =	simm.s32 @!p0 $0x0  }
0x47d: {  	s10 =	simm.s32 $0x0;
	s3 =	sshll.u32 s3, $0x4;
	s1 =	sshll.u32 s1, $0x6;
	v3 =	vshll.u32 v3, $0xB  }
0x47e: {  	s0 =	sand.u32 $0x3, s6;
	s1 =	sadd.s32 $0x0, s1;
	s8 =	sadd.s32 $0x0, s3;
	v3 =	vor.u32 v0, v3  }
0x47f: {  	s0 =	sshll.u32 s0, $0x5;
	s3 =	sor.u32 $0x300, s1;
	s9 =	sadd.s32 $0x30, s8;
	v4 =	vor.u32 s2, v3  }
0x480: {  	s5 =	simm.s32 $0x20;
	s0 =	sadd.s32 $0x20, s0;
	s1 =	sor.u32 $0x300, s9;
	v6 =	vld [tilespmem:s3+$0x12900];
	v7 =	vor.u32 s10, v3  }
0x481: {  	s18 =	simm.s32 $0x10;
	v8 =	vld [tilespmem:s1+$0x12900];
	v5 =	vor.u32 s5, v3;
	s2 =	sadd.s32 $0x10, s8;
	s5 =	sor.u32 $0x300, s0  }
0x482: {  	v9 =	vor.u32 s18, v3;
	s10 =	sor.u32 $0x300, s2;
	v62 =	vld [tilespmem:s5+$0x12900]  }
0x483: {  	p0 =	por !p0, !p0;
	s6 =	simm.s32 $0x1;
	s19 =	simm.s32 $0x4;
	v13 =	vld [tilespmem:s10+$0x12900]  }
0x484: {  	s6 =	simm.s32 @!p0 $0x0;
	s0 =	sand.u32 $0x7, s19;
	v10 =	vld.idx.msk [tilespmem:v4+s22+$0x0], $0xffff  }
0x485: {  	s20 =	sshll.u32 s6, $0x6;
	s0 =	sshll.u32 s0, $0x4;
	v7 =	vld.idx.msk [tilespmem:v7+s22+$0x0], $0xffff  }
0x486: {  	s23 =	sadd.s32 $0x200, s20;
	s21 =	sadd.s32 $0x200, s0;
	s0 =	simm.s32 $0x70;
	v11 =	vld.idx.msk [tilespmem:v5+s22+$0x0], $0xffff  }
0x487: {  	s18 =	sor.u32 $0x300, s23;
	s2 =	sadd.s32 $0x10, s21;
	v14 =	vld.idx.msk [tilespmem:v9+s22+$0x0], $0xffff;
	v9 =	vor.u32 s0, v3  }
0x488: {  	s9 =	sadd.s32 $0x30, s21;
	s19 =	sor.u32 $0x300, s2;
	v4 =	vld [tilespmem:s18+$0x12900]  }
0x489: {  	s8 =	simm.s32 $0x60;
	s9 =	sor.u32 $0x300, s9;
	v5 =	vld [tilespmem:s19+$0x12900];
	v8 =	vadd.f32 v8, v10  }
0x48a: {  	v63 =	vor.u32 s8, v3;
	v7 =	vadd.f32 v6, v7;
	v6 =	vld [tilespmem:s9+$0x12900]  }
0x48b: {  	[tilespmem:s1+$0xA900] =	vst.add.f32.msk $0xffff, v8;
	s1 =	simm.s32 $0x2  }
0x48c: {  	s21 =	simm.s32 $0x40;
	v10 =	vadd.f32 v62, v11;
	v11 =	vld.idx.msk [tilespmem:v9+s22+$0x0], $0xffff;
	s20 =	sand.u32 $0x3, s1  }
0x48d: {  	s29 =	simm.s32 $0x4;
	s23 =	simm.s32 $0x50;
	[tilespmem:s3+$0xA900] =	vst.add.f32.msk $0xffff, v7;
	v7 =	vor.u32 s21, v3;
	s2 =	sshll.u32 s20, $0x5  }
0x48e: {  	p0 =	por !p0, !p0;
	v9 =	vor.u32 s23, v3;
	[tilespmem:s5+$0xA900] =	vst.add.f32.msk $0xffff, v10;
	s5 =	simm.s32 $0x200;
	s2 =	sadd.s32 $0x220, s2  }
0x48f: {  	v10 =	vadd.f32 v13, v14;
	v8 =	vld.idx.msk [tilespmem:v63+s22+$0x0], $0xffff;
	s3 =	simm.s32 $0x8;
	s20 =	simm.s32 $0x220;
	s8 =	sor.u32 $0x300, s2  }
.LBB2_47:
0x490: {  	s6 =	simm.s32 $0x1  }
0x491: {  	s2 =	sand.u32 $0x7, s3;
	v12 =	vld [tilespmem:s8+$0x12900];
	s6 =	simm.s32 @!p0 $0x0  }
0x492: {  	s5 =	sadd.s32 $0x200, s5;
	s2 =	sshll.u32 s2, $0x4;
	s6 =	sshll.u32 s6, $0x6;
	v13 =	vld.idx.msk [tilespmem:v7+s22+$0x0], $0xffff  }
0x493: {  	s2 =	sadd.s32 s2, s5;
	s6 =	sadd.s32 s6, s5;
	v14 =	vld.idx.msk [tilespmem:v9+s22+$0x0], $0xffff  }
0x494: {  	s21 =	sadd.s32 $0x10, s2;
	s6 =	sor.u32 $0x300, s6;
	[tilespmem:s10+$0xA900] =	vst.add.f32.msk $0xffff, v10;
	s10 =	smov.u32 s19  }
0x495: {  	s0 =	sadd.s32 $0x40, s0;
	v6 =	vadd.f32 v6, v11;
	s19 =	sor.u32 $0x300, s21;
	v15 =	vld [tilespmem:s6+$0x12900]  }
0x496: {  	s29 =	sadd.s32 $0x4, s29;
	s23 =	sadd.s32 $0xFFFFFFF0, s0;
	v11 =	vor.u32 s0, v3;
	s21 =	sadd.s32 $0xFFFFFFD0, s0;
	v8 =	vadd.f32 v12, v8;
	v16 =	vld [tilespmem:s19+$0x12900]  }
0x497: {  	p1 =	slt.u32 s29, $0x7C;
	s2 =	sadd.s32 $0x30, s2;
	v7 =	vor.u32 s21, v3;
	s21 =	sadd.s32 $0xFFFFFFE0, s0;
	v12 =	vor.u32 s23, v3;
	[tilespmem:s9+$0xA900] =	vst.add.f32.msk $0xffff, v6  }
.Ltmp24:
0x498: {  	s1 =	sadd.s32 $0x2, s1;
	v9 =	vor.u32 s21, v3;
	s9 =	sor.u32 $0x300, s2;
	v13 =	vadd.f32 v4, v13;
	[tilespmem:s8+$0xA900] =	vst.add.f32.msk $0xffff, v8;
	(pc) =	sbr.rel @p1 .LBB2_47-.Ltmp24, $4  }
0x499: {  	s2 =	sand.u32 $0x3, s1;
	v10 =	vadd.f32 v5, v14;
	v6 =	vld [tilespmem:s9+$0x12900]  }
0x49a: {  	s20 =	sadd.s32 $0x200, s20;
	s2 =	sshll.u32 s2, $0x5;
	[tilespmem:s18+$0xA900] =	vst.add.f32.msk $0xffff, v13;
	v4 =	vmov v15;
	s18 =	smov.u32 s6  }
0x49b: {  	s2 =	sadd.s32 s2, s20;
	v11 =	vld.idx.msk [tilespmem:v11+s22+$0x0], $0xffff;
	v5 =	vmov v16  }
0x49c: {  	s3 =	sadd.s32 $0x4, s3;
	p0 =	por !p0, !p0;
	s8 =	sor.u32 $0x300, s2;
	v8 =	vld.idx.msk [tilespmem:v12+s22+$0x0], $0xffff  }
0x49d: {  	_ =	sdelay $0x2  }
0x49e: {  	v3 =	vld [tilespmem:s8+$0x12900]  }
0x49f: {  	v7 =	vld.idx.msk [tilespmem:v7+s22+$0x0], $0xffff;
	s0 =	sor.u32 $0x7, s28  }
0x4a0: {  	v9 =	vld.idx.msk [tilespmem:v9+s22+$0x0], $0xffff;
	v12 =	vmov s0  }
0x4a1: {  	v12 =	vand.u32 $0xFFFFFFF7, v12  }
0x4a2: {  	v6 =	vadd.f32 v6, v11;
	v11 =	vbroadcast v12, $0x0  }
0x4a3: {  	[tilespmem:s10+$0xA900] =	vst.add.f32.msk $0xffff, v10;
	v3 =	vadd.f32 v3, v8  }
0x4a4: {  	[tilespmem:s9+$0xA900] =	vst.add.f32.msk $0xffff, v6;
	v4 =	vadd.f32 v4, v7  }
0x4a5: {  	[tilespmem:s8+$0xA900] =	vst.add.f32.msk $0xffff, v3;
	v3 =	vadd.f32 v5, v9  }
0x4a6: {  	[tilespmem:s18+$0xA900] =	vst.add.f32.msk $0xffff, v4  }
0x4a7: {  	[tilespmem:s19+$0xA900] =	vst.add.f32.msk $0xffff, v3  }
0x4a8: {  	v3 =	vld.idx.msk [tilespmem:v11+s24+$0x0], $0xffff;
	_ =	sdelay $0x2  }
0x4a9: {  	s6 =	simm.s32 $0x0  }
0x4aa: {  	p0 =	por $0x0, $0x0;
	s1 =	simm.s32 $0x1;
	s2 =	simm.s32 $0x30  }
0x4ab: {  	s5 =	simm.s32 $0x20;
	s3 =	sand.u32 $0x7, s6;
	s1 =	simm.s32 @!p0 $0x0;
	v3 =	vshll.u32 v3, $0xB  }
0x4ac: {  	s10 =	simm.s32 $0x0;
	s3 =	sshll.u32 s3, $0x4;
	s1 =	sshll.u32 s1, $0x6;
	v3 =	vor.u32 v0, v3  }
0x4ad: {  	s0 =	sand.u32 $0x3, s6;
	s1 =	sadd.s32 $0x0, s1;
	s8 =	sadd.s32 $0x0, s3;
	v4 =	vor.u32 s2, v3  }
0x4ae: {  	s0 =	sshll.u32 s0, $0x5;
	s3 =	sor.u32 $0x380, s1;
	s9 =	sadd.s32 $0x30, s8;
	v5 =	vor.u32 s5, v3  }
0x4af: {  	s0 =	sadd.s32 $0x20, s0;
	s1 =	sor.u32 $0x380, s9;
	v6 =	vld [tilespmem:s3+$0x12900];
	v7 =	vor.u32 s10, v3  }
0x4b0: {  	s18 =	simm.s32 $0x10;
	v8 =	vld [tilespmem:s1+$0x12900];
	s5 =	sor.u32 $0x380, s0  }
0x4b1: {  	v9 =	vor.u32 s18, v3;
	v62 =	vld [tilespmem:s5+$0x12900]  }
0x4b2: {  	p0 =	por !p0, !p0;
	s6 =	simm.s32 $0x1;
	s19 =	simm.s32 $0x4;
	v10 =	vld.idx.msk [tilespmem:v4+s22+$0x0], $0xffff  }
0x4b3: {  	s6 =	simm.s32 @!p0 $0x0;
	s2 =	sadd.s32 $0x10, s8;
	s0 =	sand.u32 $0x7, s19;
	v11 =	vld.idx.msk [tilespmem:v5+s22+$0x0], $0xffff  }
0x4b4: {  	s20 =	sshll.u32 s6, $0x6;
	s10 =	sor.u32 $0x380, s2;
	s0 =	sshll.u32 s0, $0x4;
	v7 =	vld.idx.msk [tilespmem:v7+s22+$0x0], $0xffff  }
0x4b5: {  	s23 =	sadd.s32 $0x200, s20;
	v13 =	vld [tilespmem:s10+$0x12900];
	s21 =	sadd.s32 $0x200, s0  }
0x4b6: {  	s18 =	sor.u32 $0x380, s23;
	s2 =	sadd.s32 $0x10, s21;
	v9 =	vld.idx.msk [tilespmem:v9+s22+$0x0], $0xffff  }
0x4b7: {  	s0 =	simm.s32 $0x70;
	s9 =	sadd.s32 $0x30, s21;
	s19 =	sor.u32 $0x380, s2;
	v4 =	vld [tilespmem:s18+$0x12900]  }
0x4b8: {  	s8 =	simm.s32 $0x60;
	s9 =	sor.u32 $0x380, s9;
	v5 =	vld [tilespmem:s19+$0x12900];
	v8 =	vadd.f32 v8, v10;
	v10 =	vor.u32 s0, v3  }
0x4b9: {  	v63 =	vor.u32 s8, v3;
	v11 =	vadd.f32 v62, v11;
	v7 =	vadd.f32 v6, v7;
	v6 =	vld [tilespmem:s9+$0x12900]  }
0x4ba: {  	[tilespmem:s1+$0xA900] =	vst.add.f32.msk $0xffff, v8;
	s1 =	simm.s32 $0x2  }
0x4bb: {  	s21 =	simm.s32 $0x40;
	[tilespmem:s5+$0xA900] =	vst.add.f32.msk $0xffff, v11;
	s20 =	sand.u32 $0x3, s1  }
0x4bc: {  	s29 =	simm.s32 $0x4;
	s23 =	simm.s32 $0x50;
	[tilespmem:s3+$0xA900] =	vst.add.f32.msk $0xffff, v7;
	v7 =	vor.u32 s21, v3;
	s2 =	sshll.u32 s20, $0x5  }
0x4bd: {  	p0 =	por !p0, !p0;
	s5 =	simm.s32 $0x200;
	v8 =	vor.u32 s23, v3;
	s2 =	sadd.s32 $0x220, s2;
	v11 =	vld.idx.msk [tilespmem:v10+s22+$0x0], $0xffff  }
0x4be: {  	s3 =	simm.s32 $0x8;
	s20 =	simm.s32 $0x220;
	v10 =	vadd.f32 v13, v9;
	v9 =	vld.idx.msk [tilespmem:v63+s22+$0x0], $0xffff;
	s8 =	sor.u32 $0x380, s2  }
.LBB2_49:
0x4bf: {  	s6 =	simm.s32 $0x1  }
0x4c0: {  	s2 =	sand.u32 $0x7, s3;
	v12 =	vld [tilespmem:s8+$0x12900];
	s6 =	simm.s32 @!p0 $0x0  }
0x4c1: {  	s5 =	sadd.s32 $0x200, s5;
	s2 =	sshll.u32 s2, $0x4;
	s6 =	sshll.u32 s6, $0x6;
	v13 =	vld.idx.msk [tilespmem:v7+s22+$0x0], $0xffff  }
0x4c2: {  	s2 =	sadd.s32 s2, s5;
	s6 =	sadd.s32 s6, s5;
	v14 =	vld.idx.msk [tilespmem:v8+s22+$0x0], $0xffff  }
0x4c3: {  	s21 =	sadd.s32 $0x10, s2;
	s6 =	sor.u32 $0x380, s6;
	[tilespmem:s10+$0xA900] =	vst.add.f32.msk $0xffff, v10;
	s10 =	smov.u32 s19  }
0x4c4: {  	s0 =	sadd.s32 $0x40, s0;
	v6 =	vadd.f32 v6, v11;
	s19 =	sor.u32 $0x380, s21;
	v15 =	vld [tilespmem:s6+$0x12900]  }
0x4c5: {  	s29 =	sadd.s32 $0x4, s29;
	s23 =	sadd.s32 $0xFFFFFFF0, s0;
	v11 =	vor.u32 s0, v3;
	s21 =	sadd.s32 $0xFFFFFFD0, s0;
	v9 =	vadd.f32 v12, v9;
	v16 =	vld [tilespmem:s19+$0x12900]  }
0x4c6: {  	p1 =	slt.u32 s29, $0x7C;
	s2 =	sadd.s32 $0x30, s2;
	v7 =	vor.u32 s21, v3;
	s21 =	sadd.s32 $0xFFFFFFE0, s0;
	v12 =	vor.u32 s23, v3;
	[tilespmem:s9+$0xA900] =	vst.add.f32.msk $0xffff, v6  }
.Ltmp25:
0x4c7: {  	s1 =	sadd.s32 $0x2, s1;
	v8 =	vor.u32 s21, v3;
	s9 =	sor.u32 $0x380, s2;
	v13 =	vadd.f32 v4, v13;
	[tilespmem:s8+$0xA900] =	vst.add.f32.msk $0xffff, v9;
	(pc) =	sbr.rel @p1 .LBB2_49-.Ltmp25, $4  }
0x4c8: {  	s2 =	sand.u32 $0x3, s1;
	v10 =	vadd.f32 v5, v14;
	v6 =	vld [tilespmem:s9+$0x12900]  }
0x4c9: {  	s20 =	sadd.s32 $0x200, s20;
	s2 =	sshll.u32 s2, $0x5;
	[tilespmem:s18+$0xA900] =	vst.add.f32.msk $0xffff, v13;
	v4 =	vmov v15;
	s18 =	smov.u32 s6  }
0x4ca: {  	s2 =	sadd.s32 s2, s20;
	v11 =	vld.idx.msk [tilespmem:v11+s22+$0x0], $0xffff;
	v5 =	vmov v16  }
0x4cb: {  	s3 =	sadd.s32 $0x4, s3;
	p0 =	por !p0, !p0;
	s8 =	sor.u32 $0x380, s2;
	v9 =	vld.idx.msk [tilespmem:v12+s22+$0x0], $0xffff  }
0x4cc: {  	_ =	sdelay $0x2  }
0x4cd: {  	v3 =	vld [tilespmem:s8+$0x12900]  }
0x4ce: {  	v7 =	vld.idx.msk [tilespmem:v7+s22+$0x0], $0xffff  }
0x4cf: {  	v8 =	vld.idx.msk [tilespmem:v8+s22+$0x0], $0xffff;
	_ =	sdelay $0x1  }
0x4d0: {  	v6 =	vadd.f32 v6, v11  }
0x4d1: {  	[tilespmem:s10+$0xA900] =	vst.add.f32.msk $0xffff, v10;
	v3 =	vadd.f32 v3, v9  }
0x4d2: {  	[tilespmem:s9+$0xA900] =	vst.add.f32.msk $0xffff, v6;
	v4 =	vadd.f32 v4, v7  }
0x4d3: {  	s0 =	sadd.s32 s7, s28;
	[tilespmem:s8+$0xA900] =	vst.add.f32.msk $0xffff, v3;
	v3 =	vadd.f32 v5, v8  }
0x4d4: {  	s1 =	rddreg [dreg:$0x2];
	s5 =	simm.s32 $0xA900;
	s0 =	sshll.u32 s0, $0x8;
	[tilespmem:s18+$0xA900] =	vst.add.f32.msk $0xffff, v4  }
0x4d5: {  	p0 =	seq.s32 s31, $0x7;
	s2 =	simm.s32 $0x7;
	s0 =	sadd.s32 s1, s0;
	[tilespmem:s19+$0xA900] =	vst.add.f32.msk $0xffff, v3  }
0x4d6: {  	[hbm4b:s0+s4] =	stream.linear.scatter [tilespmem:s5], [sflag:$0x9], $0x4000, $0x38;
	[tilespmem:$0x1A900] =	vst v63  }
0x4d7: {  	s0 =	sadd.s32 @!p0 $0x4, s25;
	_ =	swait.ge [sflag:s2], $0x4000  }
0x4d8: {  	s1 =	sshll.u32 @!p0 s0, $0x7;
	[sflag:s2] =	ssyncset.done $0x0  }
0x4d9: {  	s1 =	sand.u32 @!p0 $0x3FFFFF80, s1;
	[sflag:s2] =	ssyncadd.s32 $0xFFFFC000  }
0x4da: {  	v3 =	vld.msk @!p0 [tilespmem:s1+$0x0], $0xff;
	_ =	sdelay $0x4  }
0x4db: {  	v4 =	vshll.u32 @!p0 v3, $0x4  }
0x4dc: {  	v5 =	vlaneseq.u32 @!p0;
	v3 =	vand.u32 @!p0 $0x7, v3;
	v4 =	vand.u32 @!p0 $0xFFFFFF80, v4  }
0x4dd: {  	v3 =	vor.u32 @!p0 v3, v4;
	v4 =	vand.u32 @!p0 $0x7, v5;
	v5 =	vshrl.u32 @!p0 v5, $0x3  }
0x4de: {  	v3 =	vperm.xlane @!p0 v3, v4;
	v4 =	vmul.u32 @!p0 $0x8, v5;
	_ =	sdelay $0x1  }
0x4df: {  	v3 =	vadd.s32 @!p0 v4, v3;
	_ =	sdelay $0x3  }
0x4e0: {  	vm1 =	vmmov @!p0 $0xffff;
	s2 =	simm.s32 @!p0 $0x2900;
	s1 =	simm.s32 @!p0 $0x0  }
0x4e1: {  	[tilespmem:s2], [sflag:$0x1] =	stream.indirect_vreg.gather @!p0 [hbm4b:s30+s1], $0x80, v3, vm1, $0xb8;
	[tilespmem:$0x1A900] =	vst v63  }
0x4e2: {  	s2 =	simm.s32 @!p0 $0x3100  }
0x4e3: {  	[tilespmem:s2], [sflag:$0x1] =	stream.indirect_vreg.gather @!p0 [hbm4b:s11+s1], $0x80, v3, vm1, $0xb8;
	[tilespmem:$0x1A900] =	vst v63  }
0x4e4: {  	s2 =	simm.s32 @!p0 $0x3900  }
0x4e5: {  	[tilespmem:s2], [sflag:$0x1] =	stream.indirect_vreg.gather @!p0 [hbm4b:s12+s1], $0x80, v3, vm1, $0xb8;
	[tilespmem:$0x1A900] =	vst v63  }
0x4e6: {  	s2 =	simm.s32 @!p0 $0x4100  }
0x4e7: {  	[tilespmem:s2], [sflag:$0x1] =	stream.indirect_vreg.gather @!p0 [hbm4b:s13+s1], $0x80, v3, vm1, $0xb8;
	[tilespmem:$0x1A900] =	vst v63  }
0x4e8: {  	s2 =	simm.s32 @!p0 $0x4900  }
0x4e9: {  	[tilespmem:s2], [sflag:$0x1] =	stream.indirect_vreg.gather @!p0 [hbm4b:s14+s1], $0x80, v3, vm1, $0xb8;
	[tilespmem:$0x1A900] =	vst v63  }
0x4ea: {  	s2 =	simm.s32 @!p0 $0x5100  }
0x4eb: {  	[tilespmem:s2], [sflag:$0x1] =	stream.indirect_vreg.gather @!p0 [hbm4b:s15+s1], $0x80, v3, vm1, $0xb8;
	[tilespmem:$0x1A900] =	vst v63  }
0x4ec: {  	s2 =	simm.s32 @!p0 $0x5900  }
0x4ed: {  	[tilespmem:s2], [sflag:$0x1] =	stream.indirect_vreg.gather @!p0 [hbm4b:s16+s1], $0x80, v3, vm1, $0xb8;
	[tilespmem:$0x1A900] =	vst v63  }
0x4ee: {  	s2 =	simm.s32 @!p0 $0x6100  }
0x4ef: {  	[tilespmem:s2], [sflag:$0x1] =	stream.indirect_vreg.gather @!p0 [hbm4b:s17+s1], $0x80, v3, vm1, $0xb8;
	[tilespmem:$0x1A900] =	vst v63  }
0x4f0: {  	s2 =	rddreg [dreg:$0xb]  }
0x4f1: {  	s0 =	sadd.s32 @!p0 s2, s0  }
0x4f2: {  	s2 =	rddreg [dreg:$0x5];
	s0 =	sshll.u32 @!p0 s0, $0xB  }
0x4f3: {  	s6 =	simm.s32 $0x4;
	v3 =	vmov s26;
	s0 =	sadd.s32 @!p0 s2, s0;
	s2 =	simm.s32 @!p0 $0x12900  }
0x4f4: {  	v3 =	vand.u32 $0xFFFFFFF8, v3;
	[tilespmem:s2], [sflag:$0x5] =	stream.linear.gather @!p0 [hbm4b:s0+s1], $0x4000, $0x38;
	[tilespmem:$0x1A900] =	vst v63  }
0x4f5: {  	v3 =	vbroadcast v3, $0x0;
	_ =	swait.ge [sflag:s6], $0x4000  }
0x4f6: {  	[sflag:s6] =	ssyncset.done $0x0  }
0x4f7: {  	s8 =	simm.s32 $0x6;
	[sflag:s6] =	ssyncadd.s32 $0xFFFFC000  }
0x4f8: {  	_ =	swait.ge [sflag:s8], $0x4000  }
0x4f9: {  	[sflag:s8] =	ssyncset.done $0x0  }
0x4fa: {  	[sflag:s8] =	ssyncadd.s32 $0xFFFFC000  }
0x4fb: {  	v3 =	vld.idx.msk [tilespmem:v3+s24+$0x0], $0xffff;
	_ =	sdelay $0x4  }
0x4fc: {  	v3 =	vshll.u32 v3, $0xB  }
0x4fd: {  	s10 =	simm.s32 $0x30;
	s3 =	simm.s32 $0x0;
	s9 =	simm.s32 $0x20;
	v3 =	vor.u32 v0, v3  }
0x4fe: {  	s3 =	sand.u32 $0x3C00, s3;
	s18 =	simm.s32 $0x0;
	s0 =	sand.u32 $0x60, s9;
	v4 =	vor.u32 s9, v3  }
0x4ff: {  	s19 =	sand.u32 $0x40, s18;
	s6 =	sor.u32 s3, s0;
	v5 =	vor.u32 s10, v3  }
0x500: {  	s5 =	simm.s32 $0x10;
	s1 =	sand.u32 $0x70, s10;
	s0 =	sor.u32 s19, s3;
	v8 =	vld [tilespmem:s6+$0x16900];
	v6 =	vor.u32 s18, v3  }
0x501: {  	v10 =	vld [tilespmem:s0+$0x16900];
	v7 =	vor.u32 s5, v3;
	s18 =	sor.u32 s3, s1  }
0x502: {  	v15 =	vld [tilespmem:s18+$0x16900]  }
0x503: {  	s21 =	simm.s32 $0x60;
	v4 =	vld.idx.msk [tilespmem:v4+s22+$0x0], $0xffff  }
0x504: {  	v9 =	vor.u32 s21, v3;
	v11 =	vld.idx.msk [tilespmem:v5+s22+$0x0], $0xffff  }
0x505: {  	s20 =	simm.s32 $0x70;
	s5 =	sand.u32 $0x50, s5;
	s1 =	simm.s32 $0x200;
	v5 =	vld.idx.msk [tilespmem:v6+s22+$0x0], $0xffff  }
0x506: {  	s8 =	sand.u32 $0x60, s21;
	s10 =	sor.u32 s3, s5;
	s29 =	sand.u32 $0x3C00, s1;
	v6 =	vld.idx.msk [tilespmem:v7+s22+$0x0], $0xffff;
	v7 =	vor.u32 s20, v3  }
0x507: {  	v14 =	vld [tilespmem:s10+$0x16900];
	s19 =	sor.u32 s29, s8  }
0x508: {  	s23 =	simm.s32 $0x40;
	v13 =	vld [tilespmem:s19+$0x16900];
	v4 =	vadd.f32 v8, v4  }
0x509: {  	s28 =	simm.s32 $0x50;
	v12 =	vld.idx.msk [tilespmem:v9+s22+$0x0], $0xffff;
	v8 =	vor.u32 s23, v3  }
0x50a: {  	v16 =	vor.u32 s28, v3;
	s3 =	sand.u32 $0x40, s23;
	[tilespmem:s6+$0xE900] =	vst.add.f32.msk $0xffff, v4  }
0x50b: {  	s5 =	sand.u32 $0x50, s28;
	s3 =	sor.u32 s3, s29;
	v4 =	vld.idx.msk [tilespmem:v7+s22+$0x0], $0xffff  }
0x50c: {  	s5 =	sor.u32 s29, s5;
	v7 =	vadd.f32 v10, v5;
	v10 =	vld [tilespmem:s3+$0x16900]  }
0x50d: {  	v5 =	vadd.f32 v14, v6;
	v6 =	vadd.f32 v15, v11;
	v11 =	vld [tilespmem:s5+$0x16900]  }
0x50e: {  	s2 =	sand.u32 $0x70, s20;
	v9 =	vld.idx.msk [tilespmem:v8+s22+$0x0], $0xffff  }
0x50f: {  	s9 =	simm.s32 $0x4;
	s8 =	sor.u32 s29, s2;
	s20 =	simm.s32 $0xB0;
	v8 =	vld.idx.msk [tilespmem:v16+s22+$0x0], $0xffff  }
.LBB2_51:
0x510: {  	s2 =	sadd.s32 $0xFFFFFFE0, s20;
	s6 =	sadd.s32 $0xFFFFFFF0, s20;
	v14 =	vor.u32 s20, v3;
	s9 =	sadd.s32 $0x4, s9;
	v12 =	vadd.f32 v13, v12;
	v13 =	vld [tilespmem:s8+$0x16900]  }
0x511: {  	s21 =	sadd.s32 $0xFFFFFFD0, s20;
	v15 =	vor.u32 s2, v3;
	s2 =	sand.u32 $0x50, s2;
	v16 =	vor.u32 s6, v3;
	p1 =	slt.u32 s9, $0x7C;
	[tilespmem:s0+$0xE900] =	vst.add.f32.msk $0xffff, v7  }
0x512: {  	s23 =	sand.u32 $0x70, s20;
	v17 =	vor.u32 s21, v3;
	s21 =	sand.u32 $0x40, s21;
	s0 =	smov.u32 s3;
	[tilespmem:s19+$0xE900] =	vst.add.f32.msk $0xffff, v12  }
0x513: {  	v7 =	vadd.f32 v10, v9;
	[tilespmem:s10+$0xE900] =	vst.add.f32.msk $0xffff, v5;
	s10 =	smov.u32 s5  }
0x514: {  	s1 =	sadd.s32 $0x200, s1;
	v5 =	vadd.f32 v11, v8;
	[tilespmem:s18+$0xE900] =	vst.add.f32.msk $0xffff, v6;
	s18 =	smov.u32 s8  }
0x515: {  	s6 =	sand.u32 $0x60, s6;
	s8 =	sand.u32 $0x3C00, s1;
	v6 =	vadd.f32 v13, v4;
	v4 =	vld.idx.msk [tilespmem:v14+s22+$0x0], $0xffff  }
0x516: {  	s3 =	sor.u32 s21, s8;
	s5 =	sor.u32 s8, s2;
	s19 =	sor.u32 s8, s6;
	v12 =	vld.idx.msk [tilespmem:v16+s22+$0x0], $0xffff  }
.Ltmp26:
0x517: {  	s8 =	sor.u32 s8, s23;
	v13 =	vld [tilespmem:s19+$0x16900];
	(pc) =	sbr.rel @p1 .LBB2_51-.Ltmp26, $4  }
0x518: {  	v9 =	vld.idx.msk [tilespmem:v17+s22+$0x0], $0xffff  }
0x519: {  	v8 =	vld.idx.msk [tilespmem:v15+s22+$0x0], $0xffff  }
0x51a: {  	v10 =	vld [tilespmem:s3+$0x16900]  }
0x51b: {  	s20 =	sadd.s32 $0x40, s20;
	v11 =	vld [tilespmem:s5+$0x16900]  }
0x51c: {  	s1 =	sor.u32 $0x1, s26  }
0x51d: {  	v3 =	vadd.f32 v13, v12;
	v12 =	vld [tilespmem:s8+$0x16900];
	v13 =	vmov s1  }
0x51e: {  	[tilespmem:s0+$0xE900] =	vst.add.f32.msk $0xffff, v7;
	v7 =	vand.u32 $0xFFFFFFF9, v13  }
0x51f: {  	[tilespmem:s19+$0xE900] =	vst.add.f32.msk $0xffff, v3;
	v3 =	vbroadcast v7, $0x0  }
0x520: {  	[tilespmem:s10+$0xE900] =	vst.add.f32.msk $0xffff, v5;
	v7 =	vadd.f32 v10, v9  }
0x521: {  	[tilespmem:s18+$0xE900] =	vst.add.f32.msk $0xffff, v6;
	v5 =	vadd.f32 v11, v8  }
0x522: {  	v4 =	vadd.f32 v12, v4;
	[tilespmem:s3+$0xE900] =	vst.add.f32.msk $0xffff, v7  }
0x523: {  	[tilespmem:s5+$0xE900] =	vst.add.f32.msk $0xffff, v5  }
0x524: {  	[tilespmem:s8+$0xE900] =	vst.add.f32.msk $0xffff, v4  }
0x525: {  	v3 =	vld.idx.msk [tilespmem:v3+s24+$0x0], $0xffff;
	_ =	sdelay $0x4  }
0x526: {  	v3 =	vshll.u32 v3, $0xB  }
0x527: {  	s10 =	simm.s32 $0x0;
	s18 =	simm.s32 $0x10;
	s8 =	simm.s32 $0x20;
	v3 =	vor.u32 v0, v3  }
0x528: {  	s9 =	simm.s32 $0x30;
	s3 =	sand.u32 $0x3C00, s10;
	s5 =	sand.u32 $0x50, s18;
	v4 =	vor.u32 s8, v3  }
0x529: {  	s2 =	simm.s32 $0x0;
	s10 =	sor.u32 s5, s3;
	s0 =	sand.u32 $0x60, s8;
	v5 =	vor.u32 s9, v3  }
0x52a: {  	s19 =	sand.u32 $0x40, s2;
	v14 =	vld [tilespmem:s10+$0x16980];
	s6 =	sor.u32 s0, s3;
	v6 =	vor.u32 s2, v3  }
0x52b: {  	s0 =	sor.u32 s19, s3;
	v8 =	vld [tilespmem:s6+$0x16980];
	v7 =	vor.u32 s18, v3  }
0x52c: {  	v10 =	vld [tilespmem:s0+$0x16980]  }
0x52d: {  	s21 =	simm.s32 $0x60;
	v4 =	vld.idx.msk [tilespmem:v4+s22+$0x0], $0xffff  }
0x52e: {  	s1 =	sand.u32 $0x70, s9;
	v9 =	vor.u32 s21, v3;
	v11 =	vld.idx.msk [tilespmem:v5+s22+$0x0], $0xffff  }
0x52f: {  	s20 =	simm.s32 $0x70;
	s18 =	sor.u32 s1, s3;
	s1 =	simm.s32 $0x200;
	v5 =	vld.idx.msk [tilespmem:v6+s22+$0x0], $0xffff  }
0x530: {  	s8 =	sand.u32 $0x60, s21;
	s29 =	sand.u32 $0x3C00, s1;
	v6 =	vld.idx.msk [tilespmem:v7+s22+$0x0], $0xffff;
	v7 =	vor.u32 s20, v3  }
0x531: {  	v15 =	vld [tilespmem:s18+$0x16980];
	s19 =	sor.u32 s8, s29  }
0x532: {  	s23 =	simm.s32 $0x40;
	v13 =	vld [tilespmem:s19+$0x16980];
	v4 =	vadd.f32 v8, v4  }
0x533: {  	s28 =	simm.s32 $0x50;
	v12 =	vld.idx.msk [tilespmem:v9+s22+$0x0], $0xffff;
	v8 =	vor.u32 s23, v3  }
0x534: {  	v16 =	vor.u32 s28, v3;
	s3 =	sand.u32 $0x40, s23;
	[tilespmem:s6+$0xE980] =	vst.add.f32.msk $0xffff, v4  }
0x535: {  	s5 =	sand.u32 $0x50, s28;
	s3 =	sor.u32 s3, s29;
	v4 =	vld.idx.msk [tilespmem:v7+s22+$0x0], $0xffff  }
0x536: {  	s5 =	sor.u32 s5, s29;
	v7 =	vadd.f32 v10, v5;
	v10 =	vld [tilespmem:s3+$0x16980]  }
0x537: {  	v5 =	vadd.f32 v14, v6;
	v6 =	vadd.f32 v15, v11;
	v11 =	vld [tilespmem:s5+$0x16980]  }
0x538: {  	s2 =	sand.u32 $0x70, s20;
	v9 =	vld.idx.msk [tilespmem:v8+s22+$0x0], $0xffff  }
0x539: {  	s9 =	simm.s32 $0x4;
	s8 =	sor.u32 s2, s29;
	s20 =	simm.s32 $0xB0;
	v8 =	vld.idx.msk [tilespmem:v16+s22+$0x0], $0xffff  }
.LBB2_53:
0x53a: {  	s2 =	sadd.s32 $0xFFFFFFE0, s20;
	s6 =	sadd.s32 $0xFFFFFFF0, s20;
	v14 =	vor.u32 s20, v3;
	s9 =	sadd.s32 $0x4, s9;
	v12 =	vadd.f32 v13, v12;
	v13 =	vld [tilespmem:s8+$0x16980]  }
0x53b: {  	s21 =	sadd.s32 $0xFFFFFFD0, s20;
	v15 =	vor.u32 s2, v3;
	s2 =	sand.u32 $0x50, s2;
	v16 =	vor.u32 s6, v3;
	p1 =	slt.u32 s9, $0x7C;
	[tilespmem:s0+$0xE980] =	vst.add.f32.msk $0xffff, v7  }
0x53c: {  	s23 =	sand.u32 $0x70, s20;
	v17 =	vor.u32 s21, v3;
	s21 =	sand.u32 $0x40, s21;
	s0 =	smov.u32 s3;
	[tilespmem:s19+$0xE980] =	vst.add.f32.msk $0xffff, v12  }
0x53d: {  	v7 =	vadd.f32 v10, v9;
	[tilespmem:s10+$0xE980] =	vst.add.f32.msk $0xffff, v5;
	s10 =	smov.u32 s5  }
0x53e: {  	s1 =	sadd.s32 $0x200, s1;
	v5 =	vadd.f32 v11, v8;
	[tilespmem:s18+$0xE980] =	vst.add.f32.msk $0xffff, v6;
	s18 =	smov.u32 s8  }
0x53f: {  	s6 =	sand.u32 $0x60, s6;
	s8 =	sand.u32 $0x3C00, s1;
	v6 =	vadd.f32 v13, v4;
	v4 =	vld.idx.msk [tilespmem:v14+s22+$0x0], $0xffff  }
0x540: {  	s3 =	sor.u32 s21, s8;
	s5 =	sor.u32 s2, s8;
	s19 =	sor.u32 s6, s8;
	v12 =	vld.idx.msk [tilespmem:v16+s22+$0x0], $0xffff  }
.Ltmp27:
0x541: {  	s8 =	sor.u32 s23, s8;
	v13 =	vld [tilespmem:s19+$0x16980];
	(pc) =	sbr.rel @p1 .LBB2_53-.Ltmp27, $4  }
0x542: {  	v9 =	vld.idx.msk [tilespmem:v17+s22+$0x0], $0xffff  }
0x543: {  	v8 =	vld.idx.msk [tilespmem:v15+s22+$0x0], $0xffff  }
0x544: {  	v10 =	vld [tilespmem:s3+$0x16980]  }
0x545: {  	s20 =	sadd.s32 $0x40, s20;
	v11 =	vld [tilespmem:s5+$0x16980]  }
0x546: {  	s1 =	sor.u32 $0x2, s26  }
0x547: {  	v3 =	vadd.f32 v13, v12;
	v12 =	vld [tilespmem:s8+$0x16980];
	v13 =	vmov s1  }
0x548: {  	[tilespmem:s0+$0xE980] =	vst.add.f32.msk $0xffff, v7;
	v7 =	vand.u32 $0xFFFFFFFA, v13  }
0x549: {  	[tilespmem:s19+$0xE980] =	vst.add.f32.msk $0xffff, v3;
	v3 =	vbroadcast v7, $0x0  }
0x54a: {  	[tilespmem:s10+$0xE980] =	vst.add.f32.msk $0xffff, v5;
	v7 =	vadd.f32 v10, v9  }
0x54b: {  	[tilespmem:s18+$0xE980] =	vst.add.f32.msk $0xffff, v6;
	v5 =	vadd.f32 v11, v8  }
0x54c: {  	v4 =	vadd.f32 v12, v4;
	[tilespmem:s3+$0xE980] =	vst.add.f32.msk $0xffff, v7  }
0x54d: {  	[tilespmem:s5+$0xE980] =	vst.add.f32.msk $0xffff, v5  }
0x54e: {  	[tilespmem:s8+$0xE980] =	vst.add.f32.msk $0xffff, v4  }
0x54f: {  	v3 =	vld.idx.msk [tilespmem:v3+s24+$0x0], $0xffff;
	_ =	sdelay $0x4  }
0x550: {  	v3 =	vshll.u32 v3, $0xB  }
0x551: {  	s10 =	simm.s32 $0x0;
	s18 =	simm.s32 $0x10;
	s8 =	simm.s32 $0x20;
	v3 =	vor.u32 v0, v3  }
0x552: {  	s9 =	simm.s32 $0x30;
	s3 =	sand.u32 $0x3C00, s10;
	s5 =	sand.u32 $0x50, s18;
	v4 =	vor.u32 s8, v3  }
0x553: {  	s2 =	simm.s32 $0x0;
	s10 =	sor.u32 s5, s3;
	s0 =	sand.u32 $0x60, s8;
	v5 =	vor.u32 s9, v3  }
0x554: {  	s19 =	sand.u32 $0x40, s2;
	v14 =	vld [tilespmem:s10+$0x16A00];
	s6 =	sor.u32 s0, s3;
	v6 =	vor.u32 s2, v3  }
0x555: {  	s0 =	sor.u32 s19, s3;
	v8 =	vld [tilespmem:s6+$0x16A00];
	v7 =	vor.u32 s18, v3  }
0x556: {  	v10 =	vld [tilespmem:s0+$0x16A00]  }
0x557: {  	s21 =	simm.s32 $0x60;
	v4 =	vld.idx.msk [tilespmem:v4+s22+$0x0], $0xffff  }
0x558: {  	s1 =	sand.u32 $0x70, s9;
	v9 =	vor.u32 s21, v3;
	v11 =	vld.idx.msk [tilespmem:v5+s22+$0x0], $0xffff  }
0x559: {  	s20 =	simm.s32 $0x70;
	s18 =	sor.u32 s1, s3;
	s1 =	simm.s32 $0x200;
	v5 =	vld.idx.msk [tilespmem:v6+s22+$0x0], $0xffff  }
0x55a: {  	s8 =	sand.u32 $0x60, s21;
	s29 =	sand.u32 $0x3C00, s1;
	v6 =	vld.idx.msk [tilespmem:v7+s22+$0x0], $0xffff;
	v7 =	vor.u32 s20, v3  }
0x55b: {  	v15 =	vld [tilespmem:s18+$0x16A00];
	s19 =	sor.u32 s8, s29  }
0x55c: {  	s23 =	simm.s32 $0x40;
	v13 =	vld [tilespmem:s19+$0x16A00];
	v4 =	vadd.f32 v8, v4  }
0x55d: {  	s28 =	simm.s32 $0x50;
	v12 =	vld.idx.msk [tilespmem:v9+s22+$0x0], $0xffff;
	v8 =	vor.u32 s23, v3  }
0x55e: {  	v16 =	vor.u32 s28, v3;
	s3 =	sand.u32 $0x40, s23;
	[tilespmem:s6+$0xEA00] =	vst.add.f32.msk $0xffff, v4  }
0x55f: {  	s5 =	sand.u32 $0x50, s28;
	s3 =	sor.u32 s3, s29;
	v4 =	vld.idx.msk [tilespmem:v7+s22+$0x0], $0xffff  }
0x560: {  	s5 =	sor.u32 s5, s29;
	v7 =	vadd.f32 v10, v5;
	v10 =	vld [tilespmem:s3+$0x16A00]  }
0x561: {  	v5 =	vadd.f32 v14, v6;
	v6 =	vadd.f32 v15, v11;
	v11 =	vld [tilespmem:s5+$0x16A00]  }
0x562: {  	s2 =	sand.u32 $0x70, s20;
	v9 =	vld.idx.msk [tilespmem:v8+s22+$0x0], $0xffff  }
0x563: {  	s9 =	simm.s32 $0x4;
	s8 =	sor.u32 s2, s29;
	s20 =	simm.s32 $0xB0;
	v8 =	vld.idx.msk [tilespmem:v16+s22+$0x0], $0xffff  }
.LBB2_55:
0x564: {  	s2 =	sadd.s32 $0xFFFFFFE0, s20;
	s6 =	sadd.s32 $0xFFFFFFF0, s20;
	v14 =	vor.u32 s20, v3;
	s9 =	sadd.s32 $0x4, s9;
	v12 =	vadd.f32 v13, v12;
	v13 =	vld [tilespmem:s8+$0x16A00]  }
0x565: {  	s21 =	sadd.s32 $0xFFFFFFD0, s20;
	v15 =	vor.u32 s2, v3;
	s2 =	sand.u32 $0x50, s2;
	v16 =	vor.u32 s6, v3;
	p1 =	slt.u32 s9, $0x7C;
	[tilespmem:s0+$0xEA00] =	vst.add.f32.msk $0xffff, v7  }
0x566: {  	s23 =	sand.u32 $0x70, s20;
	v17 =	vor.u32 s21, v3;
	s21 =	sand.u32 $0x40, s21;
	s0 =	smov.u32 s3;
	[tilespmem:s19+$0xEA00] =	vst.add.f32.msk $0xffff, v12  }
0x567: {  	v7 =	vadd.f32 v10, v9;
	[tilespmem:s10+$0xEA00] =	vst.add.f32.msk $0xffff, v5;
	s10 =	smov.u32 s5  }
0x568: {  	s1 =	sadd.s32 $0x200, s1;
	v5 =	vadd.f32 v11, v8;
	[tilespmem:s18+$0xEA00] =	vst.add.f32.msk $0xffff, v6;
	s18 =	smov.u32 s8  }
0x569: {  	s6 =	sand.u32 $0x60, s6;
	s8 =	sand.u32 $0x3C00, s1;
	v6 =	vadd.f32 v13, v4;
	v4 =	vld.idx.msk [tilespmem:v14+s22+$0x0], $0xffff  }
0x56a: {  	s3 =	sor.u32 s21, s8;
	s5 =	sor.u32 s2, s8;
	s19 =	sor.u32 s6, s8;
	v12 =	vld.idx.msk [tilespmem:v16+s22+$0x0], $0xffff  }
.Ltmp28:
0x56b: {  	s8 =	sor.u32 s23, s8;
	v13 =	vld [tilespmem:s19+$0x16A00];
	(pc) =	sbr.rel @p1 .LBB2_55-.Ltmp28, $4  }
0x56c: {  	v9 =	vld.idx.msk [tilespmem:v17+s22+$0x0], $0xffff  }
0x56d: {  	v8 =	vld.idx.msk [tilespmem:v15+s22+$0x0], $0xffff  }
0x56e: {  	v10 =	vld [tilespmem:s3+$0x16A00]  }
0x56f: {  	s20 =	sadd.s32 $0x40, s20;
	v11 =	vld [tilespmem:s5+$0x16A00]  }
0x570: {  	s1 =	sor.u32 $0x3, s26  }
0x571: {  	v3 =	vadd.f32 v13, v12;
	v12 =	vld [tilespmem:s8+$0x16A00];
	v13 =	vmov s1  }
0x572: {  	[tilespmem:s0+$0xEA00] =	vst.add.f32.msk $0xffff, v7;
	v7 =	vand.u32 $0xFFFFFFFB, v13  }
0x573: {  	[tilespmem:s19+$0xEA00] =	vst.add.f32.msk $0xffff, v3;
	v3 =	vbroadcast v7, $0x0  }
0x574: {  	[tilespmem:s10+$0xEA00] =	vst.add.f32.msk $0xffff, v5;
	v7 =	vadd.f32 v10, v9  }
0x575: {  	[tilespmem:s18+$0xEA00] =	vst.add.f32.msk $0xffff, v6;
	v5 =	vadd.f32 v11, v8  }
0x576: {  	v4 =	vadd.f32 v12, v4;
	[tilespmem:s3+$0xEA00] =	vst.add.f32.msk $0xffff, v7  }
0x577: {  	[tilespmem:s5+$0xEA00] =	vst.add.f32.msk $0xffff, v5  }
0x578: {  	[tilespmem:s8+$0xEA00] =	vst.add.f32.msk $0xffff, v4  }
0x579: {  	v3 =	vld.idx.msk [tilespmem:v3+s24+$0x0], $0xffff;
	_ =	sdelay $0x4  }
0x57a: {  	v3 =	vshll.u32 v3, $0xB  }
0x57b: {  	s10 =	simm.s32 $0x0;
	s18 =	simm.s32 $0x10;
	s8 =	simm.s32 $0x20;
	v3 =	vor.u32 v0, v3  }
0x57c: {  	s9 =	simm.s32 $0x30;
	s3 =	sand.u32 $0x3C00, s10;
	s5 =	sand.u32 $0x50, s18;
	v4 =	vor.u32 s8, v3  }
0x57d: {  	s2 =	simm.s32 $0x0;
	s10 =	sor.u32 s5, s3;
	s0 =	sand.u32 $0x60, s8;
	v5 =	vor.u32 s9, v3  }
0x57e: {  	s19 =	sand.u32 $0x40, s2;
	v14 =	vld [tilespmem:s10+$0x16A80];
	s6 =	sor.u32 s0, s3;
	v6 =	vor.u32 s2, v3  }
0x57f: {  	s0 =	sor.u32 s19, s3;
	v8 =	vld [tilespmem:s6+$0x16A80];
	v7 =	vor.u32 s18, v3  }
0x580: {  	v10 =	vld [tilespmem:s0+$0x16A80]  }
0x581: {  	s21 =	simm.s32 $0x60;
	v4 =	vld.idx.msk [tilespmem:v4+s22+$0x0], $0xffff  }
0x582: {  	s1 =	sand.u32 $0x70, s9;
	v9 =	vor.u32 s21, v3;
	v11 =	vld.idx.msk [tilespmem:v5+s22+$0x0], $0xffff  }
0x583: {  	s20 =	simm.s32 $0x70;
	s18 =	sor.u32 s1, s3;
	s1 =	simm.s32 $0x200;
	v5 =	vld.idx.msk [tilespmem:v6+s22+$0x0], $0xffff  }
0x584: {  	s8 =	sand.u32 $0x60, s21;
	s29 =	sand.u32 $0x3C00, s1;
	v6 =	vld.idx.msk [tilespmem:v7+s22+$0x0], $0xffff;
	v7 =	vor.u32 s20, v3  }
0x585: {  	v15 =	vld [tilespmem:s18+$0x16A80];
	s19 =	sor.u32 s8, s29  }
0x586: {  	s23 =	simm.s32 $0x40;
	v13 =	vld [tilespmem:s19+$0x16A80];
	v4 =	vadd.f32 v8, v4  }
0x587: {  	s28 =	simm.s32 $0x50;
	v12 =	vld.idx.msk [tilespmem:v9+s22+$0x0], $0xffff;
	v8 =	vor.u32 s23, v3  }
0x588: {  	v16 =	vor.u32 s28, v3;
	s3 =	sand.u32 $0x40, s23;
	[tilespmem:s6+$0xEA80] =	vst.add.f32.msk $0xffff, v4  }
0x589: {  	s5 =	sand.u32 $0x50, s28;
	s3 =	sor.u32 s3, s29;
	v4 =	vld.idx.msk [tilespmem:v7+s22+$0x0], $0xffff  }
0x58a: {  	s5 =	sor.u32 s5, s29;
	v7 =	vadd.f32 v10, v5;
	v10 =	vld [tilespmem:s3+$0x16A80]  }
0x58b: {  	v5 =	vadd.f32 v14, v6;
	v6 =	vadd.f32 v15, v11;
	v11 =	vld [tilespmem:s5+$0x16A80]  }
0x58c: {  	s2 =	sand.u32 $0x70, s20;
	v9 =	vld.idx.msk [tilespmem:v8+s22+$0x0], $0xffff  }
0x58d: {  	s9 =	simm.s32 $0x4;
	s8 =	sor.u32 s2, s29;
	s20 =	simm.s32 $0xB0;
	v8 =	vld.idx.msk [tilespmem:v16+s22+$0x0], $0xffff  }
.LBB2_57:
0x58e: {  	s2 =	sadd.s32 $0xFFFFFFE0, s20;
	s6 =	sadd.s32 $0xFFFFFFF0, s20;
	v14 =	vor.u32 s20, v3;
	s9 =	sadd.s32 $0x4, s9;
	v12 =	vadd.f32 v13, v12;
	v13 =	vld [tilespmem:s8+$0x16A80]  }
0x58f: {  	s21 =	sadd.s32 $0xFFFFFFD0, s20;
	v15 =	vor.u32 s2, v3;
	s2 =	sand.u32 $0x50, s2;
	v16 =	vor.u32 s6, v3;
	p1 =	slt.u32 s9, $0x7C;
	[tilespmem:s0+$0xEA80] =	vst.add.f32.msk $0xffff, v7  }
0x590: {  	s23 =	sand.u32 $0x70, s20;
	v17 =	vor.u32 s21, v3;
	s21 =	sand.u32 $0x40, s21;
	s0 =	smov.u32 s3;
	[tilespmem:s19+$0xEA80] =	vst.add.f32.msk $0xffff, v12  }
0x591: {  	v7 =	vadd.f32 v10, v9;
	[tilespmem:s10+$0xEA80] =	vst.add.f32.msk $0xffff, v5;
	s10 =	smov.u32 s5  }
0x592: {  	s1 =	sadd.s32 $0x200, s1;
	v5 =	vadd.f32 v11, v8;
	[tilespmem:s18+$0xEA80] =	vst.add.f32.msk $0xffff, v6;
	s18 =	smov.u32 s8  }
0x593: {  	s6 =	sand.u32 $0x60, s6;
	s8 =	sand.u32 $0x3C00, s1;
	v6 =	vadd.f32 v13, v4;
	v4 =	vld.idx.msk [tilespmem:v14+s22+$0x0], $0xffff  }
0x594: {  	s3 =	sor.u32 s21, s8;
	s5 =	sor.u32 s2, s8;
	s19 =	sor.u32 s6, s8;
	v12 =	vld.idx.msk [tilespmem:v16+s22+$0x0], $0xffff  }
.Ltmp29:
0x595: {  	s8 =	sor.u32 s23, s8;
	v13 =	vld [tilespmem:s19+$0x16A80];
	(pc) =	sbr.rel @p1 .LBB2_57-.Ltmp29, $4  }
0x596: {  	v9 =	vld.idx.msk [tilespmem:v17+s22+$0x0], $0xffff  }
0x597: {  	v8 =	vld.idx.msk [tilespmem:v15+s22+$0x0], $0xffff  }
0x598: {  	v10 =	vld [tilespmem:s3+$0x16A80]  }
0x599: {  	s20 =	sadd.s32 $0x40, s20;
	v11 =	vld [tilespmem:s5+$0x16A80]  }
0x59a: {  	s1 =	sor.u32 $0x4, s26  }
0x59b: {  	v3 =	vadd.f32 v13, v12;
	v59 =	vld [tilespmem:s8+$0x16A80];
	v60 =	vmov s1  }
0x59c: {  	[tilespmem:s0+$0xEA80] =	vst.add.f32.msk $0xffff, v7;
	v7 =	vand.u32 $0xFFFFFFFC, v60  }
0x59d: {  	[tilespmem:s19+$0xEA80] =	vst.add.f32.msk $0xffff, v3;
	v3 =	vbroadcast v7, $0x0  }
0x59e: {  	[tilespmem:s10+$0xEA80] =	vst.add.f32.msk $0xffff, v5;
	v7 =	vadd.f32 v10, v9  }
0x59f: {  	[tilespmem:s18+$0xEA80] =	vst.add.f32.msk $0xffff, v6;
	v5 =	vadd.f32 v11, v8  }
0x5a0: {  	v4 =	vadd.f32 v59, v4;
	[tilespmem:s3+$0xEA80] =	vst.add.f32.msk $0xffff, v7  }
0x5a1: {  	[tilespmem:s5+$0xEA80] =	vst.add.f32.msk $0xffff, v5  }
0x5a2: {  	[tilespmem:s8+$0xEA80] =	vst.add.f32.msk $0xffff, v4  }
0x5a3: {  	v3 =	vld.idx.msk [tilespmem:v3+s24+$0x0], $0xffff;
	_ =	sdelay $0x2  }
0x5a4: {  	s6 =	simm.s32 $0x0;
	p1 =	por $0x0, $0x0;
	s1 =	simm.s32 $0x1  }
0x5a5: {  	s2 =	simm.s32 $0x30;
	s0 =	sand.u32 $0x3, s6;
	s1 =	simm.s32 @!p1 $0x0  }
0x5a6: {  	s19 =	simm.s32 $0x0;
	s0 =	sshll.u32 s0, $0x5;
	s8 =	sand.u32 $0x7, s6;
	v3 =	vshll.u32 v3, $0xB  }
0x5a7: {  	s1 =	sshll.u32 s1, $0x6;
	s0 =	sadd.s32 $0x20, s0;
	s3 =	sshll.u32 s8, $0x4;
	v3 =	vor.u32 v0, v3  }
0x5a8: {  	s1 =	sadd.s32 $0x0, s1;
	s5 =	sor.u32 $0x200, s0;
	s10 =	sadd.s32 $0x0, s3;
	v4 =	vor.u32 s2, v3  }
0x5a9: {  	s9 =	simm.s32 $0x20;
	v61 =	vld [tilespmem:s5+$0x16900];
	s3 =	sor.u32 $0x200, s1;
	s18 =	sadd.s32 $0x30, s10;
	v7 =	vor.u32 s19, v3  }
0x5aa: {  	s20 =	simm.s32 $0x10;
	v6 =	vld [tilespmem:s3+$0x16900];
	s1 =	sor.u32 $0x200, s18;
	v5 =	vor.u32 s9, v3;
	s2 =	sadd.s32 $0x10, s10  }
0x5ab: {  	v8 =	vld [tilespmem:s1+$0x16900];
	v9 =	vor.u32 s20, v3;
	s10 =	sor.u32 $0x200, s2  }
0x5ac: {  	s21 =	simm.s32 $0x4;
	p1 =	por !p1, !p1;
	s6 =	simm.s32 $0x1;
	v62 =	vld [tilespmem:s10+$0x16900]  }
0x5ad: {  	s0 =	sand.u32 $0x7, s21;
	s6 =	simm.s32 @!p1 $0x0;
	v10 =	vld.idx.msk [tilespmem:v4+s22+$0x0], $0xffff  }
0x5ae: {  	s0 =	sshll.u32 s0, $0x4;
	s23 =	sshll.u32 s6, $0x6;
	v7 =	vld.idx.msk [tilespmem:v7+s22+$0x0], $0xffff  }
0x5af: {  	s29 =	sadd.s32 $0x200, s0;
	s0 =	simm.s32 $0x70;
	s2 =	sadd.s32 $0x200, s23;
	v11 =	vld.idx.msk [tilespmem:v5+s22+$0x0], $0xffff  }
0x5b0: {  	s8 =	sadd.s32 $0x10, s29;
	s18 =	sor.u32 $0x200, s2;
	v14 =	vld.idx.msk [tilespmem:v9+s22+$0x0], $0xffff;
	v9 =	vor.u32 s0, v3  }
0x5b1: {  	s19 =	sor.u32 $0x200, s8;
	s9 =	simm.s32 $0x60;
	s20 =	sadd.s32 $0x30, s29;
	v4 =	vld [tilespmem:s18+$0x16900]  }
0x5b2: {  	v63 =	vor.u32 s9, v3;
	s9 =	sor.u32 $0x200, s20;
	v5 =	vld [tilespmem:s19+$0x16900];
	v8 =	vadd.f32 v8, v10  }
0x5b3: {  	v7 =	vadd.f32 v6, v7;
	v6 =	vld [tilespmem:s9+$0x16900]  }
0x5b4: {  	[tilespmem:s1+$0xE900] =	vst.add.f32.msk $0xffff, v8;
	s1 =	simm.s32 $0x2  }
0x5b5: {  	s23 =	simm.s32 $0x40;
	v10 =	vadd.f32 v61, v11;
	v11 =	vld.idx.msk [tilespmem:v9+s22+$0x0], $0xffff;
	s21 =	sand.u32 $0x3, s1  }
0x5b6: {  	s28 =	simm.s32 $0x4;
	s29 =	simm.s32 $0x50;
	[tilespmem:s3+$0xE900] =	vst.add.f32.msk $0xffff, v7;
	v7 =	vor.u32 s23, v3;
	s2 =	sshll.u32 s21, $0x5  }
0x5b7: {  	p1 =	por !p1, !p1;
	s20 =	simm.s32 $0x220;
	v9 =	vor.u32 s29, v3;
	[tilespmem:s5+$0xE900] =	vst.add.f32.msk $0xffff, v10;
	s2 =	sadd.s32 $0x220, s2  }
0x5b8: {  	s5 =	simm.s32 $0x200;
	v10 =	vadd.f32 v62, v14;
	v8 =	vld.idx.msk [tilespmem:v63+s22+$0x0], $0xffff;
	s3 =	simm.s32 $0x8;
	s8 =	sor.u32 $0x200, s2  }
.LBB2_59:
0x5b9: {  	s6 =	simm.s32 $0x1  }
0x5ba: {  	s2 =	sand.u32 $0x7, s3;
	v12 =	vld [tilespmem:s8+$0x16900];
	s6 =	simm.s32 @!p1 $0x0  }
0x5bb: {  	s5 =	sadd.s32 $0x200, s5;
	s2 =	sshll.u32 s2, $0x4;
	s6 =	sshll.u32 s6, $0x6;
	v13 =	vld.idx.msk [tilespmem:v7+s22+$0x0], $0xffff  }
0x5bc: {  	s2 =	sadd.s32 s2, s5;
	s6 =	sadd.s32 s6, s5;
	v14 =	vld.idx.msk [tilespmem:v9+s22+$0x0], $0xffff  }
0x5bd: {  	s21 =	sadd.s32 $0x10, s2;
	s6 =	sor.u32 $0x200, s6;
	[tilespmem:s10+$0xE900] =	vst.add.f32.msk $0xffff, v10;
	s10 =	smov.u32 s19  }
0x5be: {  	s0 =	sadd.s32 $0x40, s0;
	v6 =	vadd.f32 v6, v11;
	s19 =	sor.u32 $0x200, s21;
	v15 =	vld [tilespmem:s6+$0x16900]  }
0x5bf: {  	s28 =	sadd.s32 $0x4, s28;
	s23 =	sadd.s32 $0xFFFFFFF0, s0;
	v11 =	vor.u32 s0, v3;
	s21 =	sadd.s32 $0xFFFFFFD0, s0;
	v8 =	vadd.f32 v12, v8;
	v16 =	vld [tilespmem:s19+$0x16900]  }
0x5c0: {  	p2 =	slt.u32 s28, $0x7C;
	s2 =	sadd.s32 $0x30, s2;
	v7 =	vor.u32 s21, v3;
	s21 =	sadd.s32 $0xFFFFFFE0, s0;
	v12 =	vor.u32 s23, v3;
	[tilespmem:s9+$0xE900] =	vst.add.f32.msk $0xffff, v6  }
.Ltmp30:
0x5c1: {  	s1 =	sadd.s32 $0x2, s1;
	v9 =	vor.u32 s21, v3;
	s9 =	sor.u32 $0x200, s2;
	v13 =	vadd.f32 v4, v13;
	[tilespmem:s8+$0xE900] =	vst.add.f32.msk $0xffff, v8;
	(pc) =	sbr.rel @p2 .LBB2_59-.Ltmp30, $4  }
0x5c2: {  	s2 =	sand.u32 $0x3, s1;
	v10 =	vadd.f32 v5, v14;
	v6 =	vld [tilespmem:s9+$0x16900]  }
0x5c3: {  	s20 =	sadd.s32 $0x200, s20;
	s2 =	sshll.u32 s2, $0x5;
	[tilespmem:s18+$0xE900] =	vst.add.f32.msk $0xffff, v13;
	v4 =	vmov v15;
	s18 =	smov.u32 s6  }
0x5c4: {  	s2 =	sadd.s32 s2, s20;
	v11 =	vld.idx.msk [tilespmem:v11+s22+$0x0], $0xffff;
	v5 =	vmov v16  }
0x5c5: {  	s3 =	sadd.s32 $0x4, s3;
	p1 =	por !p1, !p1;
	s8 =	sor.u32 $0x200, s2;
	v8 =	vld.idx.msk [tilespmem:v12+s22+$0x0], $0xffff  }
0x5c6: {  	_ =	sdelay $0x2  }
0x5c7: {  	v3 =	vld [tilespmem:s8+$0x16900]  }
0x5c8: {  	v7 =	vld.idx.msk [tilespmem:v7+s22+$0x0], $0xffff;
	s0 =	sor.u32 $0x5, s26  }
0x5c9: {  	v9 =	vld.idx.msk [tilespmem:v9+s22+$0x0], $0xffff;
	v12 =	vmov s0  }
0x5ca: {  	v12 =	vand.u32 $0xFFFFFFFD, v12  }
0x5cb: {  	v6 =	vadd.f32 v6, v11;
	v11 =	vbroadcast v12, $0x0  }
0x5cc: {  	[tilespmem:s10+$0xE900] =	vst.add.f32.msk $0xffff, v10;
	v3 =	vadd.f32 v3, v8  }
0x5cd: {  	[tilespmem:s9+$0xE900] =	vst.add.f32.msk $0xffff, v6;
	v4 =	vadd.f32 v4, v7  }
0x5ce: {  	[tilespmem:s8+$0xE900] =	vst.add.f32.msk $0xffff, v3;
	v3 =	vadd.f32 v5, v9  }
0x5cf: {  	[tilespmem:s18+$0xE900] =	vst.add.f32.msk $0xffff, v4  }
0x5d0: {  	[tilespmem:s19+$0xE900] =	vst.add.f32.msk $0xffff, v3  }
0x5d1: {  	v3 =	vld.idx.msk [tilespmem:v11+s24+$0x0], $0xffff;
	_ =	sdelay $0x2  }
0x5d2: {  	p1 =	por $0x0, $0x0;
	s1 =	simm.s32 $0x1;
	s9 =	simm.s32 $0x0  }
0x5d3: {  	s2 =	simm.s32 $0x30;
	s1 =	simm.s32 @!p1 $0x0;
	s3 =	sand.u32 $0x7, s9  }
0x5d4: {  	s1 =	sshll.u32 s1, $0x6;
	s0 =	sand.u32 $0x3, s9;
	s3 =	sshll.u32 s3, $0x4;
	v3 =	vshll.u32 v3, $0xB  }
0x5d5: {  	s1 =	sadd.s32 $0x0, s1;
	s0 =	sshll.u32 s0, $0x5;
	s10 =	sadd.s32 $0x0, s3;
	v3 =	vor.u32 v0, v3  }
0x5d6: {  	s3 =	sor.u32 $0x280, s1;
	s18 =	sadd.s32 $0x30, s10;
	s19 =	simm.s32 $0x0;
	v4 =	vor.u32 s2, v3  }
0x5d7: {  	s5 =	simm.s32 $0x20;
	s0 =	sadd.s32 $0x20, s0;
	v6 =	vld [tilespmem:s3+$0x16900];
	s1 =	sor.u32 $0x280, s18;
	v7 =	vor.u32 s19, v3  }
0x5d8: {  	s20 =	simm.s32 $0x10;
	v8 =	vld [tilespmem:s1+$0x16900];
	v5 =	vor.u32 s5, v3;
	s2 =	sadd.s32 $0x10, s10;
	s5 =	sor.u32 $0x280, s0  }
0x5d9: {  	v9 =	vor.u32 s20, v3;
	s10 =	sor.u32 $0x280, s2;
	v62 =	vld [tilespmem:s5+$0x16900]  }
0x5da: {  	s21 =	simm.s32 $0x4;
	s6 =	simm.s32 $0x1;
	p1 =	por !p1, !p1;
	v13 =	vld [tilespmem:s10+$0x16900]  }
0x5db: {  	s6 =	simm.s32 @!p1 $0x0;
	s0 =	sand.u32 $0x7, s21;
	v10 =	vld.idx.msk [tilespmem:v4+s22+$0x0], $0xffff  }
0x5dc: {  	s23 =	sshll.u32 s6, $0x6;
	s0 =	sshll.u32 s0, $0x4;
	v7 =	vld.idx.msk [tilespmem:v7+s22+$0x0], $0xffff  }
0x5dd: {  	s2 =	sadd.s32 $0x200, s23;
	s29 =	sadd.s32 $0x200, s0;
	s0 =	simm.s32 $0x70;
	v11 =	vld.idx.msk [tilespmem:v5+s22+$0x0], $0xffff  }
0x5de: {  	s18 =	sor.u32 $0x280, s2;
	s8 =	sadd.s32 $0x10, s29;
	v14 =	vld.idx.msk [tilespmem:v9+s22+$0x0], $0xffff;
	v9 =	vor.u32 s0, v3  }
0x5df: {  	s9 =	simm.s32 $0x60;
	s20 =	sadd.s32 $0x30, s29;
	s19 =	sor.u32 $0x280, s8;
	v4 =	vld [tilespmem:s18+$0x16900]  }
0x5e0: {  	v63 =	vor.u32 s9, v3;
	s9 =	sor.u32 $0x280, s20;
	v5 =	vld [tilespmem:s19+$0x16900];
	v8 =	vadd.f32 v8, v10  }
0x5e1: {  	v7 =	vadd.f32 v6, v7;
	v6 =	vld [tilespmem:s9+$0x16900]  }
0x5e2: {  	[tilespmem:s1+$0xE900] =	vst.add.f32.msk $0xffff, v8;
	s1 =	simm.s32 $0x2  }
0x5e3: {  	s23 =	simm.s32 $0x40;
	v10 =	vadd.f32 v62, v11;
	v11 =	vld.idx.msk [tilespmem:v9+s22+$0x0], $0xffff;
	s21 =	sand.u32 $0x3, s1  }
0x5e4: {  	s28 =	simm.s32 $0x4;
	s29 =	simm.s32 $0x50;
	[tilespmem:s3+$0xE900] =	vst.add.f32.msk $0xffff, v7;
	v7 =	vor.u32 s23, v3;
	s2 =	sshll.u32 s21, $0x5  }
0x5e5: {  	p1 =	por !p1, !p1;
	s20 =	simm.s32 $0x220;
	v9 =	vor.u32 s29, v3;
	[tilespmem:s5+$0xE900] =	vst.add.f32.msk $0xffff, v10;
	s2 =	sadd.s32 $0x220, s2  }
0x5e6: {  	s5 =	simm.s32 $0x200;
	v10 =	vadd.f32 v13, v14;
	v8 =	vld.idx.msk [tilespmem:v63+s22+$0x0], $0xffff;
	s3 =	simm.s32 $0x8;
	s8 =	sor.u32 $0x280, s2  }
.LBB2_61:
0x5e7: {  	s6 =	simm.s32 $0x1  }
0x5e8: {  	s2 =	sand.u32 $0x7, s3;
	v12 =	vld [tilespmem:s8+$0x16900];
	s6 =	simm.s32 @!p1 $0x0  }
0x5e9: {  	s5 =	sadd.s32 $0x200, s5;
	s2 =	sshll.u32 s2, $0x4;
	s6 =	sshll.u32 s6, $0x6;
	v13 =	vld.idx.msk [tilespmem:v7+s22+$0x0], $0xffff  }
0x5ea: {  	s2 =	sadd.s32 s2, s5;
	s6 =	sadd.s32 s6, s5;
	v14 =	vld.idx.msk [tilespmem:v9+s22+$0x0], $0xffff  }
0x5eb: {  	s21 =	sadd.s32 $0x10, s2;
	s6 =	sor.u32 $0x280, s6;
	[tilespmem:s10+$0xE900] =	vst.add.f32.msk $0xffff, v10;
	s10 =	smov.u32 s19  }
0x5ec: {  	s0 =	sadd.s32 $0x40, s0;
	v6 =	vadd.f32 v6, v11;
	s19 =	sor.u32 $0x280, s21;
	v15 =	vld [tilespmem:s6+$0x16900]  }
0x5ed: {  	s28 =	sadd.s32 $0x4, s28;
	s23 =	sadd.s32 $0xFFFFFFF0, s0;
	v11 =	vor.u32 s0, v3;
	s21 =	sadd.s32 $0xFFFFFFD0, s0;
	v8 =	vadd.f32 v12, v8;
	v16 =	vld [tilespmem:s19+$0x16900]  }
0x5ee: {  	p2 =	slt.u32 s28, $0x7C;
	s2 =	sadd.s32 $0x30, s2;
	v7 =	vor.u32 s21, v3;
	s21 =	sadd.s32 $0xFFFFFFE0, s0;
	v12 =	vor.u32 s23, v3;
	[tilespmem:s9+$0xE900] =	vst.add.f32.msk $0xffff, v6  }
.Ltmp31:
0x5ef: {  	s1 =	sadd.s32 $0x2, s1;
	v9 =	vor.u32 s21, v3;
	s9 =	sor.u32 $0x280, s2;
	v13 =	vadd.f32 v4, v13;
	[tilespmem:s8+$0xE900] =	vst.add.f32.msk $0xffff, v8;
	(pc) =	sbr.rel @p2 .LBB2_61-.Ltmp31, $4  }
0x5f0: {  	s2 =	sand.u32 $0x3, s1;
	v10 =	vadd.f32 v5, v14;
	v6 =	vld [tilespmem:s9+$0x16900]  }
0x5f1: {  	s20 =	sadd.s32 $0x200, s20;
	s2 =	sshll.u32 s2, $0x5;
	[tilespmem:s18+$0xE900] =	vst.add.f32.msk $0xffff, v13;
	v4 =	vmov v15;
	s18 =	smov.u32 s6  }
0x5f2: {  	s2 =	sadd.s32 s2, s20;
	v11 =	vld.idx.msk [tilespmem:v11+s22+$0x0], $0xffff;
	v5 =	vmov v16  }
0x5f3: {  	s3 =	sadd.s32 $0x4, s3;
	p1 =	por !p1, !p1;
	s8 =	sor.u32 $0x280, s2;
	v8 =	vld.idx.msk [tilespmem:v12+s22+$0x0], $0xffff  }
0x5f4: {  	_ =	sdelay $0x2  }
0x5f5: {  	v3 =	vld [tilespmem:s8+$0x16900]  }
0x5f6: {  	v7 =	vld.idx.msk [tilespmem:v7+s22+$0x0], $0xffff;
	s0 =	sor.u32 $0x6, s26  }
0x5f7: {  	v9 =	vld.idx.msk [tilespmem:v9+s22+$0x0], $0xffff;
	v12 =	vmov s0  }
0x5f8: {  	v12 =	vand.u32 $0xFFFFFFFE, v12  }
0x5f9: {  	v6 =	vadd.f32 v6, v11;
	v11 =	vbroadcast v12, $0x0  }
0x5fa: {  	[tilespmem:s10+$0xE900] =	vst.add.f32.msk $0xffff, v10;
	v3 =	vadd.f32 v3, v8  }
0x5fb: {  	[tilespmem:s9+$0xE900] =	vst.add.f32.msk $0xffff, v6;
	v4 =	vadd.f32 v4, v7  }
0x5fc: {  	[tilespmem:s8+$0xE900] =	vst.add.f32.msk $0xffff, v3;
	v3 =	vadd.f32 v5, v9  }
0x5fd: {  	[tilespmem:s18+$0xE900] =	vst.add.f32.msk $0xffff, v4  }
0x5fe: {  	[tilespmem:s19+$0xE900] =	vst.add.f32.msk $0xffff, v3  }
0x5ff: {  	v3 =	vld.idx.msk [tilespmem:v11+s24+$0x0], $0xffff;
	_ =	sdelay $0x2  }
0x600: {  	p1 =	por $0x0, $0x0  }
0x601: {  	s1 =	simm.s32 $0x1;
	s2 =	simm.s32 $0x30;
	s9 =	simm.s32 $0x0  }
0x602: {  	s5 =	simm.s32 $0x20;
	s1 =	simm.s32 @!p1 $0x0;
	s3 =	sand.u32 $0x7, s9;
	v3 =	vshll.u32 v3, $0xB  }
0x603: {  	s1 =	sshll.u32 s1, $0x6;
	s0 =	sand.u32 $0x3, s9;
	s3 =	sshll.u32 s3, $0x4;
	v3 =	vor.u32 v0, v3  }
0x604: {  	s1 =	sadd.s32 $0x0, s1;
	s0 =	sshll.u32 s0, $0x5;
	s10 =	sadd.s32 $0x0, s3;
	v4 =	vor.u32 s2, v3  }
0x605: {  	s3 =	sor.u32 $0x300, s1;
	s18 =	sadd.s32 $0x30, s10;
	s19 =	simm.s32 $0x0;
	v5 =	vor.u32 s5, v3  }
0x606: {  	s0 =	sadd.s32 $0x20, s0;
	v6 =	vld [tilespmem:s3+$0x16900];
	s1 =	sor.u32 $0x300, s18;
	v7 =	vor.u32 s19, v3  }
0x607: {  	s20 =	simm.s32 $0x10;
	v8 =	vld [tilespmem:s1+$0x16900];
	s5 =	sor.u32 $0x300, s0  }
0x608: {  	v9 =	vor.u32 s20, v3;
	v62 =	vld [tilespmem:s5+$0x16900]  }
0x609: {  	s21 =	simm.s32 $0x4;
	s6 =	simm.s32 $0x1;
	p1 =	por !p1, !p1;
	v10 =	vld.idx.msk [tilespmem:v4+s22+$0x0], $0xffff  }
0x60a: {  	s6 =	simm.s32 @!p1 $0x0;
	s2 =	sadd.s32 $0x10, s10;
	s0 =	sand.u32 $0x7, s21;
	v11 =	vld.idx.msk [tilespmem:v5+s22+$0x0], $0xffff  }
0x60b: {  	s23 =	sshll.u32 s6, $0x6;
	s10 =	sor.u32 $0x300, s2;
	s0 =	sshll.u32 s0, $0x4;
	v7 =	vld.idx.msk [tilespmem:v7+s22+$0x0], $0xffff  }
0x60c: {  	s2 =	sadd.s32 $0x200, s23;
	v13 =	vld [tilespmem:s10+$0x16900];
	s29 =	sadd.s32 $0x200, s0  }
0x60d: {  	s9 =	simm.s32 $0x60;
	s18 =	sor.u32 $0x300, s2;
	s8 =	sadd.s32 $0x10, s29;
	v9 =	vld.idx.msk [tilespmem:v9+s22+$0x0], $0xffff  }
0x60e: {  	s0 =	simm.s32 $0x70;
	s20 =	sadd.s32 $0x30, s29;
	s19 =	sor.u32 $0x300, s8;
	v4 =	vld [tilespmem:s18+$0x16900]  }
0x60f: {  	v63 =	vor.u32 s9, v3;
	s9 =	sor.u32 $0x300, s20;
	v5 =	vld [tilespmem:s19+$0x16900];
	v8 =	vadd.f32 v8, v10;
	v10 =	vor.u32 s0, v3  }
0x610: {  	v11 =	vadd.f32 v62, v11;
	v7 =	vadd.f32 v6, v7;
	v6 =	vld [tilespmem:s9+$0x16900]  }
0x611: {  	[tilespmem:s1+$0xE900] =	vst.add.f32.msk $0xffff, v8;
	s1 =	simm.s32 $0x2  }
0x612: {  	s23 =	simm.s32 $0x40;
	[tilespmem:s5+$0xE900] =	vst.add.f32.msk $0xffff, v11;
	s21 =	sand.u32 $0x3, s1  }
0x613: {  	s28 =	simm.s32 $0x4;
	s29 =	simm.s32 $0x50;
	[tilespmem:s3+$0xE900] =	vst.add.f32.msk $0xffff, v7;
	v7 =	vor.u32 s23, v3;
	s2 =	sshll.u32 s21, $0x5  }
0x614: {  	p1 =	por !p1, !p1;
	s20 =	simm.s32 $0x220;
	v8 =	vor.u32 s29, v3;
	s2 =	sadd.s32 $0x220, s2;
	v11 =	vld.idx.msk [tilespmem:v10+s22+$0x0], $0xffff  }
0x615: {  	s5 =	simm.s32 $0x200;
	s3 =	simm.s32 $0x8;
	v10 =	vadd.f32 v13, v9;
	v9 =	vld.idx.msk [tilespmem:v63+s22+$0x0], $0xffff;
	s8 =	sor.u32 $0x300, s2  }
.LBB2_63:
0x616: {  	s6 =	simm.s32 $0x1  }
0x617: {  	s2 =	sand.u32 $0x7, s3;
	v12 =	vld [tilespmem:s8+$0x16900];
	s6 =	simm.s32 @!p1 $0x0  }
0x618: {  	s5 =	sadd.s32 $0x200, s5;
	s2 =	sshll.u32 s2, $0x4;
	s6 =	sshll.u32 s6, $0x6;
	v13 =	vld.idx.msk [tilespmem:v7+s22+$0x0], $0xffff  }
0x619: {  	s2 =	sadd.s32 s2, s5;
	s6 =	sadd.s32 s6, s5;
	v14 =	vld.idx.msk [tilespmem:v8+s22+$0x0], $0xffff  }
0x61a: {  	s21 =	sadd.s32 $0x10, s2;
	s6 =	sor.u32 $0x300, s6;
	[tilespmem:s10+$0xE900] =	vst.add.f32.msk $0xffff, v10;
	s10 =	smov.u32 s19  }
0x61b: {  	s0 =	sadd.s32 $0x40, s0;
	v6 =	vadd.f32 v6, v11;
	s19 =	sor.u32 $0x300, s21;
	v15 =	vld [tilespmem:s6+$0x16900]  }
0x61c: {  	s28 =	sadd.s32 $0x4, s28;
	s23 =	sadd.s32 $0xFFFFFFF0, s0;
	v11 =	vor.u32 s0, v3;
	s21 =	sadd.s32 $0xFFFFFFD0, s0;
	v9 =	vadd.f32 v12, v9;
	v16 =	vld [tilespmem:s19+$0x16900]  }
0x61d: {  	p2 =	slt.u32 s28, $0x7C;
	s2 =	sadd.s32 $0x30, s2;
	v7 =	vor.u32 s21, v3;
	s21 =	sadd.s32 $0xFFFFFFE0, s0;
	v12 =	vor.u32 s23, v3;
	[tilespmem:s9+$0xE900] =	vst.add.f32.msk $0xffff, v6  }
.Ltmp32:
0x61e: {  	s1 =	sadd.s32 $0x2, s1;
	v8 =	vor.u32 s21, v3;
	s9 =	sor.u32 $0x300, s2;
	v13 =	vadd.f32 v4, v13;
	[tilespmem:s8+$0xE900] =	vst.add.f32.msk $0xffff, v9;
	(pc) =	sbr.rel @p2 .LBB2_63-.Ltmp32, $4  }
0x61f: {  	s2 =	sand.u32 $0x3, s1;
	v10 =	vadd.f32 v5, v14;
	v6 =	vld [tilespmem:s9+$0x16900]  }
0x620: {  	s20 =	sadd.s32 $0x200, s20;
	s2 =	sshll.u32 s2, $0x5;
	[tilespmem:s18+$0xE900] =	vst.add.f32.msk $0xffff, v13;
	v4 =	vmov v15;
	s18 =	smov.u32 s6  }
0x621: {  	s2 =	sadd.s32 s2, s20;
	v11 =	vld.idx.msk [tilespmem:v11+s22+$0x0], $0xffff;
	v5 =	vmov v16  }
0x622: {  	s3 =	sadd.s32 $0x4, s3;
	p1 =	por !p1, !p1;
	s8 =	sor.u32 $0x300, s2;
	v9 =	vld.idx.msk [tilespmem:v12+s22+$0x0], $0xffff  }
0x623: {  	_ =	sdelay $0x2  }
0x624: {  	v3 =	vld [tilespmem:s8+$0x16900]  }
0x625: {  	v7 =	vld.idx.msk [tilespmem:v7+s22+$0x0], $0xffff  }
0x626: {  	v8 =	vld.idx.msk [tilespmem:v8+s22+$0x0], $0xffff;
	_ =	sdelay $0x1  }
0x627: {  	s0 =	sor.u32 $0x7, s26;
	v6 =	vadd.f32 v6, v11  }
0x628: {  	[tilespmem:s10+$0xE900] =	vst.add.f32.msk $0xffff, v10;
	v3 =	vadd.f32 v3, v9;
	v9 =	vmov s0  }
0x629: {  	[tilespmem:s9+$0xE900] =	vst.add.f32.msk $0xffff, v6;
	v4 =	vadd.f32 v4, v7  }
0x62a: {  	[tilespmem:s8+$0xE900] =	vst.add.f32.msk $0xffff, v3;
	v3 =	vadd.f32 v5, v8  }
0x62b: {  	[tilespmem:s18+$0xE900] =	vst.add.f32.msk $0xffff, v4  }
0x62c: {  	[tilespmem:s19+$0xE900] =	vst.add.f32.msk $0xffff, v3  }
0x62d: {  	v3 =	vld.idx.msk [tilespmem:v9+s24+$0x0], $0xffff;
	_ =	sdelay $0x2  }
0x62e: {  	p1 =	por $0x0, $0x0  }
0x62f: {  	s1 =	simm.s32 $0x1;
	s2 =	simm.s32 $0x30;
	s9 =	simm.s32 $0x0  }
0x630: {  	s5 =	simm.s32 $0x20;
	s1 =	simm.s32 @!p1 $0x0;
	s3 =	sand.u32 $0x7, s9;
	v3 =	vshll.u32 v3, $0xB  }
0x631: {  	s1 =	sshll.u32 s1, $0x6;
	s0 =	sand.u32 $0x3, s9;
	s3 =	sshll.u32 s3, $0x4;
	v3 =	vor.u32 v0, v3  }
0x632: {  	s1 =	sadd.s32 $0x0, s1;
	s0 =	sshll.u32 s0, $0x5;
	s10 =	sadd.s32 $0x0, s3;
	v4 =	vor.u32 s2, v3  }
0x633: {  	s3 =	sor.u32 $0x380, s1;
	s18 =	sadd.s32 $0x30, s10;
	s19 =	simm.s32 $0x0;
	v5 =	vor.u32 s5, v3  }
0x634: {  	s0 =	sadd.s32 $0x20, s0;
	v6 =	vld [tilespmem:s3+$0x16900];
	s1 =	sor.u32 $0x380, s18;
	v7 =	vor.u32 s19, v3  }
0x635: {  	s20 =	simm.s32 $0x10;
	v8 =	vld [tilespmem:s1+$0x16900];
	s5 =	sor.u32 $0x380, s0  }
0x636: {  	v9 =	vor.u32 s20, v3;
	v12 =	vld [tilespmem:s5+$0x16900]  }
0x637: {  	s21 =	simm.s32 $0x4;
	s6 =	simm.s32 $0x1;
	p1 =	por !p1, !p1;
	v10 =	vld.idx.msk [tilespmem:v4+s22+$0x0], $0xffff  }
0x638: {  	s6 =	simm.s32 @!p1 $0x0;
	s2 =	sadd.s32 $0x10, s10;
	s0 =	sand.u32 $0x7, s21;
	v11 =	vld.idx.msk [tilespmem:v5+s22+$0x0], $0xffff  }
0x639: {  	s23 =	sshll.u32 s6, $0x6;
	s10 =	sor.u32 $0x380, s2;
	s0 =	sshll.u32 s0, $0x4;
	v7 =	vld.idx.msk [tilespmem:v7+s22+$0x0], $0xffff  }
0x63a: {  	s2 =	sadd.s32 $0x200, s23;
	v13 =	vld [tilespmem:s10+$0x16900];
	s29 =	sadd.s32 $0x200, s0  }
0x63b: {  	s9 =	simm.s32 $0x60;
	s18 =	sor.u32 $0x380, s2;
	s8 =	sadd.s32 $0x10, s29;
	v9 =	vld.idx.msk [tilespmem:v9+s22+$0x0], $0xffff  }
0x63c: {  	s0 =	simm.s32 $0x70;
	s20 =	sadd.s32 $0x30, s29;
	s19 =	sor.u32 $0x380, s8;
	v4 =	vld [tilespmem:s18+$0x16900]  }
0x63d: {  	v63 =	vor.u32 s9, v3;
	s9 =	sor.u32 $0x380, s20;
	v5 =	vld [tilespmem:s19+$0x16900];
	v8 =	vadd.f32 v8, v10;
	v10 =	vor.u32 s0, v3  }
0x63e: {  	v11 =	vadd.f32 v12, v11;
	v7 =	vadd.f32 v6, v7;
	v6 =	vld [tilespmem:s9+$0x16900]  }
0x63f: {  	[tilespmem:s1+$0xE900] =	vst.add.f32.msk $0xffff, v8;
	s1 =	simm.s32 $0x2  }
0x640: {  	s23 =	simm.s32 $0x40;
	[tilespmem:s5+$0xE900] =	vst.add.f32.msk $0xffff, v11;
	s21 =	sand.u32 $0x3, s1  }
0x641: {  	s28 =	simm.s32 $0x4;
	s29 =	simm.s32 $0x50;
	[tilespmem:s3+$0xE900] =	vst.add.f32.msk $0xffff, v7;
	v7 =	vor.u32 s23, v3;
	s2 =	sshll.u32 s21, $0x5  }
0x642: {  	p1 =	por !p1, !p1;
	s20 =	simm.s32 $0x220;
	v8 =	vor.u32 s29, v3;
	s2 =	sadd.s32 $0x220, s2;
	v11 =	vld.idx.msk [tilespmem:v10+s22+$0x0], $0xffff  }
0x643: {  	s5 =	simm.s32 $0x200;
	s3 =	simm.s32 $0x8;
	v10 =	vadd.f32 v13, v9;
	v9 =	vld.idx.msk [tilespmem:v63+s22+$0x0], $0xffff;
	s8 =	sor.u32 $0x380, s2  }
.LBB2_65:
0x644: {  	s6 =	simm.s32 $0x1  }
0x645: {  	s2 =	sand.u32 $0x7, s3;
	v12 =	vld [tilespmem:s8+$0x16900];
	s6 =	simm.s32 @!p1 $0x0  }
0x646: {  	s5 =	sadd.s32 $0x200, s5;
	s2 =	sshll.u32 s2, $0x4;
	s6 =	sshll.u32 s6, $0x6;
	v13 =	vld.idx.msk [tilespmem:v7+s22+$0x0], $0xffff  }
0x647: {  	s2 =	sadd.s32 s2, s5;
	s6 =	sadd.s32 s6, s5;
	v14 =	vld.idx.msk [tilespmem:v8+s22+$0x0], $0xffff  }
0x648: {  	s21 =	sadd.s32 $0x10, s2;
	s6 =	sor.u32 $0x380, s6;
	[tilespmem:s10+$0xE900] =	vst.add.f32.msk $0xffff, v10;
	s10 =	smov.u32 s19  }
0x649: {  	s0 =	sadd.s32 $0x40, s0;
	v6 =	vadd.f32 v6, v11;
	s19 =	sor.u32 $0x380, s21;
	v15 =	vld [tilespmem:s6+$0x16900]  }
0x64a: {  	s28 =	sadd.s32 $0x4, s28;
	s23 =	sadd.s32 $0xFFFFFFF0, s0;
	v11 =	vor.u32 s0, v3;
	s21 =	sadd.s32 $0xFFFFFFD0, s0;
	v9 =	vadd.f32 v12, v9;
	v16 =	vld [tilespmem:s19+$0x16900]  }
0x64b: {  	p2 =	slt.u32 s28, $0x7C;
	s2 =	sadd.s32 $0x30, s2;
	v7 =	vor.u32 s21, v3;
	s21 =	sadd.s32 $0xFFFFFFE0, s0;
	v12 =	vor.u32 s23, v3;
	[tilespmem:s9+$0xE900] =	vst.add.f32.msk $0xffff, v6  }
.Ltmp33:
0x64c: {  	s1 =	sadd.s32 $0x2, s1;
	v8 =	vor.u32 s21, v3;
	s9 =	sor.u32 $0x380, s2;
	v13 =	vadd.f32 v4, v13;
	[tilespmem:s8+$0xE900] =	vst.add.f32.msk $0xffff, v9;
	(pc) =	sbr.rel @p2 .LBB2_65-.Ltmp33, $4  }
0x64d: {  	s2 =	sand.u32 $0x3, s1;
	v10 =	vadd.f32 v5, v14;
	v6 =	vld [tilespmem:s9+$0x16900]  }
0x64e: {  	s20 =	sadd.s32 $0x200, s20;
	s2 =	sshll.u32 s2, $0x5;
	[tilespmem:s18+$0xE900] =	vst.add.f32.msk $0xffff, v13;
	v4 =	vmov v15;
	s18 =	smov.u32 s6  }
0x64f: {  	s2 =	sadd.s32 s2, s20;
	v11 =	vld.idx.msk [tilespmem:v11+s22+$0x0], $0xffff;
	v5 =	vmov v16  }
0x650: {  	s3 =	sadd.s32 $0x4, s3;
	p1 =	por !p1, !p1;
	s8 =	sor.u32 $0x380, s2;
	v9 =	vld.idx.msk [tilespmem:v12+s22+$0x0], $0xffff  }
0x651: {  	_ =	sdelay $0x2  }
0x652: {  	v3 =	vld [tilespmem:s8+$0x16900]  }
0x653: {  	v7 =	vld.idx.msk [tilespmem:v7+s22+$0x0], $0xffff  }
0x654: {  	v8 =	vld.idx.msk [tilespmem:v8+s22+$0x0], $0xffff;
	_ =	sdelay $0x1  }
0x655: {  	v6 =	vadd.f32 v6, v11  }
0x656: {  	[tilespmem:s10+$0xE900] =	vst.add.f32.msk $0xffff, v10;
	v3 =	vadd.f32 v3, v9  }
0x657: {  	[tilespmem:s9+$0xE900] =	vst.add.f32.msk $0xffff, v6;
	v4 =	vadd.f32 v4, v7  }
0x658: {  	s0 =	sadd.s32 s7, s26;
	[tilespmem:s8+$0xE900] =	vst.add.f32.msk $0xffff, v3;
	v3 =	vadd.f32 v5, v8  }
0x659: {  	s1 =	rddreg [dreg:$0x2];
	s28 =	simm.s32 $0xE900;
	s0 =	sshll.u32 s0, $0x8;
	[tilespmem:s18+$0xE900] =	vst.add.f32.msk $0xffff, v4  }
.Ltmp34:
0x65a: {  	s29 =	simm.s32 $0x8;
	s0 =	sadd.s32 s1, s0;
	[tilespmem:s19+$0xE900] =	vst.add.f32.msk $0xffff, v3;
	(pc) =	sbr.rel @p0 .LBB2_68-.Ltmp34, $4  }
0x65b: {  	[hbm4b:s0+s4] =	stream.linear.scatter [tilespmem:s28], [sflag:$0xA], $0x4000, $0x38;
	[tilespmem:$0x1A900] =	vst v63  }
0x65c: {  	_ =	swait.ge [sflag:s29], $0x4000  }
0x65d: {  	[sflag:s29] =	ssyncset.done $0x0  }
0x65e: {  	[sflag:s29] =	ssyncadd.s32 $0xFFFFC000  }
0x65f: {  	s0 =	sadd.s32 $0x5, s25  }
0x660: {  	s1 =	sshll.u32 s0, $0x7  }
0x661: {  	s1 =	sand.u32 $0x3FFFFF80, s1  }
0x662: {  	v3 =	vld.msk [tilespmem:s1+$0x0], $0xff;
	_ =	sdelay $0x4  }
0x663: {  	v4 =	vshll.u32 v3, $0x4  }
0x664: {  	v3 =	vand.u32 $0x7, v3;
	v4 =	vand.u32 $0xFFFFFF80, v4  }
0x665: {  	v3 =	vor.u32 v3, v4  }
0x666: {  	v3 =	vperm.xlane v3, v1;
	_ =	sdelay $0x1  }
0x667: {  	v3 =	vadd.s32 v2, v3;
	_ =	sdelay $0x3  }
0x668: {  	s10 =	simm.s32 $0x6900  }
0x669: {  	[tilespmem:s10], [sflag:$0x2] =	stream.indirect_vreg.gather [hbm4b:s30+s4], $0x80, v3, vm0, $0xb8;
	[tilespmem:$0x1A900] =	vst v63  }
0x66a: {  	s18 =	simm.s32 $0x7100  }
0x66b: {  	[tilespmem:s18], [sflag:$0x2] =	stream.indirect_vreg.gather [hbm4b:s11+s4], $0x80, v3, vm0, $0xb8;
	[tilespmem:$0x1A900] =	vst v63  }
0x66c: {  	s19 =	simm.s32 $0x7900  }
0x66d: {  	[tilespmem:s19], [sflag:$0x2] =	stream.indirect_vreg.gather [hbm4b:s12+s4], $0x80, v3, vm0, $0xb8;
	[tilespmem:$0x1A900] =	vst v63  }
0x66e: {  	s20 =	simm.s32 $0x8100  }
0x66f: {  	[tilespmem:s20], [sflag:$0x2] =	stream.indirect_vreg.gather [hbm4b:s13+s4], $0x80, v3, vm0, $0xb8;
	[tilespmem:$0x1A900] =	vst v63  }
0x670: {  	s21 =	simm.s32 $0x8900  }
0x671: {  	[tilespmem:s21], [sflag:$0x2] =	stream.indirect_vreg.gather [hbm4b:s14+s4], $0x80, v3, vm0, $0xb8;
	[tilespmem:$0x1A900] =	vst v63  }
0x672: {  	s23 =	simm.s32 $0x9100  }
0x673: {  	[tilespmem:s23], [sflag:$0x2] =	stream.indirect_vreg.gather [hbm4b:s15+s4], $0x80, v3, vm0, $0xb8;
	[tilespmem:$0x1A900] =	vst v63  }
0x674: {  	s25 =	simm.s32 $0x9900;
	s28 =	rddreg [dreg:$0xb]  }
0x675: {  	[tilespmem:s25], [sflag:$0x2] =	stream.indirect_vreg.gather [hbm4b:s16+s4], $0x80, v3, vm0, $0xb8;
	[tilespmem:$0x1A900] =	vst v63  }
.Ltmp35:
0x676: {  	s0 =	sadd.s32 s28, s0;
	(pc) =	sbr.rel .LBB2_2-.Ltmp35, $4  }
0x677: {  	s26 =	simm.s32 $0xA100;
	s29 =	rddreg [dreg:$0x5];
	s0 =	sshll.u32 s0, $0xB  }
0x678: {  	[tilespmem:s26], [sflag:$0x2] =	stream.indirect_vreg.gather [hbm4b:s17+s4], $0x80, v3, vm0, $0xb8;
	[tilespmem:$0x1A900] =	vst v63  }
0x679: {  	s31 =	sadd.s32 $0x1, s31;
	s0 =	sadd.s32 s29, s0;
	s30 =	simm.s32 $0x16900  }
0x67a: {  	[tilespmem:s30], [sflag:$0x6] =	stream.linear.gather [hbm4b:s0+s4], $0x4000, $0x38;
	[tilespmem:$0x1A900] =	vst v63  }
.LBB2_69:
0x67b: {  	_ =	sfence.sel $0x180000  }
0x67c: {  	[bflag:$0x0] =	sbarrier.arrive $0xFFFF  }
0x67d: {  	_ =	strace $0x90000047  }
0x67e: {  	s0 =	stileid.u32;
	[bflag:$0x2] =	sbarrier.arrive $0xFFFF  }
0x67f: {  	p0 =	sne.s32 s0, $0x0;
	s0 =	rddreg [dreg:$0x3]  }
0x680: {  	s0 =	sadd.s32 @!p0 $0x100000, s0  }
0x681: {  	[sflag:s0] =	ssyncadd.tile.s32 @!p0 $0x1;
	_ =	shalt  }
.Lfunc_end2:
_tile_overlayer_lowered:
.L_overlay_start_2:
0x682: {  	(tag) =	ssettag $0x2  }
0x683: {  	s0 =	rddreg [dreg:$0x0];
	s2 =	stileid.u32  }
0x684: {  	s1 =	rddreg [dreg:$0x1];
	p0 =	sne.s32 s2, $0x0  }
0x685: {  	s3 =	rddreg [dreg:$0x2];
	[bflag:$0x3] =	sbarrier.arrive $0xFFFF;
	s2 =	simm.s32 @!p0 $0x1C0B  }
0x686: {  	[timem:s3], [sflag:s2] =	dma.local @!p0 [hbm:s0], s1  }
0x687: {  	s0 =	simm.s32 @!p0 $0xB  }
0x688: {  	_ =	swait.ge @!p0 [sflag:s0], s1  }
0x689: {  	s1 =	ssub.s32 @!p0 $0x0, s1;
	[sflag:s0] =	ssyncset.done @!p0 $0x0  }
0x68a: {  	[sflag:s0] =	ssyncadd.s32 @!p0 s1  }
0x68b: {  	[bflag:$0x3] =	sbarrier.arrive $0xFFFF  }
0x68c: {  	_ =	shalt  }

</sc_bundles>
